<compile_context>
chip_gen: v7x
topology: tpu7x:2x2x1
jax: 0.10.2.dev20260603
libtpu: 0.0.44.dev20260713+nightly
codegen_flags: <defaults>
</compile_context>

<pallas_src>
import functools

import jax
import jax.numpy as jnp
from jax import lax
from jax.experimental import pallas as pl
from jax.experimental.pallas import tpu as pltpu, tpu_sc as plsc




def _make_sc_all(B, N, K, D, NC, NS):
    NW = NC * NS
    bw = B // NW
    CH = 128
    nch = bw * K // CH
    NG = bw // 16
    mesh = plsc.VectorSubcoreMesh(core_axis_name="c", subcore_axis_name="s")

    @functools.partial(
        pl.kernel,
        mesh=mesh,
        out_type=[
            jax.ShapeDtypeStruct((K * B,), jnp.int32),
            jax.ShapeDtypeStruct((B, D), jnp.float32),
            jax.ShapeDtypeStruct((B, D), jnp.float32),
            jax.ShapeDtypeStruct((K * B, D), jnp.float32),
        ],
        scratch_types=[
            pltpu.VMEM((bw,), jnp.int32),
            pltpu.VMEM((bw,), jnp.int32),
            pltpu.VMEM((bw * K,), jnp.int32),
            pltpu.VMEM((bw * K,), jnp.int32),
            pltpu.VMEM((bw * K,), jnp.int32),
            pltpu.VMEM((bw, D), jnp.float32),
            pltpu.VMEM((bw, D), jnp.float32),
            pltpu.VMEM((CH, D), jnp.float32),
            pltpu.VMEM((CH, D), jnp.float32),
            pltpu.VMEM((CH, D), jnp.float32),
            pltpu.VMEM((CH, D), jnp.float32),
            pltpu.SemaphoreType.DMA,
            pltpu.SemaphoreType.DMA,
            pltpu.SemaphoreType.DMA,
            pltpu.SemaphoreType.DMA,
            pltpu.SemaphoreType.DMA,
            pltpu.SemaphoreType.DMA,
            pltpu.SemaphoreType.DMA,
            pltpu.SemaphoreType.DMA,
            pltpu.SemaphoreType.DMA,
            pltpu.SemaphoreType.DMA,
        ],
    )
    def sc_all(u_hbm, i_hbm, ate_hbm, atr_hbm, ent_hbm,
               rid_out, h_out, u_out, t_out,
               i_v, u_v, pos_v, eids_v, rids_v, h_v, uu_v,
               tb0, tb1, tb2, tb3,
               sh, su, se0, se1, sr0, sr1, g0, g1, g2, g3):
        wid = lax.axis_index("s") * NC + lax.axis_index("c")
        base = wid * bw
        pltpu.sync_copy(i_hbm.at[pl.ds(base, bw)], i_v)
        pltpu.sync_copy(u_hbm.at[pl.ds(base, bw)], u_v)
        ch = pltpu.async_copy(ent_hbm.at[i_v], h_v, sh)
        cu = pltpu.async_copy(ent_hbm.at[u_v], uu_v, su)

        for g in range(NG):
            ig = i_v[pl.ds(g * 16, 16)]
            for k in range(K):
                pos_v[pl.ds(k * bw + g * 16, 16)] = ig + (k * N)

        tbufs = (tb0, tb1, tb2, tb3)
        tsems = (g0, g1, g2, g3)
        NB = 4

        ecps = []
        rcps = []
        for c in range(nch):
            sl = pos_v.at[pl.ds(c * CH, CH)]
            ecps.append(pltpu.async_copy(
                ate_hbm.at[sl], eids_v.at[pl.ds(c * CH, CH)], se0))
            rcps.append(pltpu.async_copy(
                atr_hbm.at[sl], rids_v.at[pl.ds(c * CH, CH)], sr0))
        for cp in ecps:
            cp.wait()

        inflight = []
        for c in range(nch):
            b = c % NB
            if len(inflight) == NB:
                pt, pb, pc = inflight.pop(0)
                pt.wait()
                pltpu.sync_copy(tbufs[pb], t_out.at[pl.ds(pc * B + base, CH)])
            tcur = pltpu.async_copy(
                ent_hbm.at[eids_v.at[pl.ds(c * CH, CH)]], tbufs[b], tsems[b])
            inflight.append((tcur, b, c))

        for cp in rcps:
            cp.wait()
        for c in range(nch):
            pltpu.sync_copy(rids_v.at[pl.ds(c * CH, CH)],
                            rid_out.at[pl.ds(c * B + base, CH)])

        ch.wait()
        pltpu.sync_copy(h_v, h_out.at[pl.ds(base, bw)])
        cu.wait()
        pltpu.sync_copy(uu_v, u_out.at[pl.ds(base, bw)])

        for pt, pb, pc in inflight:
            pt.wait()
            pltpu.sync_copy(tbufs[pb], t_out.at[pl.ds(pc * B + base, CH)])

    return sc_all




def _renorm(e):
    n2 = jnp.sum(e * e, axis=-1, keepdims=True)
    return e * jnp.where(n2 > 1.0, lax.rsqrt(n2), 1.0)


def _leaky(x):
    return jnp.where(x >= 0, x, 0.2 * x)


def _tc_body(K, rid_ref, h_ref, u_ref, t_ref, rel_ref,
             W1_ref, b1_ref, W2_ref, b2_ref,
             wl1_ref, wl1b_ref, wl2_ref, wl2b_ref, wl3_ref, wl3b_ref,
             out_ref):
    f32 = jnp.float32
    rel = _renorm(rel_ref[...])
    user = _renorm(u_ref[...])
    h = _renorm(h_ref[...])

    UR = jnp.dot(user, rel.T, preferred_element_type=f32)
    NREL = rel.shape[0]
    rid = rid_ref[...]
    ur = jnp.zeros(rid.shape, f32)
    for r in range(NREL):
        ur = jnp.where(rid == r, UR[:, r][None, :], ur)

    m = jnp.max(ur, axis=0, keepdims=True)
    e = jnp.exp(ur - m)
    w = e / jnp.sum(e, axis=0, keepdims=True)

    t = t_ref[...]
    n2 = jnp.sum(t * t, axis=2, keepdims=True)
    scale = w[:, :, None] * jnp.where(n2 > 1.0, lax.rsqrt(n2), 1.0)
    wt = scale * t
    s1 = jnp.sum(wt, axis=0)
    s2 = jnp.sum(wt * wt, axis=0)
    Nh = s1 * s1 - s2

    W1 = W1_ref[...]
    W2 = W2_ref[...]
    b1 = b1_ref[...]
    b2 = b2_ref[...]
    item = (_leaky(jnp.dot(h + Nh, W1, preferred_element_type=f32) + b1)
            + _leaky(jnp.dot(h * Nh, W2, preferred_element_type=f32) + b2))
    uo = (_leaky(jnp.dot(user + user, W1, preferred_element_type=f32) + b1)
          + _leaky(jnp.dot(user * user, W2, preferred_element_type=f32) + b2))

    D = h.shape[-1]
    wl1 = wl1_ref[...]
    l1 = (jnp.dot(uo, wl1[0:D], preferred_element_type=f32)
          + jnp.dot(item, wl1[D:2 * D], preferred_element_type=f32)
          + jnp.dot(uo + item, wl1[2 * D:3 * D], preferred_element_type=f32)
          + jnp.dot(uo * item, wl1[3 * D:4 * D], preferred_element_type=f32)
          + wl1b_ref[...])
    l2 = jnp.dot(l1, wl2_ref[...], preferred_element_type=f32) + wl2b_ref[...]
    l3 = jnp.dot(l2, wl3_ref[...], preferred_element_type=f32) + wl3b_ref[...]
    out_ref[...] = 1.0 / (1.0 + jnp.exp(-l3))


def _tc_compute(r_ids, h_rows, u_rows, t3, rel_table,
                W1_w, W1_b, W2_w, W2_b, wl1_w, wl1_b, wl2_w, wl2_b,
                wl3_w, wl3_b):
    K, B = r_ids.shape
    D = h_rows.shape[-1]
    NREL = rel_table.shape[0]
    bb = 512
    grid = (B // bb,)

    def full(shape):
        return pl.BlockSpec(shape, lambda b: (0,) * len(shape))

    out = pl.pallas_call(
        functools.partial(_tc_body, K),
        grid=grid,
        in_specs=[
            pl.BlockSpec((K, bb), lambda b: (0, b)),
            pl.BlockSpec((bb, D), lambda b: (b, 0)),
            pl.BlockSpec((bb, D), lambda b: (b, 0)),
            pl.BlockSpec((K, bb, D), lambda b: (0, b, 0)),
            full((NREL, D)),
            full((D, D)), full((D,)),
            full((D, D)), full((D,)),
            full((4 * D, D)), full((D,)),
            full((D, D // 2)), full((D // 2,)),
            full((D // 2, 1)), full((1,)),
        ],
        out_specs=pl.BlockSpec((bb, 1), lambda b: (b, 0)),
        out_shape=jax.ShapeDtypeStruct((B, 1), jnp.float32),
    )(r_ids, h_rows, u_rows, t3, rel_table,
      W1_w, W1_b, W2_w, W2_b, wl1_w, wl1_b, wl2_w, wl2_b, wl3_w, wl3_b)
    return out[:, 0]


def kernel(u, i, adj_entity, adj_relation, entity_table, relation_table,
           W1_w, W1_b, W2_w, W2_b, wl1_w, wl1_b, wl2_w, wl2_b, wl3_w, wl3_b):
    B = u.shape[0]
    N, K = adj_entity.shape
    D = entity_table.shape[1]
    info = plsc.get_sparse_core_info()
    NC, NS = info.num_cores, info.num_subcores

    ate = adj_entity.T.reshape(N * K)
    atr = adj_relation.T.reshape(N * K)
    r_ids, h_rows, u_rows, t_rows = _make_sc_all(B, N, K, D, NC, NS)(
        u, i, ate, atr, entity_table)
    return _tc_compute(r_ids.reshape(K, B), h_rows, u_rows,
                       t_rows.reshape(K, B, D),
                       relation_table, W1_w, W1_b, W2_w, W2_b,
                       wl1_w, wl1_b, wl2_w, wl2_b, wl3_w, wl3_b)

# --- scband reference (transcript-rebuilt; emitter-appended) ---
"""Pipeline reference for scband-kgfm-60868276519636 (READ-ONLY COPY).

The authoritative reference and input builder live on the scoring server;
editing this copy changes nothing except your own understanding.
"""

import jax, jax.numpy as jnp
import numpy as np

N_ENT = 50000
N_REL = 16
DIM = 128
B = 4096
K = 16
N_USERS = 10000


def _renorm(e):
    # emulate nn.Embedding(max_norm=1): rows with L2 norm > 1 are scaled to norm 1
    n = jnp.linalg.norm(e, axis=-1, keepdims=True)
    return e * jnp.where(n > 1.0, 1.0 / (n + 1e-7), 1.0)


def _dense(x, W, b):
    return x @ W + b


def _leaky(x):
    return jnp.where(x >= 0, x, 0.2 * x)


def setup_inputs(seed: int = 0) -> dict:
    key = jax.random.key(seed)
    ks = jax.random.split(key, 18)
    s = 0.05
    inp = {}
    inp["u"] = jax.random.randint(ks[0], (B,), 0, N_USERS).astype(jnp.int32)
    inp["i"] = jax.random.randint(ks[1], (B,), 0, N_ENT).astype(jnp.int32)
    inp["adj_entity"] = jax.random.randint(ks[2], (N_ENT, K), 0, N_ENT).astype(jnp.int32)
    inp["adj_relation"] = jax.random.randint(ks[3], (N_ENT, K), 0, N_REL).astype(jnp.int32)
    inp["entity_table"] = jax.random.normal(ks[4], (N_ENT, DIM), jnp.float32) * 0.1
    inp["relation_table"] = jax.random.normal(ks[5], (N_REL, DIM), jnp.float32) * 0.1
    inp["W1_w"] = jax.random.normal(ks[6], (DIM, DIM), jnp.float32) * s
    inp["W1_b"] = jnp.zeros((DIM,), jnp.float32)
    inp["W2_w"] = jax.random.normal(ks[7], (DIM, DIM), jnp.float32) * s
    inp["W2_b"] = jnp.zeros((DIM,), jnp.float32)
    inp["wl1_w"] = jax.random.normal(ks[8], (DIM * 4, DIM), jnp.float32) * s
    inp["wl1_b"] = jnp.zeros((DIM,), jnp.float32)
    inp["wl2_w"] = jax.random.normal(ks[9], (DIM, DIM // 2), jnp.float32) * s
    inp["wl2_b"] = jnp.zeros((DIM // 2,), jnp.float32)
    inp["wl3_w"] = jax.random.normal(ks[10], (DIM // 2, 1), jnp.float32) * s
    inp["wl3_b"] = jnp.zeros((1,), jnp.float32)
    return inp


def reference(u, i, adj_entity, adj_relation, entity_table, relation_table,
              W1_w, W1_b, W2_w, W2_b, wl1_w, wl1_b, wl2_w, wl2_b, wl3_w, wl3_b):
    # get_neighbors
    e_ids = jnp.take(adj_entity, i, axis=0)      # [B, K]
    r_ids = jnp.take(adj_relation, i, axis=0)    # [B, K]
    t_embs = _renorm(jnp.take(entity_table, e_ids, axis=0))      # [B, K, D]
    r_embs = _renorm(jnp.take(relation_table, r_ids, axis=0))    # [B, K, D]
    h_embs = _renorm(jnp.take(entity_table, i, axis=0))          # [B, D]
    user_embs = _renorm(jnp.take(entity_table, u, axis=0))       # [B, D]
    # FMMessagePassFromKGCN_item
    ur = jnp.sum(user_embs[:, None, :] * r_embs, axis=2)         # [B, K]
    ur = jax.nn.softmax(ur, axis=-1)[..., None]                  # [B, K, 1]
    t2 = ur * t_embs
    Nh_embs = jnp.sum(t2, axis=1) ** 2 - jnp.sum(t2 ** 2, axis=1)  # [B, D]
    # aggregate (Bi-Interaction)
    item_embs = _leaky(_dense(h_embs + Nh_embs, W1_w, W1_b)) + _leaky(_dense(h_embs * Nh_embs, W2_w, W2_b))
    user_out = _leaky(_dense(user_embs + user_embs, W1_w, W1_b)) + _leaky(_dense(user_embs * user_embs, W2_w, W2_b))
    combined = jnp.concatenate([user_out, item_embs, user_out + item_embs, user_out * item_embs], axis=-1)
    logits = _dense(combined, wl1_w, wl1_b)
    logits = _dense(logits, wl2_w, wl2_b)
    logits = jax.nn.sigmoid(_dense(logits, wl3_w, wl3_b)[..., 0])
    return logits

if __name__ == "__main__":
    import jax
    _d = setup_inputs()
    print(jax.jit(kernel)(*tuple(_d.values())))

</pallas_src>

<mosaic_0001>
#map = affine_map<(d0, d1) -> (0)>
#map1 = affine_map<(d0, d1) -> (0, 0)>
module attributes {stable_mosaic.version = 14 : i64} {
  func.func @sc_all(%arg0: i32, %arg1: i32, %arg2: memref<4096xi32, #tpu.memory_space<hbm>>, %arg3: memref<4096xi32, #tpu.memory_space<hbm>>, %arg4: memref<800000xi32, #tpu.memory_space<hbm>>, %arg5: memref<800000xi32, #tpu.memory_space<hbm>>, %arg6: memref<50000x128xf32, #tpu.memory_space<hbm>>, %arg7: memref<65536xi32, #tpu.memory_space<hbm>>, %arg8: memref<4096x128xf32, #tpu.memory_space<hbm>>, %arg9: memref<4096x128xf32, #tpu.memory_space<hbm>>, %arg10: memref<65536x128xf32, #tpu.memory_space<hbm>>, %arg11: memref<128xi32, #tpu.memory_space<vmem>>, %arg12: memref<128xi32, #tpu.memory_space<vmem>>, %arg13: memref<2048xi32, #tpu.memory_space<vmem>>, %arg14: memref<2048xi32, #tpu.memory_space<vmem>>, %arg15: memref<2048xi32, #tpu.memory_space<vmem>>, %arg16: memref<128x128xf32, #tpu.memory_space<vmem>>, %arg17: memref<128x128xf32, #tpu.memory_space<vmem>>, %arg18: memref<128x128xf32, #tpu.memory_space<vmem>>, %arg19: memref<128x128xf32, #tpu.memory_space<vmem>>, %arg20: memref<128x128xf32, #tpu.memory_space<vmem>>, %arg21: memref<128x128xf32, #tpu.memory_space<vmem>>, %arg22: memref<!tpu.dma_semaphore, #tpu.memory_space<semaphore_mem>>, %arg23: memref<!tpu.dma_semaphore, #tpu.memory_space<semaphore_mem>>, %arg24: memref<!tpu.dma_semaphore, #tpu.memory_space<semaphore_mem>>, %arg25: memref<!tpu.dma_semaphore, #tpu.memory_space<semaphore_mem>>, %arg26: memref<!tpu.dma_semaphore, #tpu.memory_space<semaphore_mem>>, %arg27: memref<!tpu.dma_semaphore, #tpu.memory_space<semaphore_mem>>, %arg28: memref<!tpu.dma_semaphore, #tpu.memory_space<semaphore_mem>>, %arg29: memref<!tpu.dma_semaphore, #tpu.memory_space<semaphore_mem>>, %arg30: memref<!tpu.dma_semaphore, #tpu.memory_space<semaphore_mem>>, %arg31: memref<!tpu.dma_semaphore, #tpu.memory_space<semaphore_mem>>) attributes {dimension_semantics = [#tpu.dimension_semantics<core_parallel>, #tpu.dimension_semantics<subcore_parallel>], iteration_bounds = array<i64: 2, 16>, scalar_prefetch = 0 : i64, scratch_operands = 21 : i64, tpu.core_type = #tpu.core_type<sc_vector_subcore>, window_params = [{transform_indices = #map}, {transform_indices = #map}, {transform_indices = #map}, {transform_indices = #map}, {transform_indices = #map1}, {transform_indices = #map}, {transform_indices = #map1}, {transform_indices = #map1}, {transform_indices = #map1}]} {
    %mul3A = arith.constant 2 : i32
    %mul3A_0 = arith.muli %arg1, %mul3A : i32
    %add3A = arith.addi %mul3A_0, %arg0 : i32
    %mul3A_1 = arith.constant 128 : i32
    %mul3A_2 = arith.muli %add3A, %mul3A_1 : i32
    "tpu.region"() ({
      %run_scoped3A = tpu.sem_alloc : memref<!tpu.dma_semaphore, #tpu.memory_space<semaphore_mem>>
      %dma_start3A_1539 = tpu.memref_slice %arg3[%mul3A_2] : memref<4096xi32, #tpu.memory_space<hbm>> -> memref<128xi32, #tpu.memory_space<hbm>>
      %dma_start3A_1540 = tpu.memref_slice %arg3[%mul3A_2] : memref<4096xi32, #tpu.memory_space<hbm>> -> memref<128xi32, #tpu.memory_space<hbm>>
      tpu.enqueue_dma source(%dma_start3A_1540 : memref<128xi32, #tpu.memory_space<hbm>>) target(%arg11 : memref<128xi32, #tpu.memory_space<vmem>>) target_semaphore(%run_scoped3A : memref<!tpu.dma_semaphore, #tpu.memory_space<semaphore_mem>>)
      %dma_wait3A_1541 = tpu.memref_slice %arg3[%mul3A_2] : memref<4096xi32, #tpu.memory_space<hbm>> -> memref<128xi32, #tpu.memory_space<hbm>>
      %dma_wait3A_1542 = tpu.memref_slice %arg3[%mul3A_2] : memref<4096xi32, #tpu.memory_space<hbm>> -> memref<128xi32, #tpu.memory_space<hbm>>
      tpu.wait_dma2 semaphore(%run_scoped3A : memref<!tpu.dma_semaphore, #tpu.memory_space<semaphore_mem>>) src(%dma_wait3A_1542 : memref<128xi32, #tpu.memory_space<hbm>>) dst(%arg11 : memref<128xi32, #tpu.memory_space<vmem>>)
      tpu.yield
    }) : () -> ()
    "tpu.region"() ({
      %run_scoped3A = tpu.sem_alloc : memref<!tpu.dma_semaphore, #tpu.memory_space<semaphore_mem>>
      %dma_start3A_1539 = tpu.memref_slice %arg2[%mul3A_2] : memref<4096xi32, #tpu.memory_space<hbm>> -> memref<128xi32, #tpu.memory_space<hbm>>
      %dma_start3A_1540 = tpu.memref_slice %arg2[%mul3A_2] : memref<4096xi32, #tpu.memory_space<hbm>> -> memref<128xi32, #tpu.memory_space<hbm>>
      tpu.enqueue_dma source(%dma_start3A_1540 : memref<128xi32, #tpu.memory_space<hbm>>) target(%arg12 : memref<128xi32, #tpu.memory_space<vmem>>) target_semaphore(%run_scoped3A : memref<!tpu.dma_semaphore, #tpu.memory_space<semaphore_mem>>)
      %dma_wait3A_1541 = tpu.memref_slice %arg2[%mul3A_2] : memref<4096xi32, #tpu.memory_space<hbm>> -> memref<128xi32, #tpu.memory_space<hbm>>
      %dma_wait3A_1542 = tpu.memref_slice %arg2[%mul3A_2] : memref<4096xi32, #tpu.memory_space<hbm>> -> memref<128xi32, #tpu.memory_space<hbm>>
      tpu.wait_dma2 semaphore(%run_scoped3A : memref<!tpu.dma_semaphore, #tpu.memory_space<semaphore_mem>>) src(%dma_wait3A_1542 : memref<128xi32, #tpu.memory_space<hbm>>) dst(%arg12 : memref<128xi32, #tpu.memory_space<vmem>>)
      tpu.yield
    }) : () -> ()
    %dma_start3A = arith.constant 0 : i32
    %dma_start3A_3 = arith.constant 0 : i32
    %dma_start3A_4 = tpu.memref_slice %arg6[%dma_start3A, %dma_start3A_3] : memref<50000x128xf32, #tpu.memory_space<hbm>> -> memref<50000x128xf32, #tpu.memory_space<hbm>>
    tpu.enqueue_indirect_dma source(%dma_start3A_4 : memref<50000x128xf32, #tpu.memory_space<hbm>>) target(%arg16 : memref<128x128xf32, #tpu.memory_space<vmem>>) offsets(%arg11 : memref<128xi32, #tpu.memory_space<vmem>>) semaphore(%arg22 : memref<!tpu.dma_semaphore, #tpu.memory_space<semaphore_mem>>)
    %dma_start3A_5 = arith.constant 0 : i32
    %dma_start3A_6 = arith.constant 0 : i32
    %dma_start3A_7 = tpu.memref_slice %arg6[%dma_start3A_5, %dma_start3A_6] : memref<50000x128xf32, #tpu.memory_space<hbm>> -> memref<50000x128xf32, #tpu.memory_space<hbm>>
    tpu.enqueue_indirect_dma source(%dma_start3A_7 : memref<50000x128xf32, #tpu.memory_space<hbm>>) target(%arg17 : memref<128x128xf32, #tpu.memory_space<vmem>>) offsets(%arg12 : memref<128xi32, #tpu.memory_space<vmem>>) semaphore(%arg23 : memref<!tpu.dma_semaphore, #tpu.memory_space<semaphore_mem>>)
    %get3A = arith.constant 0 : index
    %get3A_8 = tpu.vector_load %arg11[%get3A] {strides = array<i32>} : memref<128xi32, #tpu.memory_space<vmem>>, vector<16xi32>,
    %get3A_9 = vector.shape_cast %get3A_8 : vector<16xi32> to vector<16xi32>
    %add3A_10 = arith.constant 0 : i32
    %add3A_11 = vector.broadcast %add3A_10 : i32 to vector<16xi32>
    %add3A_12 = arith.addi %get3A_9, %add3A_11 : vector<16xi32>
    %swap3A = arith.constant 0 : index
    %swap3A_13 = tpu.vector_load %arg13[%swap3A] {strides = array<i32>} : memref<2048xi32, #tpu.memory_space<vmem>>, vector<16xi32>,
    %swap3A_14 = vector.shape_cast %swap3A_13 : vector<16xi32> to vector<16xi32>
    %swap3A_15 = vector.shape_cast %add3A_12 : vector<16xi32> to vector<16xi32>
    tpu.vector_store %arg13[%swap3A], %swap3A_15 {strides = array<i32>} : memref<2048xi32, #tpu.memory_space<vmem>>, vector<16xi32>,
    %add3A_16 = arith.constant 50000 : i32
    %add3A_17 = vector.broadcast %add3A_16 : i32 to vector<16xi32>
    %add3A_18 = arith.addi %get3A_9, %add3A_17 : vector<16xi32>
    %swap3A_19 = arith.constant 128 : index
    %swap3A_20 = tpu.vector_load %arg13[%swap3A_19] {strides = array<i32>} : memref<2048xi32, #tpu.memory_space<vmem>>, vector<16xi32>,
    %swap3A_21 = vector.shape_cast %swap3A_20 : vector<16xi32> to vector<16xi32>
    %swap3A_22 = vector.shape_cast %add3A_18 : vector<16xi32> to vector<16xi32>
    tpu.vector_store %arg13[%swap3A_19], %swap3A_22 {strides = array<i32>} : memref<2048xi32, #tpu.memory_space<vmem>>, vector<16xi32>,
    %add3A_23 = arith.constant 100000 : i32
    %add3A_24 = vector.broadcast %add3A_23 : i32 to vector<16xi32>
    %add3A_25 = arith.addi %get3A_9, %add3A_24 : vector<16xi32>
    %swap3A_26 = arith.constant 256 : index
    %swap3A_27 = tpu.vector_load %arg13[%swap3A_26] {strides = array<i32>} : memref<2048xi32, #tpu.memory_space<vmem>>, vector<16xi32>,
    %swap3A_28 = vector.shape_cast %swap3A_27 : vector<16xi32> to vector<16xi32>
    %swap3A_29 = vector.shape_cast %add3A_25 : vector<16xi32> to vector<16xi32>
    tpu.vector_store %arg13[%swap3A_26], %swap3A_29 {strides = array<i32>} : memref<2048xi32, #tpu.memory_space<vmem>>, vector<16xi32>,
    %add3A_30 = arith.constant 150000 : i32
    %add3A_31 = vector.broadcast %add3A_30 : i32 to vector<16xi32>
    %add3A_32 = arith.addi %get3A_9, %add3A_31 : vector<16xi32>
    %swap3A_33 = arith.constant 384 : index
    %swap3A_34 = tpu.vector_load %arg13[%swap3A_33] {strides = array<i32>} : memref<2048xi32, #tpu.memory_space<vmem>>, vector<16xi32>,
    %swap3A_35 = vector.shape_cast %swap3A_34 : vector<16xi32> to vector<16xi32>
    %swap3A_36 = vector.shape_cast %add3A_32 : vector<16xi32> to vector<16xi32>
    tpu.vector_store %arg13[%swap3A_33], %swap3A_36 {strides = array<i32>} : memref<2048xi32, #tpu.memory_space<vmem>>, vector<16xi32>,
    %add3A_37 = arith.constant 200000 : i32
    %add3A_38 = vector.broadcast %add3A_37 : i32 to vector<16xi32>
    %add3A_39 = arith.addi %get3A_9, %add3A_38 : vector<16xi32>
    %swap3A_40 = arith.constant 512 : index
    %swap3A_41 = tpu.vector_load %arg13[%swap3A_40] {strides = array<i32>} : memref<2048xi32, #tpu.memory_space<vmem>>, vector<16xi32>,
    %swap3A_42 = vector.shape_cast %swap3A_41 : vector<16xi32> to vector<16xi32>
    %swap3A_43 = vector.shape_cast %add3A_39 : vector<16xi32> to vector<16xi32>
    tpu.vector_store %arg13[%swap3A_40], %swap3A_43 {strides = array<i32>} : memref<2048xi32, #tpu.memory_space<vmem>>, vector<16xi32>,
    %add3A_44 = arith.constant 250000 : i32
    %add3A_45 = vector.broadcast %add3A_44 : i32 to vector<16xi32>
    %add3A_46 = arith.addi %get3A_9, %add3A_45 : vector<16xi32>
    %swap3A_47 = arith.constant 640 : index
    %swap3A_48 = tpu.vector_load %arg13[%swap3A_47] {strides = array<i32>} : memref<2048xi32, #tpu.memory_space<vmem>>, vector<16xi32>,
    %swap3A_49 = vector.shape_cast %swap3A_48 : vector<16xi32> to vector<16xi32>
    %swap3A_50 = vector.shape_cast %add3A_46 : vector<16xi32> to vector<16xi32>
    tpu.vector_store %arg13[%swap3A_47], %swap3A_50 {strides = array<i32>} : memref<2048xi32, #tpu.memory_space<vmem>>, vector<16xi32>,
    %add3A_51 = arith.constant 300000 : i32
    %add3A_52 = vector.broadcast %add3A_51 : i32 to vector<16xi32>
    %add3A_53 = arith.addi %get3A_9, %add3A_52 : vector<16xi32>
    %swap3A_54 = arith.constant 768 : index
    %swap3A_55 = tpu.vector_load %arg13[%swap3A_54] {strides = array<i32>} : memref<2048xi32, #tpu.memory_space<vmem>>, vector<16xi32>,
    %swap3A_56 = vector.shape_cast %swap3A_55 : vector<16xi32> to vector<16xi32>
    %swap3A_57 = vector.shape_cast %add3A_53 : vector<16xi32> to vector<16xi32>
    tpu.vector_store %arg13[%swap3A_54], %swap3A_57 {strides = array<i32>} : memref<2048xi32, #tpu.memory_space<vmem>>, vector<16xi32>,
    %add3A_58 = arith.constant 350000 : i32
    %add3A_59 = vector.broadcast %add3A_58 : i32 to vector<16xi32>
    %add3A_60 = arith.addi %get3A_9, %add3A_59 : vector<16xi32>
    %swap3A_61 = arith.constant 896 : index
    %swap3A_62 = tpu.vector_load %arg13[%swap3A_61] {strides = array<i32>} : memref<2048xi32, #tpu.memory_space<vmem>>, vector<16xi32>,
    %swap3A_63 = vector.shape_cast %swap3A_62 : vector<16xi32> to vector<16xi32>
    %swap3A_64 = vector.shape_cast %add3A_60 : vector<16xi32> to vector<16xi32>
    tpu.vector_store %arg13[%swap3A_61], %swap3A_64 {strides = array<i32>} : memref<2048xi32, #tpu.memory_space<vmem>>, vector<16xi32>,
    %add3A_65 = arith.constant 400000 : i32
    %add3A_66 = vector.broadcast %add3A_65 : i32 to vector<16xi32>
    %add3A_67 = arith.addi %get3A_9, %add3A_66 : vector<16xi32>
    %swap3A_68 = arith.constant 1024 : index
    %swap3A_69 = tpu.vector_load %arg13[%swap3A_68] {strides = array<i32>} : memref<2048xi32, #tpu.memory_space<vmem>>, vector<16xi32>,
    %swap3A_70 = vector.shape_cast %swap3A_69 : vector<16xi32> to vector<16xi32>
    %swap3A_71 = vector.shape_cast %add3A_67 : vector<16xi32> to vector<16xi32>
    tpu.vector_store %arg13[%swap3A_68], %swap3A_71 {strides = array<i32>} : memref<2048xi32, #tpu.memory_space<vmem>>, vector<16xi32>,
    %add3A_72 = arith.constant 450000 : i32
    %add3A_73 = vector.broadcast %add3A_72 : i32 to vector<16xi32>
    %add3A_74 = arith.addi %get3A_9, %add3A_73 : vector<16xi32>
    %swap3A_75 = arith.constant 1152 : index
    %swap3A_76 = tpu.vector_load %arg13[%swap3A_75] {strides = array<i32>} : memref<2048xi32, #tpu.memory_space<vmem>>, vector<16xi32>,
    %swap3A_77 = vector.shape_cast %swap3A_76 : vector<16xi32> to vector<16xi32>
    %swap3A_78 = vector.shape_cast %add3A_74 : vector<16xi32> to vector<16xi32>
    tpu.vector_store %arg13[%swap3A_75], %swap3A_78 {strides = array<i32>} : memref<2048xi32, #tpu.memory_space<vmem>>, vector<16xi32>,
    %add3A_79 = arith.constant 500000 : i32
    %add3A_80 = vector.broadcast %add3A_79 : i32 to vector<16xi32>
    %add3A_81 = arith.addi %get3A_9, %add3A_80 : vector<16xi32>
    %swap3A_82 = arith.constant 1280 : index
    %swap3A_83 = tpu.vector_load %arg13[%swap3A_82] {strides = array<i32>} : memref<2048xi32, #tpu.memory_space<vmem>>, vector<16xi32>,
    %swap3A_84 = vector.shape_cast %swap3A_83 : vector<16xi32> to vector<16xi32>
    %swap3A_85 = vector.shape_cast %add3A_81 : vector<16xi32> to vector<16xi32>
    tpu.vector_store %arg13[%swap3A_82], %swap3A_85 {strides = array<i32>} : memref<2048xi32, #tpu.memory_space<vmem>>, vector<16xi32>,
    %add3A_86 = arith.constant 550000 : i32
    %add3A_87 = vector.broadcast %add3A_86 : i32 to vector<16xi32>
    %add3A_88 = arith.addi %get3A_9, %add3A_87 : vector<16xi32>
    %swap3A_89 = arith.constant 1408 : index
    %swap3A_90 = tpu.vector_load %arg13[%swap3A_89] {strides = array<i32>} : memref<2048xi32, #tpu.memory_space<vmem>>, vector<16xi32>,
    %swap3A_91 = vector.shape_cast %swap3A_90 : vector<16xi32> to vector<16xi32>
    %swap3A_92 = vector.shape_cast %add3A_88 : vector<16xi32> to vector<16xi32>
    tpu.vector_store %arg13[%swap3A_89], %swap3A_92 {strides = array<i32>} : memref<2048xi32, #tpu.memory_space<vmem>>, vector<16xi32>,
    %add3A_93 = arith.constant 600000 : i32
    %add3A_94 = vector.broadcast %add3A_93 : i32 to vector<16xi32>
    %add3A_95 = arith.addi %get3A_9, %add3A_94 : vector<16xi32>
    %swap3A_96 = arith.constant 1536 : index
    %swap3A_97 = tpu.vector_load %arg13[%swap3A_96] {strides = array<i32>} : memref<2048xi32, #tpu.memory_space<vmem>>, vector<16xi32>,
    %swap3A_98 = vector.shape_cast %swap3A_97 : vector<16xi32> to vector<16xi32>
    %swap3A_99 = vector.shape_cast %add3A_95 : vector<16xi32> to vector<16xi32>
    tpu.vector_store %arg13[%swap3A_96], %swap3A_99 {strides = array<i32>} : memref<2048xi32, #tpu.memory_space<vmem>>, vector<16xi32>,
    %add3A_100 = arith.constant 650000 : i32
    %add3A_101 = vector.broadcast %add3A_100 : i32 to vector<16xi32>
    %add3A_102 = arith.addi %get3A_9, %add3A_101 : vector<16xi32>
    %swap3A_103 = arith.constant 1664 : index
    %swap3A_104 = tpu.vector_load %arg13[%swap3A_103] {strides = array<i32>} : memref<2048xi32, #tpu.memory_space<vmem>>, vector<16xi32>,
    %swap3A_105 = vector.shape_cast %swap3A_104 : vector<16xi32> to vector<16xi32>
    %swap3A_106 = vector.shape_cast %add3A_102 : vector<16xi32> to vector<16xi32>
    tpu.vector_store %arg13[%swap3A_103], %swap3A_106 {strides = array<i32>} : memref<2048xi32, #tpu.memory_space<vmem>>, vector<16xi32>,
    %add3A_107 = arith.constant 700000 : i32
    %add3A_108 = vector.broadcast %add3A_107 : i32 to vector<16xi32>
    %add3A_109 = arith.addi %get3A_9, %add3A_108 : vector<16xi32>
    %swap3A_110 = arith.constant 1792 : index
    %swap3A_111 = tpu.vector_load %arg13[%swap3A_110] {strides = array<i32>} : memref<2048xi32, #tpu.memory_space<vmem>>, vector<16xi32>,
    %swap3A_112 = vector.shape_cast %swap3A_111 : vector<16xi32> to vector<16xi32>
    %swap3A_113 = vector.shape_cast %add3A_109 : vector<16xi32> to vector<16xi32>
    tpu.vector_store %arg13[%swap3A_110], %swap3A_113 {strides = array<i32>} : memref<2048xi32, #tpu.memory_space<vmem>>, vector<16xi32>,
    %add3A_114 = arith.constant 750000 : i32
    %add3A_115 = vector.broadcast %add3A_114 : i32 to vector<16xi32>
    %add3A_116 = arith.addi %get3A_9, %add3A_115 : vector<16xi32>
    %swap3A_117 = arith.constant 1920 : index
    %swap3A_118 = tpu.vector_load %arg13[%swap3A_117] {strides = array<i32>} : memref<2048xi32, #tpu.memory_space<vmem>>, vector<16xi32>,
    %swap3A_119 = vector.shape_cast %swap3A_118 : vector<16xi32> to vector<16xi32>
    %swap3A_120 = vector.shape_cast %add3A_116 : vector<16xi32> to vector<16xi32>
    tpu.vector_store %arg13[%swap3A_117], %swap3A_120 {strides = array<i32>} : memref<2048xi32, #tpu.memory_space<vmem>>, vector<16xi32>,
    %get3A_121 = arith.constant 16 : index
    %get3A_122 = tpu.vector_load %arg11[%get3A_121] {strides = array<i32>} : memref<128xi32, #tpu.memory_space<vmem>>, vector<16xi32>,
    %get3A_123 = vector.shape_cast %get3A_122 : vector<16xi32> to vector<16xi32>
    %add3A_124 = arith.constant 0 : i32
    %add3A_125 = vector.broadcast %add3A_124 : i32 to vector<16xi32>
    %add3A_126 = arith.addi %get3A_123, %add3A_125 : vector<16xi32>
    %swap3A_127 = arith.constant 16 : index
    %swap3A_128 = tpu.vector_load %arg13[%swap3A_127] {strides = array<i32>} : memref<2048xi32, #tpu.memory_space<vmem>>, vector<16xi32>,
    %swap3A_129 = vector.shape_cast %swap3A_128 : vector<16xi32> to vector<16xi32>
    %swap3A_130 = vector.shape_cast %add3A_126 : vector<16xi32> to vector<16xi32>
    tpu.vector_store %arg13[%swap3A_127], %swap3A_130 {strides = array<i32>} : memref<2048xi32, #tpu.memory_space<vmem>>, vector<16xi32>,
    %add3A_131 = arith.constant 50000 : i32
    %add3A_132 = vector.broadcast %add3A_131 : i32 to vector<16xi32>
    %add3A_133 = arith.addi %get3A_123, %add3A_132 : vector<16xi32>
    %swap3A_134 = arith.constant 144 : index
    %swap3A_135 = tpu.vector_load %arg13[%swap3A_134] {strides = array<i32>} : memref<2048xi32, #tpu.memory_space<vmem>>, vector<16xi32>,
    %swap3A_136 = vector.shape_cast %swap3A_135 : vector<16xi32> to vector<16xi32>
    %swap3A_137 = vector.shape_cast %add3A_133 : vector<16xi32> to vector<16xi32>
    tpu.vector_store %arg13[%swap3A_134], %swap3A_137 {strides = array<i32>} : memref<2048xi32, #tpu.memory_space<vmem>>, vector<16xi32>,
    %add3A_138 = arith.constant 100000 : i32
    %add3A_139 = vector.broadcast %add3A_138 : i32 to vector<16xi32>
    %add3A_140 = arith.addi %get3A_123, %add3A_139 : vector<16xi32>
    %swap3A_141 = arith.constant 272 : index
    %swap3A_142 = tpu.vector_load %arg13[%swap3A_141] {strides = array<i32>} : memref<2048xi32, #tpu.memory_space<vmem>>, vector<16xi32>,
    %swap3A_143 = vector.shape_cast %swap3A_142 : vector<16xi32> to vector<16xi32>
    %swap3A_144 = vector.shape_cast %add3A_140 : vector<16xi32> to vector<16xi32>
    tpu.vector_store %arg13[%swap3A_141], %swap3A_144 {strides = array<i32>} : memref<2048xi32, #tpu.memory_space<vmem>>, vector<16xi32>,
    %add3A_145 = arith.constant 150000 : i32
    %add3A_146 = vector.broadcast %add3A_145 : i32 to vector<16xi32>
    %add3A_147 = arith.addi %get3A_123, %add3A_146 : vector<16xi32>
    %swap3A_148 = arith.constant 400 : index
    %swap3A_149 = tpu.vector_load %arg13[%swap3A_148] {strides = array<i32>} : memref<2048xi32, #tpu.memory_space<vmem>>, vector<16xi32>,
    %swap3A_150 = vector.shape_cast %swap3A_149 : vector<16xi32> to vector<16xi32>
    %swap3A_151 = vector.shape_cast %add3A_147 : vector<16xi32> to vector<16xi32>
    tpu.vector_store %arg13[%swap3A_148], %swap3A_151 {strides = array<i32>} : memref<2048xi32, #tpu.memory_space<vmem>>, vector<16xi32>,
    %add3A_152 = arith.constant 200000 : i32
    %add3A_153 = vector.broadcast %add3A_152 : i32 to vector<16xi32>
    %add3A_154 = arith.addi %get3A_123, %add3A_153 : vector<16xi32>
    %swap3A_155 = arith.constant 528 : index
    %swap3A_156 = tpu.vector_load %arg13[%swap3A_155] {strides = array<i32>} : memref<2048xi32, #tpu.memory_space<vmem>>, vector<16xi32>,
    %swap3A_157 = vector.shape_cast %swap3A_156 : vector<16xi32> to vector<16xi32>
    %swap3A_158 = vector.shape_cast %add3A_154 : vector<16xi32> to vector<16xi32>
    tpu.vector_store %arg13[%swap3A_155], %swap3A_158 {strides = array<i32>} : memref<2048xi32, #tpu.memory_space<vmem>>, vector<16xi32>,
    %add3A_159 = arith.constant 250000 : i32
    %add3A_160 = vector.broadcast %add3A_159 : i32 to vector<16xi32>
    %add3A_161 = arith.addi %get3A_123, %add3A_160 : vector<16xi32>
    %swap3A_162 = arith.constant 656 : index
    %swap3A_163 = tpu.vector_load %arg13[%swap3A_162] {strides = array<i32>} : memref<2048xi32, #tpu.memory_space<vmem>>, vector<16xi32>,
    %swap3A_164 = vector.shape_cast %swap3A_163 : vector<16xi32> to vector<16xi32>
    %swap3A_165 = vector.shape_cast %add3A_161 : vector<16xi32> to vector<16xi32>
    tpu.vector_store %arg13[%swap3A_162], %swap3A_165 {strides = array<i32>} : memref<2048xi32, #tpu.memory_space<vmem>>, vector<16xi32>,
    %add3A_166 = arith.constant 300000 : i32
    %add3A_167 = vector.broadcast %add3A_166 : i32 to vector<16xi32>
    %add3A_168 = arith.addi %get3A_123, %add3A_167 : vector<16xi32>
    %swap3A_169 = arith.constant 784 : index
    %swap3A_170 = tpu.vector_load %arg13[%swap3A_169] {strides = array<i32>} : memref<2048xi32, #tpu.memory_space<vmem>>, vector<16xi32>,
    %swap3A_171 = vector.shape_cast %swap3A_170 : vector<16xi32> to vector<16xi32>
    %swap3A_172 = vector.shape_cast %add3A_168 : vector<16xi32> to vector<16xi32>
    tpu.vector_store %arg13[%swap3A_169], %swap3A_172 {strides = array<i32>} : memref<2048xi32, #tpu.memory_space<vmem>>, vector<16xi32>,
    %add3A_173 = arith.constant 350000 : i32
    %add3A_174 = vector.broadcast %add3A_173 : i32 to vector<16xi32>
    %add3A_175 = arith.addi %get3A_123, %add3A_174 : vector<16xi32>
    %swap3A_176 = arith.constant 912 : index
    %swap3A_177 = tpu.vector_load %arg13[%swap3A_176] {strides = array<i32>} : memref<2048xi32, #tpu.memory_space<vmem>>, vector<16xi32>,
    %swap3A_178 = vector.shape_cast %swap3A_177 : vector<16xi32> to vector<16xi32>
    %swap3A_179 = vector.shape_cast %add3A_175 : vector<16xi32> to vector<16xi32>
    tpu.vector_store %arg13[%swap3A_176], %swap3A_179 {strides = array<i32>} : memref<2048xi32, #tpu.memory_space<vmem>>, vector<16xi32>,
    %add3A_180 = arith.constant 400000 : i32
    %add3A_181 = vector.broadcast %add3A_180 : i32 to vector<16xi32>
    %add3A_182 = arith.addi %get3A_123, %add3A_181 : vector<16xi32>
    %swap3A_183 = arith.constant 1040 : index
    %swap3A_184 = tpu.vector_load %arg13[%swap3A_183] {strides = array<i32>} : memref<2048xi32, #tpu.memory_space<vmem>>, vector<16xi32>,
    %swap3A_185 = vector.shape_cast %swap3A_184 : vector<16xi32> to vector<16xi32>
    %swap3A_186 = vector.shape_cast %add3A_182 : vector<16xi32> to vector<16xi32>
    tpu.vector_store %arg13[%swap3A_183], %swap3A_186 {strides = array<i32>} : memref<2048xi32, #tpu.memory_space<vmem>>, vector<16xi32>,
    %add3A_187 = arith.constant 450000 : i32
    %add3A_188 = vector.broadcast %add3A_187 : i32 to vector<16xi32>
    %add3A_189 = arith.addi %get3A_123, %add3A_188 : vector<16xi32>
    %swap3A_190 = arith.constant 1168 : index
    %swap3A_191 = tpu.vector_load %arg13[%swap3A_190] {strides = array<i32>} : memref<2048xi32, #tpu.memory_space<vmem>>, vector<16xi32>,
    %swap3A_192 = vector.shape_cast %swap3A_191 : vector<16xi32> to vector<16xi32>
    %swap3A_193 = vector.shape_cast %add3A_189 : vector<16xi32> to vector<16xi32>
    tpu.vector_store %arg13[%swap3A_190], %swap3A_193 {strides = array<i32>} : memref<2048xi32, #tpu.memory_space<vmem>>, vector<16xi32>,
    %add3A_194 = arith.constant 500000 : i32
    %add3A_195 = vector.broadcast %add3A_194 : i32 to vector<16xi32>
    %add3A_196 = arith.addi %get3A_123, %add3A_195 : vector<16xi32>
    %swap3A_197 = arith.constant 1296 : index
    %swap3A_198 = tpu.vector_load %arg13[%swap3A_197] {strides = array<i32>} : memref<2048xi32, #tpu.memory_space<vmem>>, vector<16xi32>,
    %swap3A_199 = vector.shape_cast %swap3A_198 : vector<16xi32> to vector<16xi32>
    %swap3A_200 = vector.shape_cast %add3A_196 : vector<16xi32> to vector<16xi32>
    tpu.vector_store %arg13[%swap3A_197], %swap3A_200 {strides = array<i32>} : memref<2048xi32, #tpu.memory_space<vmem>>, vector<16xi32>,
    %add3A_201 = arith.constant 550000 : i32
    %add3A_202 = vector.broadcast %add3A_201 : i32 to vector<16xi32>
    %add3A_203 = arith.addi %get3A_123, %add3A_202 : vector<16xi32>
    %swap3A_204 = arith.constant 1424 : index
    %swap3A_205 = tpu.vector_load %arg13[%swap3A_204] {strides = array<i32>} : memref<2048xi32, #tpu.memory_space<vmem>>, vector<16xi32>,
    %swap3A_206 = vector.shape_cast %swap3A_205 : vector<16xi32> to vector<16xi32>
    %swap3A_207 = vector.shape_cast %add3A_203 : vector<16xi32> to vector<16xi32>
    tpu.vector_store %arg13[%swap3A_204], %swap3A_207 {strides = array<i32>} : memref<2048xi32, #tpu.memory_space<vmem>>, vector<16xi32>,
    %add3A_208 = arith.constant 600000 : i32
    %add3A_209 = vector.broadcast %add3A_208 : i32 to vector<16xi32>
    %add3A_210 = arith.addi %get3A_123, %add3A_209 : vector<16xi32>
    %swap3A_211 = arith.constant 1552 : index
    %swap3A_212 = tpu.vector_load %arg13[%swap3A_211] {strides = array<i32>} : memref<2048xi32, #tpu.memory_space<vmem>>, vector<16xi32>,
    %swap3A_213 = vector.shape_cast %swap3A_212 : vector<16xi32> to vector<16xi32>
    %swap3A_214 = vector.shape_cast %add3A_210 : vector<16xi32> to vector<16xi32>
    tpu.vector_store %arg13[%swap3A_211], %swap3A_214 {strides = array<i32>} : memref<2048xi32, #tpu.memory_space<vmem>>, vector<16xi32>,
    %add3A_215 = arith.constant 650000 : i32
    %add3A_216 = vector.broadcast %add3A_215 : i32 to vector<16xi32>
    %add3A_217 = arith.addi %get3A_123, %add3A_216 : vector<16xi32>
    %swap3A_218 = arith.constant 1680 : index
    %swap3A_219 = tpu.vector_load %arg13[%swap3A_218] {strides = array<i32>} : memref<2048xi32, #tpu.memory_space<vmem>>, vector<16xi32>,
    %swap3A_220 = vector.shape_cast %swap3A_219 : vector<16xi32> to vector<16xi32>
    %swap3A_221 = vector.shape_cast %add3A_217 : vector<16xi32> to vector<16xi32>
    tpu.vector_store %arg13[%swap3A_218], %swap3A_221 {strides = array<i32>} : memref<2048xi32, #tpu.memory_space<vmem>>, vector<16xi32>,
    %add3A_222 = arith.constant 700000 : i32
    %add3A_223 = vector.broadcast %add3A_222 : i32 to vector<16xi32>
    %add3A_224 = arith.addi %get3A_123, %add3A_223 : vector<16xi32>
    %swap3A_225 = arith.constant 1808 : index
    %swap3A_226 = tpu.vector_load %arg13[%swap3A_225] {strides = array<i32>} : memref<2048xi32, #tpu.memory_space<vmem>>, vector<16xi32>,
    %swap3A_227 = vector.shape_cast %swap3A_226 : vector<16xi32> to vector<16xi32>
    %swap3A_228 = vector.shape_cast %add3A_224 : vector<16xi32> to vector<16xi32>
    tpu.vector_store %arg13[%swap3A_225], %swap3A_228 {strides = array<i32>} : memref<2048xi32, #tpu.memory_space<vmem>>, vector<16xi32>,
    %add3A_229 = arith.constant 750000 : i32
    %add3A_230 = vector.broadcast %add3A_229 : i32 to vector<16xi32>
    %add3A_231 = arith.addi %get3A_123, %add3A_230 : vector<16xi32>
    %swap3A_232 = arith.constant 1936 : index
    %swap3A_233 = tpu.vector_load %arg13[%swap3A_232] {strides = array<i32>} : memref<2048xi32, #tpu.memory_space<vmem>>, vector<16xi32>,
    %swap3A_234 = vector.shape_cast %swap3A_233 : vector<16xi32> to vector<16xi32>
    %swap3A_235 = vector.shape_cast %add3A_231 : vector<16xi32> to vector<16xi32>
    tpu.vector_store %arg13[%swap3A_232], %swap3A_235 {strides = array<i32>} : memref<2048xi32, #tpu.memory_space<vmem>>, vector<16xi32>,
    %get3A_236 = arith.constant 32 : index
    %get3A_237 = tpu.vector_load %arg11[%get3A_236] {strides = array<i32>} : memref<128xi32, #tpu.memory_space<vmem>>, vector<16xi32>,
    %get3A_238 = vector.shape_cast %get3A_237 : vector<16xi32> to vector<16xi32>
    %add3A_239 = arith.constant 0 : i32
    %add3A_240 = vector.broadcast %add3A_239 : i32 to vector<16xi32>
    %add3A_241 = arith.addi %get3A_238, %add3A_240 : vector<16xi32>
    %swap3A_242 = arith.constant 32 : index
    %swap3A_243 = tpu.vector_load %arg13[%swap3A_242] {strides = array<i32>} : memref<2048xi32, #tpu.memory_space<vmem>>, vector<16xi32>,
    %swap3A_244 = vector.shape_cast %swap3A_243 : vector<16xi32> to vector<16xi32>
    %swap3A_245 = vector.shape_cast %add3A_241 : vector<16xi32> to vector<16xi32>
    tpu.vector_store %arg13[%swap3A_242], %swap3A_245 {strides = array<i32>} : memref<2048xi32, #tpu.memory_space<vmem>>, vector<16xi32>,
    %add3A_246 = arith.constant 50000 : i32
    %add3A_247 = vector.broadcast %add3A_246 : i32 to vector<16xi32>
    %add3A_248 = arith.addi %get3A_238, %add3A_247 : vector<16xi32>
    %swap3A_249 = arith.constant 160 : index
    %swap3A_250 = tpu.vector_load %arg13[%swap3A_249] {strides = array<i32>} : memref<2048xi32, #tpu.memory_space<vmem>>, vector<16xi32>,
    %swap3A_251 = vector.shape_cast %swap3A_250 : vector<16xi32> to vector<16xi32>
    %swap3A_252 = vector.shape_cast %add3A_248 : vector<16xi32> to vector<16xi32>
    tpu.vector_store %arg13[%swap3A_249], %swap3A_252 {strides = array<i32>} : memref<2048xi32, #tpu.memory_space<vmem>>, vector<16xi32>,
    %add3A_253 = arith.constant 100000 : i32
    %add3A_254 = vector.broadcast %add3A_253 : i32 to vector<16xi32>
    %add3A_255 = arith.addi %get3A_238, %add3A_254 : vector<16xi32>
    %swap3A_256 = arith.constant 288 : index
    %swap3A_257 = tpu.vector_load %arg13[%swap3A_256] {strides = array<i32>} : memref<2048xi32, #tpu.memory_space<vmem>>, vector<16xi32>,
    %swap3A_258 = vector.shape_cast %swap3A_257 : vector<16xi32> to vector<16xi32>
    %swap3A_259 = vector.shape_cast %add3A_255 : vector<16xi32> to vector<16xi32>
    tpu.vector_store %arg13[%swap3A_256], %swap3A_259 {strides = array<i32>} : memref<2048xi32, #tpu.memory_space<vmem>>, vector<16xi32>,
    %add3A_260 = arith.constant 150000 : i32
    %add3A_261 = vector.broadcast %add3A_260 : i32 to vector<16xi32>
    %add3A_262 = arith.addi %get3A_238, %add3A_261 : vector<16xi32>
    %swap3A_263 = arith.constant 416 : index
    %swap3A_264 = tpu.vector_load %arg13[%swap3A_263] {strides = array<i32>} : memref<2048xi32, #tpu.memory_space<vmem>>, vector<16xi32>,
    %swap3A_265 = vector.shape_cast %swap3A_264 : vector<16xi32> to vector<16xi32>
    %swap3A_266 = vector.shape_cast %add3A_262 : vector<16xi32> to vector<16xi32>
    tpu.vector_store %arg13[%swap3A_263], %swap3A_266 {strides = array<i32>} : memref<2048xi32, #tpu.memory_space<vmem>>, vector<16xi32>,
    %add3A_267 = arith.constant 200000 : i32
    %add3A_268 = vector.broadcast %add3A_267 : i32 to vector<16xi32>
    %add3A_269 = arith.addi %get3A_238, %add3A_268 : vector<16xi32>
    %swap3A_270 = arith.constant 544 : index
    %swap3A_271 = tpu.vector_load %arg13[%swap3A_270] {strides = array<i32>} : memref<2048xi32, #tpu.memory_space<vmem>>, vector<16xi32>,
    %swap3A_272 = vector.shape_cast %swap3A_271 : vector<16xi32> to vector<16xi32>
    %swap3A_273 = vector.shape_cast %add3A_269 : vector<16xi32> to vector<16xi32>
    tpu.vector_store %arg13[%swap3A_270], %swap3A_273 {strides = array<i32>} : memref<2048xi32, #tpu.memory_space<vmem>>, vector<16xi32>,
    %add3A_274 = arith.constant 250000 : i32
    %add3A_275 = vector.broadcast %add3A_274 : i32 to vector<16xi32>
    %add3A_276 = arith.addi %get3A_238, %add3A_275 : vector<16xi32>
    %swap3A_277 = arith.constant 672 : index
    %swap3A_278 = tpu.vector_load %arg13[%swap3A_277] {strides = array<i32>} : memref<2048xi32, #tpu.memory_space<vmem>>, vector<16xi32>,
    %swap3A_279 = vector.shape_cast %swap3A_278 : vector<16xi32> to vector<16xi32>
    %swap3A_280 = vector.shape_cast %add3A_276 : vector<16xi32> to vector<16xi32>
    tpu.vector_store %arg13[%swap3A_277], %swap3A_280 {strides = array<i32>} : memref<2048xi32, #tpu.memory_space<vmem>>, vector<16xi32>,
    %add3A_281 = arith.constant 300000 : i32
    %add3A_282 = vector.broadcast %add3A_281 : i32 to vector<16xi32>
    %add3A_283 = arith.addi %get3A_238, %add3A_282 : vector<16xi32>
    %swap3A_284 = arith.constant 800 : index
    %swap3A_285 = tpu.vector_load %arg13[%swap3A_284] {strides = array<i32>} : memref<2048xi32, #tpu.memory_space<vmem>>, vector<16xi32>,
    %swap3A_286 = vector.shape_cast %swap3A_285 : vector<16xi32> to vector<16xi32>
    %swap3A_287 = vector.shape_cast %add3A_283 : vector<16xi32> to vector<16xi32>
    tpu.vector_store %arg13[%swap3A_284], %swap3A_287 {strides = array<i32>} : memref<2048xi32, #tpu.memory_space<vmem>>, vector<16xi32>,
    %add3A_288 = arith.constant 350000 : i32
    %add3A_289 = vector.broadcast %add3A_288 : i32 to vector<16xi32>
    %add3A_290 = arith.addi %get3A_238, %add3A_289 : vector<16xi32>
    %swap3A_291 = arith.constant 928 : index
    %swap3A_292 = tpu.vector_load %arg13[%swap3A_291] {strides = array<i32>} : memref<2048xi32, #tpu.memory_space<vmem>>, vector<16xi32>,
    %swap3A_293 = vector.shape_cast %swap3A_292 : vector<16xi32> to vector<16xi32>
    %swap3A_294 = vector.shape_cast %add3A_290 : vector<16xi32> to vector<16xi32>
    tpu.vector_store %arg13[%swap3A_291], %swap3A_294 {strides = array<i32>} : memref<2048xi32, #tpu.memory_space<vmem>>, vector<16xi32>,
    %add3A_295 = arith.constant 400000 : i32
    %add3A_296 = vector.broadcast %add3A_295 : i32 to vector<16xi32>
    %add3A_297 = arith.addi %get3A_238, %add3A_296 : vector<16xi32>
    %swap3A_298 = arith.constant 1056 : index
    %swap3A_299 = tpu.vector_load %arg13[%swap3A_298] {strides = array<i32>} : memref<2048xi32, #tpu.memory_space<vmem>>, vector<16xi32>,
    %swap3A_300 = vector.shape_cast %swap3A_299 : vector<16xi32> to vector<16xi32>
    %swap3A_301 = vector.shape_cast %add3A_297 : vector<16xi32> to vector<16xi32>
    tpu.vector_store %arg13[%swap3A_298], %swap3A_301 {strides = array<i32>} : memref<2048xi32, #tpu.memory_space<vmem>>, vector<16xi32>,
    %add3A_302 = arith.constant 450000 : i32
    %add3A_303 = vector.broadcast %add3A_302 : i32 to vector<16xi32>
    %add3A_304 = arith.addi %get3A_238, %add3A_303 : vector<16xi32>
    %swap3A_305 = arith.constant 1184 : index
    %swap3A_306 = tpu.vector_load %arg13[%swap3A_305] {strides = array<i32>} : memref<2048xi32, #tpu.memory_space<vmem>>, vector<16xi32>,
    %swap3A_307 = vector.shape_cast %swap3A_306 : vector<16xi32> to vector<16xi32>
    %swap3A_308 = vector.shape_cast %add3A_304 : vector<16xi32> to vector<16xi32>
    tpu.vector_store %arg13[%swap3A_305], %swap3A_308 {strides = array<i32>} : memref<2048xi32, #tpu.memory_space<vmem>>, vector<16xi32>,
    %add3A_309 = arith.constant 500000 : i32
    %add3A_310 = vector.broadcast %add3A_309 : i32 to vector<16xi32>
    %add3A_311 = arith.addi %get3A_238, %add3A_310 : vector<16xi32>
    %swap3A_312 = arith.constant 1312 : index
    %swap3A_313 = tpu.vector_load %arg13[%swap3A_312] {strides = array<i32>} : memref<2048xi32, #tpu.memory_space<vmem>>, vector<16xi32>,
    %swap3A_314 = vector.shape_cast %swap3A_313 : vector<16xi32> to vector<16xi32>
    %swap3A_315 = vector.shape_cast %add3A_311 : vector<16xi32> to vector<16xi32>
    tpu.vector_store %arg13[%swap3A_312], %swap3A_315 {strides = array<i32>} : memref<2048xi32, #tpu.memory_space<vmem>>, vector<16xi32>,
    %add3A_316 = arith.constant 550000 : i32
    %add3A_317 = vector.broadcast %add3A_316 : i32 to vector<16xi32>
    %add3A_318 = arith.addi %get3A_238, %add3A_317 : vector<16xi32>
    %swap3A_319 = arith.constant 1440 : index
    %swap3A_320 = tpu.vector_load %arg13[%swap3A_319] {strides = array<i32>} : memref<2048xi32, #tpu.memory_space<vmem>>, vector<16xi32>,
    %swap3A_321 = vector.shape_cast %swap3A_320 : vector<16xi32> to vector<16xi32>
    %swap3A_322 = vector.shape_cast %add3A_318 : vector<16xi32> to vector<16xi32>
    tpu.vector_store %arg13[%swap3A_319], %swap3A_322 {strides = array<i32>} : memref<2048xi32, #tpu.memory_space<vmem>>, vector<16xi32>,
    %add3A_323 = arith.constant 600000 : i32
    %add3A_324 = vector.broadcast %add3A_323 : i32 to vector<16xi32>
    %add3A_325 = arith.addi %get3A_238, %add3A_324 : vector<16xi32>
    %swap3A_326 = arith.constant 1568 : index
    %swap3A_327 = tpu.vector_load %arg13[%swap3A_326] {strides = array<i32>} : memref<2048xi32, #tpu.memory_space<vmem>>, vector<16xi32>,
    %swap3A_328 = vector.shape_cast %swap3A_327 : vector<16xi32> to vector<16xi32>
    %swap3A_329 = vector.shape_cast %add3A_325 : vector<16xi32> to vector<16xi32>
    tpu.vector_store %arg13[%swap3A_326], %swap3A_329 {strides = array<i32>} : memref<2048xi32, #tpu.memory_space<vmem>>, vector<16xi32>,
    %add3A_330 = arith.constant 650000 : i32
    %add3A_331 = vector.broadcast %add3A_330 : i32 to vector<16xi32>
    %add3A_332 = arith.addi %get3A_238, %add3A_331 : vector<16xi32>
    %swap3A_333 = arith.constant 1696 : index
    %swap3A_334 = tpu.vector_load %arg13[%swap3A_333] {strides = array<i32>} : memref<2048xi32, #tpu.memory_space<vmem>>, vector<16xi32>,
    %swap3A_335 = vector.shape_cast %swap3A_334 : vector<16xi32> to vector<16xi32>
    %swap3A_336 = vector.shape_cast %add3A_332 : vector<16xi32> to vector<16xi32>
    tpu.vector_store %arg13[%swap3A_333], %swap3A_336 {strides = array<i32>} : memref<2048xi32, #tpu.memory_space<vmem>>, vector<16xi32>,
    %add3A_337 = arith.constant 700000 : i32
    %add3A_338 = vector.broadcast %add3A_337 : i32 to vector<16xi32>
    %add3A_339 = arith.addi %get3A_238, %add3A_338 : vector<16xi32>
    %swap3A_340 = arith.constant 1824 : index
    %swap3A_341 = tpu.vector_load %arg13[%swap3A_340] {strides = array<i32>} : memref<2048xi32, #tpu.memory_space<vmem>>, vector<16xi32>,
    %swap3A_342 = vector.shape_cast %swap3A_341 : vector<16xi32> to vector<16xi32>
    %swap3A_343 = vector.shape_cast %add3A_339 : vector<16xi32> to vector<16xi32>
    tpu.vector_store %arg13[%swap3A_340], %swap3A_343 {strides = array<i32>} : memref<2048xi32, #tpu.memory_space<vmem>>, vector<16xi32>,
    %add3A_344 = arith.constant 750000 : i32
    %add3A_345 = vector.broadcast %add3A_344 : i32 to vector<16xi32>
    %add3A_346 = arith.addi %get3A_238, %add3A_345 : vector<16xi32>
    %swap3A_347 = arith.constant 1952 : index
    %swap3A_348 = tpu.vector_load %arg13[%swap3A_347] {strides = array<i32>} : memref<2048xi32, #tpu.memory_space<vmem>>, vector<16xi32>,
    %swap3A_349 = vector.shape_cast %swap3A_348 : vector<16xi32> to vector<16xi32>
    %swap3A_350 = vector.shape_cast %add3A_346 : vector<16xi32> to vector<16xi32>
    tpu.vector_store %arg13[%swap3A_347], %swap3A_350 {strides = array<i32>} : memref<2048xi32, #tpu.memory_space<vmem>>, vector<16xi32>,
    %get3A_351 = arith.constant 48 : index
    %get3A_352 = tpu.vector_load %arg11[%get3A_351] {strides = array<i32>} : memref<128xi32, #tpu.memory_space<vmem>>, vector<16xi32>,
    %get3A_353 = vector.shape_cast %get3A_352 : vector<16xi32> to vector<16xi32>
    %add3A_354 = arith.constant 0 : i32
    %add3A_355 = vector.broadcast %add3A_354 : i32 to vector<16xi32>
    %add3A_356 = arith.addi %get3A_353, %add3A_355 : vector<16xi32>
    %swap3A_357 = arith.constant 48 : index
    %swap3A_358 = tpu.vector_load %arg13[%swap3A_357] {strides = array<i32>} : memref<2048xi32, #tpu.memory_space<vmem>>, vector<16xi32>,
    %swap3A_359 = vector.shape_cast %swap3A_358 : vector<16xi32> to vector<16xi32>
    %swap3A_360 = vector.shape_cast %add3A_356 : vector<16xi32> to vector<16xi32>
    tpu.vector_store %arg13[%swap3A_357], %swap3A_360 {strides = array<i32>} : memref<2048xi32, #tpu.memory_space<vmem>>, vector<16xi32>,
    %add3A_361 = arith.constant 50000 : i32
    %add3A_362 = vector.broadcast %add3A_361 : i32 to vector<16xi32>
    %add3A_363 = arith.addi %get3A_353, %add3A_362 : vector<16xi32>
    %swap3A_364 = arith.constant 176 : index
    %swap3A_365 = tpu.vector_load %arg13[%swap3A_364] {strides = array<i32>} : memref<2048xi32, #tpu.memory_space<vmem>>, vector<16xi32>,
    %swap3A_366 = vector.shape_cast %swap3A_365 : vector<16xi32> to vector<16xi32>
    %swap3A_367 = vector.shape_cast %add3A_363 : vector<16xi32> to vector<16xi32>
    tpu.vector_store %arg13[%swap3A_364], %swap3A_367 {strides = array<i32>} : memref<2048xi32, #tpu.memory_space<vmem>>, vector<16xi32>,
    %add3A_368 = arith.constant 100000 : i32
    %add3A_369 = vector.broadcast %add3A_368 : i32 to vector<16xi32>
    %add3A_370 = arith.addi %get3A_353, %add3A_369 : vector<16xi32>
    %swap3A_371 = arith.constant 304 : index
    %swap3A_372 = tpu.vector_load %arg13[%swap3A_371] {strides = array<i32>} : memref<2048xi32, #tpu.memory_space<vmem>>, vector<16xi32>,
    %swap3A_373 = vector.shape_cast %swap3A_372 : vector<16xi32> to vector<16xi32>
    %swap3A_374 = vector.shape_cast %add3A_370 : vector<16xi32> to vector<16xi32>
    tpu.vector_store %arg13[%swap3A_371], %swap3A_374 {strides = array<i32>} : memref<2048xi32, #tpu.memory_space<vmem>>, vector<16xi32>,
    %add3A_375 = arith.constant 150000 : i32
    %add3A_376 = vector.broadcast %add3A_375 : i32 to vector<16xi32>
    %add3A_377 = arith.addi %get3A_353, %add3A_376 : vector<16xi32>
    %swap3A_378 = arith.constant 432 : index
    %swap3A_379 = tpu.vector_load %arg13[%swap3A_378] {strides = array<i32>} : memref<2048xi32, #tpu.memory_space<vmem>>, vector<16xi32>,
    %swap3A_380 = vector.shape_cast %swap3A_379 : vector<16xi32> to vector<16xi32>
    %swap3A_381 = vector.shape_cast %add3A_377 : vector<16xi32> to vector<16xi32>
    tpu.vector_store %arg13[%swap3A_378], %swap3A_381 {strides = array<i32>} : memref<2048xi32, #tpu.memory_space<vmem>>, vector<16xi32>,
    %add3A_382 = arith.constant 200000 : i32
    %add3A_383 = vector.broadcast %add3A_382 : i32 to vector<16xi32>
    %add3A_384 = arith.addi %get3A_353, %add3A_383 : vector<16xi32>
    %swap3A_385 = arith.constant 560 : index
    %swap3A_386 = tpu.vector_load %arg13[%swap3A_385] {strides = array<i32>} : memref<2048xi32, #tpu.memory_space<vmem>>, vector<16xi32>,
    %swap3A_387 = vector.shape_cast %swap3A_386 : vector<16xi32> to vector<16xi32>
    %swap3A_388 = vector.shape_cast %add3A_384 : vector<16xi32> to vector<16xi32>
    tpu.vector_store %arg13[%swap3A_385], %swap3A_388 {strides = array<i32>} : memref<2048xi32, #tpu.memory_space<vmem>>, vector<16xi32>,
    %add3A_389 = arith.constant 250000 : i32
    %add3A_390 = vector.broadcast %add3A_389 : i32 to vector<16xi32>
    %add3A_391 = arith.addi %get3A_353, %add3A_390 : vector<16xi32>
    %swap3A_392 = arith.constant 688 : index
    %swap3A_393 = tpu.vector_load %arg13[%swap3A_392] {strides = array<i32>} : memref<2048xi32, #tpu.memory_space<vmem>>, vector<16xi32>,
    %swap3A_394 = vector.shape_cast %swap3A_393 : vector<16xi32> to vector<16xi32>
    %swap3A_395 = vector.shape_cast %add3A_391 : vector<16xi32> to vector<16xi32>
    tpu.vector_store %arg13[%swap3A_392], %swap3A_395 {strides = array<i32>} : memref<2048xi32, #tpu.memory_space<vmem>>, vector<16xi32>,
    %add3A_396 = arith.constant 300000 : i32
    %add3A_397 = vector.broadcast %add3A_396 : i32 to vector<16xi32>
    %add3A_398 = arith.addi %get3A_353, %add3A_397 : vector<16xi32>
    %swap3A_399 = arith.constant 816 : index
    %swap3A_400 = tpu.vector_load %arg13[%swap3A_399] {strides = array<i32>} : memref<2048xi32, #tpu.memory_space<vmem>>, vector<16xi32>,
    %swap3A_401 = vector.shape_cast %swap3A_400 : vector<16xi32> to vector<16xi32>
    %swap3A_402 = vector.shape_cast %add3A_398 : vector<16xi32> to vector<16xi32>
    tpu.vector_store %arg13[%swap3A_399], %swap3A_402 {strides = array<i32>} : memref<2048xi32, #tpu.memory_space<vmem>>, vector<16xi32>,
    %add3A_403 = arith.constant 350000 : i32
    %add3A_404 = vector.broadcast %add3A_403 : i32 to vector<16xi32>
    %add3A_405 = arith.addi %get3A_353, %add3A_404 : vector<16xi32>
    %swap3A_406 = arith.constant 944 : index
    %swap3A_407 = tpu.vector_load %arg13[%swap3A_406] {strides = array<i32>} : memref<2048xi32, #tpu.memory_space<vmem>>, vector<16xi32>,
    %swap3A_408 = vector.shape_cast %swap3A_407 : vector<16xi32> to vector<16xi32>
    %swap3A_409 = vector.shape_cast %add3A_405 : vector<16xi32> to vector<16xi32>
    tpu.vector_store %arg13[%swap3A_406], %swap3A_409 {strides = array<i32>} : memref<2048xi32, #tpu.memory_space<vmem>>, vector<16xi32>,
    %add3A_410 = arith.constant 400000 : i32
    %add3A_411 = vector.broadcast %add3A_410 : i32 to vector<16xi32>
    %add3A_412 = arith.addi %get3A_353, %add3A_411 : vector<16xi32>
    %swap3A_413 = arith.constant 1072 : index
    %swap3A_414 = tpu.vector_load %arg13[%swap3A_413] {strides = array<i32>} : memref<2048xi32, #tpu.memory_space<vmem>>, vector<16xi32>,
    %swap3A_415 = vector.shape_cast %swap3A_414 : vector<16xi32> to vector<16xi32>
    %swap3A_416 = vector.shape_cast %add3A_412 : vector<16xi32> to vector<16xi32>
    tpu.vector_store %arg13[%swap3A_413], %swap3A_416 {strides = array<i32>} : memref<2048xi32, #tpu.memory_space<vmem>>, vector<16xi32>,
    %add3A_417 = arith.constant 450000 : i32
    %add3A_418 = vector.broadcast %add3A_417 : i32 to vector<16xi32>
    %add3A_419 = arith.addi %get3A_353, %add3A_418 : vector<16xi32>
    %swap3A_420 = arith.constant 1200 : index
    %swap3A_421 = tpu.vector_load %arg13[%swap3A_420] {strides = array<i32>} : memref<2048xi32, #tpu.memory_space<vmem>>, vector<16xi32>,
    %swap3A_422 = vector.shape_cast %swap3A_421 : vector<16xi32> to vector<16xi32>
    %swap3A_423 = vector.shape_cast %add3A_419 : vector<16xi32> to vector<16xi32>
    tpu.vector_store %arg13[%swap3A_420], %swap3A_423 {strides = array<i32>} : memref<2048xi32, #tpu.memory_space<vmem>>, vector<16xi32>,
    %add3A_424 = arith.constant 500000 : i32
    %add3A_425 = vector.broadcast %add3A_424 : i32 to vector<16xi32>
    %add3A_426 = arith.addi %get3A_353, %add3A_425 : vector<16xi32>
    %swap3A_427 = arith.constant 1328 : index
    %swap3A_428 = tpu.vector_load %arg13[%swap3A_427] {strides = array<i32>} : memref<2048xi32, #tpu.memory_space<vmem>>, vector<16xi32>,
    %swap3A_429 = vector.shape_cast %swap3A_428 : vector<16xi32> to vector<16xi32>
    %swap3A_430 = vector.shape_cast %add3A_426 : vector<16xi32> to vector<16xi32>
    tpu.vector_store %arg13[%swap3A_427], %swap3A_430 {strides = array<i32>} : memref<2048xi32, #tpu.memory_space<vmem>>, vector<16xi32>,
    %add3A_431 = arith.constant 550000 : i32
    %add3A_432 = vector.broadcast %add3A_431 : i32 to vector<16xi32>
    %add3A_433 = arith.addi %get3A_353, %add3A_432 : vector<16xi32>
    %swap3A_434 = arith.constant 1456 : index
    %swap3A_435 = tpu.vector_load %arg13[%swap3A_434] {strides = array<i32>} : memref<2048xi32, #tpu.memory_space<vmem>>, vector<16xi32>,
    %swap3A_436 = vector.shape_cast %swap3A_435 : vector<16xi32> to vector<16xi32>
    %swap3A_437 = vector.shape_cast %add3A_433 : vector<16xi32> to vector<16xi32>
    tpu.vector_store %arg13[%swap3A_434], %swap3A_437 {strides = array<i32>} : memref<2048xi32, #tpu.memory_space<vmem>>, vector<16xi32>,
    %add3A_438 = arith.constant 600000 : i32
    %add3A_439 = vector.broadcast %add3A_438 : i32 to vector<16xi32>
    %add3A_440 = arith.addi %get3A_353, %add3A_439 : vector<16xi32>
    %swap3A_441 = arith.constant 1584 : index
    %swap3A_442 = tpu.vector_load %arg13[%swap3A_441] {strides = array<i32>} : memref<2048xi32, #tpu.memory_space<vmem>>, vector<16xi32>,
    %swap3A_443 = vector.shape_cast %swap3A_442 : vector<16xi32> to vector<16xi32>
    %swap3A_444 = vector.shape_cast %add3A_440 : vector<16xi32> to vector<16xi32>
    tpu.vector_store %arg13[%swap3A_441], %swap3A_444 {strides = array<i32>} : memref<2048xi32, #tpu.memory_space<vmem>>, vector<16xi32>,
    %add3A_445 = arith.constant 650000 : i32
    %add3A_446 = vector.broadcast %add3A_445 : i32 to vector<16xi32>
    %add3A_447 = arith.addi %get3A_353, %add3A_446 : vector<16xi32>
    %swap3A_448 = arith.constant 1712 : index
    %swap3A_449 = tpu.vector_load %arg13[%swap3A_448] {strides = array<i32>} : memref<2048xi32, #tpu.memory_space<vmem>>, vector<16xi32>,
    %swap3A_450 = vector.shape_cast %swap3A_449 : vector<16xi32> to vector<16xi32>
    %swap3A_451 = vector.shape_cast %add3A_447 : vector<16xi32> to vector<16xi32>
    tpu.vector_store %arg13[%swap3A_448], %swap3A_451 {strides = array<i32>} : memref<2048xi32, #tpu.memory_space<vmem>>, vector<16xi32>,
    %add3A_452 = arith.constant 700000 : i32
    %add3A_453 = vector.broadcast %add3A_452 : i32 to vector<16xi32>
    %add3A_454 = arith.addi %get3A_353, %add3A_453 : vector<16xi32>
    %swap3A_455 = arith.constant 1840 : index
    %swap3A_456 = tpu.vector_load %arg13[%swap3A_455] {strides = array<i32>} : memref<2048xi32, #tpu.memory_space<vmem>>, vector<16xi32>,
    %swap3A_457 = vector.shape_cast %swap3A_456 : vector<16xi32> to vector<16xi32>
    %swap3A_458 = vector.shape_cast %add3A_454 : vector<16xi32> to vector<16xi32>
    tpu.vector_store %arg13[%swap3A_455], %swap3A_458 {strides = array<i32>} : memref<2048xi32, #tpu.memory_space<vmem>>, vector<16xi32>,
    %add3A_459 = arith.constant 750000 : i32
    %add3A_460 = vector.broadcast %add3A_459 : i32 to vector<16xi32>
    %add3A_461 = arith.addi %get3A_353, %add3A_460 : vector<16xi32>
    %swap3A_462 = arith.constant 1968 : index
    %swap3A_463 = tpu.vector_load %arg13[%swap3A_462] {strides = array<i32>} : memref<2048xi32, #tpu.memory_space<vmem>>, vector<16xi32>,
    %swap3A_464 = vector.shape_cast %swap3A_463 : vector<16xi32> to vector<16xi32>
    %swap3A_465 = vector.shape_cast %add3A_461 : vector<16xi32> to vector<16xi32>
    tpu.vector_store %arg13[%swap3A_462], %swap3A_465 {strides = array<i32>} : memref<2048xi32, #tpu.memory_space<vmem>>, vector<16xi32>,
    %get3A_466 = arith.constant 64 : index
    %get3A_467 = tpu.vector_load %arg11[%get3A_466] {strides = array<i32>} : memref<128xi32, #tpu.memory_space<vmem>>, vector<16xi32>,
    %get3A_468 = vector.shape_cast %get3A_467 : vector<16xi32> to vector<16xi32>
    %add3A_469 = arith.constant 0 : i32
    %add3A_470 = vector.broadcast %add3A_469 : i32 to vector<16xi32>
    %add3A_471 = arith.addi %get3A_468, %add3A_470 : vector<16xi32>
    %swap3A_472 = arith.constant 64 : index
    %swap3A_473 = tpu.vector_load %arg13[%swap3A_472] {strides = array<i32>} : memref<2048xi32, #tpu.memory_space<vmem>>, vector<16xi32>,
    %swap3A_474 = vector.shape_cast %swap3A_473 : vector<16xi32> to vector<16xi32>
    %swap3A_475 = vector.shape_cast %add3A_471 : vector<16xi32> to vector<16xi32>
    tpu.vector_store %arg13[%swap3A_472], %swap3A_475 {strides = array<i32>} : memref<2048xi32, #tpu.memory_space<vmem>>, vector<16xi32>,
    %add3A_476 = arith.constant 50000 : i32
    %add3A_477 = vector.broadcast %add3A_476 : i32 to vector<16xi32>
    %add3A_478 = arith.addi %get3A_468, %add3A_477 : vector<16xi32>
    %swap3A_479 = arith.constant 192 : index
    %swap3A_480 = tpu.vector_load %arg13[%swap3A_479] {strides = array<i32>} : memref<2048xi32, #tpu.memory_space<vmem>>, vector<16xi32>,
    %swap3A_481 = vector.shape_cast %swap3A_480 : vector<16xi32> to vector<16xi32>
    %swap3A_482 = vector.shape_cast %add3A_478 : vector<16xi32> to vector<16xi32>
    tpu.vector_store %arg13[%swap3A_479], %swap3A_482 {strides = array<i32>} : memref<2048xi32, #tpu.memory_space<vmem>>, vector<16xi32>,
    %add3A_483 = arith.constant 100000 : i32
    %add3A_484 = vector.broadcast %add3A_483 : i32 to vector<16xi32>
    %add3A_485 = arith.addi %get3A_468, %add3A_484 : vector<16xi32>
    %swap3A_486 = arith.constant 320 : index
    %swap3A_487 = tpu.vector_load %arg13[%swap3A_486] {strides = array<i32>} : memref<2048xi32, #tpu.memory_space<vmem>>, vector<16xi32>,
    %swap3A_488 = vector.shape_cast %swap3A_487 : vector<16xi32> to vector<16xi32>
    %swap3A_489 = vector.shape_cast %add3A_485 : vector<16xi32> to vector<16xi32>
    tpu.vector_store %arg13[%swap3A_486], %swap3A_489 {strides = array<i32>} : memref<2048xi32, #tpu.memory_space<vmem>>, vector<16xi32>,
    %add3A_490 = arith.constant 150000 : i32
    %add3A_491 = vector.broadcast %add3A_490 : i32 to vector<16xi32>
    %add3A_492 = arith.addi %get3A_468, %add3A_491 : vector<16xi32>
    %swap3A_493 = arith.constant 448 : index
    %swap3A_494 = tpu.vector_load %arg13[%swap3A_493] {strides = array<i32>} : memref<2048xi32, #tpu.memory_space<vmem>>, vector<16xi32>,
    %swap3A_495 = vector.shape_cast %swap3A_494 : vector<16xi32> to vector<16xi32>
    %swap3A_496 = vector.shape_cast %add3A_492 : vector<16xi32> to vector<16xi32>
    tpu.vector_store %arg13[%swap3A_493], %swap3A_496 {strides = array<i32>} : memref<2048xi32, #tpu.memory_space<vmem>>, vector<16xi32>,
    %add3A_497 = arith.constant 200000 : i32
    %add3A_498 = vector.broadcast %add3A_497 : i32 to vector<16xi32>
    %add3A_499 = arith.addi %get3A_468, %add3A_498 : vector<16xi32>
    %swap3A_500 = arith.constant 576 : index
    %swap3A_501 = tpu.vector_load %arg13[%swap3A_500] {strides = array<i32>} : memref<2048xi32, #tpu.memory_space<vmem>>, vector<16xi32>,
    %swap3A_502 = vector.shape_cast %swap3A_501 : vector<16xi32> to vector<16xi32>
    %swap3A_503 = vector.shape_cast %add3A_499 : vector<16xi32> to vector<16xi32>
    tpu.vector_store %arg13[%swap3A_500], %swap3A_503 {strides = array<i32>} : memref<2048xi32, #tpu.memory_space<vmem>>, vector<16xi32>,
    %add3A_504 = arith.constant 250000 : i32
    %add3A_505 = vector.broadcast %add3A_504 : i32 to vector<16xi32>
    %add3A_506 = arith.addi %get3A_468, %add3A_505 : vector<16xi32>
    %swap3A_507 = arith.constant 704 : index
    %swap3A_508 = tpu.vector_load %arg13[%swap3A_507] {strides = array<i32>} : memref<2048xi32, #tpu.memory_space<vmem>>, vector<16xi32>,
    %swap3A_509 = vector.shape_cast %swap3A_508 : vector<16xi32> to vector<16xi32>
    %swap3A_510 = vector.shape_cast %add3A_506 : vector<16xi32> to vector<16xi32>
    tpu.vector_store %arg13[%swap3A_507], %swap3A_510 {strides = array<i32>} : memref<2048xi32, #tpu.memory_space<vmem>>, vector<16xi32>,
    %add3A_511 = arith.constant 300000 : i32
    %add3A_512 = vector.broadcast %add3A_511 : i32 to vector<16xi32>
    %add3A_513 = arith.addi %get3A_468, %add3A_512 : vector<16xi32>
    %swap3A_514 = arith.constant 832 : index
    %swap3A_515 = tpu.vector_load %arg13[%swap3A_514] {strides = array<i32>} : memref<2048xi32, #tpu.memory_space<vmem>>, vector<16xi32>,
    %swap3A_516 = vector.shape_cast %swap3A_515 : vector<16xi32> to vector<16xi32>
    %swap3A_517 = vector.shape_cast %add3A_513 : vector<16xi32> to vector<16xi32>
    tpu.vector_store %arg13[%swap3A_514], %swap3A_517 {strides = array<i32>} : memref<2048xi32, #tpu.memory_space<vmem>>, vector<16xi32>,
    %add3A_518 = arith.constant 350000 : i32
    %add3A_519 = vector.broadcast %add3A_518 : i32 to vector<16xi32>
    %add3A_520 = arith.addi %get3A_468, %add3A_519 : vector<16xi32>
    %swap3A_521 = arith.constant 960 : index
    %swap3A_522 = tpu.vector_load %arg13[%swap3A_521] {strides = array<i32>} : memref<2048xi32, #tpu.memory_space<vmem>>, vector<16xi32>,
    %swap3A_523 = vector.shape_cast %swap3A_522 : vector<16xi32> to vector<16xi32>
    %swap3A_524 = vector.shape_cast %add3A_520 : vector<16xi32> to vector<16xi32>
    tpu.vector_store %arg13[%swap3A_521], %swap3A_524 {strides = array<i32>} : memref<2048xi32, #tpu.memory_space<vmem>>, vector<16xi32>,
    %add3A_525 = arith.constant 400000 : i32
    %add3A_526 = vector.broadcast %add3A_525 : i32 to vector<16xi32>
    %add3A_527 = arith.addi %get3A_468, %add3A_526 : vector<16xi32>
    %swap3A_528 = arith.constant 1088 : index
    %swap3A_529 = tpu.vector_load %arg13[%swap3A_528] {strides = array<i32>} : memref<2048xi32, #tpu.memory_space<vmem>>, vector<16xi32>,
    %swap3A_530 = vector.shape_cast %swap3A_529 : vector<16xi32> to vector<16xi32>
    %swap3A_531 = vector.shape_cast %add3A_527 : vector<16xi32> to vector<16xi32>
    tpu.vector_store %arg13[%swap3A_528], %swap3A_531 {strides = array<i32>} : memref<2048xi32, #tpu.memory_space<vmem>>, vector<16xi32>,
    %add3A_532 = arith.constant 450000 : i32
    %add3A_533 = vector.broadcast %add3A_532 : i32 to vector<16xi32>
    %add3A_534 = arith.addi %get3A_468, %add3A_533 : vector<16xi32>
    %swap3A_535 = arith.constant 1216 : index
    %swap3A_536 = tpu.vector_load %arg13[%swap3A_535] {strides = array<i32>} : memref<2048xi32, #tpu.memory_space<vmem>>, vector<16xi32>,
    %swap3A_537 = vector.shape_cast %swap3A_536 : vector<16xi32> to vector<16xi32>
    %swap3A_538 = vector.shape_cast %add3A_534 : vector<16xi32> to vector<16xi32>
    tpu.vector_store %arg13[%swap3A_535], %swap3A_538 {strides = array<i32>} : memref<2048xi32, #tpu.memory_space<vmem>>, vector<16xi32>,
    %add3A_539 = arith.constant 500000 : i32
    %add3A_540 = vector.broadcast %add3A_539 : i32 to vector<16xi32>
    %add3A_541 = arith.addi %get3A_468, %add3A_540 : vector<16xi32>
    %swap3A_542 = arith.constant 1344 : index
    %swap3A_543 = tpu.vector_load %arg13[%swap3A_542] {strides = array<i32>} : memref<2048xi32, #tpu.memory_space<vmem>>, vector<16xi32>,
    %swap3A_544 = vector.shape_cast %swap3A_543 : vector<16xi32> to vector<16xi32>
    %swap3A_545 = vector.shape_cast %add3A_541 : vector<16xi32> to vector<16xi32>
    tpu.vector_store %arg13[%swap3A_542], %swap3A_545 {strides = array<i32>} : memref<2048xi32, #tpu.memory_space<vmem>>, vector<16xi32>,
    %add3A_546 = arith.constant 550000 : i32
    %add3A_547 = vector.broadcast %add3A_546 : i32 to vector<16xi32>
    %add3A_548 = arith.addi %get3A_468, %add3A_547 : vector<16xi32>
    %swap3A_549 = arith.constant 1472 : index
    %swap3A_550 = tpu.vector_load %arg13[%swap3A_549] {strides = array<i32>} : memref<2048xi32, #tpu.memory_space<vmem>>, vector<16xi32>,
    %swap3A_551 = vector.shape_cast %swap3A_550 : vector<16xi32> to vector<16xi32>
    %swap3A_552 = vector.shape_cast %add3A_548 : vector<16xi32> to vector<16xi32>
    tpu.vector_store %arg13[%swap3A_549], %swap3A_552 {strides = array<i32>} : memref<2048xi32, #tpu.memory_space<vmem>>, vector<16xi32>,
    %add3A_553 = arith.constant 600000 : i32
    %add3A_554 = vector.broadcast %add3A_553 : i32 to vector<16xi32>
    %add3A_555 = arith.addi %get3A_468, %add3A_554 : vector<16xi32>
    %swap3A_556 = arith.constant 1600 : index
    %swap3A_557 = tpu.vector_load %arg13[%swap3A_556] {strides = array<i32>} : memref<2048xi32, #tpu.memory_space<vmem>>, vector<16xi32>,
    %swap3A_558 = vector.shape_cast %swap3A_557 : vector<16xi32> to vector<16xi32>
    %swap3A_559 = vector.shape_cast %add3A_555 : vector<16xi32> to vector<16xi32>
    tpu.vector_store %arg13[%swap3A_556], %swap3A_559 {strides = array<i32>} : memref<2048xi32, #tpu.memory_space<vmem>>, vector<16xi32>,
    %add3A_560 = arith.constant 650000 : i32
    %add3A_561 = vector.broadcast %add3A_560 : i32 to vector<16xi32>
    %add3A_562 = arith.addi %get3A_468, %add3A_561 : vector<16xi32>
    %swap3A_563 = arith.constant 1728 : index
    %swap3A_564 = tpu.vector_load %arg13[%swap3A_563] {strides = array<i32>} : memref<2048xi32, #tpu.memory_space<vmem>>, vector<16xi32>,
    %swap3A_565 = vector.shape_cast %swap3A_564 : vector<16xi32> to vector<16xi32>
    %swap3A_566 = vector.shape_cast %add3A_562 : vector<16xi32> to vector<16xi32>
    tpu.vector_store %arg13[%swap3A_563], %swap3A_566 {strides = array<i32>} : memref<2048xi32, #tpu.memory_space<vmem>>, vector<16xi32>,
    %add3A_567 = arith.constant 700000 : i32
    %add3A_568 = vector.broadcast %add3A_567 : i32 to vector<16xi32>
    %add3A_569 = arith.addi %get3A_468, %add3A_568 : vector<16xi32>
    %swap3A_570 = arith.constant 1856 : index
    %swap3A_571 = tpu.vector_load %arg13[%swap3A_570] {strides = array<i32>} : memref<2048xi32, #tpu.memory_space<vmem>>, vector<16xi32>,
    %swap3A_572 = vector.shape_cast %swap3A_571 : vector<16xi32> to vector<16xi32>
    %swap3A_573 = vector.shape_cast %add3A_569 : vector<16xi32> to vector<16xi32>
    tpu.vector_store %arg13[%swap3A_570], %swap3A_573 {strides = array<i32>} : memref<2048xi32, #tpu.memory_space<vmem>>, vector<16xi32>,
    %add3A_574 = arith.constant 750000 : i32
    %add3A_575 = vector.broadcast %add3A_574 : i32 to vector<16xi32>
    %add3A_576 = arith.addi %get3A_468, %add3A_575 : vector<16xi32>
    %swap3A_577 = arith.constant 1984 : index
    %swap3A_578 = tpu.vector_load %arg13[%swap3A_577] {strides = array<i32>} : memref<2048xi32, #tpu.memory_space<vmem>>, vector<16xi32>,
    %swap3A_579 = vector.shape_cast %swap3A_578 : vector<16xi32> to vector<16xi32>
    %swap3A_580 = vector.shape_cast %add3A_576 : vector<16xi32> to vector<16xi32>
    tpu.vector_store %arg13[%swap3A_577], %swap3A_580 {strides = array<i32>} : memref<2048xi32, #tpu.memory_space<vmem>>, vector<16xi32>,
    %get3A_581 = arith.constant 80 : index
    %get3A_582 = tpu.vector_load %arg11[%get3A_581] {strides = array<i32>} : memref<128xi32, #tpu.memory_space<vmem>>, vector<16xi32>,
    %get3A_583 = vector.shape_cast %get3A_582 : vector<16xi32> to vector<16xi32>
    %add3A_584 = arith.constant 0 : i32
    %add3A_585 = vector.broadcast %add3A_584 : i32 to vector<16xi32>
    %add3A_586 = arith.addi %get3A_583, %add3A_585 : vector<16xi32>
    %swap3A_587 = arith.constant 80 : index
    %swap3A_588 = tpu.vector_load %arg13[%swap3A_587] {strides = array<i32>} : memref<2048xi32, #tpu.memory_space<vmem>>, vector<16xi32>,
    %swap3A_589 = vector.shape_cast %swap3A_588 : vector<16xi32> to vector<16xi32>
    %swap3A_590 = vector.shape_cast %add3A_586 : vector<16xi32> to vector<16xi32>
    tpu.vector_store %arg13[%swap3A_587], %swap3A_590 {strides = array<i32>} : memref<2048xi32, #tpu.memory_space<vmem>>, vector<16xi32>,
    %add3A_591 = arith.constant 50000 : i32
    %add3A_592 = vector.broadcast %add3A_591 : i32 to vector<16xi32>
    %add3A_593 = arith.addi %get3A_583, %add3A_592 : vector<16xi32>
    %swap3A_594 = arith.constant 208 : index
    %swap3A_595 = tpu.vector_load %arg13[%swap3A_594] {strides = array<i32>} : memref<2048xi32, #tpu.memory_space<vmem>>, vector<16xi32>,
    %swap3A_596 = vector.shape_cast %swap3A_595 : vector<16xi32> to vector<16xi32>
    %swap3A_597 = vector.shape_cast %add3A_593 : vector<16xi32> to vector<16xi32>
    tpu.vector_store %arg13[%swap3A_594], %swap3A_597 {strides = array<i32>} : memref<2048xi32, #tpu.memory_space<vmem>>, vector<16xi32>,
    %add3A_598 = arith.constant 100000 : i32
    %add3A_599 = vector.broadcast %add3A_598 : i32 to vector<16xi32>
    %add3A_600 = arith.addi %get3A_583, %add3A_599 : vector<16xi32>
    %swap3A_601 = arith.constant 336 : index
    %swap3A_602 = tpu.vector_load %arg13[%swap3A_601] {strides = array<i32>} : memref<2048xi32, #tpu.memory_space<vmem>>, vector<16xi32>,
    %swap3A_603 = vector.shape_cast %swap3A_602 : vector<16xi32> to vector<16xi32>
    %swap3A_604 = vector.shape_cast %add3A_600 : vector<16xi32> to vector<16xi32>
    tpu.vector_store %arg13[%swap3A_601], %swap3A_604 {strides = array<i32>} : memref<2048xi32, #tpu.memory_space<vmem>>, vector<16xi32>,
    %add3A_605 = arith.constant 150000 : i32
    %add3A_606 = vector.broadcast %add3A_605 : i32 to vector<16xi32>
    %add3A_607 = arith.addi %get3A_583, %add3A_606 : vector<16xi32>
    %swap3A_608 = arith.constant 464 : index
    %swap3A_609 = tpu.vector_load %arg13[%swap3A_608] {strides = array<i32>} : memref<2048xi32, #tpu.memory_space<vmem>>, vector<16xi32>,
    %swap3A_610 = vector.shape_cast %swap3A_609 : vector<16xi32> to vector<16xi32>
    %swap3A_611 = vector.shape_cast %add3A_607 : vector<16xi32> to vector<16xi32>
    tpu.vector_store %arg13[%swap3A_608], %swap3A_611 {strides = array<i32>} : memref<2048xi32, #tpu.memory_space<vmem>>, vector<16xi32>,
    %add3A_612 = arith.constant 200000 : i32
    %add3A_613 = vector.broadcast %add3A_612 : i32 to vector<16xi32>
    %add3A_614 = arith.addi %get3A_583, %add3A_613 : vector<16xi32>
    %swap3A_615 = arith.constant 592 : index
    %swap3A_616 = tpu.vector_load %arg13[%swap3A_615] {strides = array<i32>} : memref<2048xi32, #tpu.memory_space<vmem>>, vector<16xi32>,
    %swap3A_617 = vector.shape_cast %swap3A_616 : vector<16xi32> to vector<16xi32>
    %swap3A_618 = vector.shape_cast %add3A_614 : vector<16xi32> to vector<16xi32>
    tpu.vector_store %arg13[%swap3A_615], %swap3A_618 {strides = array<i32>} : memref<2048xi32, #tpu.memory_space<vmem>>, vector<16xi32>,
    %add3A_619 = arith.constant 250000 : i32
    %add3A_620 = vector.broadcast %add3A_619 : i32 to vector<16xi32>
    %add3A_621 = arith.addi %get3A_583, %add3A_620 : vector<16xi32>
    %swap3A_622 = arith.constant 720 : index
    %swap3A_623 = tpu.vector_load %arg13[%swap3A_622] {strides = array<i32>} : memref<2048xi32, #tpu.memory_space<vmem>>, vector<16xi32>,
    %swap3A_624 = vector.shape_cast %swap3A_623 : vector<16xi32> to vector<16xi32>
    %swap3A_625 = vector.shape_cast %add3A_621 : vector<16xi32> to vector<16xi32>
    tpu.vector_store %arg13[%swap3A_622], %swap3A_625 {strides = array<i32>} : memref<2048xi32, #tpu.memory_space<vmem>>, vector<16xi32>,
    %add3A_626 = arith.constant 300000 : i32
    %add3A_627 = vector.broadcast %add3A_626 : i32 to vector<16xi32>
    %add3A_628 = arith.addi %get3A_583, %add3A_627 : vector<16xi32>
    %swap3A_629 = arith.constant 848 : index
    %swap3A_630 = tpu.vector_load %arg13[%swap3A_629] {strides = array<i32>} : memref<2048xi32, #tpu.memory_space<vmem>>, vector<16xi32>,
    %swap3A_631 = vector.shape_cast %swap3A_630 : vector<16xi32> to vector<16xi32>
    %swap3A_632 = vector.shape_cast %add3A_628 : vector<16xi32> to vector<16xi32>
    tpu.vector_store %arg13[%swap3A_629], %swap3A_632 {strides = array<i32>} : memref<2048xi32, #tpu.memory_space<vmem>>, vector<16xi32>,
    %add3A_633 = arith.constant 350000 : i32
    %add3A_634 = vector.broadcast %add3A_633 : i32 to vector<16xi32>
    %add3A_635 = arith.addi %get3A_583, %add3A_634 : vector<16xi32>
    %swap3A_636 = arith.constant 976 : index
    %swap3A_637 = tpu.vector_load %arg13[%swap3A_636] {strides = array<i32>} : memref<2048xi32, #tpu.memory_space<vmem>>, vector<16xi32>,
    %swap3A_638 = vector.shape_cast %swap3A_637 : vector<16xi32> to vector<16xi32>
    %swap3A_639 = vector.shape_cast %add3A_635 : vector<16xi32> to vector<16xi32>
    tpu.vector_store %arg13[%swap3A_636], %swap3A_639 {strides = array<i32>} : memref<2048xi32, #tpu.memory_space<vmem>>, vector<16xi32>,
    %add3A_640 = arith.constant 400000 : i32
    %add3A_641 = vector.broadcast %add3A_640 : i32 to vector<16xi32>
    %add3A_642 = arith.addi %get3A_583, %add3A_641 : vector<16xi32>
    %swap3A_643 = arith.constant 1104 : index
    %swap3A_644 = tpu.vector_load %arg13[%swap3A_643] {strides = array<i32>} : memref<2048xi32, #tpu.memory_space<vmem>>, vector<16xi32>,
    %swap3A_645 = vector.shape_cast %swap3A_644 : vector<16xi32> to vector<16xi32>
    %swap3A_646 = vector.shape_cast %add3A_642 : vector<16xi32> to vector<16xi32>
    tpu.vector_store %arg13[%swap3A_643], %swap3A_646 {strides = array<i32>} : memref<2048xi32, #tpu.memory_space<vmem>>, vector<16xi32>,
    %add3A_647 = arith.constant 450000 : i32
    %add3A_648 = vector.broadcast %add3A_647 : i32 to vector<16xi32>
    %add3A_649 = arith.addi %get3A_583, %add3A_648 : vector<16xi32>
    %swap3A_650 = arith.constant 1232 : index
    %swap3A_651 = tpu.vector_load %arg13[%swap3A_650] {strides = array<i32>} : memref<2048xi32, #tpu.memory_space<vmem>>, vector<16xi32>,
    %swap3A_652 = vector.shape_cast %swap3A_651 : vector<16xi32> to vector<16xi32>
    %swap3A_653 = vector.shape_cast %add3A_649 : vector<16xi32> to vector<16xi32>
    tpu.vector_store %arg13[%swap3A_650], %swap3A_653 {strides = array<i32>} : memref<2048xi32, #tpu.memory_space<vmem>>, vector<16xi32>,
    %add3A_654 = arith.constant 500000 : i32
    %add3A_655 = vector.broadcast %add3A_654 : i32 to vector<16xi32>
    %add3A_656 = arith.addi %get3A_583, %add3A_655 : vector<16xi32>
    %swap3A_657 = arith.constant 1360 : index
    %swap3A_658 = tpu.vector_load %arg13[%swap3A_657] {strides = array<i32>} : memref<2048xi32, #tpu.memory_space<vmem>>, vector<16xi32>,
    %swap3A_659 = vector.shape_cast %swap3A_658 : vector<16xi32> to vector<16xi32>
    %swap3A_660 = vector.shape_cast %add3A_656 : vector<16xi32> to vector<16xi32>
    tpu.vector_store %arg13[%swap3A_657], %swap3A_660 {strides = array<i32>} : memref<2048xi32, #tpu.memory_space<vmem>>, vector<16xi32>,
    %add3A_661 = arith.constant 550000 : i32
    %add3A_662 = vector.broadcast %add3A_661 : i32 to vector<16xi32>
    %add3A_663 = arith.addi %get3A_583, %add3A_662 : vector<16xi32>
    %swap3A_664 = arith.constant 1488 : index
    %swap3A_665 = tpu.vector_load %arg13[%swap3A_664] {strides = array<i32>} : memref<2048xi32, #tpu.memory_space<vmem>>, vector<16xi32>,
    %swap3A_666 = vector.shape_cast %swap3A_665 : vector<16xi32> to vector<16xi32>
    %swap3A_667 = vector.shape_cast %add3A_663 : vector<16xi32> to vector<16xi32>
    tpu.vector_store %arg13[%swap3A_664], %swap3A_667 {strides = array<i32>} : memref<2048xi32, #tpu.memory_space<vmem>>, vector<16xi32>,
    %add3A_668 = arith.constant 600000 : i32
    %add3A_669 = vector.broadcast %add3A_668 : i32 to vector<16xi32>
    %add3A_670 = arith.addi %get3A_583, %add3A_669 : vector<16xi32>
    %swap3A_671 = arith.constant 1616 : index
    %swap3A_672 = tpu.vector_load %arg13[%swap3A_671] {strides = array<i32>} : memref<2048xi32, #tpu.memory_space<vmem>>, vector<16xi32>,
    %swap3A_673 = vector.shape_cast %swap3A_672 : vector<16xi32> to vector<16xi32>
    %swap3A_674 = vector.shape_cast %add3A_670 : vector<16xi32> to vector<16xi32>
    tpu.vector_store %arg13[%swap3A_671], %swap3A_674 {strides = array<i32>} : memref<2048xi32, #tpu.memory_space<vmem>>, vector<16xi32>,
    %add3A_675 = arith.constant 650000 : i32
    %add3A_676 = vector.broadcast %add3A_675 : i32 to vector<16xi32>
    %add3A_677 = arith.addi %get3A_583, %add3A_676 : vector<16xi32>
    %swap3A_678 = arith.constant 1744 : index
    %swap3A_679 = tpu.vector_load %arg13[%swap3A_678] {strides = array<i32>} : memref<2048xi32, #tpu.memory_space<vmem>>, vector<16xi32>,
    %swap3A_680 = vector.shape_cast %swap3A_679 : vector<16xi32> to vector<16xi32>
    %swap3A_681 = vector.shape_cast %add3A_677 : vector<16xi32> to vector<16xi32>
    tpu.vector_store %arg13[%swap3A_678], %swap3A_681 {strides = array<i32>} : memref<2048xi32, #tpu.memory_space<vmem>>, vector<16xi32>,
    %add3A_682 = arith.constant 700000 : i32
    %add3A_683 = vector.broadcast %add3A_682 : i32 to vector<16xi32>
    %add3A_684 = arith.addi %get3A_583, %add3A_683 : vector<16xi32>
    %swap3A_685 = arith.constant 1872 : index
    %swap3A_686 = tpu.vector_load %arg13[%swap3A_685] {strides = array<i32>} : memref<2048xi32, #tpu.memory_space<vmem>>, vector<16xi32>,
    %swap3A_687 = vector.shape_cast %swap3A_686 : vector<16xi32> to vector<16xi32>
    %swap3A_688 = vector.shape_cast %add3A_684 : vector<16xi32> to vector<16xi32>
    tpu.vector_store %arg13[%swap3A_685], %swap3A_688 {strides = array<i32>} : memref<2048xi32, #tpu.memory_space<vmem>>, vector<16xi32>,
    %add3A_689 = arith.constant 750000 : i32
    %add3A_690 = vector.broadcast %add3A_689 : i32 to vector<16xi32>
    %add3A_691 = arith.addi %get3A_583, %add3A_690 : vector<16xi32>
    %swap3A_692 = arith.constant 2000 : index
    %swap3A_693 = tpu.vector_load %arg13[%swap3A_692] {strides = array<i32>} : memref<2048xi32, #tpu.memory_space<vmem>>, vector<16xi32>,
    %swap3A_694 = vector.shape_cast %swap3A_693 : vector<16xi32> to vector<16xi32>
    %swap3A_695 = vector.shape_cast %add3A_691 : vector<16xi32> to vector<16xi32>
    tpu.vector_store %arg13[%swap3A_692], %swap3A_695 {strides = array<i32>} : memref<2048xi32, #tpu.memory_space<vmem>>, vector<16xi32>,
    %get3A_696 = arith.constant 96 : index
    %get3A_697 = tpu.vector_load %arg11[%get3A_696] {strides = array<i32>} : memref<128xi32, #tpu.memory_space<vmem>>, vector<16xi32>,
    %get3A_698 = vector.shape_cast %get3A_697 : vector<16xi32> to vector<16xi32>
    %add3A_699 = arith.constant 0 : i32
    %add3A_700 = vector.broadcast %add3A_699 : i32 to vector<16xi32>
    %add3A_701 = arith.addi %get3A_698, %add3A_700 : vector<16xi32>
    %swap3A_702 = arith.constant 96 : index
    %swap3A_703 = tpu.vector_load %arg13[%swap3A_702] {strides = array<i32>} : memref<2048xi32, #tpu.memory_space<vmem>>, vector<16xi32>,
    %swap3A_704 = vector.shape_cast %swap3A_703 : vector<16xi32> to vector<16xi32>
    %swap3A_705 = vector.shape_cast %add3A_701 : vector<16xi32> to vector<16xi32>
    tpu.vector_store %arg13[%swap3A_702], %swap3A_705 {strides = array<i32>} : memref<2048xi32, #tpu.memory_space<vmem>>, vector<16xi32>,
    %add3A_706 = arith.constant 50000 : i32
    %add3A_707 = vector.broadcast %add3A_706 : i32 to vector<16xi32>
    %add3A_708 = arith.addi %get3A_698, %add3A_707 : vector<16xi32>
    %swap3A_709 = arith.constant 224 : index
    %swap3A_710 = tpu.vector_load %arg13[%swap3A_709] {strides = array<i32>} : memref<2048xi32, #tpu.memory_space<vmem>>, vector<16xi32>,
    %swap3A_711 = vector.shape_cast %swap3A_710 : vector<16xi32> to vector<16xi32>
    %swap3A_712 = vector.shape_cast %add3A_708 : vector<16xi32> to vector<16xi32>
    tpu.vector_store %arg13[%swap3A_709], %swap3A_712 {strides = array<i32>} : memref<2048xi32, #tpu.memory_space<vmem>>, vector<16xi32>,
    %add3A_713 = arith.constant 100000 : i32
    %add3A_714 = vector.broadcast %add3A_713 : i32 to vector<16xi32>
    %add3A_715 = arith.addi %get3A_698, %add3A_714 : vector<16xi32>
    %swap3A_716 = arith.constant 352 : index
    %swap3A_717 = tpu.vector_load %arg13[%swap3A_716] {strides = array<i32>} : memref<2048xi32, #tpu.memory_space<vmem>>, vector<16xi32>,
    %swap3A_718 = vector.shape_cast %swap3A_717 : vector<16xi32> to vector<16xi32>
    %swap3A_719 = vector.shape_cast %add3A_715 : vector<16xi32> to vector<16xi32>
    tpu.vector_store %arg13[%swap3A_716], %swap3A_719 {strides = array<i32>} : memref<2048xi32, #tpu.memory_space<vmem>>, vector<16xi32>,
    %add3A_720 = arith.constant 150000 : i32
    %add3A_721 = vector.broadcast %add3A_720 : i32 to vector<16xi32>
    %add3A_722 = arith.addi %get3A_698, %add3A_721 : vector<16xi32>
    %swap3A_723 = arith.constant 480 : index
    %swap3A_724 = tpu.vector_load %arg13[%swap3A_723] {strides = array<i32>} : memref<2048xi32, #tpu.memory_space<vmem>>, vector<16xi32>,
    %swap3A_725 = vector.shape_cast %swap3A_724 : vector<16xi32> to vector<16xi32>
    %swap3A_726 = vector.shape_cast %add3A_722 : vector<16xi32> to vector<16xi32>
    tpu.vector_store %arg13[%swap3A_723], %swap3A_726 {strides = array<i32>} : memref<2048xi32, #tpu.memory_space<vmem>>, vector<16xi32>,
    %add3A_727 = arith.constant 200000 : i32
    %add3A_728 = vector.broadcast %add3A_727 : i32 to vector<16xi32>
    %add3A_729 = arith.addi %get3A_698, %add3A_728 : vector<16xi32>
    %swap3A_730 = arith.constant 608 : index
    %swap3A_731 = tpu.vector_load %arg13[%swap3A_730] {strides = array<i32>} : memref<2048xi32, #tpu.memory_space<vmem>>, vector<16xi32>,
    %swap3A_732 = vector.shape_cast %swap3A_731 : vector<16xi32> to vector<16xi32>
    %swap3A_733 = vector.shape_cast %add3A_729 : vector<16xi32> to vector<16xi32>
    tpu.vector_store %arg13[%swap3A_730], %swap3A_733 {strides = array<i32>} : memref<2048xi32, #tpu.memory_space<vmem>>, vector<16xi32>,
    %add3A_734 = arith.constant 250000 : i32
    %add3A_735 = vector.broadcast %add3A_734 : i32 to vector<16xi32>
    %add3A_736 = arith.addi %get3A_698, %add3A_735 : vector<16xi32>
    %swap3A_737 = arith.constant 736 : index
    %swap3A_738 = tpu.vector_load %arg13[%swap3A_737] {strides = array<i32>} : memref<2048xi32, #tpu.memory_space<vmem>>, vector<16xi32>,
    %swap3A_739 = vector.shape_cast %swap3A_738 : vector<16xi32> to vector<16xi32>
    %swap3A_740 = vector.shape_cast %add3A_736 : vector<16xi32> to vector<16xi32>
    tpu.vector_store %arg13[%swap3A_737], %swap3A_740 {strides = array<i32>} : memref<2048xi32, #tpu.memory_space<vmem>>, vector<16xi32>,
    %add3A_741 = arith.constant 300000 : i32
    %add3A_742 = vector.broadcast %add3A_741 : i32 to vector<16xi32>
    %add3A_743 = arith.addi %get3A_698, %add3A_742 : vector<16xi32>
    %swap3A_744 = arith.constant 864 : index
    %swap3A_745 = tpu.vector_load %arg13[%swap3A_744] {strides = array<i32>} : memref<2048xi32, #tpu.memory_space<vmem>>, vector<16xi32>,
    %swap3A_746 = vector.shape_cast %swap3A_745 : vector<16xi32> to vector<16xi32>
    %swap3A_747 = vector.shape_cast %add3A_743 : vector<16xi32> to vector<16xi32>
    tpu.vector_store %arg13[%swap3A_744], %swap3A_747 {strides = array<i32>} : memref<2048xi32, #tpu.memory_space<vmem>>, vector<16xi32>,
    %add3A_748 = arith.constant 350000 : i32
    %add3A_749 = vector.broadcast %add3A_748 : i32 to vector<16xi32>
    %add3A_750 = arith.addi %get3A_698, %add3A_749 : vector<16xi32>
    %swap3A_751 = arith.constant 992 : index
    %swap3A_752 = tpu.vector_load %arg13[%swap3A_751] {strides = array<i32>} : memref<2048xi32, #tpu.memory_space<vmem>>, vector<16xi32>,
    %swap3A_753 = vector.shape_cast %swap3A_752 : vector<16xi32> to vector<16xi32>
    %swap3A_754 = vector.shape_cast %add3A_750 : vector<16xi32> to vector<16xi32>
    tpu.vector_store %arg13[%swap3A_751], %swap3A_754 {strides = array<i32>} : memref<2048xi32, #tpu.memory_space<vmem>>, vector<16xi32>,
    %add3A_755 = arith.constant 400000 : i32
    %add3A_756 = vector.broadcast %add3A_755 : i32 to vector<16xi32>
    %add3A_757 = arith.addi %get3A_698, %add3A_756 : vector<16xi32>
    %swap3A_758 = arith.constant 1120 : index
    %swap3A_759 = tpu.vector_load %arg13[%swap3A_758] {strides = array<i32>} : memref<2048xi32, #tpu.memory_space<vmem>>, vector<16xi32>,
    %swap3A_760 = vector.shape_cast %swap3A_759 : vector<16xi32> to vector<16xi32>
    %swap3A_761 = vector.shape_cast %add3A_757 : vector<16xi32> to vector<16xi32>
    tpu.vector_store %arg13[%swap3A_758], %swap3A_761 {strides = array<i32>} : memref<2048xi32, #tpu.memory_space<vmem>>, vector<16xi32>,
    %add3A_762 = arith.constant 450000 : i32
    %add3A_763 = vector.broadcast %add3A_762 : i32 to vector<16xi32>
    %add3A_764 = arith.addi %get3A_698, %add3A_763 : vector<16xi32>
    %swap3A_765 = arith.constant 1248 : index
    %swap3A_766 = tpu.vector_load %arg13[%swap3A_765] {strides = array<i32>} : memref<2048xi32, #tpu.memory_space<vmem>>, vector<16xi32>,
    %swap3A_767 = vector.shape_cast %swap3A_766 : vector<16xi32> to vector<16xi32>
    %swap3A_768 = vector.shape_cast %add3A_764 : vector<16xi32> to vector<16xi32>
    tpu.vector_store %arg13[%swap3A_765], %swap3A_768 {strides = array<i32>} : memref<2048xi32, #tpu.memory_space<vmem>>, vector<16xi32>,
    %add3A_769 = arith.constant 500000 : i32
    %add3A_770 = vector.broadcast %add3A_769 : i32 to vector<16xi32>
    %add3A_771 = arith.addi %get3A_698, %add3A_770 : vector<16xi32>
    %swap3A_772 = arith.constant 1376 : index
    %swap3A_773 = tpu.vector_load %arg13[%swap3A_772] {strides = array<i32>} : memref<2048xi32, #tpu.memory_space<vmem>>, vector<16xi32>,
    %swap3A_774 = vector.shape_cast %swap3A_773 : vector<16xi32> to vector<16xi32>
    %swap3A_775 = vector.shape_cast %add3A_771 : vector<16xi32> to vector<16xi32>
    tpu.vector_store %arg13[%swap3A_772], %swap3A_775 {strides = array<i32>} : memref<2048xi32, #tpu.memory_space<vmem>>, vector<16xi32>,
    %add3A_776 = arith.constant 550000 : i32
    %add3A_777 = vector.broadcast %add3A_776 : i32 to vector<16xi32>
    %add3A_778 = arith.addi %get3A_698, %add3A_777 : vector<16xi32>
    %swap3A_779 = arith.constant 1504 : index
    %swap3A_780 = tpu.vector_load %arg13[%swap3A_779] {strides = array<i32>} : memref<2048xi32, #tpu.memory_space<vmem>>, vector<16xi32>,
    %swap3A_781 = vector.shape_cast %swap3A_780 : vector<16xi32> to vector<16xi32>
    %swap3A_782 = vector.shape_cast %add3A_778 : vector<16xi32> to vector<16xi32>
    tpu.vector_store %arg13[%swap3A_779], %swap3A_782 {strides = array<i32>} : memref<2048xi32, #tpu.memory_space<vmem>>, vector<16xi32>,
    %add3A_783 = arith.constant 600000 : i32
    %add3A_784 = vector.broadcast %add3A_783 : i32 to vector<16xi32>
    %add3A_785 = arith.addi %get3A_698, %add3A_784 : vector<16xi32>
    %swap3A_786 = arith.constant 1632 : index
    %swap3A_787 = tpu.vector_load %arg13[%swap3A_786] {strides = array<i32>} : memref<2048xi32, #tpu.memory_space<vmem>>, vector<16xi32>,
    %swap3A_788 = vector.shape_cast %swap3A_787 : vector<16xi32> to vector<16xi32>
    %swap3A_789 = vector.shape_cast %add3A_785 : vector<16xi32> to vector<16xi32>
    tpu.vector_store %arg13[%swap3A_786], %swap3A_789 {strides = array<i32>} : memref<2048xi32, #tpu.memory_space<vmem>>, vector<16xi32>,
    %add3A_790 = arith.constant 650000 : i32
    %add3A_791 = vector.broadcast %add3A_790 : i32 to vector<16xi32>
    %add3A_792 = arith.addi %get3A_698, %add3A_791 : vector<16xi32>
    %swap3A_793 = arith.constant 1760 : index
    %swap3A_794 = tpu.vector_load %arg13[%swap3A_793] {strides = array<i32>} : memref<2048xi32, #tpu.memory_space<vmem>>, vector<16xi32>,
    %swap3A_795 = vector.shape_cast %swap3A_794 : vector<16xi32> to vector<16xi32>
    %swap3A_796 = vector.shape_cast %add3A_792 : vector<16xi32> to vector<16xi32>
    tpu.vector_store %arg13[%swap3A_793], %swap3A_796 {strides = array<i32>} : memref<2048xi32, #tpu.memory_space<vmem>>, vector<16xi32>,
    %add3A_797 = arith.constant 700000 : i32
    %add3A_798 = vector.broadcast %add3A_797 : i32 to vector<16xi32>
    %add3A_799 = arith.addi %get3A_698, %add3A_798 : vector<16xi32>
    %swap3A_800 = arith.constant 1888 : index
    %swap3A_801 = tpu.vector_load %arg13[%swap3A_800] {strides = array<i32>} : memref<2048xi32, #tpu.memory_space<vmem>>, vector<16xi32>,
    %swap3A_802 = vector.shape_cast %swap3A_801 : vector<16xi32> to vector<16xi32>
    %swap3A_803 = vector.shape_cast %add3A_799 : vector<16xi32> to vector<16xi32>
    tpu.vector_store %arg13[%swap3A_800], %swap3A_803 {strides = array<i32>} : memref<2048xi32, #tpu.memory_space<vmem>>, vector<16xi32>,
    %add3A_804 = arith.constant 750000 : i32
    %add3A_805 = vector.broadcast %add3A_804 : i32 to vector<16xi32>
    %add3A_806 = arith.addi %get3A_698, %add3A_805 : vector<16xi32>
    %swap3A_807 = arith.constant 2016 : index
    %swap3A_808 = tpu.vector_load %arg13[%swap3A_807] {strides = array<i32>} : memref<2048xi32, #tpu.memory_space<vmem>>, vector<16xi32>,
    %swap3A_809 = vector.shape_cast %swap3A_808 : vector<16xi32> to vector<16xi32>
    %swap3A_810 = vector.shape_cast %add3A_806 : vector<16xi32> to vector<16xi32>
    tpu.vector_store %arg13[%swap3A_807], %swap3A_810 {strides = array<i32>} : memref<2048xi32, #tpu.memory_space<vmem>>, vector<16xi32>,
    %get3A_811 = arith.constant 112 : index
    %get3A_812 = tpu.vector_load %arg11[%get3A_811] {strides = array<i32>} : memref<128xi32, #tpu.memory_space<vmem>>, vector<16xi32>,
    %get3A_813 = vector.shape_cast %get3A_812 : vector<16xi32> to vector<16xi32>
    %add3A_814 = arith.constant 0 : i32
    %add3A_815 = vector.broadcast %add3A_814 : i32 to vector<16xi32>
    %add3A_816 = arith.addi %get3A_813, %add3A_815 : vector<16xi32>
    %swap3A_817 = arith.constant 112 : index
    %swap3A_818 = tpu.vector_load %arg13[%swap3A_817] {strides = array<i32>} : memref<2048xi32, #tpu.memory_space<vmem>>, vector<16xi32>,
    %swap3A_819 = vector.shape_cast %swap3A_818 : vector<16xi32> to vector<16xi32>
    %swap3A_820 = vector.shape_cast %add3A_816 : vector<16xi32> to vector<16xi32>
    tpu.vector_store %arg13[%swap3A_817], %swap3A_820 {strides = array<i32>} : memref<2048xi32, #tpu.memory_space<vmem>>, vector<16xi32>,
    %add3A_821 = arith.constant 50000 : i32
    %add3A_822 = vector.broadcast %add3A_821 : i32 to vector<16xi32>
    %add3A_823 = arith.addi %get3A_813, %add3A_822 : vector<16xi32>
    %swap3A_824 = arith.constant 240 : index
    %swap3A_825 = tpu.vector_load %arg13[%swap3A_824] {strides = array<i32>} : memref<2048xi32, #tpu.memory_space<vmem>>, vector<16xi32>,
    %swap3A_826 = vector.shape_cast %swap3A_825 : vector<16xi32> to vector<16xi32>
    %swap3A_827 = vector.shape_cast %add3A_823 : vector<16xi32> to vector<16xi32>
    tpu.vector_store %arg13[%swap3A_824], %swap3A_827 {strides = array<i32>} : memref<2048xi32, #tpu.memory_space<vmem>>, vector<16xi32>,
    %add3A_828 = arith.constant 100000 : i32
    %add3A_829 = vector.broadcast %add3A_828 : i32 to vector<16xi32>
    %add3A_830 = arith.addi %get3A_813, %add3A_829 : vector<16xi32>
    %swap3A_831 = arith.constant 368 : index
    %swap3A_832 = tpu.vector_load %arg13[%swap3A_831] {strides = array<i32>} : memref<2048xi32, #tpu.memory_space<vmem>>, vector<16xi32>,
    %swap3A_833 = vector.shape_cast %swap3A_832 : vector<16xi32> to vector<16xi32>
    %swap3A_834 = vector.shape_cast %add3A_830 : vector<16xi32> to vector<16xi32>
    tpu.vector_store %arg13[%swap3A_831], %swap3A_834 {strides = array<i32>} : memref<2048xi32, #tpu.memory_space<vmem>>, vector<16xi32>,
    %add3A_835 = arith.constant 150000 : i32
    %add3A_836 = vector.broadcast %add3A_835 : i32 to vector<16xi32>
    %add3A_837 = arith.addi %get3A_813, %add3A_836 : vector<16xi32>
    %swap3A_838 = arith.constant 496 : index
    %swap3A_839 = tpu.vector_load %arg13[%swap3A_838] {strides = array<i32>} : memref<2048xi32, #tpu.memory_space<vmem>>, vector<16xi32>,
    %swap3A_840 = vector.shape_cast %swap3A_839 : vector<16xi32> to vector<16xi32>
    %swap3A_841 = vector.shape_cast %add3A_837 : vector<16xi32> to vector<16xi32>
    tpu.vector_store %arg13[%swap3A_838], %swap3A_841 {strides = array<i32>} : memref<2048xi32, #tpu.memory_space<vmem>>, vector<16xi32>,
    %add3A_842 = arith.constant 200000 : i32
    %add3A_843 = vector.broadcast %add3A_842 : i32 to vector<16xi32>
    %add3A_844 = arith.addi %get3A_813, %add3A_843 : vector<16xi32>
    %swap3A_845 = arith.constant 624 : index
    %swap3A_846 = tpu.vector_load %arg13[%swap3A_845] {strides = array<i32>} : memref<2048xi32, #tpu.memory_space<vmem>>, vector<16xi32>,
    %swap3A_847 = vector.shape_cast %swap3A_846 : vector<16xi32> to vector<16xi32>
    %swap3A_848 = vector.shape_cast %add3A_844 : vector<16xi32> to vector<16xi32>
    tpu.vector_store %arg13[%swap3A_845], %swap3A_848 {strides = array<i32>} : memref<2048xi32, #tpu.memory_space<vmem>>, vector<16xi32>,
    %add3A_849 = arith.constant 250000 : i32
    %add3A_850 = vector.broadcast %add3A_849 : i32 to vector<16xi32>
    %add3A_851 = arith.addi %get3A_813, %add3A_850 : vector<16xi32>
    %swap3A_852 = arith.constant 752 : index
    %swap3A_853 = tpu.vector_load %arg13[%swap3A_852] {strides = array<i32>} : memref<2048xi32, #tpu.memory_space<vmem>>, vector<16xi32>,
    %swap3A_854 = vector.shape_cast %swap3A_853 : vector<16xi32> to vector<16xi32>
    %swap3A_855 = vector.shape_cast %add3A_851 : vector<16xi32> to vector<16xi32>
    tpu.vector_store %arg13[%swap3A_852], %swap3A_855 {strides = array<i32>} : memref<2048xi32, #tpu.memory_space<vmem>>, vector<16xi32>,
    %add3A_856 = arith.constant 300000 : i32
    %add3A_857 = vector.broadcast %add3A_856 : i32 to vector<16xi32>
    %add3A_858 = arith.addi %get3A_813, %add3A_857 : vector<16xi32>
    %swap3A_859 = arith.constant 880 : index
    %swap3A_860 = tpu.vector_load %arg13[%swap3A_859] {strides = array<i32>} : memref<2048xi32, #tpu.memory_space<vmem>>, vector<16xi32>,
    %swap3A_861 = vector.shape_cast %swap3A_860 : vector<16xi32> to vector<16xi32>
    %swap3A_862 = vector.shape_cast %add3A_858 : vector<16xi32> to vector<16xi32>
    tpu.vector_store %arg13[%swap3A_859], %swap3A_862 {strides = array<i32>} : memref<2048xi32, #tpu.memory_space<vmem>>, vector<16xi32>,
    %add3A_863 = arith.constant 350000 : i32
    %add3A_864 = vector.broadcast %add3A_863 : i32 to vector<16xi32>
    %add3A_865 = arith.addi %get3A_813, %add3A_864 : vector<16xi32>
    %swap3A_866 = arith.constant 1008 : index
    %swap3A_867 = tpu.vector_load %arg13[%swap3A_866] {strides = array<i32>} : memref<2048xi32, #tpu.memory_space<vmem>>, vector<16xi32>,
    %swap3A_868 = vector.shape_cast %swap3A_867 : vector<16xi32> to vector<16xi32>
    %swap3A_869 = vector.shape_cast %add3A_865 : vector<16xi32> to vector<16xi32>
    tpu.vector_store %arg13[%swap3A_866], %swap3A_869 {strides = array<i32>} : memref<2048xi32, #tpu.memory_space<vmem>>, vector<16xi32>,
    %add3A_870 = arith.constant 400000 : i32
    %add3A_871 = vector.broadcast %add3A_870 : i32 to vector<16xi32>
    %add3A_872 = arith.addi %get3A_813, %add3A_871 : vector<16xi32>
    %swap3A_873 = arith.constant 1136 : index
    %swap3A_874 = tpu.vector_load %arg13[%swap3A_873] {strides = array<i32>} : memref<2048xi32, #tpu.memory_space<vmem>>, vector<16xi32>,
    %swap3A_875 = vector.shape_cast %swap3A_874 : vector<16xi32> to vector<16xi32>
    %swap3A_876 = vector.shape_cast %add3A_872 : vector<16xi32> to vector<16xi32>
    tpu.vector_store %arg13[%swap3A_873], %swap3A_876 {strides = array<i32>} : memref<2048xi32, #tpu.memory_space<vmem>>, vector<16xi32>,
    %add3A_877 = arith.constant 450000 : i32
    %add3A_878 = vector.broadcast %add3A_877 : i32 to vector<16xi32>
    %add3A_879 = arith.addi %get3A_813, %add3A_878 : vector<16xi32>
    %swap3A_880 = arith.constant 1264 : index
    %swap3A_881 = tpu.vector_load %arg13[%swap3A_880] {strides = array<i32>} : memref<2048xi32, #tpu.memory_space<vmem>>, vector<16xi32>,
    %swap3A_882 = vector.shape_cast %swap3A_881 : vector<16xi32> to vector<16xi32>
    %swap3A_883 = vector.shape_cast %add3A_879 : vector<16xi32> to vector<16xi32>
    tpu.vector_store %arg13[%swap3A_880], %swap3A_883 {strides = array<i32>} : memref<2048xi32, #tpu.memory_space<vmem>>, vector<16xi32>,
    %add3A_884 = arith.constant 500000 : i32
    %add3A_885 = vector.broadcast %add3A_884 : i32 to vector<16xi32>
    %add3A_886 = arith.addi %get3A_813, %add3A_885 : vector<16xi32>
    %swap3A_887 = arith.constant 1392 : index
    %swap3A_888 = tpu.vector_load %arg13[%swap3A_887] {strides = array<i32>} : memref<2048xi32, #tpu.memory_space<vmem>>, vector<16xi32>,
    %swap3A_889 = vector.shape_cast %swap3A_888 : vector<16xi32> to vector<16xi32>
    %swap3A_890 = vector.shape_cast %add3A_886 : vector<16xi32> to vector<16xi32>
    tpu.vector_store %arg13[%swap3A_887], %swap3A_890 {strides = array<i32>} : memref<2048xi32, #tpu.memory_space<vmem>>, vector<16xi32>,
    %add3A_891 = arith.constant 550000 : i32
    %add3A_892 = vector.broadcast %add3A_891 : i32 to vector<16xi32>
    %add3A_893 = arith.addi %get3A_813, %add3A_892 : vector<16xi32>
    %swap3A_894 = arith.constant 1520 : index
    %swap3A_895 = tpu.vector_load %arg13[%swap3A_894] {strides = array<i32>} : memref<2048xi32, #tpu.memory_space<vmem>>, vector<16xi32>,
    %swap3A_896 = vector.shape_cast %swap3A_895 : vector<16xi32> to vector<16xi32>
    %swap3A_897 = vector.shape_cast %add3A_893 : vector<16xi32> to vector<16xi32>
    tpu.vector_store %arg13[%swap3A_894], %swap3A_897 {strides = array<i32>} : memref<2048xi32, #tpu.memory_space<vmem>>, vector<16xi32>,
    %add3A_898 = arith.constant 600000 : i32
    %add3A_899 = vector.broadcast %add3A_898 : i32 to vector<16xi32>
    %add3A_900 = arith.addi %get3A_813, %add3A_899 : vector<16xi32>
    %swap3A_901 = arith.constant 1648 : index
    %swap3A_902 = tpu.vector_load %arg13[%swap3A_901] {strides = array<i32>} : memref<2048xi32, #tpu.memory_space<vmem>>, vector<16xi32>,
    %swap3A_903 = vector.shape_cast %swap3A_902 : vector<16xi32> to vector<16xi32>
    %swap3A_904 = vector.shape_cast %add3A_900 : vector<16xi32> to vector<16xi32>
    tpu.vector_store %arg13[%swap3A_901], %swap3A_904 {strides = array<i32>} : memref<2048xi32, #tpu.memory_space<vmem>>, vector<16xi32>,
    %add3A_905 = arith.constant 650000 : i32
    %add3A_906 = vector.broadcast %add3A_905 : i32 to vector<16xi32>
    %add3A_907 = arith.addi %get3A_813, %add3A_906 : vector<16xi32>
    %swap3A_908 = arith.constant 1776 : index
    %swap3A_909 = tpu.vector_load %arg13[%swap3A_908] {strides = array<i32>} : memref<2048xi32, #tpu.memory_space<vmem>>, vector<16xi32>,
    %swap3A_910 = vector.shape_cast %swap3A_909 : vector<16xi32> to vector<16xi32>
    %swap3A_911 = vector.shape_cast %add3A_907 : vector<16xi32> to vector<16xi32>
    tpu.vector_store %arg13[%swap3A_908], %swap3A_911 {strides = array<i32>} : memref<2048xi32, #tpu.memory_space<vmem>>, vector<16xi32>,
    %add3A_912 = arith.constant 700000 : i32
    %add3A_913 = vector.broadcast %add3A_912 : i32 to vector<16xi32>
    %add3A_914 = arith.addi %get3A_813, %add3A_913 : vector<16xi32>
    %swap3A_915 = arith.constant 1904 : index
    %swap3A_916 = tpu.vector_load %arg13[%swap3A_915] {strides = array<i32>} : memref<2048xi32, #tpu.memory_space<vmem>>, vector<16xi32>,
    %swap3A_917 = vector.shape_cast %swap3A_916 : vector<16xi32> to vector<16xi32>
    %swap3A_918 = vector.shape_cast %add3A_914 : vector<16xi32> to vector<16xi32>
    tpu.vector_store %arg13[%swap3A_915], %swap3A_918 {strides = array<i32>} : memref<2048xi32, #tpu.memory_space<vmem>>, vector<16xi32>,
    %add3A_919 = arith.constant 750000 : i32
    %add3A_920 = vector.broadcast %add3A_919 : i32 to vector<16xi32>
    %add3A_921 = arith.addi %get3A_813, %add3A_920 : vector<16xi32>
    %swap3A_922 = arith.constant 2032 : index
    %swap3A_923 = tpu.vector_load %arg13[%swap3A_922] {strides = array<i32>} : memref<2048xi32, #tpu.memory_space<vmem>>, vector<16xi32>,
    %swap3A_924 = vector.shape_cast %swap3A_923 : vector<16xi32> to vector<16xi32>
    %swap3A_925 = vector.shape_cast %add3A_921 : vector<16xi32> to vector<16xi32>
    tpu.vector_store %arg13[%swap3A_922], %swap3A_925 {strides = array<i32>} : memref<2048xi32, #tpu.memory_space<vmem>>, vector<16xi32>,
    %dma_start3A_926 = arith.constant 0 : i32
    %dma_start3A_927 = tpu.memref_slice %arg14[%dma_start3A_926] : memref<2048xi32, #tpu.memory_space<vmem>> -> memref<128xi32, #tpu.memory_space<vmem>>
    %dma_start3A_928 = arith.constant 0 : i32
    %dma_start3A_929 = tpu.memref_slice %arg13[%dma_start3A_928] : memref<2048xi32, #tpu.memory_space<vmem>> -> memref<128xi32, #tpu.memory_space<vmem>>
    %dma_start3A_930 = arith.constant 0 : i32
    %dma_start3A_931 = tpu.memref_slice %arg4[%dma_start3A_930] : memref<800000xi32, #tpu.memory_space<hbm>> -> memref<800000xi32, #tpu.memory_space<hbm>>
    tpu.enqueue_indirect_dma source(%dma_start3A_931 : memref<800000xi32, #tpu.memory_space<hbm>>) target(%dma_start3A_927 : memref<128xi32, #tpu.memory_space<vmem>>) offsets(%dma_start3A_929 : memref<128xi32, #tpu.memory_space<vmem>>) semaphore(%arg24 : memref<!tpu.dma_semaphore, #tpu.memory_space<semaphore_mem>>)
    %dma_start3A_932 = arith.constant 0 : i32
    %dma_start3A_933 = tpu.memref_slice %arg15[%dma_start3A_932] : memref<2048xi32, #tpu.memory_space<vmem>> -> memref<128xi32, #tpu.memory_space<vmem>>
    %dma_start3A_934 = arith.constant 0 : i32
    %dma_start3A_935 = tpu.memref_slice %arg13[%dma_start3A_934] : memref<2048xi32, #tpu.memory_space<vmem>> -> memref<128xi32, #tpu.memory_space<vmem>>
    %dma_start3A_936 = arith.constant 0 : i32
    %dma_start3A_937 = tpu.memref_slice %arg5[%dma_start3A_936] : memref<800000xi32, #tpu.memory_space<hbm>> -> memref<800000xi32, #tpu.memory_space<hbm>>
    tpu.enqueue_indirect_dma source(%dma_start3A_937 : memref<800000xi32, #tpu.memory_space<hbm>>) target(%dma_start3A_933 : memref<128xi32, #tpu.memory_space<vmem>>) offsets(%dma_start3A_935 : memref<128xi32, #tpu.memory_space<vmem>>) semaphore(%arg26 : memref<!tpu.dma_semaphore, #tpu.memory_space<semaphore_mem>>)
    %dma_start3A_938 = arith.constant 128 : i32
    %dma_start3A_939 = tpu.memref_slice %arg14[%dma_start3A_938] : memref<2048xi32, #tpu.memory_space<vmem>> -> memref<128xi32, #tpu.memory_space<vmem>>
    %dma_start3A_940 = arith.constant 128 : i32
    %dma_start3A_941 = tpu.memref_slice %arg13[%dma_start3A_940] : memref<2048xi32, #tpu.memory_space<vmem>> -> memref<128xi32, #tpu.memory_space<vmem>>
    %dma_start3A_942 = arith.constant 0 : i32
    %dma_start3A_943 = tpu.memref_slice %arg4[%dma_start3A_942] : memref<800000xi32, #tpu.memory_space<hbm>> -> memref<800000xi32, #tpu.memory_space<hbm>>
    tpu.enqueue_indirect_dma source(%dma_start3A_943 : memref<800000xi32, #tpu.memory_space<hbm>>) target(%dma_start3A_939 : memref<128xi32, #tpu.memory_space<vmem>>) offsets(%dma_start3A_941 : memref<128xi32, #tpu.memory_space<vmem>>) semaphore(%arg24 : memref<!tpu.dma_semaphore, #tpu.memory_space<semaphore_mem>>)
    %dma_start3A_944 = arith.constant 128 : i32
    %dma_start3A_945 = tpu.memref_slice %arg15[%dma_start3A_944] : memref<2048xi32, #tpu.memory_space<vmem>> -> memref<128xi32, #tpu.memory_space<vmem>>
    %dma_start3A_946 = arith.constant 128 : i32
    %dma_start3A_947 = tpu.memref_slice %arg13[%dma_start3A_946] : memref<2048xi32, #tpu.memory_space<vmem>> -> memref<128xi32, #tpu.memory_space<vmem>>
    %dma_start3A_948 = arith.constant 0 : i32
    %dma_start3A_949 = tpu.memref_slice %arg5[%dma_start3A_948] : memref<800000xi32, #tpu.memory_space<hbm>> -> memref<800000xi32, #tpu.memory_space<hbm>>
    tpu.enqueue_indirect_dma source(%dma_start3A_949 : memref<800000xi32, #tpu.memory_space<hbm>>) target(%dma_start3A_945 : memref<128xi32, #tpu.memory_space<vmem>>) offsets(%dma_start3A_947 : memref<128xi32, #tpu.memory_space<vmem>>) semaphore(%arg26 : memref<!tpu.dma_semaphore, #tpu.memory_space<semaphore_mem>>)
    %dma_start3A_950 = arith.constant 256 : i32
    %dma_start3A_951 = tpu.memref_slice %arg14[%dma_start3A_950] : memref<2048xi32, #tpu.memory_space<vmem>> -> memref<128xi32, #tpu.memory_space<vmem>>
    %dma_start3A_952 = arith.constant 256 : i32
    %dma_start3A_953 = tpu.memref_slice %arg13[%dma_start3A_952] : memref<2048xi32, #tpu.memory_space<vmem>> -> memref<128xi32, #tpu.memory_space<vmem>>
    %dma_start3A_954 = arith.constant 0 : i32
    %dma_start3A_955 = tpu.memref_slice %arg4[%dma_start3A_954] : memref<800000xi32, #tpu.memory_space<hbm>> -> memref<800000xi32, #tpu.memory_space<hbm>>
    tpu.enqueue_indirect_dma source(%dma_start3A_955 : memref<800000xi32, #tpu.memory_space<hbm>>) target(%dma_start3A_951 : memref<128xi32, #tpu.memory_space<vmem>>) offsets(%dma_start3A_953 : memref<128xi32, #tpu.memory_space<vmem>>) semaphore(%arg24 : memref<!tpu.dma_semaphore, #tpu.memory_space<semaphore_mem>>)
    %dma_start3A_956 = arith.constant 256 : i32
    %dma_start3A_957 = tpu.memref_slice %arg15[%dma_start3A_956] : memref<2048xi32, #tpu.memory_space<vmem>> -> memref<128xi32, #tpu.memory_space<vmem>>
    %dma_start3A_958 = arith.constant 256 : i32
    %dma_start3A_959 = tpu.memref_slice %arg13[%dma_start3A_958] : memref<2048xi32, #tpu.memory_space<vmem>> -> memref<128xi32, #tpu.memory_space<vmem>>
    %dma_start3A_960 = arith.constant 0 : i32
    %dma_start3A_961 = tpu.memref_slice %arg5[%dma_start3A_960] : memref<800000xi32, #tpu.memory_space<hbm>> -> memref<800000xi32, #tpu.memory_space<hbm>>
    tpu.enqueue_indirect_dma source(%dma_start3A_961 : memref<800000xi32, #tpu.memory_space<hbm>>) target(%dma_start3A_957 : memref<128xi32, #tpu.memory_space<vmem>>) offsets(%dma_start3A_959 : memref<128xi32, #tpu.memory_space<vmem>>) semaphore(%arg26 : memref<!tpu.dma_semaphore, #tpu.memory_space<semaphore_mem>>)
    %dma_start3A_962 = arith.constant 384 : i32
    %dma_start3A_963 = tpu.memref_slice %arg14[%dma_start3A_962] : memref<2048xi32, #tpu.memory_space<vmem>> -> memref<128xi32, #tpu.memory_space<vmem>>
    %dma_start3A_964 = arith.constant 384 : i32
    %dma_start3A_965 = tpu.memref_slice %arg13[%dma_start3A_964] : memref<2048xi32, #tpu.memory_space<vmem>> -> memref<128xi32, #tpu.memory_space<vmem>>
    %dma_start3A_966 = arith.constant 0 : i32
    %dma_start3A_967 = tpu.memref_slice %arg4[%dma_start3A_966] : memref<800000xi32, #tpu.memory_space<hbm>> -> memref<800000xi32, #tpu.memory_space<hbm>>
    tpu.enqueue_indirect_dma source(%dma_start3A_967 : memref<800000xi32, #tpu.memory_space<hbm>>) target(%dma_start3A_963 : memref<128xi32, #tpu.memory_space<vmem>>) offsets(%dma_start3A_965 : memref<128xi32, #tpu.memory_space<vmem>>) semaphore(%arg24 : memref<!tpu.dma_semaphore, #tpu.memory_space<semaphore_mem>>)
    %dma_start3A_968 = arith.constant 384 : i32
    %dma_start3A_969 = tpu.memref_slice %arg15[%dma_start3A_968] : memref<2048xi32, #tpu.memory_space<vmem>> -> memref<128xi32, #tpu.memory_space<vmem>>
    %dma_start3A_970 = arith.constant 384 : i32
    %dma_start3A_971 = tpu.memref_slice %arg13[%dma_start3A_970] : memref<2048xi32, #tpu.memory_space<vmem>> -> memref<128xi32, #tpu.memory_space<vmem>>
    %dma_start3A_972 = arith.constant 0 : i32
    %dma_start3A_973 = tpu.memref_slice %arg5[%dma_start3A_972] : memref<800000xi32, #tpu.memory_space<hbm>> -> memref<800000xi32, #tpu.memory_space<hbm>>
    tpu.enqueue_indirect_dma source(%dma_start3A_973 : memref<800000xi32, #tpu.memory_space<hbm>>) target(%dma_start3A_969 : memref<128xi32, #tpu.memory_space<vmem>>) offsets(%dma_start3A_971 : memref<128xi32, #tpu.memory_space<vmem>>) semaphore(%arg26 : memref<!tpu.dma_semaphore, #tpu.memory_space<semaphore_mem>>)
    %dma_start3A_974 = arith.constant 512 : i32
    %dma_start3A_975 = tpu.memref_slice %arg14[%dma_start3A_974] : memref<2048xi32, #tpu.memory_space<vmem>> -> memref<128xi32, #tpu.memory_space<vmem>>
    %dma_start3A_976 = arith.constant 512 : i32
    %dma_start3A_977 = tpu.memref_slice %arg13[%dma_start3A_976] : memref<2048xi32, #tpu.memory_space<vmem>> -> memref<128xi32, #tpu.memory_space<vmem>>
    %dma_start3A_978 = arith.constant 0 : i32
    %dma_start3A_979 = tpu.memref_slice %arg4[%dma_start3A_978] : memref<800000xi32, #tpu.memory_space<hbm>> -> memref<800000xi32, #tpu.memory_space<hbm>>
    tpu.enqueue_indirect_dma source(%dma_start3A_979 : memref<800000xi32, #tpu.memory_space<hbm>>) target(%dma_start3A_975 : memref<128xi32, #tpu.memory_space<vmem>>) offsets(%dma_start3A_977 : memref<128xi32, #tpu.memory_space<vmem>>) semaphore(%arg24 : memref<!tpu.dma_semaphore, #tpu.memory_space<semaphore_mem>>)
    %dma_start3A_980 = arith.constant 512 : i32
    %dma_start3A_981 = tpu.memref_slice %arg15[%dma_start3A_980] : memref<2048xi32, #tpu.memory_space<vmem>> -> memref<128xi32, #tpu.memory_space<vmem>>
    %dma_start3A_982 = arith.constant 512 : i32
    %dma_start3A_983 = tpu.memref_slice %arg13[%dma_start3A_982] : memref<2048xi32, #tpu.memory_space<vmem>> -> memref<128xi32, #tpu.memory_space<vmem>>
    %dma_start3A_984 = arith.constant 0 : i32
    %dma_start3A_985 = tpu.memref_slice %arg5[%dma_start3A_984] : memref<800000xi32, #tpu.memory_space<hbm>> -> memref<800000xi32, #tpu.memory_space<hbm>>
    tpu.enqueue_indirect_dma source(%dma_start3A_985 : memref<800000xi32, #tpu.memory_space<hbm>>) target(%dma_start3A_981 : memref<128xi32, #tpu.memory_space<vmem>>) offsets(%dma_start3A_983 : memref<128xi32, #tpu.memory_space<vmem>>) semaphore(%arg26 : memref<!tpu.dma_semaphore, #tpu.memory_space<semaphore_mem>>)
    %dma_start3A_986 = arith.constant 640 : i32
    %dma_start3A_987 = tpu.memref_slice %arg14[%dma_start3A_986] : memref<2048xi32, #tpu.memory_space<vmem>> -> memref<128xi32, #tpu.memory_space<vmem>>
    %dma_start3A_988 = arith.constant 640 : i32
    %dma_start3A_989 = tpu.memref_slice %arg13[%dma_start3A_988] : memref<2048xi32, #tpu.memory_space<vmem>> -> memref<128xi32, #tpu.memory_space<vmem>>
    %dma_start3A_990 = arith.constant 0 : i32
    %dma_start3A_991 = tpu.memref_slice %arg4[%dma_start3A_990] : memref<800000xi32, #tpu.memory_space<hbm>> -> memref<800000xi32, #tpu.memory_space<hbm>>
    tpu.enqueue_indirect_dma source(%dma_start3A_991 : memref<800000xi32, #tpu.memory_space<hbm>>) target(%dma_start3A_987 : memref<128xi32, #tpu.memory_space<vmem>>) offsets(%dma_start3A_989 : memref<128xi32, #tpu.memory_space<vmem>>) semaphore(%arg24 : memref<!tpu.dma_semaphore, #tpu.memory_space<semaphore_mem>>)
    %dma_start3A_992 = arith.constant 640 : i32
    %dma_start3A_993 = tpu.memref_slice %arg15[%dma_start3A_992] : memref<2048xi32, #tpu.memory_space<vmem>> -> memref<128xi32, #tpu.memory_space<vmem>>
    %dma_start3A_994 = arith.constant 640 : i32
    %dma_start3A_995 = tpu.memref_slice %arg13[%dma_start3A_994] : memref<2048xi32, #tpu.memory_space<vmem>> -> memref<128xi32, #tpu.memory_space<vmem>>
    %dma_start3A_996 = arith.constant 0 : i32
    %dma_start3A_997 = tpu.memref_slice %arg5[%dma_start3A_996] : memref<800000xi32, #tpu.memory_space<hbm>> -> memref<800000xi32, #tpu.memory_space<hbm>>
    tpu.enqueue_indirect_dma source(%dma_start3A_997 : memref<800000xi32, #tpu.memory_space<hbm>>) target(%dma_start3A_993 : memref<128xi32, #tpu.memory_space<vmem>>) offsets(%dma_start3A_995 : memref<128xi32, #tpu.memory_space<vmem>>) semaphore(%arg26 : memref<!tpu.dma_semaphore, #tpu.memory_space<semaphore_mem>>)
    %dma_start3A_998 = arith.constant 768 : i32
    %dma_start3A_999 = tpu.memref_slice %arg14[%dma_start3A_998] : memref<2048xi32, #tpu.memory_space<vmem>> -> memref<128xi32, #tpu.memory_space<vmem>>
    %dma_start3A_1000 = arith.constant 768 : i32
    %dma_start3A_1001 = tpu.memref_slice %arg13[%dma_start3A_1000] : memref<2048xi32, #tpu.memory_space<vmem>> -> memref<128xi32, #tpu.memory_space<vmem>>
    %dma_start3A_1002 = arith.constant 0 : i32
    %dma_start3A_1003 = tpu.memref_slice %arg4[%dma_start3A_1002] : memref<800000xi32, #tpu.memory_space<hbm>> -> memref<800000xi32, #tpu.memory_space<hbm>>
    tpu.enqueue_indirect_dma source(%dma_start3A_1003 : memref<800000xi32, #tpu.memory_space<hbm>>) target(%dma_start3A_999 : memref<128xi32, #tpu.memory_space<vmem>>) offsets(%dma_start3A_1001 : memref<128xi32, #tpu.memory_space<vmem>>) semaphore(%arg24 : memref<!tpu.dma_semaphore, #tpu.memory_space<semaphore_mem>>)
    %dma_start3A_1004 = arith.constant 768 : i32
    %dma_start3A_1005 = tpu.memref_slice %arg15[%dma_start3A_1004] : memref<2048xi32, #tpu.memory_space<vmem>> -> memref<128xi32, #tpu.memory_space<vmem>>
    %dma_start3A_1006 = arith.constant 768 : i32
    %dma_start3A_1007 = tpu.memref_slice %arg13[%dma_start3A_1006] : memref<2048xi32, #tpu.memory_space<vmem>> -> memref<128xi32, #tpu.memory_space<vmem>>
    %dma_start3A_1008 = arith.constant 0 : i32
    %dma_start3A_1009 = tpu.memref_slice %arg5[%dma_start3A_1008] : memref<800000xi32, #tpu.memory_space<hbm>> -> memref<800000xi32, #tpu.memory_space<hbm>>
    tpu.enqueue_indirect_dma source(%dma_start3A_1009 : memref<800000xi32, #tpu.memory_space<hbm>>) target(%dma_start3A_1005 : memref<128xi32, #tpu.memory_space<vmem>>) offsets(%dma_start3A_1007 : memref<128xi32, #tpu.memory_space<vmem>>) semaphore(%arg26 : memref<!tpu.dma_semaphore, #tpu.memory_space<semaphore_mem>>)
    %dma_start3A_1010 = arith.constant 896 : i32
    %dma_start3A_1011 = tpu.memref_slice %arg14[%dma_start3A_1010] : memref<2048xi32, #tpu.memory_space<vmem>> -> memref<128xi32, #tpu.memory_space<vmem>>
    %dma_start3A_1012 = arith.constant 896 : i32
    %dma_start3A_1013 = tpu.memref_slice %arg13[%dma_start3A_1012] : memref<2048xi32, #tpu.memory_space<vmem>> -> memref<128xi32, #tpu.memory_space<vmem>>
    %dma_start3A_1014 = arith.constant 0 : i32
    %dma_start3A_1015 = tpu.memref_slice %arg4[%dma_start3A_1014] : memref<800000xi32, #tpu.memory_space<hbm>> -> memref<800000xi32, #tpu.memory_space<hbm>>
    tpu.enqueue_indirect_dma source(%dma_start3A_1015 : memref<800000xi32, #tpu.memory_space<hbm>>) target(%dma_start3A_1011 : memref<128xi32, #tpu.memory_space<vmem>>) offsets(%dma_start3A_1013 : memref<128xi32, #tpu.memory_space<vmem>>) semaphore(%arg24 : memref<!tpu.dma_semaphore, #tpu.memory_space<semaphore_mem>>)
    %dma_start3A_1016 = arith.constant 896 : i32
    %dma_start3A_1017 = tpu.memref_slice %arg15[%dma_start3A_1016] : memref<2048xi32, #tpu.memory_space<vmem>> -> memref<128xi32, #tpu.memory_space<vmem>>
    %dma_start3A_1018 = arith.constant 896 : i32
    %dma_start3A_1019 = tpu.memref_slice %arg13[%dma_start3A_1018] : memref<2048xi32, #tpu.memory_space<vmem>> -> memref<128xi32, #tpu.memory_space<vmem>>
    %dma_start3A_1020 = arith.constant 0 : i32
    %dma_start3A_1021 = tpu.memref_slice %arg5[%dma_start3A_1020] : memref<800000xi32, #tpu.memory_space<hbm>> -> memref<800000xi32, #tpu.memory_space<hbm>>
    tpu.enqueue_indirect_dma source(%dma_start3A_1021 : memref<800000xi32, #tpu.memory_space<hbm>>) target(%dma_start3A_1017 : memref<128xi32, #tpu.memory_space<vmem>>) offsets(%dma_start3A_1019 : memref<128xi32, #tpu.memory_space<vmem>>) semaphore(%arg26 : memref<!tpu.dma_semaphore, #tpu.memory_space<semaphore_mem>>)
    %dma_start3A_1022 = arith.constant 1024 : i32
    %dma_start3A_1023 = tpu.memref_slice %arg14[%dma_start3A_1022] : memref<2048xi32, #tpu.memory_space<vmem>> -> memref<128xi32, #tpu.memory_space<vmem>>
    %dma_start3A_1024 = arith.constant 1024 : i32
    %dma_start3A_1025 = tpu.memref_slice %arg13[%dma_start3A_1024] : memref<2048xi32, #tpu.memory_space<vmem>> -> memref<128xi32, #tpu.memory_space<vmem>>
    %dma_start3A_1026 = arith.constant 0 : i32
    %dma_start3A_1027 = tpu.memref_slice %arg4[%dma_start3A_1026] : memref<800000xi32, #tpu.memory_space<hbm>> -> memref<800000xi32, #tpu.memory_space<hbm>>
    tpu.enqueue_indirect_dma source(%dma_start3A_1027 : memref<800000xi32, #tpu.memory_space<hbm>>) target(%dma_start3A_1023 : memref<128xi32, #tpu.memory_space<vmem>>) offsets(%dma_start3A_1025 : memref<128xi32, #tpu.memory_space<vmem>>) semaphore(%arg24 : memref<!tpu.dma_semaphore, #tpu.memory_space<semaphore_mem>>)
    %dma_start3A_1028 = arith.constant 1024 : i32
    %dma_start3A_1029 = tpu.memref_slice %arg15[%dma_start3A_1028] : memref<2048xi32, #tpu.memory_space<vmem>> -> memref<128xi32, #tpu.memory_space<vmem>>
    %dma_start3A_1030 = arith.constant 1024 : i32
    %dma_start3A_1031 = tpu.memref_slice %arg13[%dma_start3A_1030] : memref<2048xi32, #tpu.memory_space<vmem>> -> memref<128xi32, #tpu.memory_space<vmem>>
    %dma_start3A_1032 = arith.constant 0 : i32
    %dma_start3A_1033 = tpu.memref_slice %arg5[%dma_start3A_1032] : memref<800000xi32, #tpu.memory_space<hbm>> -> memref<800000xi32, #tpu.memory_space<hbm>>
    tpu.enqueue_indirect_dma source(%dma_start3A_1033 : memref<800000xi32, #tpu.memory_space<hbm>>) target(%dma_start3A_1029 : memref<128xi32, #tpu.memory_space<vmem>>) offsets(%dma_start3A_1031 : memref<128xi32, #tpu.memory_space<vmem>>) semaphore(%arg26 : memref<!tpu.dma_semaphore, #tpu.memory_space<semaphore_mem>>)
    %dma_start3A_1034 = arith.constant 1152 : i32
    %dma_start3A_1035 = tpu.memref_slice %arg14[%dma_start3A_1034] : memref<2048xi32, #tpu.memory_space<vmem>> -> memref<128xi32, #tpu.memory_space<vmem>>
    %dma_start3A_1036 = arith.constant 1152 : i32
    %dma_start3A_1037 = tpu.memref_slice %arg13[%dma_start3A_1036] : memref<2048xi32, #tpu.memory_space<vmem>> -> memref<128xi32, #tpu.memory_space<vmem>>
    %dma_start3A_1038 = arith.constant 0 : i32
    %dma_start3A_1039 = tpu.memref_slice %arg4[%dma_start3A_1038] : memref<800000xi32, #tpu.memory_space<hbm>> -> memref<800000xi32, #tpu.memory_space<hbm>>
    tpu.enqueue_indirect_dma source(%dma_start3A_1039 : memref<800000xi32, #tpu.memory_space<hbm>>) target(%dma_start3A_1035 : memref<128xi32, #tpu.memory_space<vmem>>) offsets(%dma_start3A_1037 : memref<128xi32, #tpu.memory_space<vmem>>) semaphore(%arg24 : memref<!tpu.dma_semaphore, #tpu.memory_space<semaphore_mem>>)
    %dma_start3A_1040 = arith.constant 1152 : i32
    %dma_start3A_1041 = tpu.memref_slice %arg15[%dma_start3A_1040] : memref<2048xi32, #tpu.memory_space<vmem>> -> memref<128xi32, #tpu.memory_space<vmem>>
    %dma_start3A_1042 = arith.constant 1152 : i32
    %dma_start3A_1043 = tpu.memref_slice %arg13[%dma_start3A_1042] : memref<2048xi32, #tpu.memory_space<vmem>> -> memref<128xi32, #tpu.memory_space<vmem>>
    %dma_start3A_1044 = arith.constant 0 : i32
    %dma_start3A_1045 = tpu.memref_slice %arg5[%dma_start3A_1044] : memref<800000xi32, #tpu.memory_space<hbm>> -> memref<800000xi32, #tpu.memory_space<hbm>>
    tpu.enqueue_indirect_dma source(%dma_start3A_1045 : memref<800000xi32, #tpu.memory_space<hbm>>) target(%dma_start3A_1041 : memref<128xi32, #tpu.memory_space<vmem>>) offsets(%dma_start3A_1043 : memref<128xi32, #tpu.memory_space<vmem>>) semaphore(%arg26 : memref<!tpu.dma_semaphore, #tpu.memory_space<semaphore_mem>>)
    %dma_start3A_1046 = arith.constant 1280 : i32
    %dma_start3A_1047 = tpu.memref_slice %arg14[%dma_start3A_1046] : memref<2048xi32, #tpu.memory_space<vmem>> -> memref<128xi32, #tpu.memory_space<vmem>>
    %dma_start3A_1048 = arith.constant 1280 : i32
    %dma_start3A_1049 = tpu.memref_slice %arg13[%dma_start3A_1048] : memref<2048xi32, #tpu.memory_space<vmem>> -> memref<128xi32, #tpu.memory_space<vmem>>
    %dma_start3A_1050 = arith.constant 0 : i32
    %dma_start3A_1051 = tpu.memref_slice %arg4[%dma_start3A_1050] : memref<800000xi32, #tpu.memory_space<hbm>> -> memref<800000xi32, #tpu.memory_space<hbm>>
    tpu.enqueue_indirect_dma source(%dma_start3A_1051 : memref<800000xi32, #tpu.memory_space<hbm>>) target(%dma_start3A_1047 : memref<128xi32, #tpu.memory_space<vmem>>) offsets(%dma_start3A_1049 : memref<128xi32, #tpu.memory_space<vmem>>) semaphore(%arg24 : memref<!tpu.dma_semaphore, #tpu.memory_space<semaphore_mem>>)
    %dma_start3A_1052 = arith.constant 1280 : i32
    %dma_start3A_1053 = tpu.memref_slice %arg15[%dma_start3A_1052] : memref<2048xi32, #tpu.memory_space<vmem>> -> memref<128xi32, #tpu.memory_space<vmem>>
    %dma_start3A_1054 = arith.constant 1280 : i32
    %dma_start3A_1055 = tpu.memref_slice %arg13[%dma_start3A_1054] : memref<2048xi32, #tpu.memory_space<vmem>> -> memref<128xi32, #tpu.memory_space<vmem>>
    %dma_start3A_1056 = arith.constant 0 : i32
    %dma_start3A_1057 = tpu.memref_slice %arg5[%dma_start3A_1056] : memref<800000xi32, #tpu.memory_space<hbm>> -> memref<800000xi32, #tpu.memory_space<hbm>>
    tpu.enqueue_indirect_dma source(%dma_start3A_1057 : memref<800000xi32, #tpu.memory_space<hbm>>) target(%dma_start3A_1053 : memref<128xi32, #tpu.memory_space<vmem>>) offsets(%dma_start3A_1055 : memref<128xi32, #tpu.memory_space<vmem>>) semaphore(%arg26 : memref<!tpu.dma_semaphore, #tpu.memory_space<semaphore_mem>>)
    %dma_start3A_1058 = arith.constant 1408 : i32
    %dma_start3A_1059 = tpu.memref_slice %arg14[%dma_start3A_1058] : memref<2048xi32, #tpu.memory_space<vmem>> -> memref<128xi32, #tpu.memory_space<vmem>>
    %dma_start3A_1060 = arith.constant 1408 : i32
    %dma_start3A_1061 = tpu.memref_slice %arg13[%dma_start3A_1060] : memref<2048xi32, #tpu.memory_space<vmem>> -> memref<128xi32, #tpu.memory_space<vmem>>
    %dma_start3A_1062 = arith.constant 0 : i32
    %dma_start3A_1063 = tpu.memref_slice %arg4[%dma_start3A_1062] : memref<800000xi32, #tpu.memory_space<hbm>> -> memref<800000xi32, #tpu.memory_space<hbm>>
    tpu.enqueue_indirect_dma source(%dma_start3A_1063 : memref<800000xi32, #tpu.memory_space<hbm>>) target(%dma_start3A_1059 : memref<128xi32, #tpu.memory_space<vmem>>) offsets(%dma_start3A_1061 : memref<128xi32, #tpu.memory_space<vmem>>) semaphore(%arg24 : memref<!tpu.dma_semaphore, #tpu.memory_space<semaphore_mem>>)
    %dma_start3A_1064 = arith.constant 1408 : i32
    %dma_start3A_1065 = tpu.memref_slice %arg15[%dma_start3A_1064] : memref<2048xi32, #tpu.memory_space<vmem>> -> memref<128xi32, #tpu.memory_space<vmem>>
    %dma_start3A_1066 = arith.constant 1408 : i32
    %dma_start3A_1067 = tpu.memref_slice %arg13[%dma_start3A_1066] : memref<2048xi32, #tpu.memory_space<vmem>> -> memref<128xi32, #tpu.memory_space<vmem>>
    %dma_start3A_1068 = arith.constant 0 : i32
    %dma_start3A_1069 = tpu.memref_slice %arg5[%dma_start3A_1068] : memref<800000xi32, #tpu.memory_space<hbm>> -> memref<800000xi32, #tpu.memory_space<hbm>>
    tpu.enqueue_indirect_dma source(%dma_start3A_1069 : memref<800000xi32, #tpu.memory_space<hbm>>) target(%dma_start3A_1065 : memref<128xi32, #tpu.memory_space<vmem>>) offsets(%dma_start3A_1067 : memref<128xi32, #tpu.memory_space<vmem>>) semaphore(%arg26 : memref<!tpu.dma_semaphore, #tpu.memory_space<semaphore_mem>>)
    %dma_start3A_1070 = arith.constant 1536 : i32
    %dma_start3A_1071 = tpu.memref_slice %arg14[%dma_start3A_1070] : memref<2048xi32, #tpu.memory_space<vmem>> -> memref<128xi32, #tpu.memory_space<vmem>>
    %dma_start3A_1072 = arith.constant 1536 : i32
    %dma_start3A_1073 = tpu.memref_slice %arg13[%dma_start3A_1072] : memref<2048xi32, #tpu.memory_space<vmem>> -> memref<128xi32, #tpu.memory_space<vmem>>
    %dma_start3A_1074 = arith.constant 0 : i32
    %dma_start3A_1075 = tpu.memref_slice %arg4[%dma_start3A_1074] : memref<800000xi32, #tpu.memory_space<hbm>> -> memref<800000xi32, #tpu.memory_space<hbm>>
    tpu.enqueue_indirect_dma source(%dma_start3A_1075 : memref<800000xi32, #tpu.memory_space<hbm>>) target(%dma_start3A_1071 : memref<128xi32, #tpu.memory_space<vmem>>) offsets(%dma_start3A_1073 : memref<128xi32, #tpu.memory_space<vmem>>) semaphore(%arg24 : memref<!tpu.dma_semaphore, #tpu.memory_space<semaphore_mem>>)
    %dma_start3A_1076 = arith.constant 1536 : i32
    %dma_start3A_1077 = tpu.memref_slice %arg15[%dma_start3A_1076] : memref<2048xi32, #tpu.memory_space<vmem>> -> memref<128xi32, #tpu.memory_space<vmem>>
    %dma_start3A_1078 = arith.constant 1536 : i32
    %dma_start3A_1079 = tpu.memref_slice %arg13[%dma_start3A_1078] : memref<2048xi32, #tpu.memory_space<vmem>> -> memref<128xi32, #tpu.memory_space<vmem>>
    %dma_start3A_1080 = arith.constant 0 : i32
    %dma_start3A_1081 = tpu.memref_slice %arg5[%dma_start3A_1080] : memref<800000xi32, #tpu.memory_space<hbm>> -> memref<800000xi32, #tpu.memory_space<hbm>>
    tpu.enqueue_indirect_dma source(%dma_start3A_1081 : memref<800000xi32, #tpu.memory_space<hbm>>) target(%dma_start3A_1077 : memref<128xi32, #tpu.memory_space<vmem>>) offsets(%dma_start3A_1079 : memref<128xi32, #tpu.memory_space<vmem>>) semaphore(%arg26 : memref<!tpu.dma_semaphore, #tpu.memory_space<semaphore_mem>>)
    %dma_start3A_1082 = arith.constant 1664 : i32
    %dma_start3A_1083 = tpu.memref_slice %arg14[%dma_start3A_1082] : memref<2048xi32, #tpu.memory_space<vmem>> -> memref<128xi32, #tpu.memory_space<vmem>>
    %dma_start3A_1084 = arith.constant 1664 : i32
    %dma_start3A_1085 = tpu.memref_slice %arg13[%dma_start3A_1084] : memref<2048xi32, #tpu.memory_space<vmem>> -> memref<128xi32, #tpu.memory_space<vmem>>
    %dma_start3A_1086 = arith.constant 0 : i32
    %dma_start3A_1087 = tpu.memref_slice %arg4[%dma_start3A_1086] : memref<800000xi32, #tpu.memory_space<hbm>> -> memref<800000xi32, #tpu.memory_space<hbm>>
    tpu.enqueue_indirect_dma source(%dma_start3A_1087 : memref<800000xi32, #tpu.memory_space<hbm>>) target(%dma_start3A_1083 : memref<128xi32, #tpu.memory_space<vmem>>) offsets(%dma_start3A_1085 : memref<128xi32, #tpu.memory_space<vmem>>) semaphore(%arg24 : memref<!tpu.dma_semaphore, #tpu.memory_space<semaphore_mem>>)
    %dma_start3A_1088 = arith.constant 1664 : i32
    %dma_start3A_1089 = tpu.memref_slice %arg15[%dma_start3A_1088] : memref<2048xi32, #tpu.memory_space<vmem>> -> memref<128xi32, #tpu.memory_space<vmem>>
    %dma_start3A_1090 = arith.constant 1664 : i32
    %dma_start3A_1091 = tpu.memref_slice %arg13[%dma_start3A_1090] : memref<2048xi32, #tpu.memory_space<vmem>> -> memref<128xi32, #tpu.memory_space<vmem>>
    %dma_start3A_1092 = arith.constant 0 : i32
    %dma_start3A_1093 = tpu.memref_slice %arg5[%dma_start3A_1092] : memref<800000xi32, #tpu.memory_space<hbm>> -> memref<800000xi32, #tpu.memory_space<hbm>>
    tpu.enqueue_indirect_dma source(%dma_start3A_1093 : memref<800000xi32, #tpu.memory_space<hbm>>) target(%dma_start3A_1089 : memref<128xi32, #tpu.memory_space<vmem>>) offsets(%dma_start3A_1091 : memref<128xi32, #tpu.memory_space<vmem>>) semaphore(%arg26 : memref<!tpu.dma_semaphore, #tpu.memory_space<semaphore_mem>>)
    %dma_start3A_1094 = arith.constant 1792 : i32
    %dma_start3A_1095 = tpu.memref_slice %arg14[%dma_start3A_1094] : memref<2048xi32, #tpu.memory_space<vmem>> -> memref<128xi32, #tpu.memory_space<vmem>>
    %dma_start3A_1096 = arith.constant 1792 : i32
    %dma_start3A_1097 = tpu.memref_slice %arg13[%dma_start3A_1096] : memref<2048xi32, #tpu.memory_space<vmem>> -> memref<128xi32, #tpu.memory_space<vmem>>
    %dma_start3A_1098 = arith.constant 0 : i32
    %dma_start3A_1099 = tpu.memref_slice %arg4[%dma_start3A_1098] : memref<800000xi32, #tpu.memory_space<hbm>> -> memref<800000xi32, #tpu.memory_space<hbm>>
    tpu.enqueue_indirect_dma source(%dma_start3A_1099 : memref<800000xi32, #tpu.memory_space<hbm>>) target(%dma_start3A_1095 : memref<128xi32, #tpu.memory_space<vmem>>) offsets(%dma_start3A_1097 : memref<128xi32, #tpu.memory_space<vmem>>) semaphore(%arg24 : memref<!tpu.dma_semaphore, #tpu.memory_space<semaphore_mem>>)
    %dma_start3A_1100 = arith.constant 1792 : i32
    %dma_start3A_1101 = tpu.memref_slice %arg15[%dma_start3A_1100] : memref<2048xi32, #tpu.memory_space<vmem>> -> memref<128xi32, #tpu.memory_space<vmem>>
    %dma_start3A_1102 = arith.constant 1792 : i32
    %dma_start3A_1103 = tpu.memref_slice %arg13[%dma_start3A_1102] : memref<2048xi32, #tpu.memory_space<vmem>> -> memref<128xi32, #tpu.memory_space<vmem>>
    %dma_start3A_1104 = arith.constant 0 : i32
    %dma_start3A_1105 = tpu.memref_slice %arg5[%dma_start3A_1104] : memref<800000xi32, #tpu.memory_space<hbm>> -> memref<800000xi32, #tpu.memory_space<hbm>>
    tpu.enqueue_indirect_dma source(%dma_start3A_1105 : memref<800000xi32, #tpu.memory_space<hbm>>) target(%dma_start3A_1101 : memref<128xi32, #tpu.memory_space<vmem>>) offsets(%dma_start3A_1103 : memref<128xi32, #tpu.memory_space<vmem>>) semaphore(%arg26 : memref<!tpu.dma_semaphore, #tpu.memory_space<semaphore_mem>>)
    %dma_start3A_1106 = arith.constant 1920 : i32
    %dma_start3A_1107 = tpu.memref_slice %arg14[%dma_start3A_1106] : memref<2048xi32, #tpu.memory_space<vmem>> -> memref<128xi32, #tpu.memory_space<vmem>>
    %dma_start3A_1108 = arith.constant 1920 : i32
    %dma_start3A_1109 = tpu.memref_slice %arg13[%dma_start3A_1108] : memref<2048xi32, #tpu.memory_space<vmem>> -> memref<128xi32, #tpu.memory_space<vmem>>
    %dma_start3A_1110 = arith.constant 0 : i32
    %dma_start3A_1111 = tpu.memref_slice %arg4[%dma_start3A_1110] : memref<800000xi32, #tpu.memory_space<hbm>> -> memref<800000xi32, #tpu.memory_space<hbm>>
    tpu.enqueue_indirect_dma source(%dma_start3A_1111 : memref<800000xi32, #tpu.memory_space<hbm>>) target(%dma_start3A_1107 : memref<128xi32, #tpu.memory_space<vmem>>) offsets(%dma_start3A_1109 : memref<128xi32, #tpu.memory_space<vmem>>) semaphore(%arg24 : memref<!tpu.dma_semaphore, #tpu.memory_space<semaphore_mem>>)
    %dma_start3A_1112 = arith.constant 1920 : i32
    %dma_start3A_1113 = tpu.memref_slice %arg15[%dma_start3A_1112] : memref<2048xi32, #tpu.memory_space<vmem>> -> memref<128xi32, #tpu.memory_space<vmem>>
    %dma_start3A_1114 = arith.constant 1920 : i32
    %dma_start3A_1115 = tpu.memref_slice %arg13[%dma_start3A_1114] : memref<2048xi32, #tpu.memory_space<vmem>> -> memref<128xi32, #tpu.memory_space<vmem>>
    %dma_start3A_1116 = arith.constant 0 : i32
    %dma_start3A_1117 = tpu.memref_slice %arg5[%dma_start3A_1116] : memref<800000xi32, #tpu.memory_space<hbm>> -> memref<800000xi32, #tpu.memory_space<hbm>>
    tpu.enqueue_indirect_dma source(%dma_start3A_1117 : memref<800000xi32, #tpu.memory_space<hbm>>) target(%dma_start3A_1113 : memref<128xi32, #tpu.memory_space<vmem>>) offsets(%dma_start3A_1115 : memref<128xi32, #tpu.memory_space<vmem>>) semaphore(%arg26 : memref<!tpu.dma_semaphore, #tpu.memory_space<semaphore_mem>>)
    %dma_wait3A = arith.constant 0 : i32
    %dma_wait3A_1118 = tpu.memref_slice %arg14[%dma_wait3A] : memref<2048xi32, #tpu.memory_space<vmem>> -> memref<128xi32, #tpu.memory_space<vmem>>
    %dma_wait3A_1119 = arith.constant 0 : i32
    %dma_wait3A_1120 = tpu.memref_slice %arg13[%dma_wait3A_1119] : memref<2048xi32, #tpu.memory_space<vmem>> -> memref<128xi32, #tpu.memory_space<vmem>>
    %dma_wait3A_1121 = arith.constant 0 : i32
    %dma_wait3A_1122 = tpu.memref_slice %arg4[%dma_wait3A_1121] : memref<800000xi32, #tpu.memory_space<hbm>> -> memref<800000xi32, #tpu.memory_space<hbm>>
    tpu.wait_indirect_dma semaphore(%arg24 : memref<!tpu.dma_semaphore, #tpu.memory_space<semaphore_mem>>) src(%dma_wait3A_1122 : memref<800000xi32, #tpu.memory_space<hbm>>) dst(%dma_wait3A_1118 : memref<128xi32, #tpu.memory_space<vmem>>)
    %dma_wait3A_1123 = arith.constant 128 : i32
    %dma_wait3A_1124 = tpu.memref_slice %arg14[%dma_wait3A_1123] : memref<2048xi32, #tpu.memory_space<vmem>> -> memref<128xi32, #tpu.memory_space<vmem>>
    %dma_wait3A_1125 = arith.constant 128 : i32
    %dma_wait3A_1126 = tpu.memref_slice %arg13[%dma_wait3A_1125] : memref<2048xi32, #tpu.memory_space<vmem>> -> memref<128xi32, #tpu.memory_space<vmem>>
    %dma_wait3A_1127 = arith.constant 0 : i32
    %dma_wait3A_1128 = tpu.memref_slice %arg4[%dma_wait3A_1127] : memref<800000xi32, #tpu.memory_space<hbm>> -> memref<800000xi32, #tpu.memory_space<hbm>>
    tpu.wait_indirect_dma semaphore(%arg24 : memref<!tpu.dma_semaphore, #tpu.memory_space<semaphore_mem>>) src(%dma_wait3A_1128 : memref<800000xi32, #tpu.memory_space<hbm>>) dst(%dma_wait3A_1124 : memref<128xi32, #tpu.memory_space<vmem>>)
    %dma_wait3A_1129 = arith.constant 256 : i32
    %dma_wait3A_1130 = tpu.memref_slice %arg14[%dma_wait3A_1129] : memref<2048xi32, #tpu.memory_space<vmem>> -> memref<128xi32, #tpu.memory_space<vmem>>
    %dma_wait3A_1131 = arith.constant 256 : i32
    %dma_wait3A_1132 = tpu.memref_slice %arg13[%dma_wait3A_1131] : memref<2048xi32, #tpu.memory_space<vmem>> -> memref<128xi32, #tpu.memory_space<vmem>>
    %dma_wait3A_1133 = arith.constant 0 : i32
    %dma_wait3A_1134 = tpu.memref_slice %arg4[%dma_wait3A_1133] : memref<800000xi32, #tpu.memory_space<hbm>> -> memref<800000xi32, #tpu.memory_space<hbm>>
    tpu.wait_indirect_dma semaphore(%arg24 : memref<!tpu.dma_semaphore, #tpu.memory_space<semaphore_mem>>) src(%dma_wait3A_1134 : memref<800000xi32, #tpu.memory_space<hbm>>) dst(%dma_wait3A_1130 : memref<128xi32, #tpu.memory_space<vmem>>)
    %dma_wait3A_1135 = arith.constant 384 : i32
    %dma_wait3A_1136 = tpu.memref_slice %arg14[%dma_wait3A_1135] : memref<2048xi32, #tpu.memory_space<vmem>> -> memref<128xi32, #tpu.memory_space<vmem>>
    %dma_wait3A_1137 = arith.constant 384 : i32
    %dma_wait3A_1138 = tpu.memref_slice %arg13[%dma_wait3A_1137] : memref<2048xi32, #tpu.memory_space<vmem>> -> memref<128xi32, #tpu.memory_space<vmem>>
    %dma_wait3A_1139 = arith.constant 0 : i32
    %dma_wait3A_1140 = tpu.memref_slice %arg4[%dma_wait3A_1139] : memref<800000xi32, #tpu.memory_space<hbm>> -> memref<800000xi32, #tpu.memory_space<hbm>>
    tpu.wait_indirect_dma semaphore(%arg24 : memref<!tpu.dma_semaphore, #tpu.memory_space<semaphore_mem>>) src(%dma_wait3A_1140 : memref<800000xi32, #tpu.memory_space<hbm>>) dst(%dma_wait3A_1136 : memref<128xi32, #tpu.memory_space<vmem>>)
    %dma_wait3A_1141 = arith.constant 512 : i32
    %dma_wait3A_1142 = tpu.memref_slice %arg14[%dma_wait3A_1141] : memref<2048xi32, #tpu.memory_space<vmem>> -> memref<128xi32, #tpu.memory_space<vmem>>
    %dma_wait3A_1143 = arith.constant 512 : i32
    %dma_wait3A_1144 = tpu.memref_slice %arg13[%dma_wait3A_1143] : memref<2048xi32, #tpu.memory_space<vmem>> -> memref<128xi32, #tpu.memory_space<vmem>>
    %dma_wait3A_1145 = arith.constant 0 : i32
    %dma_wait3A_1146 = tpu.memref_slice %arg4[%dma_wait3A_1145] : memref<800000xi32, #tpu.memory_space<hbm>> -> memref<800000xi32, #tpu.memory_space<hbm>>
    tpu.wait_indirect_dma semaphore(%arg24 : memref<!tpu.dma_semaphore, #tpu.memory_space<semaphore_mem>>) src(%dma_wait3A_1146 : memref<800000xi32, #tpu.memory_space<hbm>>) dst(%dma_wait3A_1142 : memref<128xi32, #tpu.memory_space<vmem>>)
    %dma_wait3A_1147 = arith.constant 640 : i32
    %dma_wait3A_1148 = tpu.memref_slice %arg14[%dma_wait3A_1147] : memref<2048xi32, #tpu.memory_space<vmem>> -> memref<128xi32, #tpu.memory_space<vmem>>
    %dma_wait3A_1149 = arith.constant 640 : i32
    %dma_wait3A_1150 = tpu.memref_slice %arg13[%dma_wait3A_1149] : memref<2048xi32, #tpu.memory_space<vmem>> -> memref<128xi32, #tpu.memory_space<vmem>>
    %dma_wait3A_1151 = arith.constant 0 : i32
    %dma_wait3A_1152 = tpu.memref_slice %arg4[%dma_wait3A_1151] : memref<800000xi32, #tpu.memory_space<hbm>> -> memref<800000xi32, #tpu.memory_space<hbm>>
    tpu.wait_indirect_dma semaphore(%arg24 : memref<!tpu.dma_semaphore, #tpu.memory_space<semaphore_mem>>) src(%dma_wait3A_1152 : memref<800000xi32, #tpu.memory_space<hbm>>) dst(%dma_wait3A_1148 : memref<128xi32, #tpu.memory_space<vmem>>)
    %dma_wait3A_1153 = arith.constant 768 : i32
    %dma_wait3A_1154 = tpu.memref_slice %arg14[%dma_wait3A_1153] : memref<2048xi32, #tpu.memory_space<vmem>> -> memref<128xi32, #tpu.memory_space<vmem>>
    %dma_wait3A_1155 = arith.constant 768 : i32
    %dma_wait3A_1156 = tpu.memref_slice %arg13[%dma_wait3A_1155] : memref<2048xi32, #tpu.memory_space<vmem>> -> memref<128xi32, #tpu.memory_space<vmem>>
    %dma_wait3A_1157 = arith.constant 0 : i32
    %dma_wait3A_1158 = tpu.memref_slice %arg4[%dma_wait3A_1157] : memref<800000xi32, #tpu.memory_space<hbm>> -> memref<800000xi32, #tpu.memory_space<hbm>>
    tpu.wait_indirect_dma semaphore(%arg24 : memref<!tpu.dma_semaphore, #tpu.memory_space<semaphore_mem>>) src(%dma_wait3A_1158 : memref<800000xi32, #tpu.memory_space<hbm>>) dst(%dma_wait3A_1154 : memref<128xi32, #tpu.memory_space<vmem>>)
    %dma_wait3A_1159 = arith.constant 896 : i32
    %dma_wait3A_1160 = tpu.memref_slice %arg14[%dma_wait3A_1159] : memref<2048xi32, #tpu.memory_space<vmem>> -> memref<128xi32, #tpu.memory_space<vmem>>
    %dma_wait3A_1161 = arith.constant 896 : i32
    %dma_wait3A_1162 = tpu.memref_slice %arg13[%dma_wait3A_1161] : memref<2048xi32, #tpu.memory_space<vmem>> -> memref<128xi32, #tpu.memory_space<vmem>>
    %dma_wait3A_1163 = arith.constant 0 : i32
    %dma_wait3A_1164 = tpu.memref_slice %arg4[%dma_wait3A_1163] : memref<800000xi32, #tpu.memory_space<hbm>> -> memref<800000xi32, #tpu.memory_space<hbm>>
    tpu.wait_indirect_dma semaphore(%arg24 : memref<!tpu.dma_semaphore, #tpu.memory_space<semaphore_mem>>) src(%dma_wait3A_1164 : memref<800000xi32, #tpu.memory_space<hbm>>) dst(%dma_wait3A_1160 : memref<128xi32, #tpu.memory_space<vmem>>)
    %dma_wait3A_1165 = arith.constant 1024 : i32
    %dma_wait3A_1166 = tpu.memref_slice %arg14[%dma_wait3A_1165] : memref<2048xi32, #tpu.memory_space<vmem>> -> memref<128xi32, #tpu.memory_space<vmem>>
    %dma_wait3A_1167 = arith.constant 1024 : i32
    %dma_wait3A_1168 = tpu.memref_slice %arg13[%dma_wait3A_1167] : memref<2048xi32, #tpu.memory_space<vmem>> -> memref<128xi32, #tpu.memory_space<vmem>>
    %dma_wait3A_1169 = arith.constant 0 : i32
    %dma_wait3A_1170 = tpu.memref_slice %arg4[%dma_wait3A_1169] : memref<800000xi32, #tpu.memory_space<hbm>> -> memref<800000xi32, #tpu.memory_space<hbm>>
    tpu.wait_indirect_dma semaphore(%arg24 : memref<!tpu.dma_semaphore, #tpu.memory_space<semaphore_mem>>) src(%dma_wait3A_1170 : memref<800000xi32, #tpu.memory_space<hbm>>) dst(%dma_wait3A_1166 : memref<128xi32, #tpu.memory_space<vmem>>)
    %dma_wait3A_1171 = arith.constant 1152 : i32
    %dma_wait3A_1172 = tpu.memref_slice %arg14[%dma_wait3A_1171] : memref<2048xi32, #tpu.memory_space<vmem>> -> memref<128xi32, #tpu.memory_space<vmem>>
    %dma_wait3A_1173 = arith.constant 1152 : i32
    %dma_wait3A_1174 = tpu.memref_slice %arg13[%dma_wait3A_1173] : memref<2048xi32, #tpu.memory_space<vmem>> -> memref<128xi32, #tpu.memory_space<vmem>>
    %dma_wait3A_1175 = arith.constant 0 : i32
    %dma_wait3A_1176 = tpu.memref_slice %arg4[%dma_wait3A_1175] : memref<800000xi32, #tpu.memory_space<hbm>> -> memref<800000xi32, #tpu.memory_space<hbm>>
    tpu.wait_indirect_dma semaphore(%arg24 : memref<!tpu.dma_semaphore, #tpu.memory_space<semaphore_mem>>) src(%dma_wait3A_1176 : memref<800000xi32, #tpu.memory_space<hbm>>) dst(%dma_wait3A_1172 : memref<128xi32, #tpu.memory_space<vmem>>)
    %dma_wait3A_1177 = arith.constant 1280 : i32
    %dma_wait3A_1178 = tpu.memref_slice %arg14[%dma_wait3A_1177] : memref<2048xi32, #tpu.memory_space<vmem>> -> memref<128xi32, #tpu.memory_space<vmem>>
    %dma_wait3A_1179 = arith.constant 1280 : i32
    %dma_wait3A_1180 = tpu.memref_slice %arg13[%dma_wait3A_1179] : memref<2048xi32, #tpu.memory_space<vmem>> -> memref<128xi32, #tpu.memory_space<vmem>>
    %dma_wait3A_1181 = arith.constant 0 : i32
    %dma_wait3A_1182 = tpu.memref_slice %arg4[%dma_wait3A_1181] : memref<800000xi32, #tpu.memory_space<hbm>> -> memref<800000xi32, #tpu.memory_space<hbm>>
    tpu.wait_indirect_dma semaphore(%arg24 : memref<!tpu.dma_semaphore, #tpu.memory_space<semaphore_mem>>) src(%dma_wait3A_1182 : memref<800000xi32, #tpu.memory_space<hbm>>) dst(%dma_wait3A_1178 : memref<128xi32, #tpu.memory_space<vmem>>)
    %dma_wait3A_1183 = arith.constant 1408 : i32
    %dma_wait3A_1184 = tpu.memref_slice %arg14[%dma_wait3A_1183] : memref<2048xi32, #tpu.memory_space<vmem>> -> memref<128xi32, #tpu.memory_space<vmem>>
    %dma_wait3A_1185 = arith.constant 1408 : i32
    %dma_wait3A_1186 = tpu.memref_slice %arg13[%dma_wait3A_1185] : memref<2048xi32, #tpu.memory_space<vmem>> -> memref<128xi32, #tpu.memory_space<vmem>>
    %dma_wait3A_1187 = arith.constant 0 : i32
    %dma_wait3A_1188 = tpu.memref_slice %arg4[%dma_wait3A_1187] : memref<800000xi32, #tpu.memory_space<hbm>> -> memref<800000xi32, #tpu.memory_space<hbm>>
    tpu.wait_indirect_dma semaphore(%arg24 : memref<!tpu.dma_semaphore, #tpu.memory_space<semaphore_mem>>) src(%dma_wait3A_1188 : memref<800000xi32, #tpu.memory_space<hbm>>) dst(%dma_wait3A_1184 : memref<128xi32, #tpu.memory_space<vmem>>)
    %dma_wait3A_1189 = arith.constant 1536 : i32
    %dma_wait3A_1190 = tpu.memref_slice %arg14[%dma_wait3A_1189] : memref<2048xi32, #tpu.memory_space<vmem>> -> memref<128xi32, #tpu.memory_space<vmem>>
    %dma_wait3A_1191 = arith.constant 1536 : i32
    %dma_wait3A_1192 = tpu.memref_slice %arg13[%dma_wait3A_1191] : memref<2048xi32, #tpu.memory_space<vmem>> -> memref<128xi32, #tpu.memory_space<vmem>>
    %dma_wait3A_1193 = arith.constant 0 : i32
    %dma_wait3A_1194 = tpu.memref_slice %arg4[%dma_wait3A_1193] : memref<800000xi32, #tpu.memory_space<hbm>> -> memref<800000xi32, #tpu.memory_space<hbm>>
    tpu.wait_indirect_dma semaphore(%arg24 : memref<!tpu.dma_semaphore, #tpu.memory_space<semaphore_mem>>) src(%dma_wait3A_1194 : memref<800000xi32, #tpu.memory_space<hbm>>) dst(%dma_wait3A_1190 : memref<128xi32, #tpu.memory_space<vmem>>)
    %dma_wait3A_1195 = arith.constant 1664 : i32
    %dma_wait3A_1196 = tpu.memref_slice %arg14[%dma_wait3A_1195] : memref<2048xi32, #tpu.memory_space<vmem>> -> memref<128xi32, #tpu.memory_space<vmem>>
    %dma_wait3A_1197 = arith.constant 1664 : i32
    %dma_wait3A_1198 = tpu.memref_slice %arg13[%dma_wait3A_1197] : memref<2048xi32, #tpu.memory_space<vmem>> -> memref<128xi32, #tpu.memory_space<vmem>>
    %dma_wait3A_1199 = arith.constant 0 : i32
    %dma_wait3A_1200 = tpu.memref_slice %arg4[%dma_wait3A_1199] : memref<800000xi32, #tpu.memory_space<hbm>> -> memref<800000xi32, #tpu.memory_space<hbm>>
    tpu.wait_indirect_dma semaphore(%arg24 : memref<!tpu.dma_semaphore, #tpu.memory_space<semaphore_mem>>) src(%dma_wait3A_1200 : memref<800000xi32, #tpu.memory_space<hbm>>) dst(%dma_wait3A_1196 : memref<128xi32, #tpu.memory_space<vmem>>)
    %dma_wait3A_1201 = arith.constant 1792 : i32
    %dma_wait3A_1202 = tpu.memref_slice %arg14[%dma_wait3A_1201] : memref<2048xi32, #tpu.memory_space<vmem>> -> memref<128xi32, #tpu.memory_space<vmem>>
    %dma_wait3A_1203 = arith.constant 1792 : i32
    %dma_wait3A_1204 = tpu.memref_slice %arg13[%dma_wait3A_1203] : memref<2048xi32, #tpu.memory_space<vmem>> -> memref<128xi32, #tpu.memory_space<vmem>>
    %dma_wait3A_1205 = arith.constant 0 : i32
    %dma_wait3A_1206 = tpu.memref_slice %arg4[%dma_wait3A_1205] : memref<800000xi32, #tpu.memory_space<hbm>> -> memref<800000xi32, #tpu.memory_space<hbm>>
    tpu.wait_indirect_dma semaphore(%arg24 : memref<!tpu.dma_semaphore, #tpu.memory_space<semaphore_mem>>) src(%dma_wait3A_1206 : memref<800000xi32, #tpu.memory_space<hbm>>) dst(%dma_wait3A_1202 : memref<128xi32, #tpu.memory_space<vmem>>)
    %dma_wait3A_1207 = arith.constant 1920 : i32
    %dma_wait3A_1208 = tpu.memref_slice %arg14[%dma_wait3A_1207] : memref<2048xi32, #tpu.memory_space<vmem>> -> memref<128xi32, #tpu.memory_space<vmem>>
    %dma_wait3A_1209 = arith.constant 1920 : i32
    %dma_wait3A_1210 = tpu.memref_slice %arg13[%dma_wait3A_1209] : memref<2048xi32, #tpu.memory_space<vmem>> -> memref<128xi32, #tpu.memory_space<vmem>>
    %dma_wait3A_1211 = arith.constant 0 : i32
    %dma_wait3A_1212 = tpu.memref_slice %arg4[%dma_wait3A_1211] : memref<800000xi32, #tpu.memory_space<hbm>> -> memref<800000xi32, #tpu.memory_space<hbm>>
    tpu.wait_indirect_dma semaphore(%arg24 : memref<!tpu.dma_semaphore, #tpu.memory_space<semaphore_mem>>) src(%dma_wait3A_1212 : memref<800000xi32, #tpu.memory_space<hbm>>) dst(%dma_wait3A_1208 : memref<128xi32, #tpu.memory_space<vmem>>)
    %dma_start3A_1213 = arith.constant 0 : i32
    %dma_start3A_1214 = tpu.memref_slice %arg14[%dma_start3A_1213] : memref<2048xi32, #tpu.memory_space<vmem>> -> memref<128xi32, #tpu.memory_space<vmem>>
    %dma_start3A_1215 = arith.constant 0 : i32
    %dma_start3A_1216 = arith.constant 0 : i32
    %dma_start3A_1217 = tpu.memref_slice %arg6[%dma_start3A_1215, %dma_start3A_1216] : memref<50000x128xf32, #tpu.memory_space<hbm>> -> memref<50000x128xf32, #tpu.memory_space<hbm>>
    tpu.enqueue_indirect_dma source(%dma_start3A_1217 : memref<50000x128xf32, #tpu.memory_space<hbm>>) target(%arg18 : memref<128x128xf32, #tpu.memory_space<vmem>>) offsets(%dma_start3A_1214 : memref<128xi32, #tpu.memory_space<vmem>>) semaphore(%arg28 : memref<!tpu.dma_semaphore, #tpu.memory_space<semaphore_mem>>)
    %dma_start3A_1218 = arith.constant 128 : i32
    %dma_start3A_1219 = tpu.memref_slice %arg14[%dma_start3A_1218] : memref<2048xi32, #tpu.memory_space<vmem>> -> memref<128xi32, #tpu.memory_space<vmem>>
    %dma_start3A_1220 = arith.constant 0 : i32
    %dma_start3A_1221 = arith.constant 0 : i32
    %dma_start3A_1222 = tpu.memref_slice %arg6[%dma_start3A_1220, %dma_start3A_1221] : memref<50000x128xf32, #tpu.memory_space<hbm>> -> memref<50000x128xf32, #tpu.memory_space<hbm>>
    tpu.enqueue_indirect_dma source(%dma_start3A_1222 : memref<50000x128xf32, #tpu.memory_space<hbm>>) target(%arg19 : memref<128x128xf32, #tpu.memory_space<vmem>>) offsets(%dma_start3A_1219 : memref<128xi32, #tpu.memory_space<vmem>>) semaphore(%arg29 : memref<!tpu.dma_semaphore, #tpu.memory_space<semaphore_mem>>)
    %dma_start3A_1223 = arith.constant 256 : i32
    %dma_start3A_1224 = tpu.memref_slice %arg14[%dma_start3A_1223] : memref<2048xi32, #tpu.memory_space<vmem>> -> memref<128xi32, #tpu.memory_space<vmem>>
    %dma_start3A_1225 = arith.constant 0 : i32
    %dma_start3A_1226 = arith.constant 0 : i32
    %dma_start3A_1227 = tpu.memref_slice %arg6[%dma_start3A_1225, %dma_start3A_1226] : memref<50000x128xf32, #tpu.memory_space<hbm>> -> memref<50000x128xf32, #tpu.memory_space<hbm>>
    tpu.enqueue_indirect_dma source(%dma_start3A_1227 : memref<50000x128xf32, #tpu.memory_space<hbm>>) target(%arg20 : memref<128x128xf32, #tpu.memory_space<vmem>>) offsets(%dma_start3A_1224 : memref<128xi32, #tpu.memory_space<vmem>>) semaphore(%arg30 : memref<!tpu.dma_semaphore, #tpu.memory_space<semaphore_mem>>)
    %dma_start3A_1228 = arith.constant 384 : i32
    %dma_start3A_1229 = tpu.memref_slice %arg14[%dma_start3A_1228] : memref<2048xi32, #tpu.memory_space<vmem>> -> memref<128xi32, #tpu.memory_space<vmem>>
    %dma_start3A_1230 = arith.constant 0 : i32
    %dma_start3A_1231 = arith.constant 0 : i32
    %dma_start3A_1232 = tpu.memref_slice %arg6[%dma_start3A_1230, %dma_start3A_1231] : memref<50000x128xf32, #tpu.memory_space<hbm>> -> memref<50000x128xf32, #tpu.memory_space<hbm>>
    tpu.enqueue_indirect_dma source(%dma_start3A_1232 : memref<50000x128xf32, #tpu.memory_space<hbm>>) target(%arg21 : memref<128x128xf32, #tpu.memory_space<vmem>>) offsets(%dma_start3A_1229 : memref<128xi32, #tpu.memory_space<vmem>>) semaphore(%arg31 : memref<!tpu.dma_semaphore, #tpu.memory_space<semaphore_mem>>)
    %dma_wait3A_1233 = arith.constant 0 : i32
    %dma_wait3A_1234 = tpu.memref_slice %arg14[%dma_wait3A_1233] : memref<2048xi32, #tpu.memory_space<vmem>> -> memref<128xi32, #tpu.memory_space<vmem>>
    %dma_wait3A_1235 = arith.constant 0 : i32
    %dma_wait3A_1236 = arith.constant 0 : i32
    %dma_wait3A_1237 = tpu.memref_slice %arg6[%dma_wait3A_1235, %dma_wait3A_1236] : memref<50000x128xf32, #tpu.memory_space<hbm>> -> memref<50000x128xf32, #tpu.memory_space<hbm>>
    tpu.wait_indirect_dma semaphore(%arg28 : memref<!tpu.dma_semaphore, #tpu.memory_space<semaphore_mem>>) src(%dma_wait3A_1237 : memref<50000x128xf32, #tpu.memory_space<hbm>>) dst(%arg18 : memref<128x128xf32, #tpu.memory_space<vmem>>)
    %add3A_1238 = arith.constant 0 : i32
    %add3A_1239 = arith.addi %add3A_1238, %mul3A_2 : i32
    "tpu.region"() ({
      %run_scoped3A = tpu.sem_alloc : memref<!tpu.dma_semaphore, #tpu.memory_space<semaphore_mem>>
      %dma_start3A_1539 = arith.constant 0 : i32
      %dma_start3A_1540 = tpu.memref_slice %arg10[%add3A_1239, %dma_start3A_1539] : memref<65536x128xf32, #tpu.memory_space<hbm>> -> memref<128x128xf32, #tpu.memory_space<hbm>>
      %dma_start3A_1541 = arith.constant 0 : i32
      %dma_start3A_1542 = tpu.memref_slice %arg10[%add3A_1239, %dma_start3A_1541] : memref<65536x128xf32, #tpu.memory_space<hbm>> -> memref<128x128xf32, #tpu.memory_space<hbm>>
      tpu.enqueue_dma source(%arg18 : memref<128x128xf32, #tpu.memory_space<vmem>>) target(%dma_start3A_1542 : memref<128x128xf32, #tpu.memory_space<hbm>>) target_semaphore(%run_scoped3A : memref<!tpu.dma_semaphore, #tpu.memory_space<semaphore_mem>>)
      %dma_wait3A_1543 = arith.constant 0 : i32
      %dma_wait3A_1544 = tpu.memref_slice %arg10[%add3A_1239, %dma_wait3A_1543] : memref<65536x128xf32, #tpu.memory_space<hbm>> -> memref<128x128xf32, #tpu.memory_space<hbm>>
      %dma_wait3A_1545 = arith.constant 0 : i32
      %dma_wait3A_1546 = tpu.memref_slice %arg10[%add3A_1239, %dma_wait3A_1545] : memref<65536x128xf32, #tpu.memory_space<hbm>> -> memref<128x128xf32, #tpu.memory_space<hbm>>
      tpu.wait_dma2 semaphore(%run_scoped3A : memref<!tpu.dma_semaphore, #tpu.memory_space<semaphore_mem>>) src(%arg18 : memref<128x128xf32, #tpu.memory_space<vmem>>) dst(%dma_wait3A_1546 : memref<128x128xf32, #tpu.memory_space<hbm>>)
      tpu.yield
    }) : () -> ()
    %dma_start3A_1240 = arith.constant 512 : i32
    %dma_start3A_1241 = tpu.memref_slice %arg14[%dma_start3A_1240] : memref<2048xi32, #tpu.memory_space<vmem>> -> memref<128xi32, #tpu.memory_space<vmem>>
    %dma_start3A_1242 = arith.constant 0 : i32
    %dma_start3A_1243 = arith.constant 0 : i32
    %dma_start3A_1244 = tpu.memref_slice %arg6[%dma_start3A_1242, %dma_start3A_1243] : memref<50000x128xf32, #tpu.memory_space<hbm>> -> memref<50000x128xf32, #tpu.memory_space<hbm>>
    tpu.enqueue_indirect_dma source(%dma_start3A_1244 : memref<50000x128xf32, #tpu.memory_space<hbm>>) target(%arg18 : memref<128x128xf32, #tpu.memory_space<vmem>>) offsets(%dma_start3A_1241 : memref<128xi32, #tpu.memory_space<vmem>>) semaphore(%arg28 : memref<!tpu.dma_semaphore, #tpu.memory_space<semaphore_mem>>)
    %dma_wait3A_1245 = arith.constant 128 : i32
    %dma_wait3A_1246 = tpu.memref_slice %arg14[%dma_wait3A_1245] : memref<2048xi32, #tpu.memory_space<vmem>> -> memref<128xi32, #tpu.memory_space<vmem>>
    %dma_wait3A_1247 = arith.constant 0 : i32
    %dma_wait3A_1248 = arith.constant 0 : i32
    %dma_wait3A_1249 = tpu.memref_slice %arg6[%dma_wait3A_1247, %dma_wait3A_1248] : memref<50000x128xf32, #tpu.memory_space<hbm>> -> memref<50000x128xf32, #tpu.memory_space<hbm>>
    tpu.wait_indirect_dma semaphore(%arg29 : memref<!tpu.dma_semaphore, #tpu.memory_space<semaphore_mem>>) src(%dma_wait3A_1249 : memref<50000x128xf32, #tpu.memory_space<hbm>>) dst(%arg19 : memref<128x128xf32, #tpu.memory_space<vmem>>)
    %add3A_1250 = arith.constant 4096 : i32
    %add3A_1251 = arith.addi %add3A_1250, %mul3A_2 : i32
    "tpu.region"() ({
      %run_scoped3A = tpu.sem_alloc : memref<!tpu.dma_semaphore, #tpu.memory_space<semaphore_mem>>
      %dma_start3A_1539 = arith.constant 0 : i32
      %dma_start3A_1540 = tpu.memref_slice %arg10[%add3A_1251, %dma_start3A_1539] : memref<65536x128xf32, #tpu.memory_space<hbm>> -> memref<128x128xf32, #tpu.memory_space<hbm>>
      %dma_start3A_1541 = arith.constant 0 : i32
      %dma_start3A_1542 = tpu.memref_slice %arg10[%add3A_1251, %dma_start3A_1541] : memref<65536x128xf32, #tpu.memory_space<hbm>> -> memref<128x128xf32, #tpu.memory_space<hbm>>
      tpu.enqueue_dma source(%arg19 : memref<128x128xf32, #tpu.memory_space<vmem>>) target(%dma_start3A_1542 : memref<128x128xf32, #tpu.memory_space<hbm>>) target_semaphore(%run_scoped3A : memref<!tpu.dma_semaphore, #tpu.memory_space<semaphore_mem>>)
      %dma_wait3A_1543 = arith.constant 0 : i32
      %dma_wait3A_1544 = tpu.memref_slice %arg10[%add3A_1251, %dma_wait3A_1543] : memref<65536x128xf32, #tpu.memory_space<hbm>> -> memref<128x128xf32, #tpu.memory_space<hbm>>
      %dma_wait3A_1545 = arith.constant 0 : i32
      %dma_wait3A_1546 = tpu.memref_slice %arg10[%add3A_1251, %dma_wait3A_1545] : memref<65536x128xf32, #tpu.memory_space<hbm>> -> memref<128x128xf32, #tpu.memory_space<hbm>>
      tpu.wait_dma2 semaphore(%run_scoped3A : memref<!tpu.dma_semaphore, #tpu.memory_space<semaphore_mem>>) src(%arg19 : memref<128x128xf32, #tpu.memory_space<vmem>>) dst(%dma_wait3A_1546 : memref<128x128xf32, #tpu.memory_space<hbm>>)
      tpu.yield
    }) : () -> ()
    %dma_start3A_1252 = arith.constant 640 : i32
    %dma_start3A_1253 = tpu.memref_slice %arg14[%dma_start3A_1252] : memref<2048xi32, #tpu.memory_space<vmem>> -> memref<128xi32, #tpu.memory_space<vmem>>
    %dma_start3A_1254 = arith.constant 0 : i32
    %dma_start3A_1255 = arith.constant 0 : i32
    %dma_start3A_1256 = tpu.memref_slice %arg6[%dma_start3A_1254, %dma_start3A_1255] : memref<50000x128xf32, #tpu.memory_space<hbm>> -> memref<50000x128xf32, #tpu.memory_space<hbm>>
    tpu.enqueue_indirect_dma source(%dma_start3A_1256 : memref<50000x128xf32, #tpu.memory_space<hbm>>) target(%arg19 : memref<128x128xf32, #tpu.memory_space<vmem>>) offsets(%dma_start3A_1253 : memref<128xi32, #tpu.memory_space<vmem>>) semaphore(%arg29 : memref<!tpu.dma_semaphore, #tpu.memory_space<semaphore_mem>>)
    %dma_wait3A_1257 = arith.constant 256 : i32
    %dma_wait3A_1258 = tpu.memref_slice %arg14[%dma_wait3A_1257] : memref<2048xi32, #tpu.memory_space<vmem>> -> memref<128xi32, #tpu.memory_space<vmem>>
    %dma_wait3A_1259 = arith.constant 0 : i32
    %dma_wait3A_1260 = arith.constant 0 : i32
    %dma_wait3A_1261 = tpu.memref_slice %arg6[%dma_wait3A_1259, %dma_wait3A_1260] : memref<50000x128xf32, #tpu.memory_space<hbm>> -> memref<50000x128xf32, #tpu.memory_space<hbm>>
    tpu.wait_indirect_dma semaphore(%arg30 : memref<!tpu.dma_semaphore, #tpu.memory_space<semaphore_mem>>) src(%dma_wait3A_1261 : memref<50000x128xf32, #tpu.memory_space<hbm>>) dst(%arg20 : memref<128x128xf32, #tpu.memory_space<vmem>>)
    %add3A_1262 = arith.constant 8192 : i32
    %add3A_1263 = arith.addi %add3A_1262, %mul3A_2 : i32
    "tpu.region"() ({
      %run_scoped3A = tpu.sem_alloc : memref<!tpu.dma_semaphore, #tpu.memory_space<semaphore_mem>>
      %dma_start3A_1539 = arith.constant 0 : i32
      %dma_start3A_1540 = tpu.memref_slice %arg10[%add3A_1263, %dma_start3A_1539] : memref<65536x128xf32, #tpu.memory_space<hbm>> -> memref<128x128xf32, #tpu.memory_space<hbm>>
      %dma_start3A_1541 = arith.constant 0 : i32
      %dma_start3A_1542 = tpu.memref_slice %arg10[%add3A_1263, %dma_start3A_1541] : memref<65536x128xf32, #tpu.memory_space<hbm>> -> memref<128x128xf32, #tpu.memory_space<hbm>>
      tpu.enqueue_dma source(%arg20 : memref<128x128xf32, #tpu.memory_space<vmem>>) target(%dma_start3A_1542 : memref<128x128xf32, #tpu.memory_space<hbm>>) target_semaphore(%run_scoped3A : memref<!tpu.dma_semaphore, #tpu.memory_space<semaphore_mem>>)
      %dma_wait3A_1543 = arith.constant 0 : i32
      %dma_wait3A_1544 = tpu.memref_slice %arg10[%add3A_1263, %dma_wait3A_1543] : memref<65536x128xf32, #tpu.memory_space<hbm>> -> memref<128x128xf32, #tpu.memory_space<hbm>>
      %dma_wait3A_1545 = arith.constant 0 : i32
      %dma_wait3A_1546 = tpu.memref_slice %arg10[%add3A_1263, %dma_wait3A_1545] : memref<65536x128xf32, #tpu.memory_space<hbm>> -> memref<128x128xf32, #tpu.memory_space<hbm>>
      tpu.wait_dma2 semaphore(%run_scoped3A : memref<!tpu.dma_semaphore, #tpu.memory_space<semaphore_mem>>) src(%arg20 : memref<128x128xf32, #tpu.memory_space<vmem>>) dst(%dma_wait3A_1546 : memref<128x128xf32, #tpu.memory_space<hbm>>)
      tpu.yield
    }) : () -> ()
    %dma_start3A_1264 = arith.constant 768 : i32
    %dma_start3A_1265 = tpu.memref_slice %arg14[%dma_start3A_1264] : memref<2048xi32, #tpu.memory_space<vmem>> -> memref<128xi32, #tpu.memory_space<vmem>>
    %dma_start3A_1266 = arith.constant 0 : i32
    %dma_start3A_1267 = arith.constant 0 : i32
    %dma_start3A_1268 = tpu.memref_slice %arg6[%dma_start3A_1266, %dma_start3A_1267] : memref<50000x128xf32, #tpu.memory_space<hbm>> -> memref<50000x128xf32, #tpu.memory_space<hbm>>
    tpu.enqueue_indirect_dma source(%dma_start3A_1268 : memref<50000x128xf32, #tpu.memory_space<hbm>>) target(%arg20 : memref<128x128xf32, #tpu.memory_space<vmem>>) offsets(%dma_start3A_1265 : memref<128xi32, #tpu.memory_space<vmem>>) semaphore(%arg30 : memref<!tpu.dma_semaphore, #tpu.memory_space<semaphore_mem>>)
    %dma_wait3A_1269 = arith.constant 384 : i32
    %dma_wait3A_1270 = tpu.memref_slice %arg14[%dma_wait3A_1269] : memref<2048xi32, #tpu.memory_space<vmem>> -> memref<128xi32, #tpu.memory_space<vmem>>
    %dma_wait3A_1271 = arith.constant 0 : i32
    %dma_wait3A_1272 = arith.constant 0 : i32
    %dma_wait3A_1273 = tpu.memref_slice %arg6[%dma_wait3A_1271, %dma_wait3A_1272] : memref<50000x128xf32, #tpu.memory_space<hbm>> -> memref<50000x128xf32, #tpu.memory_space<hbm>>
    tpu.wait_indirect_dma semaphore(%arg31 : memref<!tpu.dma_semaphore, #tpu.memory_space<semaphore_mem>>) src(%dma_wait3A_1273 : memref<50000x128xf32, #tpu.memory_space<hbm>>) dst(%arg21 : memref<128x128xf32, #tpu.memory_space<vmem>>)
    %add3A_1274 = arith.constant 12288 : i32
    %add3A_1275 = arith.addi %add3A_1274, %mul3A_2 : i32
    "tpu.region"() ({
      %run_scoped3A = tpu.sem_alloc : memref<!tpu.dma_semaphore, #tpu.memory_space<semaphore_mem>>
      %dma_start3A_1539 = arith.constant 0 : i32
      %dma_start3A_1540 = tpu.memref_slice %arg10[%add3A_1275, %dma_start3A_1539] : memref<65536x128xf32, #tpu.memory_space<hbm>> -> memref<128x128xf32, #tpu.memory_space<hbm>>
      %dma_start3A_1541 = arith.constant 0 : i32
      %dma_start3A_1542 = tpu.memref_slice %arg10[%add3A_1275, %dma_start3A_1541] : memref<65536x128xf32, #tpu.memory_space<hbm>> -> memref<128x128xf32, #tpu.memory_space<hbm>>
      tpu.enqueue_dma source(%arg21 : memref<128x128xf32, #tpu.memory_space<vmem>>) target(%dma_start3A_1542 : memref<128x128xf32, #tpu.memory_space<hbm>>) target_semaphore(%run_scoped3A : memref<!tpu.dma_semaphore, #tpu.memory_space<semaphore_mem>>)
      %dma_wait3A_1543 = arith.constant 0 : i32
      %dma_wait3A_1544 = tpu.memref_slice %arg10[%add3A_1275, %dma_wait3A_1543] : memref<65536x128xf32, #tpu.memory_space<hbm>> -> memref<128x128xf32, #tpu.memory_space<hbm>>
      %dma_wait3A_1545 = arith.constant 0 : i32
      %dma_wait3A_1546 = tpu.memref_slice %arg10[%add3A_1275, %dma_wait3A_1545] : memref<65536x128xf32, #tpu.memory_space<hbm>> -> memref<128x128xf32, #tpu.memory_space<hbm>>
      tpu.wait_dma2 semaphore(%run_scoped3A : memref<!tpu.dma_semaphore, #tpu.memory_space<semaphore_mem>>) src(%arg21 : memref<128x128xf32, #tpu.memory_space<vmem>>) dst(%dma_wait3A_1546 : memref<128x128xf32, #tpu.memory_space<hbm>>)
      tpu.yield
    }) : () -> ()
    %dma_start3A_1276 = arith.constant 896 : i32
    %dma_start3A_1277 = tpu.memref_slice %arg14[%dma_start3A_1276] : memref<2048xi32, #tpu.memory_space<vmem>> -> memref<128xi32, #tpu.memory_space<vmem>>
    %dma_start3A_1278 = arith.constant 0 : i32
    %dma_start3A_1279 = arith.constant 0 : i32
    %dma_start3A_1280 = tpu.memref_slice %arg6[%dma_start3A_1278, %dma_start3A_1279] : memref<50000x128xf32, #tpu.memory_space<hbm>> -> memref<50000x128xf32, #tpu.memory_space<hbm>>
    tpu.enqueue_indirect_dma source(%dma_start3A_1280 : memref<50000x128xf32, #tpu.memory_space<hbm>>) target(%arg21 : memref<128x128xf32, #tpu.memory_space<vmem>>) offsets(%dma_start3A_1277 : memref<128xi32, #tpu.memory_space<vmem>>) semaphore(%arg31 : memref<!tpu.dma_semaphore, #tpu.memory_space<semaphore_mem>>)
    %dma_wait3A_1281 = arith.constant 512 : i32
    %dma_wait3A_1282 = tpu.memref_slice %arg14[%dma_wait3A_1281] : memref<2048xi32, #tpu.memory_space<vmem>> -> memref<128xi32, #tpu.memory_space<vmem>>
    %dma_wait3A_1283 = arith.constant 0 : i32
    %dma_wait3A_1284 = arith.constant 0 : i32
    %dma_wait3A_1285 = tpu.memref_slice %arg6[%dma_wait3A_1283, %dma_wait3A_1284] : memref<50000x128xf32, #tpu.memory_space<hbm>> -> memref<50000x128xf32, #tpu.memory_space<hbm>>
    tpu.wait_indirect_dma semaphore(%arg28 : memref<!tpu.dma_semaphore, #tpu.memory_space<semaphore_mem>>) src(%dma_wait3A_1285 : memref<50000x128xf32, #tpu.memory_space<hbm>>) dst(%arg18 : memref<128x128xf32, #tpu.memory_space<vmem>>)
    %add3A_1286 = arith.constant 16384 : i32
    %add3A_1287 = arith.addi %add3A_1286, %mul3A_2 : i32
    "tpu.region"() ({
      %run_scoped3A = tpu.sem_alloc : memref<!tpu.dma_semaphore, #tpu.memory_space<semaphore_mem>>
      %dma_start3A_1539 = arith.constant 0 : i32
      %dma_start3A_1540 = tpu.memref_slice %arg10[%add3A_1287, %dma_start3A_1539] : memref<65536x128xf32, #tpu.memory_space<hbm>> -> memref<128x128xf32, #tpu.memory_space<hbm>>
      %dma_start3A_1541 = arith.constant 0 : i32
      %dma_start3A_1542 = tpu.memref_slice %arg10[%add3A_1287, %dma_start3A_1541] : memref<65536x128xf32, #tpu.memory_space<hbm>> -> memref<128x128xf32, #tpu.memory_space<hbm>>
      tpu.enqueue_dma source(%arg18 : memref<128x128xf32, #tpu.memory_space<vmem>>) target(%dma_start3A_1542 : memref<128x128xf32, #tpu.memory_space<hbm>>) target_semaphore(%run_scoped3A : memref<!tpu.dma_semaphore, #tpu.memory_space<semaphore_mem>>)
      %dma_wait3A_1543 = arith.constant 0 : i32
      %dma_wait3A_1544 = tpu.memref_slice %arg10[%add3A_1287, %dma_wait3A_1543] : memref<65536x128xf32, #tpu.memory_space<hbm>> -> memref<128x128xf32, #tpu.memory_space<hbm>>
      %dma_wait3A_1545 = arith.constant 0 : i32
      %dma_wait3A_1546 = tpu.memref_slice %arg10[%add3A_1287, %dma_wait3A_1545] : memref<65536x128xf32, #tpu.memory_space<hbm>> -> memref<128x128xf32, #tpu.memory_space<hbm>>
      tpu.wait_dma2 semaphore(%run_scoped3A : memref<!tpu.dma_semaphore, #tpu.memory_space<semaphore_mem>>) src(%arg18 : memref<128x128xf32, #tpu.memory_space<vmem>>) dst(%dma_wait3A_1546 : memref<128x128xf32, #tpu.memory_space<hbm>>)
      tpu.yield
    }) : () -> ()
    %dma_start3A_1288 = arith.constant 1024 : i32
    %dma_start3A_1289 = tpu.memref_slice %arg14[%dma_start3A_1288] : memref<2048xi32, #tpu.memory_space<vmem>> -> memref<128xi32, #tpu.memory_space<vmem>>
    %dma_start3A_1290 = arith.constant 0 : i32
    %dma_start3A_1291 = arith.constant 0 : i32
    %dma_start3A_1292 = tpu.memref_slice %arg6[%dma_start3A_1290, %dma_start3A_1291] : memref<50000x128xf32, #tpu.memory_space<hbm>> -> memref<50000x128xf32, #tpu.memory_space<hbm>>
    tpu.enqueue_indirect_dma source(%dma_start3A_1292 : memref<50000x128xf32, #tpu.memory_space<hbm>>) target(%arg18 : memref<128x128xf32, #tpu.memory_space<vmem>>) offsets(%dma_start3A_1289 : memref<128xi32, #tpu.memory_space<vmem>>) semaphore(%arg28 : memref<!tpu.dma_semaphore, #tpu.memory_space<semaphore_mem>>)
    %dma_wait3A_1293 = arith.constant 640 : i32
    %dma_wait3A_1294 = tpu.memref_slice %arg14[%dma_wait3A_1293] : memref<2048xi32, #tpu.memory_space<vmem>> -> memref<128xi32, #tpu.memory_space<vmem>>
    %dma_wait3A_1295 = arith.constant 0 : i32
    %dma_wait3A_1296 = arith.constant 0 : i32
    %dma_wait3A_1297 = tpu.memref_slice %arg6[%dma_wait3A_1295, %dma_wait3A_1296] : memref<50000x128xf32, #tpu.memory_space<hbm>> -> memref<50000x128xf32, #tpu.memory_space<hbm>>
    tpu.wait_indirect_dma semaphore(%arg29 : memref<!tpu.dma_semaphore, #tpu.memory_space<semaphore_mem>>) src(%dma_wait3A_1297 : memref<50000x128xf32, #tpu.memory_space<hbm>>) dst(%arg19 : memref<128x128xf32, #tpu.memory_space<vmem>>)
    %add3A_1298 = arith.constant 20480 : i32
    %add3A_1299 = arith.addi %add3A_1298, %mul3A_2 : i32
    "tpu.region"() ({
      %run_scoped3A = tpu.sem_alloc : memref<!tpu.dma_semaphore, #tpu.memory_space<semaphore_mem>>
      %dma_start3A_1539 = arith.constant 0 : i32
      %dma_start3A_1540 = tpu.memref_slice %arg10[%add3A_1299, %dma_start3A_1539] : memref<65536x128xf32, #tpu.memory_space<hbm>> -> memref<128x128xf32, #tpu.memory_space<hbm>>
      %dma_start3A_1541 = arith.constant 0 : i32
      %dma_start3A_1542 = tpu.memref_slice %arg10[%add3A_1299, %dma_start3A_1541] : memref<65536x128xf32, #tpu.memory_space<hbm>> -> memref<128x128xf32, #tpu.memory_space<hbm>>
      tpu.enqueue_dma source(%arg19 : memref<128x128xf32, #tpu.memory_space<vmem>>) target(%dma_start3A_1542 : memref<128x128xf32, #tpu.memory_space<hbm>>) target_semaphore(%run_scoped3A : memref<!tpu.dma_semaphore, #tpu.memory_space<semaphore_mem>>)
      %dma_wait3A_1543 = arith.constant 0 : i32
      %dma_wait3A_1544 = tpu.memref_slice %arg10[%add3A_1299, %dma_wait3A_1543] : memref<65536x128xf32, #tpu.memory_space<hbm>> -> memref<128x128xf32, #tpu.memory_space<hbm>>
      %dma_wait3A_1545 = arith.constant 0 : i32
      %dma_wait3A_1546 = tpu.memref_slice %arg10[%add3A_1299, %dma_wait3A_1545] : memref<65536x128xf32, #tpu.memory_space<hbm>> -> memref<128x128xf32, #tpu.memory_space<hbm>>
      tpu.wait_dma2 semaphore(%run_scoped3A : memref<!tpu.dma_semaphore, #tpu.memory_space<semaphore_mem>>) src(%arg19 : memref<128x128xf32, #tpu.memory_space<vmem>>) dst(%dma_wait3A_1546 : memref<128x128xf32, #tpu.memory_space<hbm>>)
      tpu.yield
    }) : () -> ()
    %dma_start3A_1300 = arith.constant 1152 : i32
    %dma_start3A_1301 = tpu.memref_slice %arg14[%dma_start3A_1300] : memref<2048xi32, #tpu.memory_space<vmem>> -> memref<128xi32, #tpu.memory_space<vmem>>
    %dma_start3A_1302 = arith.constant 0 : i32
    %dma_start3A_1303 = arith.constant 0 : i32
    %dma_start3A_1304 = tpu.memref_slice %arg6[%dma_start3A_1302, %dma_start3A_1303] : memref<50000x128xf32, #tpu.memory_space<hbm>> -> memref<50000x128xf32, #tpu.memory_space<hbm>>
    tpu.enqueue_indirect_dma source(%dma_start3A_1304 : memref<50000x128xf32, #tpu.memory_space<hbm>>) target(%arg19 : memref<128x128xf32, #tpu.memory_space<vmem>>) offsets(%dma_start3A_1301 : memref<128xi32, #tpu.memory_space<vmem>>) semaphore(%arg29 : memref<!tpu.dma_semaphore, #tpu.memory_space<semaphore_mem>>)
    %dma_wait3A_1305 = arith.constant 768 : i32
    %dma_wait3A_1306 = tpu.memref_slice %arg14[%dma_wait3A_1305] : memref<2048xi32, #tpu.memory_space<vmem>> -> memref<128xi32, #tpu.memory_space<vmem>>
    %dma_wait3A_1307 = arith.constant 0 : i32
    %dma_wait3A_1308 = arith.constant 0 : i32
    %dma_wait3A_1309 = tpu.memref_slice %arg6[%dma_wait3A_1307, %dma_wait3A_1308] : memref<50000x128xf32, #tpu.memory_space<hbm>> -> memref<50000x128xf32, #tpu.memory_space<hbm>>
    tpu.wait_indirect_dma semaphore(%arg30 : memref<!tpu.dma_semaphore, #tpu.memory_space<semaphore_mem>>) src(%dma_wait3A_1309 : memref<50000x128xf32, #tpu.memory_space<hbm>>) dst(%arg20 : memref<128x128xf32, #tpu.memory_space<vmem>>)
    %add3A_1310 = arith.constant 24576 : i32
    %add3A_1311 = arith.addi %add3A_1310, %mul3A_2 : i32
    "tpu.region"() ({
      %run_scoped3A = tpu.sem_alloc : memref<!tpu.dma_semaphore, #tpu.memory_space<semaphore_mem>>
      %dma_start3A_1539 = arith.constant 0 : i32
      %dma_start3A_1540 = tpu.memref_slice %arg10[%add3A_1311, %dma_start3A_1539] : memref<65536x128xf32, #tpu.memory_space<hbm>> -> memref<128x128xf32, #tpu.memory_space<hbm>>
      %dma_start3A_1541 = arith.constant 0 : i32
      %dma_start3A_1542 = tpu.memref_slice %arg10[%add3A_1311, %dma_start3A_1541] : memref<65536x128xf32, #tpu.memory_space<hbm>> -> memref<128x128xf32, #tpu.memory_space<hbm>>
      tpu.enqueue_dma source(%arg20 : memref<128x128xf32, #tpu.memory_space<vmem>>) target(%dma_start3A_1542 : memref<128x128xf32, #tpu.memory_space<hbm>>) target_semaphore(%run_scoped3A : memref<!tpu.dma_semaphore, #tpu.memory_space<semaphore_mem>>)
      %dma_wait3A_1543 = arith.constant 0 : i32
      %dma_wait3A_1544 = tpu.memref_slice %arg10[%add3A_1311, %dma_wait3A_1543] : memref<65536x128xf32, #tpu.memory_space<hbm>> -> memref<128x128xf32, #tpu.memory_space<hbm>>
      %dma_wait3A_1545 = arith.constant 0 : i32
      %dma_wait3A_1546 = tpu.memref_slice %arg10[%add3A_1311, %dma_wait3A_1545] : memref<65536x128xf32, #tpu.memory_space<hbm>> -> memref<128x128xf32, #tpu.memory_space<hbm>>
      tpu.wait_dma2 semaphore(%run_scoped3A : memref<!tpu.dma_semaphore, #tpu.memory_space<semaphore_mem>>) src(%arg20 : memref<128x128xf32, #tpu.memory_space<vmem>>) dst(%dma_wait3A_1546 : memref<128x128xf32, #tpu.memory_space<hbm>>)
      tpu.yield
    }) : () -> ()
    %dma_start3A_1312 = arith.constant 1280 : i32
    %dma_start3A_1313 = tpu.memref_slice %arg14[%dma_start3A_1312] : memref<2048xi32, #tpu.memory_space<vmem>> -> memref<128xi32, #tpu.memory_space<vmem>>
    %dma_start3A_1314 = arith.constant 0 : i32
    %dma_start3A_1315 = arith.constant 0 : i32
    %dma_start3A_1316 = tpu.memref_slice %arg6[%dma_start3A_1314, %dma_start3A_1315] : memref<50000x128xf32, #tpu.memory_space<hbm>> -> memref<50000x128xf32, #tpu.memory_space<hbm>>
    tpu.enqueue_indirect_dma source(%dma_start3A_1316 : memref<50000x128xf32, #tpu.memory_space<hbm>>) target(%arg20 : memref<128x128xf32, #tpu.memory_space<vmem>>) offsets(%dma_start3A_1313 : memref<128xi32, #tpu.memory_space<vmem>>) semaphore(%arg30 : memref<!tpu.dma_semaphore, #tpu.memory_space<semaphore_mem>>)
    %dma_wait3A_1317 = arith.constant 896 : i32
    %dma_wait3A_1318 = tpu.memref_slice %arg14[%dma_wait3A_1317] : memref<2048xi32, #tpu.memory_space<vmem>> -> memref<128xi32, #tpu.memory_space<vmem>>
    %dma_wait3A_1319 = arith.constant 0 : i32
    %dma_wait3A_1320 = arith.constant 0 : i32
    %dma_wait3A_1321 = tpu.memref_slice %arg6[%dma_wait3A_1319, %dma_wait3A_1320] : memref<50000x128xf32, #tpu.memory_space<hbm>> -> memref<50000x128xf32, #tpu.memory_space<hbm>>
    tpu.wait_indirect_dma semaphore(%arg31 : memref<!tpu.dma_semaphore, #tpu.memory_space<semaphore_mem>>) src(%dma_wait3A_1321 : memref<50000x128xf32, #tpu.memory_space<hbm>>) dst(%arg21 : memref<128x128xf32, #tpu.memory_space<vmem>>)
    %add3A_1322 = arith.constant 28672 : i32
    %add3A_1323 = arith.addi %add3A_1322, %mul3A_2 : i32
    "tpu.region"() ({
      %run_scoped3A = tpu.sem_alloc : memref<!tpu.dma_semaphore, #tpu.memory_space<semaphore_mem>>
      %dma_start3A_1539 = arith.constant 0 : i32
      %dma_start3A_1540 = tpu.memref_slice %arg10[%add3A_1323, %dma_start3A_1539] : memref<65536x128xf32, #tpu.memory_space<hbm>> -> memref<128x128xf32, #tpu.memory_space<hbm>>
      %dma_start3A_1541 = arith.constant 0 : i32
      %dma_start3A_1542 = tpu.memref_slice %arg10[%add3A_1323, %dma_start3A_1541] : memref<65536x128xf32, #tpu.memory_space<hbm>> -> memref<128x128xf32, #tpu.memory_space<hbm>>
      tpu.enqueue_dma source(%arg21 : memref<128x128xf32, #tpu.memory_space<vmem>>) target(%dma_start3A_1542 : memref<128x128xf32, #tpu.memory_space<hbm>>) target_semaphore(%run_scoped3A : memref<!tpu.dma_semaphore, #tpu.memory_space<semaphore_mem>>)
      %dma_wait3A_1543 = arith.constant 0 : i32
      %dma_wait3A_1544 = tpu.memref_slice %arg10[%add3A_1323, %dma_wait3A_1543] : memref<65536x128xf32, #tpu.memory_space<hbm>> -> memref<128x128xf32, #tpu.memory_space<hbm>>
      %dma_wait3A_1545 = arith.constant 0 : i32
      %dma_wait3A_1546 = tpu.memref_slice %arg10[%add3A_1323, %dma_wait3A_1545] : memref<65536x128xf32, #tpu.memory_space<hbm>> -> memref<128x128xf32, #tpu.memory_space<hbm>>
      tpu.wait_dma2 semaphore(%run_scoped3A : memref<!tpu.dma_semaphore, #tpu.memory_space<semaphore_mem>>) src(%arg21 : memref<128x128xf32, #tpu.memory_space<vmem>>) dst(%dma_wait3A_1546 : memref<128x128xf32, #tpu.memory_space<hbm>>)
      tpu.yield
    }) : () -> ()
    %dma_start3A_1324 = arith.constant 1408 : i32
    %dma_start3A_1325 = tpu.memref_slice %arg14[%dma_start3A_1324] : memref<2048xi32, #tpu.memory_space<vmem>> -> memref<128xi32, #tpu.memory_space<vmem>>
    %dma_start3A_1326 = arith.constant 0 : i32
    %dma_start3A_1327 = arith.constant 0 : i32
    %dma_start3A_1328 = tpu.memref_slice %arg6[%dma_start3A_1326, %dma_start3A_1327] : memref<50000x128xf32, #tpu.memory_space<hbm>> -> memref<50000x128xf32, #tpu.memory_space<hbm>>
    tpu.enqueue_indirect_dma source(%dma_start3A_1328 : memref<50000x128xf32, #tpu.memory_space<hbm>>) target(%arg21 : memref<128x128xf32, #tpu.memory_space<vmem>>) offsets(%dma_start3A_1325 : memref<128xi32, #tpu.memory_space<vmem>>) semaphore(%arg31 : memref<!tpu.dma_semaphore, #tpu.memory_space<semaphore_mem>>)
    %dma_wait3A_1329 = arith.constant 1024 : i32
    %dma_wait3A_1330 = tpu.memref_slice %arg14[%dma_wait3A_1329] : memref<2048xi32, #tpu.memory_space<vmem>> -> memref<128xi32, #tpu.memory_space<vmem>>
    %dma_wait3A_1331 = arith.constant 0 : i32
    %dma_wait3A_1332 = arith.constant 0 : i32
    %dma_wait3A_1333 = tpu.memref_slice %arg6[%dma_wait3A_1331, %dma_wait3A_1332] : memref<50000x128xf32, #tpu.memory_space<hbm>> -> memref<50000x128xf32, #tpu.memory_space<hbm>>
    tpu.wait_indirect_dma semaphore(%arg28 : memref<!tpu.dma_semaphore, #tpu.memory_space<semaphore_mem>>) src(%dma_wait3A_1333 : memref<50000x128xf32, #tpu.memory_space<hbm>>) dst(%arg18 : memref<128x128xf32, #tpu.memory_space<vmem>>)
    %add3A_1334 = arith.constant 32768 : i32
    %add3A_1335 = arith.addi %add3A_1334, %mul3A_2 : i32
    "tpu.region"() ({
      %run_scoped3A = tpu.sem_alloc : memref<!tpu.dma_semaphore, #tpu.memory_space<semaphore_mem>>
      %dma_start3A_1539 = arith.constant 0 : i32
      %dma_start3A_1540 = tpu.memref_slice %arg10[%add3A_1335, %dma_start3A_1539] : memref<65536x128xf32, #tpu.memory_space<hbm>> -> memref<128x128xf32, #tpu.memory_space<hbm>>
      %dma_start3A_1541 = arith.constant 0 : i32
      %dma_start3A_1542 = tpu.memref_slice %arg10[%add3A_1335, %dma_start3A_1541] : memref<65536x128xf32, #tpu.memory_space<hbm>> -> memref<128x128xf32, #tpu.memory_space<hbm>>
      tpu.enqueue_dma source(%arg18 : memref<128x128xf32, #tpu.memory_space<vmem>>) target(%dma_start3A_1542 : memref<128x128xf32, #tpu.memory_space<hbm>>) target_semaphore(%run_scoped3A : memref<!tpu.dma_semaphore, #tpu.memory_space<semaphore_mem>>)
      %dma_wait3A_1543 = arith.constant 0 : i32
      %dma_wait3A_1544 = tpu.memref_slice %arg10[%add3A_1335, %dma_wait3A_1543] : memref<65536x128xf32, #tpu.memory_space<hbm>> -> memref<128x128xf32, #tpu.memory_space<hbm>>
      %dma_wait3A_1545 = arith.constant 0 : i32
      %dma_wait3A_1546 = tpu.memref_slice %arg10[%add3A_1335, %dma_wait3A_1545] : memref<65536x128xf32, #tpu.memory_space<hbm>> -> memref<128x128xf32, #tpu.memory_space<hbm>>
      tpu.wait_dma2 semaphore(%run_scoped3A : memref<!tpu.dma_semaphore, #tpu.memory_space<semaphore_mem>>) src(%arg18 : memref<128x128xf32, #tpu.memory_space<vmem>>) dst(%dma_wait3A_1546 : memref<128x128xf32, #tpu.memory_space<hbm>>)
      tpu.yield
    }) : () -> ()
    %dma_start3A_1336 = arith.constant 1536 : i32
    %dma_start3A_1337 = tpu.memref_slice %arg14[%dma_start3A_1336] : memref<2048xi32, #tpu.memory_space<vmem>> -> memref<128xi32, #tpu.memory_space<vmem>>
    %dma_start3A_1338 = arith.constant 0 : i32
    %dma_start3A_1339 = arith.constant 0 : i32
    %dma_start3A_1340 = tpu.memref_slice %arg6[%dma_start3A_1338, %dma_start3A_1339] : memref<50000x128xf32, #tpu.memory_space<hbm>> -> memref<50000x128xf32, #tpu.memory_space<hbm>>
    tpu.enqueue_indirect_dma source(%dma_start3A_1340 : memref<50000x128xf32, #tpu.memory_space<hbm>>) target(%arg18 : memref<128x128xf32, #tpu.memory_space<vmem>>) offsets(%dma_start3A_1337 : memref<128xi32, #tpu.memory_space<vmem>>) semaphore(%arg28 : memref<!tpu.dma_semaphore, #tpu.memory_space<semaphore_mem>>)
    %dma_wait3A_1341 = arith.constant 1152 : i32
    %dma_wait3A_1342 = tpu.memref_slice %arg14[%dma_wait3A_1341] : memref<2048xi32, #tpu.memory_space<vmem>> -> memref<128xi32, #tpu.memory_space<vmem>>
    %dma_wait3A_1343 = arith.constant 0 : i32
    %dma_wait3A_1344 = arith.constant 0 : i32
    %dma_wait3A_1345 = tpu.memref_slice %arg6[%dma_wait3A_1343, %dma_wait3A_1344] : memref<50000x128xf32, #tpu.memory_space<hbm>> -> memref<50000x128xf32, #tpu.memory_space<hbm>>
    tpu.wait_indirect_dma semaphore(%arg29 : memref<!tpu.dma_semaphore, #tpu.memory_space<semaphore_mem>>) src(%dma_wait3A_1345 : memref<50000x128xf32, #tpu.memory_space<hbm>>) dst(%arg19 : memref<128x128xf32, #tpu.memory_space<vmem>>)
    %add3A_1346 = arith.constant 36864 : i32
    %add3A_1347 = arith.addi %add3A_1346, %mul3A_2 : i32
    "tpu.region"() ({
      %run_scoped3A = tpu.sem_alloc : memref<!tpu.dma_semaphore, #tpu.memory_space<semaphore_mem>>
      %dma_start3A_1539 = arith.constant 0 : i32
      %dma_start3A_1540 = tpu.memref_slice %arg10[%add3A_1347, %dma_start3A_1539] : memref<65536x128xf32, #tpu.memory_space<hbm>> -> memref<128x128xf32, #tpu.memory_space<hbm>>
      %dma_start3A_1541 = arith.constant 0 : i32
      %dma_start3A_1542 = tpu.memref_slice %arg10[%add3A_1347, %dma_start3A_1541] : memref<65536x128xf32, #tpu.memory_space<hbm>> -> memref<128x128xf32, #tpu.memory_space<hbm>>
      tpu.enqueue_dma source(%arg19 : memref<128x128xf32, #tpu.memory_space<vmem>>) target(%dma_start3A_1542 : memref<128x128xf32, #tpu.memory_space<hbm>>) target_semaphore(%run_scoped3A : memref<!tpu.dma_semaphore, #tpu.memory_space<semaphore_mem>>)
      %dma_wait3A_1543 = arith.constant 0 : i32
      %dma_wait3A_1544 = tpu.memref_slice %arg10[%add3A_1347, %dma_wait3A_1543] : memref<65536x128xf32, #tpu.memory_space<hbm>> -> memref<128x128xf32, #tpu.memory_space<hbm>>
      %dma_wait3A_1545 = arith.constant 0 : i32
      %dma_wait3A_1546 = tpu.memref_slice %arg10[%add3A_1347, %dma_wait3A_1545] : memref<65536x128xf32, #tpu.memory_space<hbm>> -> memref<128x128xf32, #tpu.memory_space<hbm>>
      tpu.wait_dma2 semaphore(%run_scoped3A : memref<!tpu.dma_semaphore, #tpu.memory_space<semaphore_mem>>) src(%arg19 : memref<128x128xf32, #tpu.memory_space<vmem>>) dst(%dma_wait3A_1546 : memref<128x128xf32, #tpu.memory_space<hbm>>)
      tpu.yield
    }) : () -> ()
    %dma_start3A_1348 = arith.constant 1664 : i32
    %dma_start3A_1349 = tpu.memref_slice %arg14[%dma_start3A_1348] : memref<2048xi32, #tpu.memory_space<vmem>> -> memref<128xi32, #tpu.memory_space<vmem>>
    %dma_start3A_1350 = arith.constant 0 : i32
    %dma_start3A_1351 = arith.constant 0 : i32
    %dma_start3A_1352 = tpu.memref_slice %arg6[%dma_start3A_1350, %dma_start3A_1351] : memref<50000x128xf32, #tpu.memory_space<hbm>> -> memref<50000x128xf32, #tpu.memory_space<hbm>>
    tpu.enqueue_indirect_dma source(%dma_start3A_1352 : memref<50000x128xf32, #tpu.memory_space<hbm>>) target(%arg19 : memref<128x128xf32, #tpu.memory_space<vmem>>) offsets(%dma_start3A_1349 : memref<128xi32, #tpu.memory_space<vmem>>) semaphore(%arg29 : memref<!tpu.dma_semaphore, #tpu.memory_space<semaphore_mem>>)
    %dma_wait3A_1353 = arith.constant 1280 : i32
    %dma_wait3A_1354 = tpu.memref_slice %arg14[%dma_wait3A_1353] : memref<2048xi32, #tpu.memory_space<vmem>> -> memref<128xi32, #tpu.memory_space<vmem>>
    %dma_wait3A_1355 = arith.constant 0 : i32
    %dma_wait3A_1356 = arith.constant 0 : i32
    %dma_wait3A_1357 = tpu.memref_slice %arg6[%dma_wait3A_1355, %dma_wait3A_1356] : memref<50000x128xf32, #tpu.memory_space<hbm>> -> memref<50000x128xf32, #tpu.memory_space<hbm>>
    tpu.wait_indirect_dma semaphore(%arg30 : memref<!tpu.dma_semaphore, #tpu.memory_space<semaphore_mem>>) src(%dma_wait3A_1357 : memref<50000x128xf32, #tpu.memory_space<hbm>>) dst(%arg20 : memref<128x128xf32, #tpu.memory_space<vmem>>)
    %add3A_1358 = arith.constant 40960 : i32
    %add3A_1359 = arith.addi %add3A_1358, %mul3A_2 : i32
    "tpu.region"() ({
      %run_scoped3A = tpu.sem_alloc : memref<!tpu.dma_semaphore, #tpu.memory_space<semaphore_mem>>
      %dma_start3A_1539 = arith.constant 0 : i32
      %dma_start3A_1540 = tpu.memref_slice %arg10[%add3A_1359, %dma_start3A_1539] : memref<65536x128xf32, #tpu.memory_space<hbm>> -> memref<128x128xf32, #tpu.memory_space<hbm>>
      %dma_start3A_1541 = arith.constant 0 : i32
      %dma_start3A_1542 = tpu.memref_slice %arg10[%add3A_1359, %dma_start3A_1541] : memref<65536x128xf32, #tpu.memory_space<hbm>> -> memref<128x128xf32, #tpu.memory_space<hbm>>
      tpu.enqueue_dma source(%arg20 : memref<128x128xf32, #tpu.memory_space<vmem>>) target(%dma_start3A_1542 : memref<128x128xf32, #tpu.memory_space<hbm>>) target_semaphore(%run_scoped3A : memref<!tpu.dma_semaphore, #tpu.memory_space<semaphore_mem>>)
      %dma_wait3A_1543 = arith.constant 0 : i32
      %dma_wait3A_1544 = tpu.memref_slice %arg10[%add3A_1359, %dma_wait3A_1543] : memref<65536x128xf32, #tpu.memory_space<hbm>> -> memref<128x128xf32, #tpu.memory_space<hbm>>
      %dma_wait3A_1545 = arith.constant 0 : i32
      %dma_wait3A_1546 = tpu.memref_slice %arg10[%add3A_1359, %dma_wait3A_1545] : memref<65536x128xf32, #tpu.memory_space<hbm>> -> memref<128x128xf32, #tpu.memory_space<hbm>>
      tpu.wait_dma2 semaphore(%run_scoped3A : memref<!tpu.dma_semaphore, #tpu.memory_space<semaphore_mem>>) src(%arg20 : memref<128x128xf32, #tpu.memory_space<vmem>>) dst(%dma_wait3A_1546 : memref<128x128xf32, #tpu.memory_space<hbm>>)
      tpu.yield
    }) : () -> ()
    %dma_start3A_1360 = arith.constant 1792 : i32
    %dma_start3A_1361 = tpu.memref_slice %arg14[%dma_start3A_1360] : memref<2048xi32, #tpu.memory_space<vmem>> -> memref<128xi32, #tpu.memory_space<vmem>>
    %dma_start3A_1362 = arith.constant 0 : i32
    %dma_start3A_1363 = arith.constant 0 : i32
    %dma_start3A_1364 = tpu.memref_slice %arg6[%dma_start3A_1362, %dma_start3A_1363] : memref<50000x128xf32, #tpu.memory_space<hbm>> -> memref<50000x128xf32, #tpu.memory_space<hbm>>
    tpu.enqueue_indirect_dma source(%dma_start3A_1364 : memref<50000x128xf32, #tpu.memory_space<hbm>>) target(%arg20 : memref<128x128xf32, #tpu.memory_space<vmem>>) offsets(%dma_start3A_1361 : memref<128xi32, #tpu.memory_space<vmem>>) semaphore(%arg30 : memref<!tpu.dma_semaphore, #tpu.memory_space<semaphore_mem>>)
    %dma_wait3A_1365 = arith.constant 1408 : i32
    %dma_wait3A_1366 = tpu.memref_slice %arg14[%dma_wait3A_1365] : memref<2048xi32, #tpu.memory_space<vmem>> -> memref<128xi32, #tpu.memory_space<vmem>>
    %dma_wait3A_1367 = arith.constant 0 : i32
    %dma_wait3A_1368 = arith.constant 0 : i32
    %dma_wait3A_1369 = tpu.memref_slice %arg6[%dma_wait3A_1367, %dma_wait3A_1368] : memref<50000x128xf32, #tpu.memory_space<hbm>> -> memref<50000x128xf32, #tpu.memory_space<hbm>>
    tpu.wait_indirect_dma semaphore(%arg31 : memref<!tpu.dma_semaphore, #tpu.memory_space<semaphore_mem>>) src(%dma_wait3A_1369 : memref<50000x128xf32, #tpu.memory_space<hbm>>) dst(%arg21 : memref<128x128xf32, #tpu.memory_space<vmem>>)
    %add3A_1370 = arith.constant 45056 : i32
    %add3A_1371 = arith.addi %add3A_1370, %mul3A_2 : i32
    "tpu.region"() ({
      %run_scoped3A = tpu.sem_alloc : memref<!tpu.dma_semaphore, #tpu.memory_space<semaphore_mem>>
      %dma_start3A_1539 = arith.constant 0 : i32
      %dma_start3A_1540 = tpu.memref_slice %arg10[%add3A_1371, %dma_start3A_1539] : memref<65536x128xf32, #tpu.memory_space<hbm>> -> memref<128x128xf32, #tpu.memory_space<hbm>>
      %dma_start3A_1541 = arith.constant 0 : i32
      %dma_start3A_1542 = tpu.memref_slice %arg10[%add3A_1371, %dma_start3A_1541] : memref<65536x128xf32, #tpu.memory_space<hbm>> -> memref<128x128xf32, #tpu.memory_space<hbm>>
      tpu.enqueue_dma source(%arg21 : memref<128x128xf32, #tpu.memory_space<vmem>>) target(%dma_start3A_1542 : memref<128x128xf32, #tpu.memory_space<hbm>>) target_semaphore(%run_scoped3A : memref<!tpu.dma_semaphore, #tpu.memory_space<semaphore_mem>>)
      %dma_wait3A_1543 = arith.constant 0 : i32
      %dma_wait3A_1544 = tpu.memref_slice %arg10[%add3A_1371, %dma_wait3A_1543] : memref<65536x128xf32, #tpu.memory_space<hbm>> -> memref<128x128xf32, #tpu.memory_space<hbm>>
      %dma_wait3A_1545 = arith.constant 0 : i32
      %dma_wait3A_1546 = tpu.memref_slice %arg10[%add3A_1371, %dma_wait3A_1545] : memref<65536x128xf32, #tpu.memory_space<hbm>> -> memref<128x128xf32, #tpu.memory_space<hbm>>
      tpu.wait_dma2 semaphore(%run_scoped3A : memref<!tpu.dma_semaphore, #tpu.memory_space<semaphore_mem>>) src(%arg21 : memref<128x128xf32, #tpu.memory_space<vmem>>) dst(%dma_wait3A_1546 : memref<128x128xf32, #tpu.memory_space<hbm>>)
      tpu.yield
    }) : () -> ()
    %dma_start3A_1372 = arith.constant 1920 : i32
    %dma_start3A_1373 = tpu.memref_slice %arg14[%dma_start3A_1372] : memref<2048xi32, #tpu.memory_space<vmem>> -> memref<128xi32, #tpu.memory_space<vmem>>
    %dma_start3A_1374 = arith.constant 0 : i32
    %dma_start3A_1375 = arith.constant 0 : i32
    %dma_start3A_1376 = tpu.memref_slice %arg6[%dma_start3A_1374, %dma_start3A_1375] : memref<50000x128xf32, #tpu.memory_space<hbm>> -> memref<50000x128xf32, #tpu.memory_space<hbm>>
    tpu.enqueue_indirect_dma source(%dma_start3A_1376 : memref<50000x128xf32, #tpu.memory_space<hbm>>) target(%arg21 : memref<128x128xf32, #tpu.memory_space<vmem>>) offsets(%dma_start3A_1373 : memref<128xi32, #tpu.memory_space<vmem>>) semaphore(%arg31 : memref<!tpu.dma_semaphore, #tpu.memory_space<semaphore_mem>>)
    %dma_wait3A_1377 = arith.constant 0 : i32
    %dma_wait3A_1378 = tpu.memref_slice %arg15[%dma_wait3A_1377] : memref<2048xi32, #tpu.memory_space<vmem>> -> memref<128xi32, #tpu.memory_space<vmem>>
    %dma_wait3A_1379 = arith.constant 0 : i32
    %dma_wait3A_1380 = tpu.memref_slice %arg13[%dma_wait3A_1379] : memref<2048xi32, #tpu.memory_space<vmem>> -> memref<128xi32, #tpu.memory_space<vmem>>
    %dma_wait3A_1381 = arith.constant 0 : i32
    %dma_wait3A_1382 = tpu.memref_slice %arg5[%dma_wait3A_1381] : memref<800000xi32, #tpu.memory_space<hbm>> -> memref<800000xi32, #tpu.memory_space<hbm>>
    tpu.wait_indirect_dma semaphore(%arg26 : memref<!tpu.dma_semaphore, #tpu.memory_space<semaphore_mem>>) src(%dma_wait3A_1382 : memref<800000xi32, #tpu.memory_space<hbm>>) dst(%dma_wait3A_1378 : memref<128xi32, #tpu.memory_space<vmem>>)
    %dma_wait3A_1383 = arith.constant 128 : i32
    %dma_wait3A_1384 = tpu.memref_slice %arg15[%dma_wait3A_1383] : memref<2048xi32, #tpu.memory_space<vmem>> -> memref<128xi32, #tpu.memory_space<vmem>>
    %dma_wait3A_1385 = arith.constant 128 : i32
    %dma_wait3A_1386 = tpu.memref_slice %arg13[%dma_wait3A_1385] : memref<2048xi32, #tpu.memory_space<vmem>> -> memref<128xi32, #tpu.memory_space<vmem>>
    %dma_wait3A_1387 = arith.constant 0 : i32
    %dma_wait3A_1388 = tpu.memref_slice %arg5[%dma_wait3A_1387] : memref<800000xi32, #tpu.memory_space<hbm>> -> memref<800000xi32, #tpu.memory_space<hbm>>
    tpu.wait_indirect_dma semaphore(%arg26 : memref<!tpu.dma_semaphore, #tpu.memory_space<semaphore_mem>>) src(%dma_wait3A_1388 : memref<800000xi32, #tpu.memory_space<hbm>>) dst(%dma_wait3A_1384 : memref<128xi32, #tpu.memory_space<vmem>>)
    %dma_wait3A_1389 = arith.constant 256 : i32
    %dma_wait3A_1390 = tpu.memref_slice %arg15[%dma_wait3A_1389] : memref<2048xi32, #tpu.memory_space<vmem>> -> memref<128xi32, #tpu.memory_space<vmem>>
    %dma_wait3A_1391 = arith.constant 256 : i32
    %dma_wait3A_1392 = tpu.memref_slice %arg13[%dma_wait3A_1391] : memref<2048xi32, #tpu.memory_space<vmem>> -> memref<128xi32, #tpu.memory_space<vmem>>
    %dma_wait3A_1393 = arith.constant 0 : i32
    %dma_wait3A_1394 = tpu.memref_slice %arg5[%dma_wait3A_1393] : memref<800000xi32, #tpu.memory_space<hbm>> -> memref<800000xi32, #tpu.memory_space<hbm>>
    tpu.wait_indirect_dma semaphore(%arg26 : memref<!tpu.dma_semaphore, #tpu.memory_space<semaphore_mem>>) src(%dma_wait3A_1394 : memref<800000xi32, #tpu.memory_space<hbm>>) dst(%dma_wait3A_1390 : memref<128xi32, #tpu.memory_space<vmem>>)
    %dma_wait3A_1395 = arith.constant 384 : i32
    %dma_wait3A_1396 = tpu.memref_slice %arg15[%dma_wait3A_1395] : memref<2048xi32, #tpu.memory_space<vmem>> -> memref<128xi32, #tpu.memory_space<vmem>>
    %dma_wait3A_1397 = arith.constant 384 : i32
    %dma_wait3A_1398 = tpu.memref_slice %arg13[%dma_wait3A_1397] : memref<2048xi32, #tpu.memory_space<vmem>> -> memref<128xi32, #tpu.memory_space<vmem>>
    %dma_wait3A_1399 = arith.constant 0 : i32
    %dma_wait3A_1400 = tpu.memref_slice %arg5[%dma_wait3A_1399] : memref<800000xi32, #tpu.memory_space<hbm>> -> memref<800000xi32, #tpu.memory_space<hbm>>
    tpu.wait_indirect_dma semaphore(%arg26 : memref<!tpu.dma_semaphore, #tpu.memory_space<semaphore_mem>>) src(%dma_wait3A_1400 : memref<800000xi32, #tpu.memory_space<hbm>>) dst(%dma_wait3A_1396 : memref<128xi32, #tpu.memory_space<vmem>>)
    %dma_wait3A_1401 = arith.constant 512 : i32
    %dma_wait3A_1402 = tpu.memref_slice %arg15[%dma_wait3A_1401] : memref<2048xi32, #tpu.memory_space<vmem>> -> memref<128xi32, #tpu.memory_space<vmem>>
    %dma_wait3A_1403 = arith.constant 512 : i32
    %dma_wait3A_1404 = tpu.memref_slice %arg13[%dma_wait3A_1403] : memref<2048xi32, #tpu.memory_space<vmem>> -> memref<128xi32, #tpu.memory_space<vmem>>
    %dma_wait3A_1405 = arith.constant 0 : i32
    %dma_wait3A_1406 = tpu.memref_slice %arg5[%dma_wait3A_1405] : memref<800000xi32, #tpu.memory_space<hbm>> -> memref<800000xi32, #tpu.memory_space<hbm>>
    tpu.wait_indirect_dma semaphore(%arg26 : memref<!tpu.dma_semaphore, #tpu.memory_space<semaphore_mem>>) src(%dma_wait3A_1406 : memref<800000xi32, #tpu.memory_space<hbm>>) dst(%dma_wait3A_1402 : memref<128xi32, #tpu.memory_space<vmem>>)
    %dma_wait3A_1407 = arith.constant 640 : i32
    %dma_wait3A_1408 = tpu.memref_slice %arg15[%dma_wait3A_1407] : memref<2048xi32, #tpu.memory_space<vmem>> -> memref<128xi32, #tpu.memory_space<vmem>>
    %dma_wait3A_1409 = arith.constant 640 : i32
    %dma_wait3A_1410 = tpu.memref_slice %arg13[%dma_wait3A_1409] : memref<2048xi32, #tpu.memory_space<vmem>> -> memref<128xi32, #tpu.memory_space<vmem>>
    %dma_wait3A_1411 = arith.constant 0 : i32
    %dma_wait3A_1412 = tpu.memref_slice %arg5[%dma_wait3A_1411] : memref<800000xi32, #tpu.memory_space<hbm>> -> memref<800000xi32, #tpu.memory_space<hbm>>
    tpu.wait_indirect_dma semaphore(%arg26 : memref<!tpu.dma_semaphore, #tpu.memory_space<semaphore_mem>>) src(%dma_wait3A_1412 : memref<800000xi32, #tpu.memory_space<hbm>>) dst(%dma_wait3A_1408 : memref<128xi32, #tpu.memory_space<vmem>>)
    %dma_wait3A_1413 = arith.constant 768 : i32
    %dma_wait3A_1414 = tpu.memref_slice %arg15[%dma_wait3A_1413] : memref<2048xi32, #tpu.memory_space<vmem>> -> memref<128xi32, #tpu.memory_space<vmem>>
    %dma_wait3A_1415 = arith.constant 768 : i32
    %dma_wait3A_1416 = tpu.memref_slice %arg13[%dma_wait3A_1415] : memref<2048xi32, #tpu.memory_space<vmem>> -> memref<128xi32, #tpu.memory_space<vmem>>
    %dma_wait3A_1417 = arith.constant 0 : i32
    %dma_wait3A_1418 = tpu.memref_slice %arg5[%dma_wait3A_1417] : memref<800000xi32, #tpu.memory_space<hbm>> -> memref<800000xi32, #tpu.memory_space<hbm>>
    tpu.wait_indirect_dma semaphore(%arg26 : memref<!tpu.dma_semaphore, #tpu.memory_space<semaphore_mem>>) src(%dma_wait3A_1418 : memref<800000xi32, #tpu.memory_space<hbm>>) dst(%dma_wait3A_1414 : memref<128xi32, #tpu.memory_space<vmem>>)
    %dma_wait3A_1419 = arith.constant 896 : i32
    %dma_wait3A_1420 = tpu.memref_slice %arg15[%dma_wait3A_1419] : memref<2048xi32, #tpu.memory_space<vmem>> -> memref<128xi32, #tpu.memory_space<vmem>>
    %dma_wait3A_1421 = arith.constant 896 : i32
    %dma_wait3A_1422 = tpu.memref_slice %arg13[%dma_wait3A_1421] : memref<2048xi32, #tpu.memory_space<vmem>> -> memref<128xi32, #tpu.memory_space<vmem>>
    %dma_wait3A_1423 = arith.constant 0 : i32
    %dma_wait3A_1424 = tpu.memref_slice %arg5[%dma_wait3A_1423] : memref<800000xi32, #tpu.memory_space<hbm>> -> memref<800000xi32, #tpu.memory_space<hbm>>
    tpu.wait_indirect_dma semaphore(%arg26 : memref<!tpu.dma_semaphore, #tpu.memory_space<semaphore_mem>>) src(%dma_wait3A_1424 : memref<800000xi32, #tpu.memory_space<hbm>>) dst(%dma_wait3A_1420 : memref<128xi32, #tpu.memory_space<vmem>>)
    %dma_wait3A_1425 = arith.constant 1024 : i32
    %dma_wait3A_1426 = tpu.memref_slice %arg15[%dma_wait3A_1425] : memref<2048xi32, #tpu.memory_space<vmem>> -> memref<128xi32, #tpu.memory_space<vmem>>
    %dma_wait3A_1427 = arith.constant 1024 : i32
    %dma_wait3A_1428 = tpu.memref_slice %arg13[%dma_wait3A_1427] : memref<2048xi32, #tpu.memory_space<vmem>> -> memref<128xi32, #tpu.memory_space<vmem>>
    %dma_wait3A_1429 = arith.constant 0 : i32
    %dma_wait3A_1430 = tpu.memref_slice %arg5[%dma_wait3A_1429] : memref<800000xi32, #tpu.memory_space<hbm>> -> memref<800000xi32, #tpu.memory_space<hbm>>
    tpu.wait_indirect_dma semaphore(%arg26 : memref<!tpu.dma_semaphore, #tpu.memory_space<semaphore_mem>>) src(%dma_wait3A_1430 : memref<800000xi32, #tpu.memory_space<hbm>>) dst(%dma_wait3A_1426 : memref<128xi32, #tpu.memory_space<vmem>>)
    %dma_wait3A_1431 = arith.constant 1152 : i32
    %dma_wait3A_1432 = tpu.memref_slice %arg15[%dma_wait3A_1431] : memref<2048xi32, #tpu.memory_space<vmem>> -> memref<128xi32, #tpu.memory_space<vmem>>
    %dma_wait3A_1433 = arith.constant 1152 : i32
    %dma_wait3A_1434 = tpu.memref_slice %arg13[%dma_wait3A_1433] : memref<2048xi32, #tpu.memory_space<vmem>> -> memref<128xi32, #tpu.memory_space<vmem>>
    %dma_wait3A_1435 = arith.constant 0 : i32
    %dma_wait3A_1436 = tpu.memref_slice %arg5[%dma_wait3A_1435] : memref<800000xi32, #tpu.memory_space<hbm>> -> memref<800000xi32, #tpu.memory_space<hbm>>
    tpu.wait_indirect_dma semaphore(%arg26 : memref<!tpu.dma_semaphore, #tpu.memory_space<semaphore_mem>>) src(%dma_wait3A_1436 : memref<800000xi32, #tpu.memory_space<hbm>>) dst(%dma_wait3A_1432 : memref<128xi32, #tpu.memory_space<vmem>>)
    %dma_wait3A_1437 = arith.constant 1280 : i32
    %dma_wait3A_1438 = tpu.memref_slice %arg15[%dma_wait3A_1437] : memref<2048xi32, #tpu.memory_space<vmem>> -> memref<128xi32, #tpu.memory_space<vmem>>
    %dma_wait3A_1439 = arith.constant 1280 : i32
    %dma_wait3A_1440 = tpu.memref_slice %arg13[%dma_wait3A_1439] : memref<2048xi32, #tpu.memory_space<vmem>> -> memref<128xi32, #tpu.memory_space<vmem>>
    %dma_wait3A_1441 = arith.constant 0 : i32
    %dma_wait3A_1442 = tpu.memref_slice %arg5[%dma_wait3A_1441] : memref<800000xi32, #tpu.memory_space<hbm>> -> memref<800000xi32, #tpu.memory_space<hbm>>
    tpu.wait_indirect_dma semaphore(%arg26 : memref<!tpu.dma_semaphore, #tpu.memory_space<semaphore_mem>>) src(%dma_wait3A_1442 : memref<800000xi32, #tpu.memory_space<hbm>>) dst(%dma_wait3A_1438 : memref<128xi32, #tpu.memory_space<vmem>>)
    %dma_wait3A_1443 = arith.constant 1408 : i32
    %dma_wait3A_1444 = tpu.memref_slice %arg15[%dma_wait3A_1443] : memref<2048xi32, #tpu.memory_space<vmem>> -> memref<128xi32, #tpu.memory_space<vmem>>
    %dma_wait3A_1445 = arith.constant 1408 : i32
    %dma_wait3A_1446 = tpu.memref_slice %arg13[%dma_wait3A_1445] : memref<2048xi32, #tpu.memory_space<vmem>> -> memref<128xi32, #tpu.memory_space<vmem>>
    %dma_wait3A_1447 = arith.constant 0 : i32
    %dma_wait3A_1448 = tpu.memref_slice %arg5[%dma_wait3A_1447] : memref<800000xi32, #tpu.memory_space<hbm>> -> memref<800000xi32, #tpu.memory_space<hbm>>
    tpu.wait_indirect_dma semaphore(%arg26 : memref<!tpu.dma_semaphore, #tpu.memory_space<semaphore_mem>>) src(%dma_wait3A_1448 : memref<800000xi32, #tpu.memory_space<hbm>>) dst(%dma_wait3A_1444 : memref<128xi32, #tpu.memory_space<vmem>>)
    %dma_wait3A_1449 = arith.constant 1536 : i32
    %dma_wait3A_1450 = tpu.memref_slice %arg15[%dma_wait3A_1449] : memref<2048xi32, #tpu.memory_space<vmem>> -> memref<128xi32, #tpu.memory_space<vmem>>
    %dma_wait3A_1451 = arith.constant 1536 : i32
    %dma_wait3A_1452 = tpu.memref_slice %arg13[%dma_wait3A_1451] : memref<2048xi32, #tpu.memory_space<vmem>> -> memref<128xi32, #tpu.memory_space<vmem>>
    %dma_wait3A_1453 = arith.constant 0 : i32
    %dma_wait3A_1454 = tpu.memref_slice %arg5[%dma_wait3A_1453] : memref<800000xi32, #tpu.memory_space<hbm>> -> memref<800000xi32, #tpu.memory_space<hbm>>
    tpu.wait_indirect_dma semaphore(%arg26 : memref<!tpu.dma_semaphore, #tpu.memory_space<semaphore_mem>>) src(%dma_wait3A_1454 : memref<800000xi32, #tpu.memory_space<hbm>>) dst(%dma_wait3A_1450 : memref<128xi32, #tpu.memory_space<vmem>>)
    %dma_wait3A_1455 = arith.constant 1664 : i32
    %dma_wait3A_1456 = tpu.memref_slice %arg15[%dma_wait3A_1455] : memref<2048xi32, #tpu.memory_space<vmem>> -> memref<128xi32, #tpu.memory_space<vmem>>
    %dma_wait3A_1457 = arith.constant 1664 : i32
    %dma_wait3A_1458 = tpu.memref_slice %arg13[%dma_wait3A_1457] : memref<2048xi32, #tpu.memory_space<vmem>> -> memref<128xi32, #tpu.memory_space<vmem>>
    %dma_wait3A_1459 = arith.constant 0 : i32
    %dma_wait3A_1460 = tpu.memref_slice %arg5[%dma_wait3A_1459] : memref<800000xi32, #tpu.memory_space<hbm>> -> memref<800000xi32, #tpu.memory_space<hbm>>
    tpu.wait_indirect_dma semaphore(%arg26 : memref<!tpu.dma_semaphore, #tpu.memory_space<semaphore_mem>>) src(%dma_wait3A_1460 : memref<800000xi32, #tpu.memory_space<hbm>>) dst(%dma_wait3A_1456 : memref<128xi32, #tpu.memory_space<vmem>>)
    %dma_wait3A_1461 = arith.constant 1792 : i32
    %dma_wait3A_1462 = tpu.memref_slice %arg15[%dma_wait3A_1461] : memref<2048xi32, #tpu.memory_space<vmem>> -> memref<128xi32, #tpu.memory_space<vmem>>
    %dma_wait3A_1463 = arith.constant 1792 : i32
    %dma_wait3A_1464 = tpu.memref_slice %arg13[%dma_wait3A_1463] : memref<2048xi32, #tpu.memory_space<vmem>> -> memref<128xi32, #tpu.memory_space<vmem>>
    %dma_wait3A_1465 = arith.constant 0 : i32
    %dma_wait3A_1466 = tpu.memref_slice %arg5[%dma_wait3A_1465] : memref<800000xi32, #tpu.memory_space<hbm>> -> memref<800000xi32, #tpu.memory_space<hbm>>
    tpu.wait_indirect_dma semaphore(%arg26 : memref<!tpu.dma_semaphore, #tpu.memory_space<semaphore_mem>>) src(%dma_wait3A_1466 : memref<800000xi32, #tpu.memory_space<hbm>>) dst(%dma_wait3A_1462 : memref<128xi32, #tpu.memory_space<vmem>>)
    %dma_wait3A_1467 = arith.constant 1920 : i32
    %dma_wait3A_1468 = tpu.memref_slice %arg15[%dma_wait3A_1467] : memref<2048xi32, #tpu.memory_space<vmem>> -> memref<128xi32, #tpu.memory_space<vmem>>
    %dma_wait3A_1469 = arith.constant 1920 : i32
    %dma_wait3A_1470 = tpu.memref_slice %arg13[%dma_wait3A_1469] : memref<2048xi32, #tpu.memory_space<vmem>> -> memref<128xi32, #tpu.memory_space<vmem>>
    %dma_wait3A_1471 = arith.constant 0 : i32
    %dma_wait3A_1472 = tpu.memref_slice %arg5[%dma_wait3A_1471] : memref<800000xi32, #tpu.memory_space<hbm>> -> memref<800000xi32, #tpu.memory_space<hbm>>
    tpu.wait_indirect_dma semaphore(%arg26 : memref<!tpu.dma_semaphore, #tpu.memory_space<semaphore_mem>>) src(%dma_wait3A_1472 : memref<800000xi32, #tpu.memory_space<hbm>>) dst(%dma_wait3A_1468 : memref<128xi32, #tpu.memory_space<vmem>>)
    %add3A_1473 = arith.constant 0 : i32
    %add3A_1474 = arith.addi %add3A_1473, %mul3A_2 : i32
    "tpu.region"() ({
      %run_scoped3A = tpu.sem_alloc : memref<!tpu.dma_semaphore, #tpu.memory_space<semaphore_mem>>
      %dma_start3A_1539 = arith.constant 0 : i32
      %dma_start3A_1540 = tpu.memref_slice %arg15[%dma_start3A_1539] : memref<2048xi32, #tpu.memory_space<vmem>> -> memref<128xi32, #tpu.memory_space<vmem>>
      %dma_start3A_1541 = tpu.memref_slice %arg7[%add3A_1474] : memref<65536xi32, #tpu.memory_space<hbm>> -> memref<128xi32, #tpu.memory_space<hbm>>
      %dma_start3A_1542 = tpu.memref_slice %arg7[%add3A_1474] : memref<65536xi32, #tpu.memory_space<hbm>> -> memref<128xi32, #tpu.memory_space<hbm>>
      %dma_start3A_1543 = arith.constant 0 : i32
      %dma_start3A_1544 = tpu.memref_slice %arg15[%dma_start3A_1543] : memref<2048xi32, #tpu.memory_space<vmem>> -> memref<128xi32, #tpu.memory_space<vmem>>
      tpu.enqueue_dma source(%dma_start3A_1544 : memref<128xi32, #tpu.memory_space<vmem>>) target(%dma_start3A_1542 : memref<128xi32, #tpu.memory_space<hbm>>) target_semaphore(%run_scoped3A : memref<!tpu.dma_semaphore, #tpu.memory_space<semaphore_mem>>)
      %dma_wait3A_1545 = arith.constant 0 : i32
      %dma_wait3A_1546 = tpu.memref_slice %arg15[%dma_wait3A_1545] : memref<2048xi32, #tpu.memory_space<vmem>> -> memref<128xi32, #tpu.memory_space<vmem>>
      %dma_wait3A_1547 = tpu.memref_slice %arg7[%add3A_1474] : memref<65536xi32, #tpu.memory_space<hbm>> -> memref<128xi32, #tpu.memory_space<hbm>>
      %dma_wait3A_1548 = tpu.memref_slice %arg7[%add3A_1474] : memref<65536xi32, #tpu.memory_space<hbm>> -> memref<128xi32, #tpu.memory_space<hbm>>
      %dma_wait3A_1549 = arith.constant 0 : i32
      %dma_wait3A_1550 = tpu.memref_slice %arg15[%dma_wait3A_1549] : memref<2048xi32, #tpu.memory_space<vmem>> -> memref<128xi32, #tpu.memory_space<vmem>>
      tpu.wait_dma2 semaphore(%run_scoped3A : memref<!tpu.dma_semaphore, #tpu.memory_space<semaphore_mem>>) src(%dma_wait3A_1550 : memref<128xi32, #tpu.memory_space<vmem>>) dst(%dma_wait3A_1548 : memref<128xi32, #tpu.memory_space<hbm>>)
      tpu.yield
    }) : () -> ()
    %add3A_1475 = arith.constant 4096 : i32
    %add3A_1476 = arith.addi %add3A_1475, %mul3A_2 : i32
    "tpu.region"() ({
      %run_scoped3A = tpu.sem_alloc : memref<!tpu.dma_semaphore, #tpu.memory_space<semaphore_mem>>
      %dma_start3A_1539 = arith.constant 128 : i32
      %dma_start3A_1540 = tpu.memref_slice %arg15[%dma_start3A_1539] : memref<2048xi32, #tpu.memory_space<vmem>> -> memref<128xi32, #tpu.memory_space<vmem>>
      %dma_start3A_1541 = tpu.memref_slice %arg7[%add3A_1476] : memref<65536xi32, #tpu.memory_space<hbm>> -> memref<128xi32, #tpu.memory_space<hbm>>
      %dma_start3A_1542 = tpu.memref_slice %arg7[%add3A_1476] : memref<65536xi32, #tpu.memory_space<hbm>> -> memref<128xi32, #tpu.memory_space<hbm>>
      %dma_start3A_1543 = arith.constant 128 : i32
      %dma_start3A_1544 = tpu.memref_slice %arg15[%dma_start3A_1543] : memref<2048xi32, #tpu.memory_space<vmem>> -> memref<128xi32, #tpu.memory_space<vmem>>
      tpu.enqueue_dma source(%dma_start3A_1544 : memref<128xi32, #tpu.memory_space<vmem>>) target(%dma_start3A_1542 : memref<128xi32, #tpu.memory_space<hbm>>) target_semaphore(%run_scoped3A : memref<!tpu.dma_semaphore, #tpu.memory_space<semaphore_mem>>)
      %dma_wait3A_1545 = arith.constant 128 : i32
      %dma_wait3A_1546 = tpu.memref_slice %arg15[%dma_wait3A_1545] : memref<2048xi32, #tpu.memory_space<vmem>> -> memref<128xi32, #tpu.memory_space<vmem>>
      %dma_wait3A_1547 = tpu.memref_slice %arg7[%add3A_1476] : memref<65536xi32, #tpu.memory_space<hbm>> -> memref<128xi32, #tpu.memory_space<hbm>>
      %dma_wait3A_1548 = tpu.memref_slice %arg7[%add3A_1476] : memref<65536xi32, #tpu.memory_space<hbm>> -> memref<128xi32, #tpu.memory_space<hbm>>
      %dma_wait3A_1549 = arith.constant 128 : i32
      %dma_wait3A_1550 = tpu.memref_slice %arg15[%dma_wait3A_1549] : memref<2048xi32, #tpu.memory_space<vmem>> -> memref<128xi32, #tpu.memory_space<vmem>>
      tpu.wait_dma2 semaphore(%run_scoped3A : memref<!tpu.dma_semaphore, #tpu.memory_space<semaphore_mem>>) src(%dma_wait3A_1550 : memref<128xi32, #tpu.memory_space<vmem>>) dst(%dma_wait3A_1548 : memref<128xi32, #tpu.memory_space<hbm>>)
      tpu.yield
    }) : () -> ()
    %add3A_1477 = arith.constant 8192 : i32
    %add3A_1478 = arith.addi %add3A_1477, %mul3A_2 : i32
    "tpu.region"() ({
      %run_scoped3A = tpu.sem_alloc : memref<!tpu.dma_semaphore, #tpu.memory_space<semaphore_mem>>
      %dma_start3A_1539 = arith.constant 256 : i32
      %dma_start3A_1540 = tpu.memref_slice %arg15[%dma_start3A_1539] : memref<2048xi32, #tpu.memory_space<vmem>> -> memref<128xi32, #tpu.memory_space<vmem>>
      %dma_start3A_1541 = tpu.memref_slice %arg7[%add3A_1478] : memref<65536xi32, #tpu.memory_space<hbm>> -> memref<128xi32, #tpu.memory_space<hbm>>
      %dma_start3A_1542 = tpu.memref_slice %arg7[%add3A_1478] : memref<65536xi32, #tpu.memory_space<hbm>> -> memref<128xi32, #tpu.memory_space<hbm>>
      %dma_start3A_1543 = arith.constant 256 : i32
      %dma_start3A_1544 = tpu.memref_slice %arg15[%dma_start3A_1543] : memref<2048xi32, #tpu.memory_space<vmem>> -> memref<128xi32, #tpu.memory_space<vmem>>
      tpu.enqueue_dma source(%dma_start3A_1544 : memref<128xi32, #tpu.memory_space<vmem>>) target(%dma_start3A_1542 : memref<128xi32, #tpu.memory_space<hbm>>) target_semaphore(%run_scoped3A : memref<!tpu.dma_semaphore, #tpu.memory_space<semaphore_mem>>)
      %dma_wait3A_1545 = arith.constant 256 : i32
      %dma_wait3A_1546 = tpu.memref_slice %arg15[%dma_wait3A_1545] : memref<2048xi32, #tpu.memory_space<vmem>> -> memref<128xi32, #tpu.memory_space<vmem>>
      %dma_wait3A_1547 = tpu.memref_slice %arg7[%add3A_1478] : memref<65536xi32, #tpu.memory_space<hbm>> -> memref<128xi32, #tpu.memory_space<hbm>>
      %dma_wait3A_1548 = tpu.memref_slice %arg7[%add3A_1478] : memref<65536xi32, #tpu.memory_space<hbm>> -> memref<128xi32, #tpu.memory_space<hbm>>
      %dma_wait3A_1549 = arith.constant 256 : i32
      %dma_wait3A_1550 = tpu.memref_slice %arg15[%dma_wait3A_1549] : memref<2048xi32, #tpu.memory_space<vmem>> -> memref<128xi32, #tpu.memory_space<vmem>>
      tpu.wait_dma2 semaphore(%run_scoped3A : memref<!tpu.dma_semaphore, #tpu.memory_space<semaphore_mem>>) src(%dma_wait3A_1550 : memref<128xi32, #tpu.memory_space<vmem>>) dst(%dma_wait3A_1548 : memref<128xi32, #tpu.memory_space<hbm>>)
      tpu.yield
    }) : () -> ()
    %add3A_1479 = arith.constant 12288 : i32
    %add3A_1480 = arith.addi %add3A_1479, %mul3A_2 : i32
    "tpu.region"() ({
      %run_scoped3A = tpu.sem_alloc : memref<!tpu.dma_semaphore, #tpu.memory_space<semaphore_mem>>
      %dma_start3A_1539 = arith.constant 384 : i32
      %dma_start3A_1540 = tpu.memref_slice %arg15[%dma_start3A_1539] : memref<2048xi32, #tpu.memory_space<vmem>> -> memref<128xi32, #tpu.memory_space<vmem>>
      %dma_start3A_1541 = tpu.memref_slice %arg7[%add3A_1480] : memref<65536xi32, #tpu.memory_space<hbm>> -> memref<128xi32, #tpu.memory_space<hbm>>
      %dma_start3A_1542 = tpu.memref_slice %arg7[%add3A_1480] : memref<65536xi32, #tpu.memory_space<hbm>> -> memref<128xi32, #tpu.memory_space<hbm>>
      %dma_start3A_1543 = arith.constant 384 : i32
      %dma_start3A_1544 = tpu.memref_slice %arg15[%dma_start3A_1543] : memref<2048xi32, #tpu.memory_space<vmem>> -> memref<128xi32, #tpu.memory_space<vmem>>
      tpu.enqueue_dma source(%dma_start3A_1544 : memref<128xi32, #tpu.memory_space<vmem>>) target(%dma_start3A_1542 : memref<128xi32, #tpu.memory_space<hbm>>) target_semaphore(%run_scoped3A : memref<!tpu.dma_semaphore, #tpu.memory_space<semaphore_mem>>)
      %dma_wait3A_1545 = arith.constant 384 : i32
      %dma_wait3A_1546 = tpu.memref_slice %arg15[%dma_wait3A_1545] : memref<2048xi32, #tpu.memory_space<vmem>> -> memref<128xi32, #tpu.memory_space<vmem>>
      %dma_wait3A_1547 = tpu.memref_slice %arg7[%add3A_1480] : memref<65536xi32, #tpu.memory_space<hbm>> -> memref<128xi32, #tpu.memory_space<hbm>>
      %dma_wait3A_1548 = tpu.memref_slice %arg7[%add3A_1480] : memref<65536xi32, #tpu.memory_space<hbm>> -> memref<128xi32, #tpu.memory_space<hbm>>
      %dma_wait3A_1549 = arith.constant 384 : i32
      %dma_wait3A_1550 = tpu.memref_slice %arg15[%dma_wait3A_1549] : memref<2048xi32, #tpu.memory_space<vmem>> -> memref<128xi32, #tpu.memory_space<vmem>>
      tpu.wait_dma2 semaphore(%run_scoped3A : memref<!tpu.dma_semaphore, #tpu.memory_space<semaphore_mem>>) src(%dma_wait3A_1550 : memref<128xi32, #tpu.memory_space<vmem>>) dst(%dma_wait3A_1548 : memref<128xi32, #tpu.memory_space<hbm>>)
      tpu.yield
    }) : () -> ()
    %add3A_1481 = arith.constant 16384 : i32
    %add3A_1482 = arith.addi %add3A_1481, %mul3A_2 : i32
    "tpu.region"() ({
      %run_scoped3A = tpu.sem_alloc : memref<!tpu.dma_semaphore, #tpu.memory_space<semaphore_mem>>
      %dma_start3A_1539 = arith.constant 512 : i32
      %dma_start3A_1540 = tpu.memref_slice %arg15[%dma_start3A_1539] : memref<2048xi32, #tpu.memory_space<vmem>> -> memref<128xi32, #tpu.memory_space<vmem>>
      %dma_start3A_1541 = tpu.memref_slice %arg7[%add3A_1482] : memref<65536xi32, #tpu.memory_space<hbm>> -> memref<128xi32, #tpu.memory_space<hbm>>
      %dma_start3A_1542 = tpu.memref_slice %arg7[%add3A_1482] : memref<65536xi32, #tpu.memory_space<hbm>> -> memref<128xi32, #tpu.memory_space<hbm>>
      %dma_start3A_1543 = arith.constant 512 : i32
      %dma_start3A_1544 = tpu.memref_slice %arg15[%dma_start3A_1543] : memref<2048xi32, #tpu.memory_space<vmem>> -> memref<128xi32, #tpu.memory_space<vmem>>
      tpu.enqueue_dma source(%dma_start3A_1544 : memref<128xi32, #tpu.memory_space<vmem>>) target(%dma_start3A_1542 : memref<128xi32, #tpu.memory_space<hbm>>) target_semaphore(%run_scoped3A : memref<!tpu.dma_semaphore, #tpu.memory_space<semaphore_mem>>)
      %dma_wait3A_1545 = arith.constant 512 : i32
      %dma_wait3A_1546 = tpu.memref_slice %arg15[%dma_wait3A_1545] : memref<2048xi32, #tpu.memory_space<vmem>> -> memref<128xi32, #tpu.memory_space<vmem>>
      %dma_wait3A_1547 = tpu.memref_slice %arg7[%add3A_1482] : memref<65536xi32, #tpu.memory_space<hbm>> -> memref<128xi32, #tpu.memory_space<hbm>>
      %dma_wait3A_1548 = tpu.memref_slice %arg7[%add3A_1482] : memref<65536xi32, #tpu.memory_space<hbm>> -> memref<128xi32, #tpu.memory_space<hbm>>
      %dma_wait3A_1549 = arith.constant 512 : i32
      %dma_wait3A_1550 = tpu.memref_slice %arg15[%dma_wait3A_1549] : memref<2048xi32, #tpu.memory_space<vmem>> -> memref<128xi32, #tpu.memory_space<vmem>>
      tpu.wait_dma2 semaphore(%run_scoped3A : memref<!tpu.dma_semaphore, #tpu.memory_space<semaphore_mem>>) src(%dma_wait3A_1550 : memref<128xi32, #tpu.memory_space<vmem>>) dst(%dma_wait3A_1548 : memref<128xi32, #tpu.memory_space<hbm>>)
      tpu.yield
    }) : () -> ()
    %add3A_1483 = arith.constant 20480 : i32
    %add3A_1484 = arith.addi %add3A_1483, %mul3A_2 : i32
    "tpu.region"() ({
      %run_scoped3A = tpu.sem_alloc : memref<!tpu.dma_semaphore, #tpu.memory_space<semaphore_mem>>
      %dma_start3A_1539 = arith.constant 640 : i32
      %dma_start3A_1540 = tpu.memref_slice %arg15[%dma_start3A_1539] : memref<2048xi32, #tpu.memory_space<vmem>> -> memref<128xi32, #tpu.memory_space<vmem>>
      %dma_start3A_1541 = tpu.memref_slice %arg7[%add3A_1484] : memref<65536xi32, #tpu.memory_space<hbm>> -> memref<128xi32, #tpu.memory_space<hbm>>
      %dma_start3A_1542 = tpu.memref_slice %arg7[%add3A_1484] : memref<65536xi32, #tpu.memory_space<hbm>> -> memref<128xi32, #tpu.memory_space<hbm>>
      %dma_start3A_1543 = arith.constant 640 : i32
      %dma_start3A_1544 = tpu.memref_slice %arg15[%dma_start3A_1543] : memref<2048xi32, #tpu.memory_space<vmem>> -> memref<128xi32, #tpu.memory_space<vmem>>
      tpu.enqueue_dma source(%dma_start3A_1544 : memref<128xi32, #tpu.memory_space<vmem>>) target(%dma_start3A_1542 : memref<128xi32, #tpu.memory_space<hbm>>) target_semaphore(%run_scoped3A : memref<!tpu.dma_semaphore, #tpu.memory_space<semaphore_mem>>)
      %dma_wait3A_1545 = arith.constant 640 : i32
      %dma_wait3A_1546 = tpu.memref_slice %arg15[%dma_wait3A_1545] : memref<2048xi32, #tpu.memory_space<vmem>> -> memref<128xi32, #tpu.memory_space<vmem>>
      %dma_wait3A_1547 = tpu.memref_slice %arg7[%add3A_1484] : memref<65536xi32, #tpu.memory_space<hbm>> -> memref<128xi32, #tpu.memory_space<hbm>>
      %dma_wait3A_1548 = tpu.memref_slice %arg7[%add3A_1484] : memref<65536xi32, #tpu.memory_space<hbm>> -> memref<128xi32, #tpu.memory_space<hbm>>
      %dma_wait3A_1549 = arith.constant 640 : i32
      %dma_wait3A_1550 = tpu.memref_slice %arg15[%dma_wait3A_1549] : memref<2048xi32, #tpu.memory_space<vmem>> -> memref<128xi32, #tpu.memory_space<vmem>>
      tpu.wait_dma2 semaphore(%run_scoped3A : memref<!tpu.dma_semaphore, #tpu.memory_space<semaphore_mem>>) src(%dma_wait3A_1550 : memref<128xi32, #tpu.memory_space<vmem>>) dst(%dma_wait3A_1548 : memref<128xi32, #tpu.memory_space<hbm>>)
      tpu.yield
    }) : () -> ()
    %add3A_1485 = arith.constant 24576 : i32
    %add3A_1486 = arith.addi %add3A_1485, %mul3A_2 : i32
    "tpu.region"() ({
      %run_scoped3A = tpu.sem_alloc : memref<!tpu.dma_semaphore, #tpu.memory_space<semaphore_mem>>
      %dma_start3A_1539 = arith.constant 768 : i32
      %dma_start3A_1540 = tpu.memref_slice %arg15[%dma_start3A_1539] : memref<2048xi32, #tpu.memory_space<vmem>> -> memref<128xi32, #tpu.memory_space<vmem>>
      %dma_start3A_1541 = tpu.memref_slice %arg7[%add3A_1486] : memref<65536xi32, #tpu.memory_space<hbm>> -> memref<128xi32, #tpu.memory_space<hbm>>
      %dma_start3A_1542 = tpu.memref_slice %arg7[%add3A_1486] : memref<65536xi32, #tpu.memory_space<hbm>> -> memref<128xi32, #tpu.memory_space<hbm>>
      %dma_start3A_1543 = arith.constant 768 : i32
      %dma_start3A_1544 = tpu.memref_slice %arg15[%dma_start3A_1543] : memref<2048xi32, #tpu.memory_space<vmem>> -> memref<128xi32, #tpu.memory_space<vmem>>
      tpu.enqueue_dma source(%dma_start3A_1544 : memref<128xi32, #tpu.memory_space<vmem>>) target(%dma_start3A_1542 : memref<128xi32, #tpu.memory_space<hbm>>) target_semaphore(%run_scoped3A : memref<!tpu.dma_semaphore, #tpu.memory_space<semaphore_mem>>)
      %dma_wait3A_1545 = arith.constant 768 : i32
      %dma_wait3A_1546 = tpu.memref_slice %arg15[%dma_wait3A_1545] : memref<2048xi32, #tpu.memory_space<vmem>> -> memref<128xi32, #tpu.memory_space<vmem>>
      %dma_wait3A_1547 = tpu.memref_slice %arg7[%add3A_1486] : memref<65536xi32, #tpu.memory_space<hbm>> -> memref<128xi32, #tpu.memory_space<hbm>>
      %dma_wait3A_1548 = tpu.memref_slice %arg7[%add3A_1486] : memref<65536xi32, #tpu.memory_space<hbm>> -> memref<128xi32, #tpu.memory_space<hbm>>
      %dma_wait3A_1549 = arith.constant 768 : i32
      %dma_wait3A_1550 = tpu.memref_slice %arg15[%dma_wait3A_1549] : memref<2048xi32, #tpu.memory_space<vmem>> -> memref<128xi32, #tpu.memory_space<vmem>>
      tpu.wait_dma2 semaphore(%run_scoped3A : memref<!tpu.dma_semaphore, #tpu.memory_space<semaphore_mem>>) src(%dma_wait3A_1550 : memref<128xi32, #tpu.memory_space<vmem>>) dst(%dma_wait3A_1548 : memref<128xi32, #tpu.memory_space<hbm>>)
      tpu.yield
    }) : () -> ()
    %add3A_1487 = arith.constant 28672 : i32
    %add3A_1488 = arith.addi %add3A_1487, %mul3A_2 : i32
    "tpu.region"() ({
      %run_scoped3A = tpu.sem_alloc : memref<!tpu.dma_semaphore, #tpu.memory_space<semaphore_mem>>
      %dma_start3A_1539 = arith.constant 896 : i32
      %dma_start3A_1540 = tpu.memref_slice %arg15[%dma_start3A_1539] : memref<2048xi32, #tpu.memory_space<vmem>> -> memref<128xi32, #tpu.memory_space<vmem>>
      %dma_start3A_1541 = tpu.memref_slice %arg7[%add3A_1488] : memref<65536xi32, #tpu.memory_space<hbm>> -> memref<128xi32, #tpu.memory_space<hbm>>
      %dma_start3A_1542 = tpu.memref_slice %arg7[%add3A_1488] : memref<65536xi32, #tpu.memory_space<hbm>> -> memref<128xi32, #tpu.memory_space<hbm>>
      %dma_start3A_1543 = arith.constant 896 : i32
      %dma_start3A_1544 = tpu.memref_slice %arg15[%dma_start3A_1543] : memref<2048xi32, #tpu.memory_space<vmem>> -> memref<128xi32, #tpu.memory_space<vmem>>
      tpu.enqueue_dma source(%dma_start3A_1544 : memref<128xi32, #tpu.memory_space<vmem>>) target(%dma_start3A_1542 : memref<128xi32, #tpu.memory_space<hbm>>) target_semaphore(%run_scoped3A : memref<!tpu.dma_semaphore, #tpu.memory_space<semaphore_mem>>)
      %dma_wait3A_1545 = arith.constant 896 : i32
      %dma_wait3A_1546 = tpu.memref_slice %arg15[%dma_wait3A_1545] : memref<2048xi32, #tpu.memory_space<vmem>> -> memref<128xi32, #tpu.memory_space<vmem>>
      %dma_wait3A_1547 = tpu.memref_slice %arg7[%add3A_1488] : memref<65536xi32, #tpu.memory_space<hbm>> -> memref<128xi32, #tpu.memory_space<hbm>>
      %dma_wait3A_1548 = tpu.memref_slice %arg7[%add3A_1488] : memref<65536xi32, #tpu.memory_space<hbm>> -> memref<128xi32, #tpu.memory_space<hbm>>
      %dma_wait3A_1549 = arith.constant 896 : i32
      %dma_wait3A_1550 = tpu.memref_slice %arg15[%dma_wait3A_1549] : memref<2048xi32, #tpu.memory_space<vmem>> -> memref<128xi32, #tpu.memory_space<vmem>>
      tpu.wait_dma2 semaphore(%run_scoped3A : memref<!tpu.dma_semaphore, #tpu.memory_space<semaphore_mem>>) src(%dma_wait3A_1550 : memref<128xi32, #tpu.memory_space<vmem>>) dst(%dma_wait3A_1548 : memref<128xi32, #tpu.memory_space<hbm>>)
      tpu.yield
    }) : () -> ()
    %add3A_1489 = arith.constant 32768 : i32
    %add3A_1490 = arith.addi %add3A_1489, %mul3A_2 : i32
    "tpu.region"() ({
      %run_scoped3A = tpu.sem_alloc : memref<!tpu.dma_semaphore, #tpu.memory_space<semaphore_mem>>
      %dma_start3A_1539 = arith.constant 1024 : i32
      %dma_start3A_1540 = tpu.memref_slice %arg15[%dma_start3A_1539] : memref<2048xi32, #tpu.memory_space<vmem>> -> memref<128xi32, #tpu.memory_space<vmem>>
      %dma_start3A_1541 = tpu.memref_slice %arg7[%add3A_1490] : memref<65536xi32, #tpu.memory_space<hbm>> -> memref<128xi32, #tpu.memory_space<hbm>>
      %dma_start3A_1542 = tpu.memref_slice %arg7[%add3A_1490] : memref<65536xi32, #tpu.memory_space<hbm>> -> memref<128xi32, #tpu.memory_space<hbm>>
      %dma_start3A_1543 = arith.constant 1024 : i32
      %dma_start3A_1544 = tpu.memref_slice %arg15[%dma_start3A_1543] : memref<2048xi32, #tpu.memory_space<vmem>> -> memref<128xi32, #tpu.memory_space<vmem>>
      tpu.enqueue_dma source(%dma_start3A_1544 : memref<128xi32, #tpu.memory_space<vmem>>) target(%dma_start3A_1542 : memref<128xi32, #tpu.memory_space<hbm>>) target_semaphore(%run_scoped3A : memref<!tpu.dma_semaphore, #tpu.memory_space<semaphore_mem>>)
      %dma_wait3A_1545 = arith.constant 1024 : i32
      %dma_wait3A_1546 = tpu.memref_slice %arg15[%dma_wait3A_1545] : memref<2048xi32, #tpu.memory_space<vmem>> -> memref<128xi32, #tpu.memory_space<vmem>>
      %dma_wait3A_1547 = tpu.memref_slice %arg7[%add3A_1490] : memref<65536xi32, #tpu.memory_space<hbm>> -> memref<128xi32, #tpu.memory_space<hbm>>
      %dma_wait3A_1548 = tpu.memref_slice %arg7[%add3A_1490] : memref<65536xi32, #tpu.memory_space<hbm>> -> memref<128xi32, #tpu.memory_space<hbm>>
      %dma_wait3A_1549 = arith.constant 1024 : i32
      %dma_wait3A_1550 = tpu.memref_slice %arg15[%dma_wait3A_1549] : memref<2048xi32, #tpu.memory_space<vmem>> -> memref<128xi32, #tpu.memory_space<vmem>>
      tpu.wait_dma2 semaphore(%run_scoped3A : memref<!tpu.dma_semaphore, #tpu.memory_space<semaphore_mem>>) src(%dma_wait3A_1550 : memref<128xi32, #tpu.memory_space<vmem>>) dst(%dma_wait3A_1548 : memref<128xi32, #tpu.memory_space<hbm>>)
      tpu.yield
    }) : () -> ()
    %add3A_1491 = arith.constant 36864 : i32
    %add3A_1492 = arith.addi %add3A_1491, %mul3A_2 : i32
    "tpu.region"() ({
      %run_scoped3A = tpu.sem_alloc : memref<!tpu.dma_semaphore, #tpu.memory_space<semaphore_mem>>
      %dma_start3A_1539 = arith.constant 1152 : i32
      %dma_start3A_1540 = tpu.memref_slice %arg15[%dma_start3A_1539] : memref<2048xi32, #tpu.memory_space<vmem>> -> memref<128xi32, #tpu.memory_space<vmem>>
      %dma_start3A_1541 = tpu.memref_slice %arg7[%add3A_1492] : memref<65536xi32, #tpu.memory_space<hbm>> -> memref<128xi32, #tpu.memory_space<hbm>>
      %dma_start3A_1542 = tpu.memref_slice %arg7[%add3A_1492] : memref<65536xi32, #tpu.memory_space<hbm>> -> memref<128xi32, #tpu.memory_space<hbm>>
      %dma_start3A_1543 = arith.constant 1152 : i32
      %dma_start3A_1544 = tpu.memref_slice %arg15[%dma_start3A_1543] : memref<2048xi32, #tpu.memory_space<vmem>> -> memref<128xi32, #tpu.memory_space<vmem>>
      tpu.enqueue_dma source(%dma_start3A_1544 : memref<128xi32, #tpu.memory_space<vmem>>) target(%dma_start3A_1542 : memref<128xi32, #tpu.memory_space<hbm>>) target_semaphore(%run_scoped3A : memref<!tpu.dma_semaphore, #tpu.memory_space<semaphore_mem>>)
      %dma_wait3A_1545 = arith.constant 1152 : i32
      %dma_wait3A_1546 = tpu.memref_slice %arg15[%dma_wait3A_1545] : memref<2048xi32, #tpu.memory_space<vmem>> -> memref<128xi32, #tpu.memory_space<vmem>>
      %dma_wait3A_1547 = tpu.memref_slice %arg7[%add3A_1492] : memref<65536xi32, #tpu.memory_space<hbm>> -> memref<128xi32, #tpu.memory_space<hbm>>
      %dma_wait3A_1548 = tpu.memref_slice %arg7[%add3A_1492] : memref<65536xi32, #tpu.memory_space<hbm>> -> memref<128xi32, #tpu.memory_space<hbm>>
      %dma_wait3A_1549 = arith.constant 1152 : i32
      %dma_wait3A_1550 = tpu.memref_slice %arg15[%dma_wait3A_1549] : memref<2048xi32, #tpu.memory_space<vmem>> -> memref<128xi32, #tpu.memory_space<vmem>>
      tpu.wait_dma2 semaphore(%run_scoped3A : memref<!tpu.dma_semaphore, #tpu.memory_space<semaphore_mem>>) src(%dma_wait3A_1550 : memref<128xi32, #tpu.memory_space<vmem>>) dst(%dma_wait3A_1548 : memref<128xi32, #tpu.memory_space<hbm>>)
      tpu.yield
    }) : () -> ()
    %add3A_1493 = arith.constant 40960 : i32
    %add3A_1494 = arith.addi %add3A_1493, %mul3A_2 : i32
    "tpu.region"() ({
      %run_scoped3A = tpu.sem_alloc : memref<!tpu.dma_semaphore, #tpu.memory_space<semaphore_mem>>
      %dma_start3A_1539 = arith.constant 1280 : i32
      %dma_start3A_1540 = tpu.memref_slice %arg15[%dma_start3A_1539] : memref<2048xi32, #tpu.memory_space<vmem>> -> memref<128xi32, #tpu.memory_space<vmem>>
      %dma_start3A_1541 = tpu.memref_slice %arg7[%add3A_1494] : memref<65536xi32, #tpu.memory_space<hbm>> -> memref<128xi32, #tpu.memory_space<hbm>>
      %dma_start3A_1542 = tpu.memref_slice %arg7[%add3A_1494] : memref<65536xi32, #tpu.memory_space<hbm>> -> memref<128xi32, #tpu.memory_space<hbm>>
      %dma_start3A_1543 = arith.constant 1280 : i32
      %dma_start3A_1544 = tpu.memref_slice %arg15[%dma_start3A_1543] : memref<2048xi32, #tpu.memory_space<vmem>> -> memref<128xi32, #tpu.memory_space<vmem>>
      tpu.enqueue_dma source(%dma_start3A_1544 : memref<128xi32, #tpu.memory_space<vmem>>) target(%dma_start3A_1542 : memref<128xi32, #tpu.memory_space<hbm>>) target_semaphore(%run_scoped3A : memref<!tpu.dma_semaphore, #tpu.memory_space<semaphore_mem>>)
      %dma_wait3A_1545 = arith.constant 1280 : i32
      %dma_wait3A_1546 = tpu.memref_slice %arg15[%dma_wait3A_1545] : memref<2048xi32, #tpu.memory_space<vmem>> -> memref<128xi32, #tpu.memory_space<vmem>>
      %dma_wait3A_1547 = tpu.memref_slice %arg7[%add3A_1494] : memref<65536xi32, #tpu.memory_space<hbm>> -> memref<128xi32, #tpu.memory_space<hbm>>
      %dma_wait3A_1548 = tpu.memref_slice %arg7[%add3A_1494] : memref<65536xi32, #tpu.memory_space<hbm>> -> memref<128xi32, #tpu.memory_space<hbm>>
      %dma_wait3A_1549 = arith.constant 1280 : i32
      %dma_wait3A_1550 = tpu.memref_slice %arg15[%dma_wait3A_1549] : memref<2048xi32, #tpu.memory_space<vmem>> -> memref<128xi32, #tpu.memory_space<vmem>>
      tpu.wait_dma2 semaphore(%run_scoped3A : memref<!tpu.dma_semaphore, #tpu.memory_space<semaphore_mem>>) src(%dma_wait3A_1550 : memref<128xi32, #tpu.memory_space<vmem>>) dst(%dma_wait3A_1548 : memref<128xi32, #tpu.memory_space<hbm>>)
      tpu.yield
    }) : () -> ()
    %add3A_1495 = arith.constant 45056 : i32
    %add3A_1496 = arith.addi %add3A_1495, %mul3A_2 : i32
    "tpu.region"() ({
      %run_scoped3A = tpu.sem_alloc : memref<!tpu.dma_semaphore, #tpu.memory_space<semaphore_mem>>
      %dma_start3A_1539 = arith.constant 1408 : i32
      %dma_start3A_1540 = tpu.memref_slice %arg15[%dma_start3A_1539] : memref<2048xi32, #tpu.memory_space<vmem>> -> memref<128xi32, #tpu.memory_space<vmem>>
      %dma_start3A_1541 = tpu.memref_slice %arg7[%add3A_1496] : memref<65536xi32, #tpu.memory_space<hbm>> -> memref<128xi32, #tpu.memory_space<hbm>>
      %dma_start3A_1542 = tpu.memref_slice %arg7[%add3A_1496] : memref<65536xi32, #tpu.memory_space<hbm>> -> memref<128xi32, #tpu.memory_space<hbm>>
      %dma_start3A_1543 = arith.constant 1408 : i32
      %dma_start3A_1544 = tpu.memref_slice %arg15[%dma_start3A_1543] : memref<2048xi32, #tpu.memory_space<vmem>> -> memref<128xi32, #tpu.memory_space<vmem>>
      tpu.enqueue_dma source(%dma_start3A_1544 : memref<128xi32, #tpu.memory_space<vmem>>) target(%dma_start3A_1542 : memref<128xi32, #tpu.memory_space<hbm>>) target_semaphore(%run_scoped3A : memref<!tpu.dma_semaphore, #tpu.memory_space<semaphore_mem>>)
      %dma_wait3A_1545 = arith.constant 1408 : i32
      %dma_wait3A_1546 = tpu.memref_slice %arg15[%dma_wait3A_1545] : memref<2048xi32, #tpu.memory_space<vmem>> -> memref<128xi32, #tpu.memory_space<vmem>>
      %dma_wait3A_1547 = tpu.memref_slice %arg7[%add3A_1496] : memref<65536xi32, #tpu.memory_space<hbm>> -> memref<128xi32, #tpu.memory_space<hbm>>
      %dma_wait3A_1548 = tpu.memref_slice %arg7[%add3A_1496] : memref<65536xi32, #tpu.memory_space<hbm>> -> memref<128xi32, #tpu.memory_space<hbm>>
      %dma_wait3A_1549 = arith.constant 1408 : i32
      %dma_wait3A_1550 = tpu.memref_slice %arg15[%dma_wait3A_1549] : memref<2048xi32, #tpu.memory_space<vmem>> -> memref<128xi32, #tpu.memory_space<vmem>>
      tpu.wait_dma2 semaphore(%run_scoped3A : memref<!tpu.dma_semaphore, #tpu.memory_space<semaphore_mem>>) src(%dma_wait3A_1550 : memref<128xi32, #tpu.memory_space<vmem>>) dst(%dma_wait3A_1548 : memref<128xi32, #tpu.memory_space<hbm>>)
      tpu.yield
    }) : () -> ()
    %add3A_1497 = arith.constant 49152 : i32
    %add3A_1498 = arith.addi %add3A_1497, %mul3A_2 : i32
    "tpu.region"() ({
      %run_scoped3A = tpu.sem_alloc : memref<!tpu.dma_semaphore, #tpu.memory_space<semaphore_mem>>
      %dma_start3A_1539 = arith.constant 1536 : i32
      %dma_start3A_1540 = tpu.memref_slice %arg15[%dma_start3A_1539] : memref<2048xi32, #tpu.memory_space<vmem>> -> memref<128xi32, #tpu.memory_space<vmem>>
      %dma_start3A_1541 = tpu.memref_slice %arg7[%add3A_1498] : memref<65536xi32, #tpu.memory_space<hbm>> -> memref<128xi32, #tpu.memory_space<hbm>>
      %dma_start3A_1542 = tpu.memref_slice %arg7[%add3A_1498] : memref<65536xi32, #tpu.memory_space<hbm>> -> memref<128xi32, #tpu.memory_space<hbm>>
      %dma_start3A_1543 = arith.constant 1536 : i32
      %dma_start3A_1544 = tpu.memref_slice %arg15[%dma_start3A_1543] : memref<2048xi32, #tpu.memory_space<vmem>> -> memref<128xi32, #tpu.memory_space<vmem>>
      tpu.enqueue_dma source(%dma_start3A_1544 : memref<128xi32, #tpu.memory_space<vmem>>) target(%dma_start3A_1542 : memref<128xi32, #tpu.memory_space<hbm>>) target_semaphore(%run_scoped3A : memref<!tpu.dma_semaphore, #tpu.memory_space<semaphore_mem>>)
      %dma_wait3A_1545 = arith.constant 1536 : i32
      %dma_wait3A_1546 = tpu.memref_slice %arg15[%dma_wait3A_1545] : memref<2048xi32, #tpu.memory_space<vmem>> -> memref<128xi32, #tpu.memory_space<vmem>>
      %dma_wait3A_1547 = tpu.memref_slice %arg7[%add3A_1498] : memref<65536xi32, #tpu.memory_space<hbm>> -> memref<128xi32, #tpu.memory_space<hbm>>
      %dma_wait3A_1548 = tpu.memref_slice %arg7[%add3A_1498] : memref<65536xi32, #tpu.memory_space<hbm>> -> memref<128xi32, #tpu.memory_space<hbm>>
      %dma_wait3A_1549 = arith.constant 1536 : i32
      %dma_wait3A_1550 = tpu.memref_slice %arg15[%dma_wait3A_1549] : memref<2048xi32, #tpu.memory_space<vmem>> -> memref<128xi32, #tpu.memory_space<vmem>>
      tpu.wait_dma2 semaphore(%run_scoped3A : memref<!tpu.dma_semaphore, #tpu.memory_space<semaphore_mem>>) src(%dma_wait3A_1550 : memref<128xi32, #tpu.memory_space<vmem>>) dst(%dma_wait3A_1548 : memref<128xi32, #tpu.memory_space<hbm>>)
      tpu.yield
    }) : () -> ()
    %add3A_1499 = arith.constant 53248 : i32
    %add3A_1500 = arith.addi %add3A_1499, %mul3A_2 : i32
    "tpu.region"() ({
      %run_scoped3A = tpu.sem_alloc : memref<!tpu.dma_semaphore, #tpu.memory_space<semaphore_mem>>
      %dma_start3A_1539 = arith.constant 1664 : i32
      %dma_start3A_1540 = tpu.memref_slice %arg15[%dma_start3A_1539] : memref<2048xi32, #tpu.memory_space<vmem>> -> memref<128xi32, #tpu.memory_space<vmem>>
      %dma_start3A_1541 = tpu.memref_slice %arg7[%add3A_1500] : memref<65536xi32, #tpu.memory_space<hbm>> -> memref<128xi32, #tpu.memory_space<hbm>>
      %dma_start3A_1542 = tpu.memref_slice %arg7[%add3A_1500] : memref<65536xi32, #tpu.memory_space<hbm>> -> memref<128xi32, #tpu.memory_space<hbm>>
      %dma_start3A_1543 = arith.constant 1664 : i32
      %dma_start3A_1544 = tpu.memref_slice %arg15[%dma_start3A_1543] : memref<2048xi32, #tpu.memory_space<vmem>> -> memref<128xi32, #tpu.memory_space<vmem>>
      tpu.enqueue_dma source(%dma_start3A_1544 : memref<128xi32, #tpu.memory_space<vmem>>) target(%dma_start3A_1542 : memref<128xi32, #tpu.memory_space<hbm>>) target_semaphore(%run_scoped3A : memref<!tpu.dma_semaphore, #tpu.memory_space<semaphore_mem>>)
      %dma_wait3A_1545 = arith.constant 1664 : i32
      %dma_wait3A_1546 = tpu.memref_slice %arg15[%dma_wait3A_1545] : memref<2048xi32, #tpu.memory_space<vmem>> -> memref<128xi32, #tpu.memory_space<vmem>>
      %dma_wait3A_1547 = tpu.memref_slice %arg7[%add3A_1500] : memref<65536xi32, #tpu.memory_space<hbm>> -> memref<128xi32, #tpu.memory_space<hbm>>
      %dma_wait3A_1548 = tpu.memref_slice %arg7[%add3A_1500] : memref<65536xi32, #tpu.memory_space<hbm>> -> memref<128xi32, #tpu.memory_space<hbm>>
      %dma_wait3A_1549 = arith.constant 1664 : i32
      %dma_wait3A_1550 = tpu.memref_slice %arg15[%dma_wait3A_1549] : memref<2048xi32, #tpu.memory_space<vmem>> -> memref<128xi32, #tpu.memory_space<vmem>>
      tpu.wait_dma2 semaphore(%run_scoped3A : memref<!tpu.dma_semaphore, #tpu.memory_space<semaphore_mem>>) src(%dma_wait3A_1550 : memref<128xi32, #tpu.memory_space<vmem>>) dst(%dma_wait3A_1548 : memref<128xi32, #tpu.memory_space<hbm>>)
      tpu.yield
    }) : () -> ()
    %add3A_1501 = arith.constant 57344 : i32
    %add3A_1502 = arith.addi %add3A_1501, %mul3A_2 : i32
    "tpu.region"() ({
      %run_scoped3A = tpu.sem_alloc : memref<!tpu.dma_semaphore, #tpu.memory_space<semaphore_mem>>
      %dma_start3A_1539 = arith.constant 1792 : i32
      %dma_start3A_1540 = tpu.memref_slice %arg15[%dma_start3A_1539] : memref<2048xi32, #tpu.memory_space<vmem>> -> memref<128xi32, #tpu.memory_space<vmem>>
      %dma_start3A_1541 = tpu.memref_slice %arg7[%add3A_1502] : memref<65536xi32, #tpu.memory_space<hbm>> -> memref<128xi32, #tpu.memory_space<hbm>>
      %dma_start3A_1542 = tpu.memref_slice %arg7[%add3A_1502] : memref<65536xi32, #tpu.memory_space<hbm>> -> memref<128xi32, #tpu.memory_space<hbm>>
      %dma_start3A_1543 = arith.constant 1792 : i32
      %dma_start3A_1544 = tpu.memref_slice %arg15[%dma_start3A_1543] : memref<2048xi32, #tpu.memory_space<vmem>> -> memref<128xi32, #tpu.memory_space<vmem>>
      tpu.enqueue_dma source(%dma_start3A_1544 : memref<128xi32, #tpu.memory_space<vmem>>) target(%dma_start3A_1542 : memref<128xi32, #tpu.memory_space<hbm>>) target_semaphore(%run_scoped3A : memref<!tpu.dma_semaphore, #tpu.memory_space<semaphore_mem>>)
      %dma_wait3A_1545 = arith.constant 1792 : i32
      %dma_wait3A_1546 = tpu.memref_slice %arg15[%dma_wait3A_1545] : memref<2048xi32, #tpu.memory_space<vmem>> -> memref<128xi32, #tpu.memory_space<vmem>>
      %dma_wait3A_1547 = tpu.memref_slice %arg7[%add3A_1502] : memref<65536xi32, #tpu.memory_space<hbm>> -> memref<128xi32, #tpu.memory_space<hbm>>
      %dma_wait3A_1548 = tpu.memref_slice %arg7[%add3A_1502] : memref<65536xi32, #tpu.memory_space<hbm>> -> memref<128xi32, #tpu.memory_space<hbm>>
      %dma_wait3A_1549 = arith.constant 1792 : i32
      %dma_wait3A_1550 = tpu.memref_slice %arg15[%dma_wait3A_1549] : memref<2048xi32, #tpu.memory_space<vmem>> -> memref<128xi32, #tpu.memory_space<vmem>>
      tpu.wait_dma2 semaphore(%run_scoped3A : memref<!tpu.dma_semaphore, #tpu.memory_space<semaphore_mem>>) src(%dma_wait3A_1550 : memref<128xi32, #tpu.memory_space<vmem>>) dst(%dma_wait3A_1548 : memref<128xi32, #tpu.memory_space<hbm>>)
      tpu.yield
    }) : () -> ()
    %add3A_1503 = arith.constant 61440 : i32
    %add3A_1504 = arith.addi %add3A_1503, %mul3A_2 : i32
    "tpu.region"() ({
      %run_scoped3A = tpu.sem_alloc : memref<!tpu.dma_semaphore, #tpu.memory_space<semaphore_mem>>
      %dma_start3A_1539 = arith.constant 1920 : i32
      %dma_start3A_1540 = tpu.memref_slice %arg15[%dma_start3A_1539] : memref<2048xi32, #tpu.memory_space<vmem>> -> memref<128xi32, #tpu.memory_space<vmem>>
      %dma_start3A_1541 = tpu.memref_slice %arg7[%add3A_1504] : memref<65536xi32, #tpu.memory_space<hbm>> -> memref<128xi32, #tpu.memory_space<hbm>>
      %dma_start3A_1542 = tpu.memref_slice %arg7[%add3A_1504] : memref<65536xi32, #tpu.memory_space<hbm>> -> memref<128xi32, #tpu.memory_space<hbm>>
      %dma_start3A_1543 = arith.constant 1920 : i32
      %dma_start3A_1544 = tpu.memref_slice %arg15[%dma_start3A_1543] : memref<2048xi32, #tpu.memory_space<vmem>> -> memref<128xi32, #tpu.memory_space<vmem>>
      tpu.enqueue_dma source(%dma_start3A_1544 : memref<128xi32, #tpu.memory_space<vmem>>) target(%dma_start3A_1542 : memref<128xi32, #tpu.memory_space<hbm>>) target_semaphore(%run_scoped3A : memref<!tpu.dma_semaphore, #tpu.memory_space<semaphore_mem>>)
      %dma_wait3A_1545 = arith.constant 1920 : i32
      %dma_wait3A_1546 = tpu.memref_slice %arg15[%dma_wait3A_1545] : memref<2048xi32, #tpu.memory_space<vmem>> -> memref<128xi32, #tpu.memory_space<vmem>>
      %dma_wait3A_1547 = tpu.memref_slice %arg7[%add3A_1504] : memref<65536xi32, #tpu.memory_space<hbm>> -> memref<128xi32, #tpu.memory_space<hbm>>
      %dma_wait3A_1548 = tpu.memref_slice %arg7[%add3A_1504] : memref<65536xi32, #tpu.memory_space<hbm>> -> memref<128xi32, #tpu.memory_space<hbm>>
      %dma_wait3A_1549 = arith.constant 1920 : i32
      %dma_wait3A_1550 = tpu.memref_slice %arg15[%dma_wait3A_1549] : memref<2048xi32, #tpu.memory_space<vmem>> -> memref<128xi32, #tpu.memory_space<vmem>>
      tpu.wait_dma2 semaphore(%run_scoped3A : memref<!tpu.dma_semaphore, #tpu.memory_space<semaphore_mem>>) src(%dma_wait3A_1550 : memref<128xi32, #tpu.memory_space<vmem>>) dst(%dma_wait3A_1548 : memref<128xi32, #tpu.memory_space<hbm>>)
      tpu.yield
    }) : () -> ()
    %dma_wait3A_1505 = arith.constant 0 : i32
    %dma_wait3A_1506 = arith.constant 0 : i32
    %dma_wait3A_1507 = tpu.memref_slice %arg6[%dma_wait3A_1505, %dma_wait3A_1506] : memref<50000x128xf32, #tpu.memory_space<hbm>> -> memref<50000x128xf32, #tpu.memory_space<hbm>>
    tpu.wait_indirect_dma semaphore(%arg22 : memref<!tpu.dma_semaphore, #tpu.memory_space<semaphore_mem>>) src(%dma_wait3A_1507 : memref<50000x128xf32, #tpu.memory_space<hbm>>) dst(%arg16 : memref<128x128xf32, #tpu.memory_space<vmem>>)
    "tpu.region"() ({
      %run_scoped3A = tpu.sem_alloc : memref<!tpu.dma_semaphore, #tpu.memory_space<semaphore_mem>>
      %dma_start3A_1539 = arith.constant 0 : i32
      %dma_start3A_1540 = tpu.memref_slice %arg8[%mul3A_2, %dma_start3A_1539] : memref<4096x128xf32, #tpu.memory_space<hbm>> -> memref<128x128xf32, #tpu.memory_space<hbm>>
      %dma_start3A_1541 = arith.constant 0 : i32
      %dma_start3A_1542 = tpu.memref_slice %arg8[%mul3A_2, %dma_start3A_1541] : memref<4096x128xf32, #tpu.memory_space<hbm>> -> memref<128x128xf32, #tpu.memory_space<hbm>>
      tpu.enqueue_dma source(%arg16 : memref<128x128xf32, #tpu.memory_space<vmem>>) target(%dma_start3A_1542 : memref<128x128xf32, #tpu.memory_space<hbm>>) target_semaphore(%run_scoped3A : memref<!tpu.dma_semaphore, #tpu.memory_space<semaphore_mem>>)
      %dma_wait3A_1543 = arith.constant 0 : i32
      %dma_wait3A_1544 = tpu.memref_slice %arg8[%mul3A_2, %dma_wait3A_1543] : memref<4096x128xf32, #tpu.memory_space<hbm>> -> memref<128x128xf32, #tpu.memory_space<hbm>>
      %dma_wait3A_1545 = arith.constant 0 : i32
      %dma_wait3A_1546 = tpu.memref_slice %arg8[%mul3A_2, %dma_wait3A_1545] : memref<4096x128xf32, #tpu.memory_space<hbm>> -> memref<128x128xf32, #tpu.memory_space<hbm>>
      tpu.wait_dma2 semaphore(%run_scoped3A : memref<!tpu.dma_semaphore, #tpu.memory_space<semaphore_mem>>) src(%arg16 : memref<128x128xf32, #tpu.memory_space<vmem>>) dst(%dma_wait3A_1546 : memref<128x128xf32, #tpu.memory_space<hbm>>)
      tpu.yield
    }) : () -> ()
    %dma_wait3A_1508 = arith.constant 0 : i32
    %dma_wait3A_1509 = arith.constant 0 : i32
    %dma_wait3A_1510 = tpu.memref_slice %arg6[%dma_wait3A_1508, %dma_wait3A_1509] : memref<50000x128xf32, #tpu.memory_space<hbm>> -> memref<50000x128xf32, #tpu.memory_space<hbm>>
    tpu.wait_indirect_dma semaphore(%arg23 : memref<!tpu.dma_semaphore, #tpu.memory_space<semaphore_mem>>) src(%dma_wait3A_1510 : memref<50000x128xf32, #tpu.memory_space<hbm>>) dst(%arg17 : memref<128x128xf32, #tpu.memory_space<vmem>>)
    "tpu.region"() ({
      %run_scoped3A = tpu.sem_alloc : memref<!tpu.dma_semaphore, #tpu.memory_space<semaphore_mem>>
      %dma_start3A_1539 = arith.constant 0 : i32
      %dma_start3A_1540 = tpu.memref_slice %arg9[%mul3A_2, %dma_start3A_1539] : memref<4096x128xf32, #tpu.memory_space<hbm>> -> memref<128x128xf32, #tpu.memory_space<hbm>>
      %dma_start3A_1541 = arith.constant 0 : i32
      %dma_start3A_1542 = tpu.memref_slice %arg9[%mul3A_2, %dma_start3A_1541] : memref<4096x128xf32, #tpu.memory_space<hbm>> -> memref<128x128xf32, #tpu.memory_space<hbm>>
      tpu.enqueue_dma source(%arg17 : memref<128x128xf32, #tpu.memory_space<vmem>>) target(%dma_start3A_1542 : memref<128x128xf32, #tpu.memory_space<hbm>>) target_semaphore(%run_scoped3A : memref<!tpu.dma_semaphore, #tpu.memory_space<semaphore_mem>>)
      %dma_wait3A_1543 = arith.constant 0 : i32
      %dma_wait3A_1544 = tpu.memref_slice %arg9[%mul3A_2, %dma_wait3A_1543] : memref<4096x128xf32, #tpu.memory_space<hbm>> -> memref<128x128xf32, #tpu.memory_space<hbm>>
      %dma_wait3A_1545 = arith.constant 0 : i32
      %dma_wait3A_1546 = tpu.memref_slice %arg9[%mul3A_2, %dma_wait3A_1545] : memref<4096x128xf32, #tpu.memory_space<hbm>> -> memref<128x128xf32, #tpu.memory_space<hbm>>
      tpu.wait_dma2 semaphore(%run_scoped3A : memref<!tpu.dma_semaphore, #tpu.memory_space<semaphore_mem>>) src(%arg17 : memref<128x128xf32, #tpu.memory_space<vmem>>) dst(%dma_wait3A_1546 : memref<128x128xf32, #tpu.memory_space<hbm>>)
      tpu.yield
    }) : () -> ()
    %dma_wait3A_1511 = arith.constant 1536 : i32
    %dma_wait3A_1512 = tpu.memref_slice %arg14[%dma_wait3A_1511] : memref<2048xi32, #tpu.memory_space<vmem>> -> memref<128xi32, #tpu.memory_space<vmem>>
    %dma_wait3A_1513 = arith.constant 0 : i32
    %dma_wait3A_1514 = arith.constant 0 : i32
    %dma_wait3A_1515 = tpu.memref_slice %arg6[%dma_wait3A_1513, %dma_wait3A_1514] : memref<50000x128xf32, #tpu.memory_space<hbm>> -> memref<50000x128xf32, #tpu.memory_space<hbm>>
    tpu.wait_indirect_dma semaphore(%arg28 : memref<!tpu.dma_semaphore, #tpu.memory_space<semaphore_mem>>) src(%dma_wait3A_1515 : memref<50000x128xf32, #tpu.memory_space<hbm>>) dst(%arg18 : memref<128x128xf32, #tpu.memory_space<vmem>>)
    %add3A_1516 = arith.constant 49152 : i32
    %add3A_1517 = arith.addi %add3A_1516, %mul3A_2 : i32
    "tpu.region"() ({
      %run_scoped3A = tpu.sem_alloc : memref<!tpu.dma_semaphore, #tpu.memory_space<semaphore_mem>>
      %dma_start3A_1539 = arith.constant 0 : i32
      %dma_start3A_1540 = tpu.memref_slice %arg10[%add3A_1517, %dma_start3A_1539] : memref<65536x128xf32, #tpu.memory_space<hbm>> -> memref<128x128xf32, #tpu.memory_space<hbm>>
      %dma_start3A_1541 = arith.constant 0 : i32
      %dma_start3A_1542 = tpu.memref_slice %arg10[%add3A_1517, %dma_start3A_1541] : memref<65536x128xf32, #tpu.memory_space<hbm>> -> memref<128x128xf32, #tpu.memory_space<hbm>>
      tpu.enqueue_dma source(%arg18 : memref<128x128xf32, #tpu.memory_space<vmem>>) target(%dma_start3A_1542 : memref<128x128xf32, #tpu.memory_space<hbm>>) target_semaphore(%run_scoped3A : memref<!tpu.dma_semaphore, #tpu.memory_space<semaphore_mem>>)
      %dma_wait3A_1543 = arith.constant 0 : i32
      %dma_wait3A_1544 = tpu.memref_slice %arg10[%add3A_1517, %dma_wait3A_1543] : memref<65536x128xf32, #tpu.memory_space<hbm>> -> memref<128x128xf32, #tpu.memory_space<hbm>>
      %dma_wait3A_1545 = arith.constant 0 : i32
      %dma_wait3A_1546 = tpu.memref_slice %arg10[%add3A_1517, %dma_wait3A_1545] : memref<65536x128xf32, #tpu.memory_space<hbm>> -> memref<128x128xf32, #tpu.memory_space<hbm>>
      tpu.wait_dma2 semaphore(%run_scoped3A : memref<!tpu.dma_semaphore, #tpu.memory_space<semaphore_mem>>) src(%arg18 : memref<128x128xf32, #tpu.memory_space<vmem>>) dst(%dma_wait3A_1546 : memref<128x128xf32, #tpu.memory_space<hbm>>)
      tpu.yield
    }) : () -> ()
    %dma_wait3A_1518 = arith.constant 1664 : i32
    %dma_wait3A_1519 = tpu.memref_slice %arg14[%dma_wait3A_1518] : memref<2048xi32, #tpu.memory_space<vmem>> -> memref<128xi32, #tpu.memory_space<vmem>>
    %dma_wait3A_1520 = arith.constant 0 : i32
    %dma_wait3A_1521 = arith.constant 0 : i32
    %dma_wait3A_1522 = tpu.memref_slice %arg6[%dma_wait3A_1520, %dma_wait3A_1521] : memref<50000x128xf32, #tpu.memory_space<hbm>> -> memref<50000x128xf32, #tpu.memory_space<hbm>>
    tpu.wait_indirect_dma semaphore(%arg29 : memref<!tpu.dma_semaphore, #tpu.memory_space<semaphore_mem>>) src(%dma_wait3A_1522 : memref<50000x128xf32, #tpu.memory_space<hbm>>) dst(%arg19 : memref<128x128xf32, #tpu.memory_space<vmem>>)
    %add3A_1523 = arith.constant 53248 : i32
    %add3A_1524 = arith.addi %add3A_1523, %mul3A_2 : i32
    "tpu.region"() ({
      %run_scoped3A = tpu.sem_alloc : memref<!tpu.dma_semaphore, #tpu.memory_space<semaphore_mem>>
      %dma_start3A_1539 = arith.constant 0 : i32
      %dma_start3A_1540 = tpu.memref_slice %arg10[%add3A_1524, %dma_start3A_1539] : memref<65536x128xf32, #tpu.memory_space<hbm>> -> memref<128x128xf32, #tpu.memory_space<hbm>>
      %dma_start3A_1541 = arith.constant 0 : i32
      %dma_start3A_1542 = tpu.memref_slice %arg10[%add3A_1524, %dma_start3A_1541] : memref<65536x128xf32, #tpu.memory_space<hbm>> -> memref<128x128xf32, #tpu.memory_space<hbm>>
      tpu.enqueue_dma source(%arg19 : memref<128x128xf32, #tpu.memory_space<vmem>>) target(%dma_start3A_1542 : memref<128x128xf32, #tpu.memory_space<hbm>>) target_semaphore(%run_scoped3A : memref<!tpu.dma_semaphore, #tpu.memory_space<semaphore_mem>>)
      %dma_wait3A_1543 = arith.constant 0 : i32
      %dma_wait3A_1544 = tpu.memref_slice %arg10[%add3A_1524, %dma_wait3A_1543] : memref<65536x128xf32, #tpu.memory_space<hbm>> -> memref<128x128xf32, #tpu.memory_space<hbm>>
      %dma_wait3A_1545 = arith.constant 0 : i32
      %dma_wait3A_1546 = tpu.memref_slice %arg10[%add3A_1524, %dma_wait3A_1545] : memref<65536x128xf32, #tpu.memory_space<hbm>> -> memref<128x128xf32, #tpu.memory_space<hbm>>
      tpu.wait_dma2 semaphore(%run_scoped3A : memref<!tpu.dma_semaphore, #tpu.memory_space<semaphore_mem>>) src(%arg19 : memref<128x128xf32, #tpu.memory_space<vmem>>) dst(%dma_wait3A_1546 : memref<128x128xf32, #tpu.memory_space<hbm>>)
      tpu.yield
    }) : () -> ()
    %dma_wait3A_1525 = arith.constant 1792 : i32
    %dma_wait3A_1526 = tpu.memref_slice %arg14[%dma_wait3A_1525] : memref<2048xi32, #tpu.memory_space<vmem>> -> memref<128xi32, #tpu.memory_space<vmem>>
    %dma_wait3A_1527 = arith.constant 0 : i32
    %dma_wait3A_1528 = arith.constant 0 : i32
    %dma_wait3A_1529 = tpu.memref_slice %arg6[%dma_wait3A_1527, %dma_wait3A_1528] : memref<50000x128xf32, #tpu.memory_space<hbm>> -> memref<50000x128xf32, #tpu.memory_space<hbm>>
    tpu.wait_indirect_dma semaphore(%arg30 : memref<!tpu.dma_semaphore, #tpu.memory_space<semaphore_mem>>) src(%dma_wait3A_1529 : memref<50000x128xf32, #tpu.memory_space<hbm>>) dst(%arg20 : memref<128x128xf32, #tpu.memory_space<vmem>>)
    %add3A_1530 = arith.constant 57344 : i32
    %add3A_1531 = arith.addi %add3A_1530, %mul3A_2 : i32
    "tpu.region"() ({
      %run_scoped3A = tpu.sem_alloc : memref<!tpu.dma_semaphore, #tpu.memory_space<semaphore_mem>>
      %dma_start3A_1539 = arith.constant 0 : i32
      %dma_start3A_1540 = tpu.memref_slice %arg10[%add3A_1531, %dma_start3A_1539] : memref<65536x128xf32, #tpu.memory_space<hbm>> -> memref<128x128xf32, #tpu.memory_space<hbm>>
      %dma_start3A_1541 = arith.constant 0 : i32
      %dma_start3A_1542 = tpu.memref_slice %arg10[%add3A_1531, %dma_start3A_1541] : memref<65536x128xf32, #tpu.memory_space<hbm>> -> memref<128x128xf32, #tpu.memory_space<hbm>>
      tpu.enqueue_dma source(%arg20 : memref<128x128xf32, #tpu.memory_space<vmem>>) target(%dma_start3A_1542 : memref<128x128xf32, #tpu.memory_space<hbm>>) target_semaphore(%run_scoped3A : memref<!tpu.dma_semaphore, #tpu.memory_space<semaphore_mem>>)
      %dma_wait3A_1543 = arith.constant 0 : i32
      %dma_wait3A_1544 = tpu.memref_slice %arg10[%add3A_1531, %dma_wait3A_1543] : memref<65536x128xf32, #tpu.memory_space<hbm>> -> memref<128x128xf32, #tpu.memory_space<hbm>>
      %dma_wait3A_1545 = arith.constant 0 : i32
      %dma_wait3A_1546 = tpu.memref_slice %arg10[%add3A_1531, %dma_wait3A_1545] : memref<65536x128xf32, #tpu.memory_space<hbm>> -> memref<128x128xf32, #tpu.memory_space<hbm>>
      tpu.wait_dma2 semaphore(%run_scoped3A : memref<!tpu.dma_semaphore, #tpu.memory_space<semaphore_mem>>) src(%arg20 : memref<128x128xf32, #tpu.memory_space<vmem>>) dst(%dma_wait3A_1546 : memref<128x128xf32, #tpu.memory_space<hbm>>)
      tpu.yield
    }) : () -> ()
    %dma_wait3A_1532 = arith.constant 1920 : i32
    %dma_wait3A_1533 = tpu.memref_slice %arg14[%dma_wait3A_1532] : memref<2048xi32, #tpu.memory_space<vmem>> -> memref<128xi32, #tpu.memory_space<vmem>>
    %dma_wait3A_1534 = arith.constant 0 : i32
    %dma_wait3A_1535 = arith.constant 0 : i32
    %dma_wait3A_1536 = tpu.memref_slice %arg6[%dma_wait3A_1534, %dma_wait3A_1535] : memref<50000x128xf32, #tpu.memory_space<hbm>> -> memref<50000x128xf32, #tpu.memory_space<hbm>>
    tpu.wait_indirect_dma semaphore(%arg31 : memref<!tpu.dma_semaphore, #tpu.memory_space<semaphore_mem>>) src(%dma_wait3A_1536 : memref<50000x128xf32, #tpu.memory_space<hbm>>) dst(%arg21 : memref<128x128xf32, #tpu.memory_space<vmem>>)
    %add3A_1537 = arith.constant 61440 : i32
    %add3A_1538 = arith.addi %add3A_1537, %mul3A_2 : i32
    "tpu.region"() ({
      %run_scoped3A = tpu.sem_alloc : memref<!tpu.dma_semaphore, #tpu.memory_space<semaphore_mem>>
      %dma_start3A_1539 = arith.constant 0 : i32
      %dma_start3A_1540 = tpu.memref_slice %arg10[%add3A_1538, %dma_start3A_1539] : memref<65536x128xf32, #tpu.memory_space<hbm>> -> memref<128x128xf32, #tpu.memory_space<hbm>>
      %dma_start3A_1541 = arith.constant 0 : i32
      %dma_start3A_1542 = tpu.memref_slice %arg10[%add3A_1538, %dma_start3A_1541] : memref<65536x128xf32, #tpu.memory_space<hbm>> -> memref<128x128xf32, #tpu.memory_space<hbm>>
      tpu.enqueue_dma source(%arg21 : memref<128x128xf32, #tpu.memory_space<vmem>>) target(%dma_start3A_1542 : memref<128x128xf32, #tpu.memory_space<hbm>>) target_semaphore(%run_scoped3A : memref<!tpu.dma_semaphore, #tpu.memory_space<semaphore_mem>>)
      %dma_wait3A_1543 = arith.constant 0 : i32
      %dma_wait3A_1544 = tpu.memref_slice %arg10[%add3A_1538, %dma_wait3A_1543] : memref<65536x128xf32, #tpu.memory_space<hbm>> -> memref<128x128xf32, #tpu.memory_space<hbm>>
      %dma_wait3A_1545 = arith.constant 0 : i32
      %dma_wait3A_1546 = tpu.memref_slice %arg10[%add3A_1538, %dma_wait3A_1545] : memref<65536x128xf32, #tpu.memory_space<hbm>> -> memref<128x128xf32, #tpu.memory_space<hbm>>
      tpu.wait_dma2 semaphore(%run_scoped3A : memref<!tpu.dma_semaphore, #tpu.memory_space<semaphore_mem>>) src(%arg21 : memref<128x128xf32, #tpu.memory_space<vmem>>) dst(%dma_wait3A_1546 : memref<128x128xf32, #tpu.memory_space<hbm>>)
      tpu.yield
    }) : () -> ()
    return
  }
}

module attributes {stable_mosaic.version = 14 : i64} {
  func.func @_tc_body(%arg0: i32, %arg1: memref<16x512xi32, #tpu.memory_space<vmem>>, %arg2: memref<512x128xf32, #tpu.memory_space<vmem>>, %arg3: memref<512x128xf32, #tpu.memory_space<vmem>>, %arg4: memref<16x512x128xf32, #tpu.memory_space<vmem>>, %arg5: memref<16x128xf32, #tpu.memory_space<vmem>>, %arg6: memref<128x128xf32, #tpu.memory_space<vmem>>, %arg7: memref<128xf32, #tpu.memory_space<vmem>>, %arg8: memref<128x128xf32, #tpu.memory_space<vmem>>, %arg9: memref<128xf32, #tpu.memory_space<vmem>>, %arg10: memref<512x128xf32, #tpu.memory_space<vmem>>, %arg11: memref<128xf32, #tpu.memory_space<vmem>>, %arg12: memref<128x64xf32, #tpu.memory_space<vmem>>, %arg13: memref<64xf32, #tpu.memory_space<vmem>>, %arg14: memref<64x1xf32, #tpu.memory_space<vmem>>, %arg15: memref<1xf32, #tpu.memory_space<vmem>>, %arg16: memref<512x1xf32, #tpu.memory_space<vmem>>) attributes {dimension_semantics = [#tpu.dimension_semantics<arbitrary>], iteration_bounds = array<i64: 8>, scalar_prefetch = 0 : i64, scratch_operands = 0 : i64, tpu.core_type = #tpu.core_type<tc>, window_params = [{transform_indices = @transform_0, window_bounds = array<i64: 16, 512>}, {transform_indices = @transform_1, window_bounds = array<i64: 512, 128>}, {transform_indices = @transform_2, window_bounds = array<i64: 512, 128>}, {transform_indices = @transform_3, window_bounds = array<i64: 16, 512, 128>}, {pipeline_mode = #tpu.pipeline_mode<synchronous>, transform_indices = @transform_4, window_bounds = array<i64: 16, 128>}, {pipeline_mode = #tpu.pipeline_mode<synchronous>, transform_indices = @transform_5, window_bounds = array<i64: 128, 128>}, {pipeline_mode = #tpu.pipeline_mode<synchronous>, transform_indices = @transform_6, window_bounds = array<i64: 128>}, {pipeline_mode = #tpu.pipeline_mode<synchronous>, transform_indices = @transform_7, window_bounds = array<i64: 128, 128>}, {pipeline_mode = #tpu.pipeline_mode<synchronous>, transform_indices = @transform_8, window_bounds = array<i64: 128>}, {pipeline_mode = #tpu.pipeline_mode<synchronous>, transform_indices = @transform_9, window_bounds = array<i64: 512, 128>}, {pipeline_mode = #tpu.pipeline_mode<synchronous>, transform_indices = @transform_10, window_bounds = array<i64: 128>}, {pipeline_mode = #tpu.pipeline_mode<synchronous>, transform_indices = @transform_11, window_bounds = array<i64: 128, 64>}, {pipeline_mode = #tpu.pipeline_mode<synchronous>, transform_indices = @transform_12, window_bounds = array<i64: 64>}, {pipeline_mode = #tpu.pipeline_mode<synchronous>, transform_indices = @transform_13, window_bounds = array<i64: 64, 1>}, {pipeline_mode = #tpu.pipeline_mode<synchronous>, transform_indices = @transform_14, window_bounds = array<i64: 1>}, {transform_indices = @transform_15, window_bounds = array<i64: 512, 1>}]} {
    %get3A = arith.constant 0 : index
    %get3A_0 = arith.constant 0 : index
    %get3A_1 = vector.load %arg5[%get3A, %get3A_0] : memref<16x128xf32, #tpu.memory_space<vmem>>, vector<16x128xf32>
    %mul3A = arith.mulf %get3A_1, %get3A_1 : vector<16x128xf32>
    %reduce_sum3A = arith.constant dense<0.000000e+00> : vector<16xf32>
    %reduce_sum3A_2 = vector.multi_reduction <add>, %mul3A, %reduce_sum3A [1] : vector<16x128xf32> to vector<16xf32>
    %broadcast_in_dim3A = vector.shape_cast %reduce_sum3A_2 : vector<16xf32> to vector<16x1xf32>
    %sqrt3A = math.sqrt %broadcast_in_dim3A : vector<16x1xf32>
    %gt3A = arith.constant 1.000000e+00 : f32
    %gt3A_3 = vector.broadcast %gt3A : f32 to vector<16x1xf32>
    %gt3A_4 = arith.cmpf ogt, %sqrt3A, %gt3A_3 : vector<16x1xf32>
    %add3A = arith.constant 1.000000e-07 : f32
    %add3A_5 = vector.broadcast %add3A : f32 to vector<16x1xf32>
    %add3A_6 = arith.addf %sqrt3A, %add3A_5 : vector<16x1xf32>
    %div3A = arith.constant 1.000000e+00 : f32
    %div3A_7 = vector.broadcast %div3A : f32 to vector<16x1xf32>
    %div3A_8 = arith.divf %div3A_7, %add3A_6 : vector<16x1xf32>
    %jit3A = arith.constant 1.000000e+00 : f32
    %broadcast_in_dim3A_9 = vector.broadcast %jit3A : f32 to vector<16x1xf32>
    %select_n3A = arith.select %gt3A_4, %div3A_8, %broadcast_in_dim3A_9 : vector<16x1xi1>, vector<16x1xf32>
    %mul3A_10 = vector.broadcast %select_n3A : vector<16x1xf32> to vector<16x128xf32>
    %mul3A_11 = arith.mulf %get3A_1, %mul3A_10 : vector<16x128xf32>
    %get3A_12 = arith.constant 0 : index
    %get3A_13 = arith.constant 0 : index
    %get3A_14 = vector.load %arg3[%get3A_12, %get3A_13] : memref<512x128xf32, #tpu.memory_space<vmem>>, vector<512x128xf32>
    %mul3A_15 = arith.mulf %get3A_14, %get3A_14 : vector<512x128xf32>
    %reduce_sum3A_16 = arith.constant dense<0.000000e+00> : vector<512xf32>
    %reduce_sum3A_17 = vector.multi_reduction <add>, %mul3A_15, %reduce_sum3A_16 [1] : vector<512x128xf32> to vector<512xf32>
    %broadcast_in_dim3A_18 = vector.shape_cast %reduce_sum3A_17 : vector<512xf32> to vector<512x1xf32>
    %sqrt3A_19 = math.sqrt %broadcast_in_dim3A_18 : vector<512x1xf32>
    %gt3A_20 = arith.constant 1.000000e+00 : f32
    %gt3A_21 = vector.broadcast %gt3A_20 : f32 to vector<512x1xf32>
    %gt3A_22 = arith.cmpf ogt, %sqrt3A_19, %gt3A_21 : vector<512x1xf32>
    %add3A_23 = arith.constant 1.000000e-07 : f32
    %add3A_24 = vector.broadcast %add3A_23 : f32 to vector<512x1xf32>
    %add3A_25 = arith.addf %sqrt3A_19, %add3A_24 : vector<512x1xf32>
    %div3A_26 = arith.constant 1.000000e+00 : f32
    %div3A_27 = vector.broadcast %div3A_26 : f32 to vector<512x1xf32>
    %div3A_28 = arith.divf %div3A_27, %add3A_25 : vector<512x1xf32>
    %jit3A_29 = arith.constant 1.000000e+00 : f32
    %broadcast_in_dim3A_30 = vector.broadcast %jit3A_29 : f32 to vector<512x1xf32>
    %select_n3A_31 = arith.select %gt3A_22, %div3A_28, %broadcast_in_dim3A_30 : vector<512x1xi1>, vector<512x1xf32>
    %mul3A_32 = vector.broadcast %select_n3A_31 : vector<512x1xf32> to vector<512x128xf32>
    %mul3A_33 = arith.mulf %get3A_14, %mul3A_32 : vector<512x128xf32>
    %get3A_34 = arith.constant 0 : index
    %get3A_35 = arith.constant 0 : index
    %get3A_36 = vector.load %arg2[%get3A_34, %get3A_35] : memref<512x128xf32, #tpu.memory_space<vmem>>, vector<512x128xf32>
    %mul3A_37 = arith.mulf %get3A_36, %get3A_36 : vector<512x128xf32>
    %reduce_sum3A_38 = arith.constant dense<0.000000e+00> : vector<512xf32>
    %reduce_sum3A_39 = vector.multi_reduction <add>, %mul3A_37, %reduce_sum3A_38 [1] : vector<512x128xf32> to vector<512xf32>
    %broadcast_in_dim3A_40 = vector.shape_cast %reduce_sum3A_39 : vector<512xf32> to vector<512x1xf32>
    %sqrt3A_41 = math.sqrt %broadcast_in_dim3A_40 : vector<512x1xf32>
    %gt3A_42 = arith.constant 1.000000e+00 : f32
    %gt3A_43 = vector.broadcast %gt3A_42 : f32 to vector<512x1xf32>
    %gt3A_44 = arith.cmpf ogt, %sqrt3A_41, %gt3A_43 : vector<512x1xf32>
    %add3A_45 = arith.constant 1.000000e-07 : f32
    %add3A_46 = vector.broadcast %add3A_45 : f32 to vector<512x1xf32>
    %add3A_47 = arith.addf %sqrt3A_41, %add3A_46 : vector<512x1xf32>
    %div3A_48 = arith.constant 1.000000e+00 : f32
    %div3A_49 = vector.broadcast %div3A_48 : f32 to vector<512x1xf32>
    %div3A_50 = arith.divf %div3A_49, %add3A_47 : vector<512x1xf32>
    %jit3A_51 = arith.constant 1.000000e+00 : f32
    %broadcast_in_dim3A_52 = vector.broadcast %jit3A_51 : f32 to vector<512x1xf32>
    %select_n3A_53 = arith.select %gt3A_44, %div3A_50, %broadcast_in_dim3A_52 : vector<512x1xi1>, vector<512x1xf32>
    %mul3A_54 = vector.broadcast %select_n3A_53 : vector<512x1xf32> to vector<512x128xf32>
    %mul3A_55 = arith.mulf %get3A_36, %mul3A_54 : vector<512x128xf32>
    %transpose3A = tpu.transpose %mul3A_11, [1, 0] : vector<16x128xf32> -> vector<128x16xf32>
    %dot_general3A = arith.constant dense<0.000000e+00> : vector<512x16xf32>
    %dot_general3A_56 = tpu.matmul %mul3A_33, %transpose3A, %dot_general3A {dimension_numbers = #tpu.dot_dimension_numbers<[1], [0], [0], [1], [0, 0, 1, 1], [], []>, transpose_lhs_hint = false} : vector<512x128xf32>, vector<128x16xf32>, vector<512x16xf32> -> vector<512x16xf32>
    %get3A_57 = arith.constant 0 : index
    %get3A_58 = arith.constant 0 : index
    %get3A_59 = vector.load %arg1[%get3A_57, %get3A_58] : memref<16x512xi32, #tpu.memory_space<vmem>>, vector<16x512xi32>
    %broadcast_in_dim3A_60 = arith.constant 0.000000e+00 : f32
    %broadcast_in_dim3A_61 = vector.broadcast %broadcast_in_dim3A_60 : f32 to vector<16x512xf32>
    %eq3A = arith.constant 0 : i32
    %eq3A_62 = vector.broadcast %eq3A : i32 to vector<16x512xi32>
    %eq3A_63 = arith.cmpi eq, %get3A_59, %eq3A_62 : vector<16x512xi32>
    %slice3A = vector.extract_strided_slice %dot_general3A_56 {offsets = [0, 0], sizes = [512, 1], strides = [1, 1]} : vector<512x16xf32> to vector<512x1xf32>
    %squeeze3A = vector.shape_cast %slice3A : vector<512x1xf32> to vector<512xf32>
    %broadcast_in_dim3A_64 = vector.shape_cast %squeeze3A : vector<512xf32> to vector<1x512xf32>
    %broadcast_in_dim3A_65 = vector.shape_cast %broadcast_in_dim3A_64 : vector<1x512xf32> to vector<1x512xf32>
    %broadcast_in_dim3A_66 = vector.broadcast %broadcast_in_dim3A_65 : vector<1x512xf32> to vector<16x512xf32>
    %select_n3A_67 = arith.select %eq3A_63, %broadcast_in_dim3A_66, %broadcast_in_dim3A_61 : vector<16x512xi1>, vector<16x512xf32>
    %eq3A_68 = arith.constant 1 : i32
    %eq3A_69 = vector.broadcast %eq3A_68 : i32 to vector<16x512xi32>
    %eq3A_70 = arith.cmpi eq, %get3A_59, %eq3A_69 : vector<16x512xi32>
    %slice3A_71 = vector.extract_strided_slice %dot_general3A_56 {offsets = [0, 1], sizes = [512, 1], strides = [1, 1]} : vector<512x16xf32> to vector<512x1xf32>
    %squeeze3A_72 = vector.shape_cast %slice3A_71 : vector<512x1xf32> to vector<512xf32>
    %broadcast_in_dim3A_73 = vector.shape_cast %squeeze3A_72 : vector<512xf32> to vector<1x512xf32>
    %broadcast_in_dim3A_74 = vector.shape_cast %broadcast_in_dim3A_73 : vector<1x512xf32> to vector<1x512xf32>
    %broadcast_in_dim3A_75 = vector.broadcast %broadcast_in_dim3A_74 : vector<1x512xf32> to vector<16x512xf32>
    %select_n3A_76 = arith.select %eq3A_70, %broadcast_in_dim3A_75, %select_n3A_67 : vector<16x512xi1>, vector<16x512xf32>
    %eq3A_77 = arith.constant 2 : i32
    %eq3A_78 = vector.broadcast %eq3A_77 : i32 to vector<16x512xi32>
    %eq3A_79 = arith.cmpi eq, %get3A_59, %eq3A_78 : vector<16x512xi32>
    %slice3A_80 = vector.extract_strided_slice %dot_general3A_56 {offsets = [0, 2], sizes = [512, 1], strides = [1, 1]} : vector<512x16xf32> to vector<512x1xf32>
    %squeeze3A_81 = vector.shape_cast %slice3A_80 : vector<512x1xf32> to vector<512xf32>
    %broadcast_in_dim3A_82 = vector.shape_cast %squeeze3A_81 : vector<512xf32> to vector<1x512xf32>
    %broadcast_in_dim3A_83 = vector.shape_cast %broadcast_in_dim3A_82 : vector<1x512xf32> to vector<1x512xf32>
    %broadcast_in_dim3A_84 = vector.broadcast %broadcast_in_dim3A_83 : vector<1x512xf32> to vector<16x512xf32>
    %select_n3A_85 = arith.select %eq3A_79, %broadcast_in_dim3A_84, %select_n3A_76 : vector<16x512xi1>, vector<16x512xf32>
    %eq3A_86 = arith.constant 3 : i32
    %eq3A_87 = vector.broadcast %eq3A_86 : i32 to vector<16x512xi32>
    %eq3A_88 = arith.cmpi eq, %get3A_59, %eq3A_87 : vector<16x512xi32>
    %slice3A_89 = vector.extract_strided_slice %dot_general3A_56 {offsets = [0, 3], sizes = [512, 1], strides = [1, 1]} : vector<512x16xf32> to vector<512x1xf32>
    %squeeze3A_90 = vector.shape_cast %slice3A_89 : vector<512x1xf32> to vector<512xf32>
    %broadcast_in_dim3A_91 = vector.shape_cast %squeeze3A_90 : vector<512xf32> to vector<1x512xf32>
    %broadcast_in_dim3A_92 = vector.shape_cast %broadcast_in_dim3A_91 : vector<1x512xf32> to vector<1x512xf32>
    %broadcast_in_dim3A_93 = vector.broadcast %broadcast_in_dim3A_92 : vector<1x512xf32> to vector<16x512xf32>
    %select_n3A_94 = arith.select %eq3A_88, %broadcast_in_dim3A_93, %select_n3A_85 : vector<16x512xi1>, vector<16x512xf32>
    %eq3A_95 = arith.constant 4 : i32
    %eq3A_96 = vector.broadcast %eq3A_95 : i32 to vector<16x512xi32>
    %eq3A_97 = arith.cmpi eq, %get3A_59, %eq3A_96 : vector<16x512xi32>
    %slice3A_98 = vector.extract_strided_slice %dot_general3A_56 {offsets = [0, 4], sizes = [512, 1], strides = [1, 1]} : vector<512x16xf32> to vector<512x1xf32>
    %squeeze3A_99 = vector.shape_cast %slice3A_98 : vector<512x1xf32> to vector<512xf32>
    %broadcast_in_dim3A_100 = vector.shape_cast %squeeze3A_99 : vector<512xf32> to vector<1x512xf32>
    %broadcast_in_dim3A_101 = vector.shape_cast %broadcast_in_dim3A_100 : vector<1x512xf32> to vector<1x512xf32>
    %broadcast_in_dim3A_102 = vector.broadcast %broadcast_in_dim3A_101 : vector<1x512xf32> to vector<16x512xf32>
    %select_n3A_103 = arith.select %eq3A_97, %broadcast_in_dim3A_102, %select_n3A_94 : vector<16x512xi1>, vector<16x512xf32>
    %eq3A_104 = arith.constant 5 : i32
    %eq3A_105 = vector.broadcast %eq3A_104 : i32 to vector<16x512xi32>
    %eq3A_106 = arith.cmpi eq, %get3A_59, %eq3A_105 : vector<16x512xi32>
    %slice3A_107 = vector.extract_strided_slice %dot_general3A_56 {offsets = [0, 5], sizes = [512, 1], strides = [1, 1]} : vector<512x16xf32> to vector<512x1xf32>
    %squeeze3A_108 = vector.shape_cast %slice3A_107 : vector<512x1xf32> to vector<512xf32>
    %broadcast_in_dim3A_109 = vector.shape_cast %squeeze3A_108 : vector<512xf32> to vector<1x512xf32>
    %broadcast_in_dim3A_110 = vector.shape_cast %broadcast_in_dim3A_109 : vector<1x512xf32> to vector<1x512xf32>
    %broadcast_in_dim3A_111 = vector.broadcast %broadcast_in_dim3A_110 : vector<1x512xf32> to vector<16x512xf32>
    %select_n3A_112 = arith.select %eq3A_106, %broadcast_in_dim3A_111, %select_n3A_103 : vector<16x512xi1>, vector<16x512xf32>
    %eq3A_113 = arith.constant 6 : i32
    %eq3A_114 = vector.broadcast %eq3A_113 : i32 to vector<16x512xi32>
    %eq3A_115 = arith.cmpi eq, %get3A_59, %eq3A_114 : vector<16x512xi32>
    %slice3A_116 = vector.extract_strided_slice %dot_general3A_56 {offsets = [0, 6], sizes = [512, 1], strides = [1, 1]} : vector<512x16xf32> to vector<512x1xf32>
    %squeeze3A_117 = vector.shape_cast %slice3A_116 : vector<512x1xf32> to vector<512xf32>
    %broadcast_in_dim3A_118 = vector.shape_cast %squeeze3A_117 : vector<512xf32> to vector<1x512xf32>
    %broadcast_in_dim3A_119 = vector.shape_cast %broadcast_in_dim3A_118 : vector<1x512xf32> to vector<1x512xf32>
    %broadcast_in_dim3A_120 = vector.broadcast %broadcast_in_dim3A_119 : vector<1x512xf32> to vector<16x512xf32>
    %select_n3A_121 = arith.select %eq3A_115, %broadcast_in_dim3A_120, %select_n3A_112 : vector<16x512xi1>, vector<16x512xf32>
    %eq3A_122 = arith.constant 7 : i32
    %eq3A_123 = vector.broadcast %eq3A_122 : i32 to vector<16x512xi32>
    %eq3A_124 = arith.cmpi eq, %get3A_59, %eq3A_123 : vector<16x512xi32>
    %slice3A_125 = vector.extract_strided_slice %dot_general3A_56 {offsets = [0, 7], sizes = [512, 1], strides = [1, 1]} : vector<512x16xf32> to vector<512x1xf32>
    %squeeze3A_126 = vector.shape_cast %slice3A_125 : vector<512x1xf32> to vector<512xf32>
    %broadcast_in_dim3A_127 = vector.shape_cast %squeeze3A_126 : vector<512xf32> to vector<1x512xf32>
    %broadcast_in_dim3A_128 = vector.shape_cast %broadcast_in_dim3A_127 : vector<1x512xf32> to vector<1x512xf32>
    %broadcast_in_dim3A_129 = vector.broadcast %broadcast_in_dim3A_128 : vector<1x512xf32> to vector<16x512xf32>
    %select_n3A_130 = arith.select %eq3A_124, %broadcast_in_dim3A_129, %select_n3A_121 : vector<16x512xi1>, vector<16x512xf32>
    %eq3A_131 = arith.constant 8 : i32
    %eq3A_132 = vector.broadcast %eq3A_131 : i32 to vector<16x512xi32>
    %eq3A_133 = arith.cmpi eq, %get3A_59, %eq3A_132 : vector<16x512xi32>
    %slice3A_134 = vector.extract_strided_slice %dot_general3A_56 {offsets = [0, 8], sizes = [512, 1], strides = [1, 1]} : vector<512x16xf32> to vector<512x1xf32>
    %squeeze3A_135 = vector.shape_cast %slice3A_134 : vector<512x1xf32> to vector<512xf32>
    %broadcast_in_dim3A_136 = vector.shape_cast %squeeze3A_135 : vector<512xf32> to vector<1x512xf32>
    %broadcast_in_dim3A_137 = vector.shape_cast %broadcast_in_dim3A_136 : vector<1x512xf32> to vector<1x512xf32>
    %broadcast_in_dim3A_138 = vector.broadcast %broadcast_in_dim3A_137 : vector<1x512xf32> to vector<16x512xf32>
    %select_n3A_139 = arith.select %eq3A_133, %broadcast_in_dim3A_138, %select_n3A_130 : vector<16x512xi1>, vector<16x512xf32>
    %eq3A_140 = arith.constant 9 : i32
    %eq3A_141 = vector.broadcast %eq3A_140 : i32 to vector<16x512xi32>
    %eq3A_142 = arith.cmpi eq, %get3A_59, %eq3A_141 : vector<16x512xi32>
    %slice3A_143 = vector.extract_strided_slice %dot_general3A_56 {offsets = [0, 9], sizes = [512, 1], strides = [1, 1]} : vector<512x16xf32> to vector<512x1xf32>
    %squeeze3A_144 = vector.shape_cast %slice3A_143 : vector<512x1xf32> to vector<512xf32>
    %broadcast_in_dim3A_145 = vector.shape_cast %squeeze3A_144 : vector<512xf32> to vector<1x512xf32>
    %broadcast_in_dim3A_146 = vector.shape_cast %broadcast_in_dim3A_145 : vector<1x512xf32> to vector<1x512xf32>
    %broadcast_in_dim3A_147 = vector.broadcast %broadcast_in_dim3A_146 : vector<1x512xf32> to vector<16x512xf32>
    %select_n3A_148 = arith.select %eq3A_142, %broadcast_in_dim3A_147, %select_n3A_139 : vector<16x512xi1>, vector<16x512xf32>
    %eq3A_149 = arith.constant 10 : i32
    %eq3A_150 = vector.broadcast %eq3A_149 : i32 to vector<16x512xi32>
    %eq3A_151 = arith.cmpi eq, %get3A_59, %eq3A_150 : vector<16x512xi32>
    %slice3A_152 = vector.extract_strided_slice %dot_general3A_56 {offsets = [0, 10], sizes = [512, 1], strides = [1, 1]} : vector<512x16xf32> to vector<512x1xf32>
    %squeeze3A_153 = vector.shape_cast %slice3A_152 : vector<512x1xf32> to vector<512xf32>
    %broadcast_in_dim3A_154 = vector.shape_cast %squeeze3A_153 : vector<512xf32> to vector<1x512xf32>
    %broadcast_in_dim3A_155 = vector.shape_cast %broadcast_in_dim3A_154 : vector<1x512xf32> to vector<1x512xf32>
    %broadcast_in_dim3A_156 = vector.broadcast %broadcast_in_dim3A_155 : vector<1x512xf32> to vector<16x512xf32>
    %select_n3A_157 = arith.select %eq3A_151, %broadcast_in_dim3A_156, %select_n3A_148 : vector<16x512xi1>, vector<16x512xf32>
    %eq3A_158 = arith.constant 11 : i32
    %eq3A_159 = vector.broadcast %eq3A_158 : i32 to vector<16x512xi32>
    %eq3A_160 = arith.cmpi eq, %get3A_59, %eq3A_159 : vector<16x512xi32>
    %slice3A_161 = vector.extract_strided_slice %dot_general3A_56 {offsets = [0, 11], sizes = [512, 1], strides = [1, 1]} : vector<512x16xf32> to vector<512x1xf32>
    %squeeze3A_162 = vector.shape_cast %slice3A_161 : vector<512x1xf32> to vector<512xf32>
    %broadcast_in_dim3A_163 = vector.shape_cast %squeeze3A_162 : vector<512xf32> to vector<1x512xf32>
    %broadcast_in_dim3A_164 = vector.shape_cast %broadcast_in_dim3A_163 : vector<1x512xf32> to vector<1x512xf32>
    %broadcast_in_dim3A_165 = vector.broadcast %broadcast_in_dim3A_164 : vector<1x512xf32> to vector<16x512xf32>
    %select_n3A_166 = arith.select %eq3A_160, %broadcast_in_dim3A_165, %select_n3A_157 : vector<16x512xi1>, vector<16x512xf32>
    %eq3A_167 = arith.constant 12 : i32
    %eq3A_168 = vector.broadcast %eq3A_167 : i32 to vector<16x512xi32>
    %eq3A_169 = arith.cmpi eq, %get3A_59, %eq3A_168 : vector<16x512xi32>
    %slice3A_170 = vector.extract_strided_slice %dot_general3A_56 {offsets = [0, 12], sizes = [512, 1], strides = [1, 1]} : vector<512x16xf32> to vector<512x1xf32>
    %squeeze3A_171 = vector.shape_cast %slice3A_170 : vector<512x1xf32> to vector<512xf32>
    %broadcast_in_dim3A_172 = vector.shape_cast %squeeze3A_171 : vector<512xf32> to vector<1x512xf32>
    %broadcast_in_dim3A_173 = vector.shape_cast %broadcast_in_dim3A_172 : vector<1x512xf32> to vector<1x512xf32>
    %broadcast_in_dim3A_174 = vector.broadcast %broadcast_in_dim3A_173 : vector<1x512xf32> to vector<16x512xf32>
    %select_n3A_175 = arith.select %eq3A_169, %broadcast_in_dim3A_174, %select_n3A_166 : vector<16x512xi1>, vector<16x512xf32>
    %eq3A_176 = arith.constant 13 : i32
    %eq3A_177 = vector.broadcast %eq3A_176 : i32 to vector<16x512xi32>
    %eq3A_178 = arith.cmpi eq, %get3A_59, %eq3A_177 : vector<16x512xi32>
    %slice3A_179 = vector.extract_strided_slice %dot_general3A_56 {offsets = [0, 13], sizes = [512, 1], strides = [1, 1]} : vector<512x16xf32> to vector<512x1xf32>
    %squeeze3A_180 = vector.shape_cast %slice3A_179 : vector<512x1xf32> to vector<512xf32>
    %broadcast_in_dim3A_181 = vector.shape_cast %squeeze3A_180 : vector<512xf32> to vector<1x512xf32>
    %broadcast_in_dim3A_182 = vector.shape_cast %broadcast_in_dim3A_181 : vector<1x512xf32> to vector<1x512xf32>
    %broadcast_in_dim3A_183 = vector.broadcast %broadcast_in_dim3A_182 : vector<1x512xf32> to vector<16x512xf32>
    %select_n3A_184 = arith.select %eq3A_178, %broadcast_in_dim3A_183, %select_n3A_175 : vector<16x512xi1>, vector<16x512xf32>
    %eq3A_185 = arith.constant 14 : i32
    %eq3A_186 = vector.broadcast %eq3A_185 : i32 to vector<16x512xi32>
    %eq3A_187 = arith.cmpi eq, %get3A_59, %eq3A_186 : vector<16x512xi32>
    %slice3A_188 = vector.extract_strided_slice %dot_general3A_56 {offsets = [0, 14], sizes = [512, 1], strides = [1, 1]} : vector<512x16xf32> to vector<512x1xf32>
    %squeeze3A_189 = vector.shape_cast %slice3A_188 : vector<512x1xf32> to vector<512xf32>
    %broadcast_in_dim3A_190 = vector.shape_cast %squeeze3A_189 : vector<512xf32> to vector<1x512xf32>
    %broadcast_in_dim3A_191 = vector.shape_cast %broadcast_in_dim3A_190 : vector<1x512xf32> to vector<1x512xf32>
    %broadcast_in_dim3A_192 = vector.broadcast %broadcast_in_dim3A_191 : vector<1x512xf32> to vector<16x512xf32>
    %select_n3A_193 = arith.select %eq3A_187, %broadcast_in_dim3A_192, %select_n3A_184 : vector<16x512xi1>, vector<16x512xf32>
    %eq3A_194 = arith.constant 15 : i32
    %eq3A_195 = vector.broadcast %eq3A_194 : i32 to vector<16x512xi32>
    %eq3A_196 = arith.cmpi eq, %get3A_59, %eq3A_195 : vector<16x512xi32>
    %slice3A_197 = vector.extract_strided_slice %dot_general3A_56 {offsets = [0, 15], sizes = [512, 1], strides = [1, 1]} : vector<512x16xf32> to vector<512x1xf32>
    %squeeze3A_198 = vector.shape_cast %slice3A_197 : vector<512x1xf32> to vector<512xf32>
    %broadcast_in_dim3A_199 = vector.shape_cast %squeeze3A_198 : vector<512xf32> to vector<1x512xf32>
    %broadcast_in_dim3A_200 = vector.shape_cast %broadcast_in_dim3A_199 : vector<1x512xf32> to vector<1x512xf32>
    %broadcast_in_dim3A_201 = vector.broadcast %broadcast_in_dim3A_200 : vector<1x512xf32> to vector<16x512xf32>
    %select_n3A_202 = arith.select %eq3A_196, %broadcast_in_dim3A_201, %select_n3A_193 : vector<16x512xi1>, vector<16x512xf32>
    %reduce_max3A = arith.constant dense<0xFF800000> : vector<512xf32>
    %reduce_max3A_203 = vector.multi_reduction <maximumf>, %select_n3A_202, %reduce_max3A [0] : vector<16x512xf32> to vector<512xf32>
    %broadcast_in_dim3A_204 = vector.shape_cast %reduce_max3A_203 : vector<512xf32> to vector<1x512xf32>
    %sub3A = vector.broadcast %broadcast_in_dim3A_204 : vector<1x512xf32> to vector<16x512xf32>
    %sub3A_205 = arith.subf %select_n3A_202, %sub3A : vector<16x512xf32>
    %exp3A = math.exp %sub3A_205 : vector<16x512xf32>
    %reduce_sum3A_206 = arith.constant dense<0.000000e+00> : vector<512xf32>
    %reduce_sum3A_207 = vector.multi_reduction <add>, %exp3A, %reduce_sum3A_206 [0] : vector<16x512xf32> to vector<512xf32>
    %broadcast_in_dim3A_208 = vector.shape_cast %reduce_sum3A_207 : vector<512xf32> to vector<1x512xf32>
    %div3A_209 = vector.broadcast %broadcast_in_dim3A_208 : vector<1x512xf32> to vector<16x512xf32>
    %div3A_210 = arith.divf %exp3A, %div3A_209 : vector<16x512xf32>
    %get3A_211 = arith.constant 0 : index
    %get3A_212 = arith.constant 0 : index
    %get3A_213 = arith.constant 0 : index
    %get3A_214 = vector.load %arg4[%get3A_211, %get3A_212, %get3A_213] : memref<16x512x128xf32, #tpu.memory_space<vmem>>, vector<16x512x128xf32>
    %mul3A_215 = arith.mulf %get3A_214, %get3A_214 : vector<16x512x128xf32>
    %reduce_sum3A_216 = arith.constant dense<0.000000e+00> : vector<16x512xf32>
    %reduce_sum3A_217 = vector.multi_reduction <add>, %mul3A_215, %reduce_sum3A_216 [2] : vector<16x512x128xf32> to vector<16x512xf32>
    %broadcast_in_dim3A_218 = vector.shape_cast %reduce_sum3A_217 : vector<16x512xf32> to vector<16x512x1xf32>
    %broadcast_in_dim3A_219 = vector.shape_cast %div3A_210 : vector<16x512xf32> to vector<16x512x1xf32>
    %gt3A_220 = arith.constant 1.000000e+00 : f32
    %gt3A_221 = vector.broadcast %gt3A_220 : f32 to vector<16x512x1xf32>
    %gt3A_222 = arith.cmpf ogt, %broadcast_in_dim3A_218, %gt3A_221 : vector<16x512x1xf32>
    %rsqrt3A = math.rsqrt %broadcast_in_dim3A_218 : vector<16x512x1xf32>
    %jit3A_223 = arith.constant 1.000000e+00 : f32
    %broadcast_in_dim3A_224 = vector.broadcast %jit3A_223 : f32 to vector<16x512x1xf32>
    %select_n3A_225 = arith.select %gt3A_222, %rsqrt3A, %broadcast_in_dim3A_224 : vector<16x512x1xi1>, vector<16x512x1xf32>
    %mul3A_226 = arith.mulf %broadcast_in_dim3A_219, %select_n3A_225 : vector<16x512x1xf32>
    %mul3A_227 = vector.broadcast %mul3A_226 : vector<16x512x1xf32> to vector<16x512x128xf32>
    %mul3A_228 = arith.mulf %mul3A_227, %get3A_214 : vector<16x512x128xf32>
    %reduce_sum3A_229 = arith.constant dense<0.000000e+00> : vector<512x128xf32>
    %reduce_sum3A_230 = vector.multi_reduction <add>, %mul3A_228, %reduce_sum3A_229 [0] : vector<16x512x128xf32> to vector<512x128xf32>
    %mul3A_231 = arith.mulf %mul3A_228, %mul3A_228 : vector<16x512x128xf32>
    %reduce_sum3A_232 = arith.constant dense<0.000000e+00> : vector<512x128xf32>
    %reduce_sum3A_233 = vector.multi_reduction <add>, %mul3A_231, %reduce_sum3A_232 [0] : vector<16x512x128xf32> to vector<512x128xf32>
    %mul3A_234 = arith.mulf %reduce_sum3A_230, %reduce_sum3A_230 : vector<512x128xf32>
    %sub3A_235 = arith.subf %mul3A_234, %reduce_sum3A_233 : vector<512x128xf32>
    %get3A_236 = arith.constant 0 : index
    %get3A_237 = arith.constant 0 : index
    %get3A_238 = vector.load %arg6[%get3A_236, %get3A_237] : memref<128x128xf32, #tpu.memory_space<vmem>>, vector<128x128xf32>
    %get3A_239 = arith.constant 0 : index
    %get3A_240 = arith.constant 0 : index
    %get3A_241 = vector.load %arg8[%get3A_239, %get3A_240] : memref<128x128xf32, #tpu.memory_space<vmem>>, vector<128x128xf32>
    %get3A_242 = arith.constant 0 : index
    %get3A_243 = vector.load %arg7[%get3A_242] : memref<128xf32, #tpu.memory_space<vmem>>, vector<128xf32>
    %get3A_244 = arith.constant 0 : index
    %get3A_245 = vector.load %arg9[%get3A_244] : memref<128xf32, #tpu.memory_space<vmem>>, vector<128xf32>
    %add3A_246 = arith.addf %mul3A_55, %sub3A_235 : vector<512x128xf32>
    %dot_general3A_247 = arith.constant dense<0.000000e+00> : vector<512x128xf32>
    %dot_general3A_248 = tpu.matmul %add3A_246, %get3A_238, %dot_general3A_247 {dimension_numbers = #tpu.dot_dimension_numbers<[1], [0], [0], [1], [0, 0, 1, 1], [], []>, transpose_lhs_hint = false} : vector<512x128xf32>, vector<128x128xf32>, vector<512x128xf32> -> vector<512x128xf32>
    %broadcast_in_dim3A_249 = vector.shape_cast %get3A_243 : vector<128xf32> to vector<1x128xf32>
    %add3A_250 = vector.broadcast %broadcast_in_dim3A_249 : vector<1x128xf32> to vector<512x128xf32>
    %add3A_251 = arith.addf %dot_general3A_248, %add3A_250 : vector<512x128xf32>
    %ge3A = arith.constant 0.000000e+00 : f32
    %ge3A_252 = vector.broadcast %ge3A : f32 to vector<512x128xf32>
    %ge3A_253 = arith.cmpf oge, %add3A_251, %ge3A_252 : vector<512x128xf32>
    %mul3A_254 = arith.constant 2.000000e-01 : f32
    %mul3A_255 = vector.broadcast %mul3A_254 : f32 to vector<512x128xf32>
    %mul3A_256 = arith.mulf %mul3A_255, %add3A_251 : vector<512x128xf32>
    %select_n3A_257 = arith.select %ge3A_253, %add3A_251, %mul3A_256 : vector<512x128xi1>, vector<512x128xf32>
    %mul3A_258 = arith.mulf %mul3A_55, %sub3A_235 : vector<512x128xf32>
    %dot_general3A_259 = arith.constant dense<0.000000e+00> : vector<512x128xf32>
    %dot_general3A_260 = tpu.matmul %mul3A_258, %get3A_241, %dot_general3A_259 {dimension_numbers = #tpu.dot_dimension_numbers<[1], [0], [0], [1], [0, 0, 1, 1], [], []>, transpose_lhs_hint = false} : vector<512x128xf32>, vector<128x128xf32>, vector<512x128xf32> -> vector<512x128xf32>
    %broadcast_in_dim3A_261 = vector.shape_cast %get3A_245 : vector<128xf32> to vector<1x128xf32>
    %add3A_262 = vector.broadcast %broadcast_in_dim3A_261 : vector<1x128xf32> to vector<512x128xf32>
    %add3A_263 = arith.addf %dot_general3A_260, %add3A_262 : vector<512x128xf32>
    %ge3A_264 = arith.constant 0.000000e+00 : f32
    %ge3A_265 = vector.broadcast %ge3A_264 : f32 to vector<512x128xf32>
    %ge3A_266 = arith.cmpf oge, %add3A_263, %ge3A_265 : vector<512x128xf32>
    %mul3A_267 = arith.constant 2.000000e-01 : f32
    %mul3A_268 = vector.broadcast %mul3A_267 : f32 to vector<512x128xf32>
    %mul3A_269 = arith.mulf %mul3A_268, %add3A_263 : vector<512x128xf32>
    %select_n3A_270 = arith.select %ge3A_266, %add3A_263, %mul3A_269 : vector<512x128xi1>, vector<512x128xf32>
    %add3A_271 = arith.addf %select_n3A_257, %select_n3A_270 : vector<512x128xf32>
    %add3A_272 = arith.addf %mul3A_33, %mul3A_33 : vector<512x128xf32>
    %dot_general3A_273 = arith.constant dense<0.000000e+00> : vector<512x128xf32>
    %dot_general3A_274 = tpu.matmul %add3A_272, %get3A_238, %dot_general3A_273 {dimension_numbers = #tpu.dot_dimension_numbers<[1], [0], [0], [1], [0, 0, 1, 1], [], []>, transpose_lhs_hint = false} : vector<512x128xf32>, vector<128x128xf32>, vector<512x128xf32> -> vector<512x128xf32>
    %broadcast_in_dim3A_275 = vector.shape_cast %get3A_243 : vector<128xf32> to vector<1x128xf32>
    %add3A_276 = vector.broadcast %broadcast_in_dim3A_275 : vector<1x128xf32> to vector<512x128xf32>
    %add3A_277 = arith.addf %dot_general3A_274, %add3A_276 : vector<512x128xf32>
    %ge3A_278 = arith.constant 0.000000e+00 : f32
    %ge3A_279 = vector.broadcast %ge3A_278 : f32 to vector<512x128xf32>
    %ge3A_280 = arith.cmpf oge, %add3A_277, %ge3A_279 : vector<512x128xf32>
    %mul3A_281 = arith.constant 2.000000e-01 : f32
    %mul3A_282 = vector.broadcast %mul3A_281 : f32 to vector<512x128xf32>
    %mul3A_283 = arith.mulf %mul3A_282, %add3A_277 : vector<512x128xf32>
    %select_n3A_284 = arith.select %ge3A_280, %add3A_277, %mul3A_283 : vector<512x128xi1>, vector<512x128xf32>
    %mul3A_285 = arith.mulf %mul3A_33, %mul3A_33 : vector<512x128xf32>
    %dot_general3A_286 = arith.constant dense<0.000000e+00> : vector<512x128xf32>
    %dot_general3A_287 = tpu.matmul %mul3A_285, %get3A_241, %dot_general3A_286 {dimension_numbers = #tpu.dot_dimension_numbers<[1], [0], [0], [1], [0, 0, 1, 1], [], []>, transpose_lhs_hint = false} : vector<512x128xf32>, vector<128x128xf32>, vector<512x128xf32> -> vector<512x128xf32>
    %broadcast_in_dim3A_288 = vector.shape_cast %get3A_245 : vector<128xf32> to vector<1x128xf32>
    %add3A_289 = vector.broadcast %broadcast_in_dim3A_288 : vector<1x128xf32> to vector<512x128xf32>
    %add3A_290 = arith.addf %dot_general3A_287, %add3A_289 : vector<512x128xf32>
    %ge3A_291 = arith.constant 0.000000e+00 : f32
    %ge3A_292 = vector.broadcast %ge3A_291 : f32 to vector<512x128xf32>
    %ge3A_293 = arith.cmpf oge, %add3A_290, %ge3A_292 : vector<512x128xf32>
    %mul3A_294 = arith.constant 2.000000e-01 : f32
    %mul3A_295 = vector.broadcast %mul3A_294 : f32 to vector<512x128xf32>
    %mul3A_296 = arith.mulf %mul3A_295, %add3A_290 : vector<512x128xf32>
    %select_n3A_297 = arith.select %ge3A_293, %add3A_290, %mul3A_296 : vector<512x128xi1>, vector<512x128xf32>
    %add3A_298 = arith.addf %select_n3A_284, %select_n3A_297 : vector<512x128xf32>
    %get3A_299 = arith.constant 0 : index
    %get3A_300 = arith.constant 0 : index
    %get3A_301 = vector.load %arg10[%get3A_299, %get3A_300] : memref<512x128xf32, #tpu.memory_space<vmem>>, vector<512x128xf32>
    %slice3A_302 = vector.extract_strided_slice %get3A_301 {offsets = [0, 0], sizes = [128, 128], strides = [1, 1]} : vector<512x128xf32> to vector<128x128xf32>
    %dot_general3A_303 = arith.constant dense<0.000000e+00> : vector<512x128xf32>
    %dot_general3A_304 = tpu.matmul %add3A_298, %slice3A_302, %dot_general3A_303 {dimension_numbers = #tpu.dot_dimension_numbers<[1], [0], [0], [1], [0, 0, 1, 1], [], []>, transpose_lhs_hint = false} : vector<512x128xf32>, vector<128x128xf32>, vector<512x128xf32> -> vector<512x128xf32>
    %slice3A_305 = vector.extract_strided_slice %get3A_301 {offsets = [128, 0], sizes = [128, 128], strides = [1, 1]} : vector<512x128xf32> to vector<128x128xf32>
    %dot_general3A_306 = arith.constant dense<0.000000e+00> : vector<512x128xf32>
    %dot_general3A_307 = tpu.matmul %add3A_271, %slice3A_305, %dot_general3A_306 {dimension_numbers = #tpu.dot_dimension_numbers<[1], [0], [0], [1], [0, 0, 1, 1], [], []>, transpose_lhs_hint = false} : vector<512x128xf32>, vector<128x128xf32>, vector<512x128xf32> -> vector<512x128xf32>
    %add3A_308 = arith.addf %dot_general3A_304, %dot_general3A_307 : vector<512x128xf32>
    %add3A_309 = arith.addf %add3A_298, %add3A_271 : vector<512x128xf32>
    %slice3A_310 = vector.extract_strided_slice %get3A_301 {offsets = [256, 0], sizes = [128, 128], strides = [1, 1]} : vector<512x128xf32> to vector<128x128xf32>
    %dot_general3A_311 = arith.constant dense<0.000000e+00> : vector<512x128xf32>
    %dot_general3A_312 = tpu.matmul %add3A_309, %slice3A_310, %dot_general3A_311 {dimension_numbers = #tpu.dot_dimension_numbers<[1], [0], [0], [1], [0, 0, 1, 1], [], []>, transpose_lhs_hint = false} : vector<512x128xf32>, vector<128x128xf32>, vector<512x128xf32> -> vector<512x128xf32>
    %add3A_313 = arith.addf %add3A_308, %dot_general3A_312 : vector<512x128xf32>
    %mul3A_314 = arith.mulf %add3A_298, %add3A_271 : vector<512x128xf32>
    %slice3A_315 = vector.extract_strided_slice %get3A_301 {offsets = [384, 0], sizes = [128, 128], strides = [1, 1]} : vector<512x128xf32> to vector<128x128xf32>
    %dot_general3A_316 = arith.constant dense<0.000000e+00> : vector<512x128xf32>
    %dot_general3A_317 = tpu.matmul %mul3A_314, %slice3A_315, %dot_general3A_316 {dimension_numbers = #tpu.dot_dimension_numbers<[1], [0], [0], [1], [0, 0, 1, 1], [], []>, transpose_lhs_hint = false} : vector<512x128xf32>, vector<128x128xf32>, vector<512x128xf32> -> vector<512x128xf32>
    %add3A_318 = arith.addf %add3A_313, %dot_general3A_317 : vector<512x128xf32>
    %get3A_319 = arith.constant 0 : index
    %get3A_320 = vector.load %arg11[%get3A_319] : memref<128xf32, #tpu.memory_space<vmem>>, vector<128xf32>
    %broadcast_in_dim3A_321 = vector.shape_cast %get3A_320 : vector<128xf32> to vector<1x128xf32>
    %add3A_322 = vector.broadcast %broadcast_in_dim3A_321 : vector<1x128xf32> to vector<512x128xf32>
    %add3A_323 = arith.addf %add3A_318, %add3A_322 : vector<512x128xf32>
    %get3A_324 = arith.constant 0 : index
    %get3A_325 = arith.constant 0 : index
    %get3A_326 = vector.load %arg12[%get3A_324, %get3A_325] : memref<128x64xf32, #tpu.memory_space<vmem>>, vector<128x64xf32>
    %dot_general3A_327 = arith.constant dense<0.000000e+00> : vector<512x64xf32>
    %dot_general3A_328 = tpu.matmul %add3A_323, %get3A_326, %dot_general3A_327 {dimension_numbers = #tpu.dot_dimension_numbers<[1], [0], [0], [1], [0, 0, 1, 1], [], []>, transpose_lhs_hint = false} : vector<512x128xf32>, vector<128x64xf32>, vector<512x64xf32> -> vector<512x64xf32>
    %get3A_329 = arith.constant 0 : index
    %get3A_330 = vector.load %arg13[%get3A_329] : memref<64xf32, #tpu.memory_space<vmem>>, vector<64xf32>
    %broadcast_in_dim3A_331 = vector.shape_cast %get3A_330 : vector<64xf32> to vector<1x64xf32>
    %add3A_332 = vector.broadcast %broadcast_in_dim3A_331 : vector<1x64xf32> to vector<512x64xf32>
    %add3A_333 = arith.addf %dot_general3A_328, %add3A_332 : vector<512x64xf32>
    %get3A_334 = arith.constant 0 : index
    %get3A_335 = arith.constant 0 : index
    %get3A_336 = vector.load %arg14[%get3A_334, %get3A_335] : memref<64x1xf32, #tpu.memory_space<vmem>>, vector<64x1xf32>
    %dot_general3A_337 = arith.constant dense<0.000000e+00> : vector<512x1xf32>
    %dot_general3A_338 = tpu.matmul %add3A_333, %get3A_336, %dot_general3A_337 {dimension_numbers = #tpu.dot_dimension_numbers<[1], [0], [0], [1], [0, 0, 1, 1], [], []>, transpose_lhs_hint = false} : vector<512x64xf32>, vector<64x1xf32>, vector<512x1xf32> -> vector<512x1xf32>
    %get3A_339 = arith.constant 0 : index
    %get3A_340 = vector.load %arg15[%get3A_339] : memref<1xf32, #tpu.memory_space<vmem>>, vector<1xf32>
    %broadcast_in_dim3A_341 = vector.shape_cast %get3A_340 : vector<1xf32> to vector<1x1xf32>
    %add3A_342 = vector.broadcast %broadcast_in_dim3A_341 : vector<1x1xf32> to vector<512x1xf32>
    %add3A_343 = arith.addf %dot_general3A_338, %add3A_342 : vector<512x1xf32>
    %neg3A = arith.constant 0.000000e+00 : f32
    %neg3A_344 = vector.broadcast %neg3A : f32 to vector<512x1xf32>
    %neg3A_345 = arith.subf %neg3A_344, %add3A_343 : vector<512x1xf32>
    %exp3A_346 = math.exp %neg3A_345 : vector<512x1xf32>
    %add3A_347 = arith.constant 1.000000e+00 : f32
    %add3A_348 = vector.broadcast %add3A_347 : f32 to vector<512x1xf32>
    %add3A_349 = arith.addf %add3A_348, %exp3A_346 : vector<512x1xf32>
    %div3A_350 = arith.constant 1.000000e+00 : f32
    %div3A_351 = vector.broadcast %div3A_350 : f32 to vector<512x1xf32>
    %div3A_352 = arith.divf %div3A_351, %add3A_349 : vector<512x1xf32>
    %swap3A = arith.constant 0 : index
    %swap3A_353 = arith.constant 0 : index
    %swap3A_354 = vector.load %arg16[%swap3A, %swap3A_353] : memref<512x1xf32, #tpu.memory_space<vmem>>, vector<512x1xf32>
    tpu.vector_store %arg16[%swap3A, %swap3A_353], %div3A_352 {strides = array<i32>} : memref<512x1xf32, #tpu.memory_space<vmem>>, vector<512x1xf32>,
    return
  }
  func.func @transform_0(%arg0: i32) -> (i32, i32) {
    %c0_i32 = arith.constant 0 : i32
    %c0_i32_0 = arith.constant 0 : i32
    return %c0_i32, %arg0 : i32, i32
  }
  func.func @transform_1(%arg0: i32) -> (i32, i32) {
    %c0_i32 = arith.constant 0 : i32
    %c0_i32_0 = arith.constant 0 : i32
    return %arg0, %c0_i32 : i32, i32
  }
  func.func @transform_2(%arg0: i32) -> (i32, i32) {
    %c0_i32 = arith.constant 0 : i32
    %c0_i32_0 = arith.constant 0 : i32
    return %arg0, %c0_i32 : i32, i32
  }
  func.func @transform_3(%arg0: i32) -> (i32, i32, i32) {
    %c0_i32 = arith.constant 0 : i32
    %c0_i32_0 = arith.constant 0 : i32
    %c0_i32_1 = arith.constant 0 : i32
    return %c0_i32, %arg0, %c0_i32_0 : i32, i32, i32
  }
  func.func @transform_4(%arg0: i32) -> (i32, i32) {
    %c0_i32 = arith.constant 0 : i32
    %c0_i32_0 = arith.constant 0 : i32
    %c0_i32_1 = arith.constant 0 : i32
    return %c0_i32, %c0_i32_0 : i32, i32
  }
  func.func @transform_5(%arg0: i32) -> (i32, i32) {
    %c0_i32 = arith.constant 0 : i32
    %c0_i32_0 = arith.constant 0 : i32
    %c0_i32_1 = arith.constant 0 : i32
    return %c0_i32, %c0_i32_0 : i32, i32
  }
  func.func @transform_6(%arg0: i32) -> i32 {
    %c0_i32 = arith.constant 0 : i32
    %c0_i32_0 = arith.constant 0 : i32
    return %c0_i32 : i32
  }
  func.func @transform_7(%arg0: i32) -> (i32, i32) {
    %c0_i32 = arith.constant 0 : i32
    %c0_i32_0 = arith.constant 0 : i32
    %c0_i32_1 = arith.constant 0 : i32
    return %c0_i32, %c0_i32_0 : i32, i32
  }
  func.func @transform_8(%arg0: i32) -> i32 {
    %c0_i32 = arith.constant 0 : i32
    %c0_i32_0 = arith.constant 0 : i32
    return %c0_i32 : i32
  }
  func.func @transform_9(%arg0: i32) -> (i32, i32) {
    %c0_i32 = arith.constant 0 : i32
    %c0_i32_0 = arith.constant 0 : i32
    %c0_i32_1 = arith.constant 0 : i32
    return %c0_i32, %c0_i32_0 : i32, i32
  }
  func.func @transform_10(%arg0: i32) -> i32 {
    %c0_i32 = arith.constant 0 : i32
    %c0_i32_0 = arith.constant 0 : i32
    return %c0_i32 : i32
  }
  func.func @transform_11(%arg0: i32) -> (i32, i32) {
    %c0_i32 = arith.constant 0 : i32
    %c0_i32_0 = arith.constant 0 : i32
    %c0_i32_1 = arith.constant 0 : i32
    return %c0_i32, %c0_i32_0 : i32, i32
  }
  func.func @transform_12(%arg0: i32) -> i32 {
    %c0_i32 = arith.constant 0 : i32
    %c0_i32_0 = arith.constant 0 : i32
    return %c0_i32 : i32
  }
  func.func @transform_13(%arg0: i32) -> (i32, i32) {
    %c0_i32 = arith.constant 0 : i32
    %c0_i32_0 = arith.constant 0 : i32
    %c0_i32_1 = arith.constant 0 : i32
    return %c0_i32, %c0_i32_0 : i32, i32
  }
  func.func @transform_14(%arg0: i32) -> i32 {
    %c0_i32 = arith.constant 0 : i32
    %c0_i32_0 = arith.constant 0 : i32
    return %c0_i32 : i32
  }
  func.func @transform_15(%arg0: i32) -> (i32, i32) {
    %c0_i32 = arith.constant 0 : i32
    %c0_i32_0 = arith.constant 0 : i32
    return %arg0, %c0_i32 : i32, i32
  }
}

</mosaic_0001>

<sc_bundles>
// kernel: kernel.4.cloned.1.call-start
scs
__scs_entry_jumppad:
0x0: {  	(pc) =	sbr.rel $0x88, $3  }
0x1: {  	(tag) =	ssettag $0x0;
	lr =	simm.s32 $0x1  }
0x2: {  	[smem:$0x3F91] =	sst lr;
	_ =	strace $0xD0000000  }
0x3: {  	_ = 	snop  }
0x4: {  	_ = 	snop  }
0x5: {  	_ = 	snop  }
0x6: {  	_ = 	snop  }
0x7: {  	_ = 	snop  }
__scs_overlays_trampoline_lowered:
0x8: {  	[smem:$0x3FA0] =	sst s0  }
0x9: {  	[smem:$0x3FA1] =	sst s1  }
0xa: {  	[smem:$0x3FA2] =	sst s2  }
0xb: {  	[smem:$0x3FA3] =	sst s3  }
0xc: {  	[smem:$0x3FA4] =	sst s4  }
0xd: {  	[smem:$0x3FA5] =	sst s5  }
0xe: {  	[smem:$0x3FA6] =	sst s6  }
0xf: {  	[smem:$0x3FA7] =	sst s7  }
0x10: {  	[smem:$0x3FA8] =	sst s8  }
0x11: {  	[smem:$0x3FA9] =	sst s9;
	s0 =	simm.s32 @!p0 $0x0  }
0x12: {  	s1 =	sld [smem:$0x3F8F];
	s0 =	simm.s32 @p0 $0x1  }
0x13: {  	[smem:$0x3FAA] =	sst s0;
	s0 =	simm.s32 @!p1 $0x0  }
0x14: {  	s2 =	sld [smem:$0x3F8E];
	s0 =	simm.s32 @p1 $0x1  }
0x15: {  	[smem:$0x3FAB] =	sst s0;
	s0 =	simm.s32 @!p2 $0x0  }
0x16: {  	s3 =	sld [smem:$0x3FDB];
	s0 =	simm.s32 @p2 $0x1  }
0x17: {  	s4 =	simm.s32 $0x1BF5;
	[smem:$0x3FAD] =	sst s0  }
0x18: {  	s0 =	sld [smem:$0x3F90];
	_ =	swait.ge [sflag:s4], $0x0  }
0x19: {  	s7 =	sld [smem:$0x3F91]  }
0x1a: {  	s8 =	sadd.s32 $0xFFFFE003, lr  }
0x1b: {  	s9 =	sadd.s32 $0xFFFFFEF7, lr;
	s5 =	simm.s32 $0xFFFFFFFF;
	p2 =	slt.u32 s8, $0xFFFFF086  }
0x1c: {  	p1 =	slt.u32 s9, $0xF7A;
	s5 =	simm.s32 @!p2 $0x0  }
0x1d: {  	s5 =	simm.s32 @p1 $0x1;
	p0 =	seq.s32 s7, s2  }
0x1e: {  	s7 =	smul.u32 @!p0 $0xF7A, s2;
	p2 =	seq.s32 @!p0 s5, $0x0  }
0x1f: {  	s9 =	smul.u32 $0xF7A, s1;
	s8 =	simm.s32 @!p0 $0x1BF5;
	p2 =	por !p2, p0  }
0x20: {  	[sflag:s8] =	ssyncset.s32 @!p0 $0xFFFFF086;
	s6 =	sadd.s32 @!p0 s3, s7;
	s7 =	simm.s32 @!p0 $0x108  }
0x21: {  	s3 =	sadd.s32 s3, s9;
	s6 =	sadd.s32 @!p0 $0x88, s6;
	s7 =	simm.s32 @p2 $0x1082  }
0x22: {  	[simem:s7], [sflag:s8] =	dma.local @!p0 [hbm:s6], $0xF7A  }
0x23: {  	s9 =	sor.u32 $0xD0000000, s2;
	s6 =	simm.s32 $0x108;
	_ =	swait.ge @!p0 [sflag:s8], $0x0  }
0x24: {  	s3 =	sadd.s32 $0x88, s3;
	s6 =	simm.s32 @!p1 $0x1082;
	[sflag:s4] =	ssyncset.s32 $0xFFFFF086  }
0x25: {  	[simem:s6], [sflag:s4] =	dma.local [hbm:s3], $0xF7A  }
0x26: {  	[smem:$0x3F91] =	sst s1;
	(tag) =	ssettag s2;
	_ =	strace s9  }
0x27: {  	s1 =	sld [smem:$0x3FA1]  }
0x28: {  	s2 =	sld [smem:$0x3FA2]  }
0x29: {  	s4 =	sld [smem:$0x3FA4]  }
0x2a: {  	p0 =	seq.s32 s5, $0x0;
	s5 =	sld [smem:$0x3FA5]  }
0x2b: {  	s6 =	sld [smem:$0x3FA6]  }
0x2c: {  	s7 =	sld [smem:$0x3FA7]  }
0x2d: {  	s3 =	simm.s32 $0x108;
	s8 =	sld [smem:$0x3FA8]  }
0x2e: {  	s3 =	simm.s32 @!p0 $0x1082;
	s9 =	sld [smem:$0x3FA9]  }
0x2f: {  	lr =	sadd.s32 s0, s3;
	s0 =	sld [smem:$0x3FA0]  }
0x30: {  	s3 =	sld [smem:$0x3FA3]  }
0x31: {  	[smem:$0x3FAC] =	sst s10  }
0x32: {  	s10 =	sld [smem:$0x3FAA];
	_ =	sdelay $0x3  }
0x33: {  	p0 =	seq.s32 s10, $0x1;
	s10 =	sld [smem:$0x3FAC];
	_ =	sdelay $0x3  }
0x34: {  	[smem:$0x3FAC] =	sst s10  }
0x35: {  	s10 =	sld [smem:$0x3FAB];
	_ =	sdelay $0x3  }
0x36: {  	p1 =	seq.s32 s10, $0x1;
	s10 =	sld [smem:$0x3FAC];
	_ =	sdelay $0x3  }
0x37: {  	[smem:$0x3FAC] =	sst s10  }
0x38: {  	s10 =	sld [smem:$0x3FAD]  }
0x39: {  	_ = 	snop;
	(pc) =	sbr.ind lr, $3  }
0x3a: {  	_ = 	snop  }
0x3b: {  	_ = 	snop  }
0x3c: {  	p2 =	seq.s32 s10, $0x1;
	s10 =	sld [smem:$0x3FAC]  }
0x3d: {  	_ =	shalt  }
0x3e: {  	_ =	shalt  }
0x3f: {  	_ =	shalt  }
0x40: {  	_ =	shalt  }
0x41: {  	_ =	shalt  }
0x42: {  	_ =	shalt  }
0x43: {  	_ =	shalt  }
0x44: {  	_ =	shalt  }
0x45: {  	_ =	shalt  }
0x46: {  	_ =	shalt  }
0x47: {  	_ =	shalt  }
0x48: {  	_ =	shalt  }
0x49: {  	_ =	shalt  }
0x4a: {  	_ =	shalt  }
0x4b: {  	_ =	shalt  }
0x4c: {  	_ =	shalt  }
0x4d: {  	_ =	shalt  }
0x4e: {  	_ =	shalt  }
0x4f: {  	_ =	shalt  }
0x50: {  	_ =	shalt  }
0x51: {  	_ =	shalt  }
0x52: {  	_ =	shalt  }
0x53: {  	_ =	shalt  }
0x54: {  	_ =	shalt  }
0x55: {  	_ =	shalt  }
0x56: {  	_ =	shalt  }
0x57: {  	_ =	shalt  }
0x58: {  	_ =	shalt  }
0x59: {  	_ =	shalt  }
0x5a: {  	_ =	shalt  }
0x5b: {  	_ =	shalt  }
0x5c: {  	_ =	shalt  }
0x5d: {  	_ =	shalt  }
0x5e: {  	_ =	shalt  }
0x5f: {  	_ =	shalt  }
0x60: {  	_ =	shalt  }
0x61: {  	_ =	shalt  }
0x62: {  	_ =	shalt  }
0x63: {  	_ =	shalt  }
0x64: {  	_ =	shalt  }
0x65: {  	_ =	shalt  }
0x66: {  	_ =	shalt  }
0x67: {  	_ =	shalt  }
0x68: {  	_ =	shalt  }
0x69: {  	_ =	shalt  }
0x6a: {  	_ =	shalt  }
0x6b: {  	_ =	shalt  }
0x6c: {  	_ =	shalt  }
0x6d: {  	_ =	shalt  }
0x6e: {  	_ =	shalt  }
0x6f: {  	_ =	shalt  }
0x70: {  	_ =	shalt  }
0x71: {  	_ =	shalt  }
0x72: {  	_ =	shalt  }
0x73: {  	_ =	shalt  }
0x74: {  	_ =	shalt  }
0x75: {  	_ =	shalt  }
0x76: {  	_ =	shalt  }
0x77: {  	_ =	shalt  }
0x78: {  	_ =	shalt  }
0x79: {  	_ =	shalt  }
0x7a: {  	_ =	shalt  }
0x7b: {  	_ =	shalt  }
0x7c: {  	_ =	shalt  }
0x7d: {  	_ =	shalt  }
0x7e: {  	_ =	shalt  }
0x7f: {  	_ =	shalt  }
0x80: {  	_ =	shalt  }
0x81: {  	_ =	shalt  }
0x82: {  	_ =	shalt  }
0x83: {  	_ =	shalt  }
0x84: {  	_ =	shalt  }
0x85: {  	_ =	shalt  }
0x86: {  	_ =	shalt  }
0x87: {  	_ =	shalt  }
.Lfunc_end0:
.L_simem_size_0:
called_computation_lowered:
.L_overlay_start_0:
0x88: {  	s2 =	sld [smem:$0x3FD9]  }
0x89: {  	s3 =	sld [smem:$0x3FFE];
	_ =	sdelay $0x1  }
0x8a: {  	s1 =	srdreg.scid  }
0x8b: {  	s0 =	sand.u32 $0x1, s1  }
0x8c: {  	s17 =	sshll.u32 s0, $0xA;
	s2 =	sadd.s32 s3, s2  }
0x8d: {  	s2 =	sadd.s32 s2, s17  }
0x8e: {  	[smem:$0x3FB8] =	sst s2  }
0x8f: {  	_ = 	snop  }
0x90: {  	s2 =	sld [smem:$0x3FC9]  }
0x91: {  	s18 =	sld [smem:$0x3FC8]  }
0x92: {  	s4 =	sld [smem:$0x3FC5];
	(tm) =	ssettm $0x1  }
0x93: {  	s5 =	sld [smem:$0x3FFB];
	_ =	sdelay $0x3  }
0x94: {  	_ =	strace s5  }
0x95: {  	s5 =	sld [smem:$0x3FFC];
	_ =	sdelay $0x3  }
0x96: {  	_ =	strace s5  }
0x97: {  	s5 =	sld [smem:$0x3FFD];
	_ =	sdelay $0x3  }
0x98: {  	_ =	strace s5  }
0x99: {  	_ =	strace $0x8FFFFFFF  }
0x9a: {  	s19 =	sld [smem:$0x3FDB];
	_ =	sdelay $0x1  }
0x9b: {  	s6 =	simm.s32 $_scs_section_size  }
0x9c: {  	s7 =	simm.s32 $_size__tile_overlayer_lowered;
	s8 =	simm.s32 $_tile_overlayer_lowered  }
0x9d: {  	s22 =	simm.s32 $0x1BFF;
	s21 =	sshll.u32 s8, $0x1;
	s5 =	sadd.s32 s6, s19  }
0x9e: {  	s9 =	simm.s32 $0x0;
	s20 =	sshll.u32 s7, $0x1;
	s7 =	sadd.s32 s21, s5  }
0x9f: {  	[timem:s9], [sflag:s22] =	dma.local [hbm:s7], s20  }
0xa0: {  	_ =	swait.ge [sflag:s22], s20  }
0xa1: {  	s6 =	ssub.s32 $0x0, s20;
	[sflag:s22] =	ssyncset.done $0x0  }
0xa2: {  	[sflag:s22] =	ssyncadd.s32 s6;
	_ =	sdelay $0x1  }
0xa3: {  	s23 =	simm.s32 $0x1B8B  }
0xa4: {  	_ =	swait.ge [sflag:s23], $0x1  }
0xa5: {  	[sflag:s23] =	ssyncset.done $0x0  }
0xa6: {  	s25 =	simm.s32 $0x1B8E;
	s24 =	sld [smem:$0x3FFE];
	[sflag:s23] =	ssyncadd.s32 $0xFFFFFFFF  }
0xa7: {  	s26 =	simm.s32 $execute0_lowered;
	[smem:$0x3FD2] =	sst s25  }
0xa8: {  	s7 =	sshll.u32 s26, $0x1;
	_ =	strace $0x80000046;
	[dreg:$0x1] =	wrdreg $0xFFFFFFFF  }
0xa9: {  	s28 =	simm.s32 $_size_execute0_lowered;
	s5 =	sadd.s32 s5, s7;
	[dreg:$0x0] =	wrdreg $0x0  }
0xaa: {  	s7 =	sshll.u32 s28, $0x1;
	[dreg:$0x2] =	wrdreg s5  }
0xab: {  	[dreg:$0x3] =	wrdreg s7  }
0xac: {  	[dreg:$0x4] =	wrdreg $0xC0  }
0xad: {  	_ =	task [dreg:s9], $0x5FFFF  }
0xae: {  	[dreg:$0x1] =	wrdreg $0xFFFFFFFF  }
0xaf: {  	[dreg:$0x0] =	wrdreg $0x60  }
0xb0: {  	[dreg:$0x2] =	wrdreg s2  }
0xb1: {  	[dreg:$0x3] =	wrdreg s18  }
0xb2: {  	[dreg:$0x4] =	wrdreg s24  }
0xb3: {  	[dreg:$0x5] =	wrdreg s4  }
0xb4: {  	[dreg:$0x6] =	wrdreg $0x9  }
0xb5: {  	_ =	task.clear_ibuf [dreg:s9], $0x7FFFF;
	_ =	strace $0x90000046  }
0xb6: {  	s29 =	simm.s32 $0x9;
	_ =	strace $0x80000048  }
0xb7: {  	_ =	swait.ge [sflag:s29], $0x1  }
0xb8: {  	[sflag:s29] =	ssyncadd.s32 $0xFFFFFFFF  }
0xb9: {  	_ =	strace $0x90000048  }
0xba: {  	_ =	sfence  }
0xbb: {  	s30 =	sld [smem:$0x0];
	_ =	sdelay $0x2  }
0xbc: {  	s31 =	sshll.u32 s1, $0xD;
	s1 =	sshrl.u32 s1, $0x2  }
0xbd: {  	s3 =	sand.u32 $0x4000, s31;
	s1 =	sadd.s32 s1, s30  }
0xbe: {  	s0 =	sor.u32 s3, s0;
	s1 =	sshll.u32 s1, $0x11  }
0xbf: {  	s0 =	sor.u32 s1, s0  }
0xc0: {  	s0 =	sadd.s32 $0x8F2B, s0  }
0xc1: {  	[sflag:s0] =	ssyncadd.remote.s32 $0x1  }
0xc2: {  	_ =	sfence.sel $0xFFFF  }
0xc3: {  	[dreg:$0x0] =	wrdreg $0xFFFFFFFF;
	(pc) =	sbr.abs _section_cstart, $3  }
0xc4: {  	[dreg:$0x1] =	wrdreg $0xFFFFFFFF  }
0xc5: {  	_ =	task.clear_ibuf [dreg:s9], $0x2FFFF;
	_ =	strace $0x9FFFFFFF  }
0xc6: {  	(tm) =	ssettm $0x7FFFFFFF  }
0xc7: {  	_ =	shalt  }
tec
execute0_lowered:
.L_overlay_start_1:
0x0: {  	(tag) =	ssettag $0x1  }
0x1: {  	s0 =	rddreg [dreg:$0x0]  }
0x2: {  	s5 =	rddreg [dreg:$0x1]  }
0x3: {  	s1 =	srdreg.scid;
	s7 =	rddreg [dreg:$0x2]  }
0x4: {  	s3 =	stileid.u32;
	s2 =	rddreg [dreg:$0x3];
	s30 =	simm.s32 $0xF00  }
0x5: {  	s1 =	sand.u32 $0x1, s1;
	s4 =	sshll.u32 s3, $0x8;
	s3 =	simm.s32 $0x0  }
0x6: {  	s28 =	simm.s32 $0xF80;
	s6 =	sshll.u32 s1, $0x7;
	[smem:$0x7FF] =	sst s3  }
0x7: {  	s1 =	ssub.s32 $0x2, s1;
	s6 =	sor.u32 s6, s4;
	_ =	strace $0x80000047  }
0x8: {  	s4 =	sadd.s32 $0x1E00, s7;
	s9 =	sshrl.u32 s6, $0x3;
	s8 =	sshll.u32 s6, $0x4  }
0x9: {  	s12 =	sor.u32 $0x2000, s6;
	s13 =	sor.u32 $0x4000, s6;
	s15 =	sor.u32 $0x5000, s6  }
0xa: {  	s5 =	sadd.s32 s5, s9;
	s24 =	sadd.s32 s0, s9;
	s0 =	sadd.s32 $0x54E00, s7  }
0xb: {  	s26 =	sshll.u32 s12, $0x4;
	s14 =	sshll.u32 s13, $0x4;
	[dreg:$0x5] =	wrdreg s5  }
0xc: {  	s16 =	sshll.u32 s15, $0x4;
	[dreg:$0x6] =	wrdreg s24;
	s5 =	sor.u32 $0x1000, s6  }
0xd: {  	s10 =	sadd.s32 s0, s8;
	s29 =	sadd.s32 s0, s26;
	s14 =	sadd.s32 s0, s14  }
0xe: {  	s17 =	sadd.s32 s0, s16;
	s16 =	sor.u32 $0x7000, s6;
	[dreg:$0x7] =	wrdreg s10  }
0xf: {  	s26 =	sshrl.u32 s12, $0x3;
	s12 =	sshrl.u32 s15, $0x3;
	[dreg:$0x9] =	wrdreg s29  }
0x10: {  	s11 =	sshll.u32 s5, $0x4;
	[dreg:$0xb] =	wrdreg s14;
	s14 =	sor.u32 $0x6000, s6  }
0x11: {  	[dreg:$0xc] =	wrdreg s17;
	s17 =	sshll.u32 s16, $0x4;
	s5 =	sshrl.u32 s5, $0x3  }
0x12: {  	s16 =	sshrl.u32 s16, $0x3;
	s25 =	sadd.s32 s0, s11;
	s11 =	sor.u32 $0x3000, s6  }
0x13: {  	s18 =	sshll.u32 s14, $0x4;
	s19 =	sadd.s32 s0, s17;
	s17 =	sor.u32 $0x9000, s6  }
0x14: {  	s14 =	sshrl.u32 s14, $0x3;
	[dreg:$0x8] =	wrdreg s25;
	s31 =	sshll.u32 s11, $0x4  }
0x15: {  	[dreg:$0xe] =	wrdreg s19;
	s22 =	sshll.u32 s17, $0x4;
	s10 =	sadd.s32 s0, s31  }
0x16: {  	s19 =	sor.u32 $0xA000, s6;
	[dreg:$0xa] =	wrdreg s10;
	s10 =	sadd.s32 s0, s18  }
0x17: {  	s31 =	sshrl.u32 s11, $0x3;
	s18 =	sor.u32 $0x8000, s6;
	[dreg:$0xd] =	wrdreg s10  }
0x18: {  	s20 =	sshll.u32 s18, $0x4;
	s10 =	sadd.s32 s0, s22;
	s22 =	sadd.s32 $0x32E00, s7  }
0x19: {  	s21 =	sadd.s32 s0, s20;
	s20 =	sshll.u32 s19, $0x4;
	[dreg:$0x10] =	wrdreg s10  }
0x1a: {  	s9 =	sadd.s32 s22, s9;
	s5 =	sadd.s32 s22, s5;
	[dreg:$0xf] =	wrdreg s21  }
0x1b: {  	s29 =	sadd.s32 s22, s26;
	s10 =	sshrl.u32 s13, $0x3;
	[dreg:$0x13] =	wrdreg s9  }
0x1c: {  	s13 =	sadd.s32 s22, s12;
	s15 =	sadd.s32 s22, s14;
	[dreg:$0x14] =	wrdreg s5  }
0x1d: {  	s26 =	sshrl.u32 s19, $0x3;
	s14 =	sor.u32 $0xD000, s6;
	[dreg:$0x15] =	wrdreg s29  }
0x1e: {  	s21 =	sor.u32 $0xB000, s6;
	s23 =	sadd.s32 s0, s20;
	[dreg:$0x18] =	wrdreg s13  }
0x1f: {  	s9 =	sadd.s32 s22, s31;
	s11 =	sadd.s32 s22, s10;
	[dreg:$0x19] =	wrdreg s15  }
0x20: {  	s20 =	sadd.s32 s22, s16;
	s5 =	sadd.s32 $0x1A600, s7;
	s7 =	sadd.s32 s8, s7  }
0x21: {  	s8 =	sadd.s32 s22, s26;
	s31 =	sor.u32 $0xC000, s6;
	[dreg:$0x11] =	wrdreg s23  }
0x22: {  	s15 =	sshrl.u32 s14, $0x3;
	s16 =	sor.u32 $0xE000, s6;
	[dreg:$0x16] =	wrdreg s9  }
0x23: {  	s6 =	sor.u32 $0xF000, s6;
	s10 =	simm.s32 $0xB00;
	[dreg:$0x17] =	wrdreg s11  }
0x24: {  	s24 =	sshll.u32 s21, $0x4;
	s23 =	sshrl.u32 s18, $0x3;
	[dreg:$0x1a] =	wrdreg s20  }
0x25: {  	s29 =	sshrl.u32 s21, $0x3;
	[dreg:$0x1d] =	wrdreg s8;
	s12 =	sshrl.u32 s31, $0x3  }
0x26: {  	s8 =	sadd.s32 s22, s15;
	s19 =	sshrl.u32 s6, $0x3;
	s21 =	sshrl.u32 s1, $0x1  }
0x27: {  	s6 =	sshll.u32 s6, $0x4;
	s25 =	sadd.s32 s0, s24;
	s9 =	sadd.s32 s22, s23  }
0x28: {  	s24 =	sshrl.u32 s17, $0x3;
	s11 =	sadd.s32 s22, s29;
	[smem:$0x7F5] =	sst s8  }
0x29: {  	s13 =	sadd.s32 s22, s12;
	s17 =	sshrl.u32 s16, $0x3;
	[dreg:$0x12] =	wrdreg s25  }
0x2a: {  	s20 =	sadd.s32 s22, s19;
	s23 =	sshll.u32 s31, $0x4;
	[dreg:$0x1b] =	wrdreg s9  }
0x2b: {  	s29 =	sshll.u32 s16, $0x4;
	s1 =	ssub.s32 s1, s21;
	[dreg:$0x1e] =	wrdreg s11  }
0x2c: {  	s8 =	simm.s32 $0x80;
	s16 =	simm.s32 $0x5;
	[dreg:$0x1f] =	wrdreg s13  }
0x2d: {  	s19 =	simm.s32 $0x8;
	s25 =	sadd.s32 s22, s24;
	[smem:$0x7F7] =	sst s20  }
0x2e: {  	s12 =	simm.s32 $0xC80;
	s18 =	sadd.s32 s22, s17;
	[dreg:$0x1c] =	wrdreg s25  }
0x2f: {  	s21 =	simm.s32 $0xE00;
	s22 =	sadd.s32 $0x34E00, s7;
	[smem:$0x7F6] =	sst s18  }
0x30: {  	s7 =	sadd.s32 $0x44E00, s7;
	s24 =	sadd.s32 s0, s23;
	[smem:$0x7F8] =	sst s22  }
0x31: {  	s31 =	sadd.s32 s0, s29;
	s11 =	simm.s32 $0x3;
	[smem:$0x7F9] =	sst s7  }
0x32: {  	s17 =	simm.s32 $0x6;
	s20 =	simm.s32 $0x4;
	[smem:$0x7FA] =	sst s24  }
0x33: {  	s25 =	sshll.u32 s14, $0x4;
	[smem:$0x7FC] =	sst s31;
	s7 =	simm.s32 $0x9  }
0x34: {  	s18 =	simm.s32 $0x7;
	s22 =	simm.s32 $0xB80;
	s26 =	sadd.s32 s0, s25  }
0x35: {  	s24 =	simm.s32 $0xD80;
	s0 =	sadd.s32 s0, s6;
	[smem:$0x7FB] =	sst s26  }
0x36: {  	s6 =	smax.u32 s1, $0x1;
	s25 =	simm.s32 $0xD00;
	[smem:$0x7FD] =	sst s0  }
.LBB2_1:
0x37: {  	s23 =	rddreg [dreg:$0x5]  }
0x38: {  	[tilespmem:s3], [sflag:$0x9] =	stream.linear.gather [hbm4b:s23+s3], $0x80, $0x38;
	[tilespmem:$0x19900] =	vst v63  }
0x39: {  	_ =	swait.ge [sflag:s7], $0x80  }
0x3a: {  	[sflag:s7] =	ssyncset.done $0x0  }
0x3b: {  	s1 =	rddreg [dreg:$0x6];
	[sflag:s7] =	ssyncadd.s32 $0xFFFFFF80  }
0x3c: {  	[tilespmem:s8], [sflag:$0x9] =	stream.linear.gather [hbm4b:s1+s3], $0x80, $0x38;
	[tilespmem:$0x19900] =	vst v63  }
0x3d: {  	_ =	swait.ge [sflag:s7], $0x80  }
0x3e: {  	[sflag:s7] =	ssyncset.done $0x0  }
0x3f: {  	s0 =	simm.s32 $0x1900;
	[sflag:s7] =	ssyncadd.s32 $0xFFFFFF80  }
0x40: {  	[tilespmem:s0], [sflag:$0x1] =	stream.indirect.gather [hbm4b:s2+s8], $0x80, s3, s8, $0xb8;
	[tilespmem:$0x19900] =	vst v63  }
0x41: {  	s9 =	simm.s32 $0x5900  }
0x42: {  	[tilespmem:s9], [sflag:$0x2] =	stream.indirect.gather [hbm4b:s2+s8], $0x80, s8, s8, $0xb8;
	[tilespmem:$0x19900] =	vst v63  }
0x43: {  	v0 =	vld [tilespmem:$0x0]  }
0x44: {  	v2 =	vld [tilespmem:$0x10]  }
0x45: {  	v25 =	vld [tilespmem:$0x20]  }
0x46: {  	v41 =	vld [tilespmem:$0x30]  }
0x47: {  	v57 =	vld [tilespmem:$0x40]  }
0x48: {  	[tilespmem:$0x100] =	vst v0  }
0x49: {  	[tilespmem:$0x110] =	vst v2  }
0x4a: {  	[tilespmem:$0x120] =	vst v25  }
0x4b: {  	[tilespmem:$0x130] =	vst v41  }
0x4c: {  	v1 =	vadd.s32 $0xC350, v0;
	[tilespmem:$0x140] =	vst v57  }
0x4d: {  	v60 =	vadd.s32 $0x186A0, v0;
	[tilespmem:$0x180] =	vst v1  }
0x4e: {  	v61 =	vadd.s32 $0x249F0, v0;
	[tilespmem:$0x200] =	vst v60  }
0x4f: {  	v62 =	vadd.s32 $0x30D40, v0;
	[tilespmem:$0x280] =	vst v61  }
0x50: {  	v63 =	vadd.s32 $0x3D090, v0;
	[tilespmem:$0x300] =	vst v62  }
0x51: {  	v4 =	vadd.s32 $0x493E0, v0;
	[tilespmem:$0x380] =	vst v63  }
0x52: {  	v5 =	vadd.s32 $0x55730, v0;
	[tilespmem:$0x400] =	vst v4  }
0x53: {  	v6 =	vadd.s32 $0x61A80, v0;
	[tilespmem:$0x480] =	vst v5  }
0x54: {  	v7 =	vadd.s32 $0x6DDD0, v0;
	[tilespmem:$0x500] =	vst v6  }
0x55: {  	v8 =	vadd.s32 $0x7A120, v0;
	[tilespmem:$0x580] =	vst v7  }
0x56: {  	v9 =	vadd.s32 $0x86470, v0;
	[tilespmem:$0x600] =	vst v8  }
0x57: {  	v10 =	vadd.s32 $0x927C0, v0;
	[tilespmem:$0x680] =	vst v9  }
0x58: {  	v11 =	vadd.s32 $0x9EB10, v0;
	[tilespmem:$0x700] =	vst v10  }
0x59: {  	v12 =	vadd.s32 $0xAAE60, v0;
	[tilespmem:$0x780] =	vst v11  }
0x5a: {  	v0 =	vadd.s32 $0xB71B0, v0;
	[tilespmem:$0x800] =	vst v12  }
0x5b: {  	v13 =	vadd.s32 $0xC350, v2;
	[tilespmem:$0x880] =	vst v0  }
0x5c: {  	v14 =	vadd.s32 $0x186A0, v2;
	[tilespmem:$0x190] =	vst v13  }
0x5d: {  	v15 =	vadd.s32 $0x249F0, v2;
	[tilespmem:$0x210] =	vst v14  }
0x5e: {  	v16 =	vadd.s32 $0x30D40, v2;
	[tilespmem:$0x290] =	vst v15  }
0x5f: {  	v17 =	vadd.s32 $0x3D090, v2;
	[tilespmem:$0x310] =	vst v16  }
0x60: {  	v18 =	vadd.s32 $0x493E0, v2;
	[tilespmem:$0x390] =	vst v17  }
0x61: {  	v19 =	vadd.s32 $0x55730, v2;
	[tilespmem:$0x410] =	vst v18  }
0x62: {  	v20 =	vadd.s32 $0x61A80, v2;
	[tilespmem:$0x490] =	vst v19  }
0x63: {  	v21 =	vadd.s32 $0x6DDD0, v2;
	[tilespmem:$0x510] =	vst v20  }
0x64: {  	v22 =	vadd.s32 $0x7A120, v2;
	[tilespmem:$0x590] =	vst v21  }
0x65: {  	v23 =	vadd.s32 $0x86470, v2;
	[tilespmem:$0x610] =	vst v22  }
0x66: {  	v24 =	vadd.s32 $0x927C0, v2;
	[tilespmem:$0x690] =	vst v23  }
0x67: {  	v26 =	vadd.s32 $0x9EB10, v2;
	[tilespmem:$0x710] =	vst v24  }
0x68: {  	v27 =	vadd.s32 $0xAAE60, v2;
	[tilespmem:$0x790] =	vst v26  }
0x69: {  	v28 =	vadd.s32 $0xB71B0, v2;
	[tilespmem:$0x810] =	vst v27  }
0x6a: {  	v29 =	vadd.s32 $0xC350, v25;
	[tilespmem:$0x890] =	vst v28  }
0x6b: {  	v30 =	vadd.s32 $0x186A0, v25;
	[tilespmem:$0x1A0] =	vst v29  }
0x6c: {  	v31 =	vadd.s32 $0x249F0, v25;
	[tilespmem:$0x220] =	vst v30  }
0x6d: {  	v32 =	vadd.s32 $0x30D40, v25;
	[tilespmem:$0x2A0] =	vst v31  }
0x6e: {  	v33 =	vadd.s32 $0x3D090, v25;
	[tilespmem:$0x320] =	vst v32  }
0x6f: {  	v34 =	vadd.s32 $0x493E0, v25;
	[tilespmem:$0x3A0] =	vst v33  }
0x70: {  	v35 =	vadd.s32 $0x55730, v25;
	[tilespmem:$0x420] =	vst v34  }
0x71: {  	v36 =	vadd.s32 $0x61A80, v25;
	[tilespmem:$0x4A0] =	vst v35  }
0x72: {  	v37 =	vadd.s32 $0x6DDD0, v25;
	[tilespmem:$0x520] =	vst v36  }
0x73: {  	v38 =	vadd.s32 $0x7A120, v25;
	[tilespmem:$0x5A0] =	vst v37  }
0x74: {  	v39 =	vadd.s32 $0x86470, v25;
	[tilespmem:$0x620] =	vst v38  }
0x75: {  	v40 =	vadd.s32 $0x927C0, v25;
	[tilespmem:$0x6A0] =	vst v39  }
0x76: {  	v42 =	vadd.s32 $0x9EB10, v25;
	[tilespmem:$0x720] =	vst v40  }
0x77: {  	v43 =	vadd.s32 $0xAAE60, v25;
	[tilespmem:$0x7A0] =	vst v42  }
0x78: {  	v44 =	vadd.s32 $0xB71B0, v25;
	[tilespmem:$0x820] =	vst v43  }
0x79: {  	v45 =	vadd.s32 $0xC350, v41;
	[tilespmem:$0x8A0] =	vst v44  }
0x7a: {  	v46 =	vadd.s32 $0x186A0, v41;
	[tilespmem:$0x1B0] =	vst v45  }
0x7b: {  	v47 =	vadd.s32 $0x249F0, v41;
	[tilespmem:$0x230] =	vst v46  }
0x7c: {  	v48 =	vadd.s32 $0x30D40, v41;
	[tilespmem:$0x2B0] =	vst v47  }
0x7d: {  	v49 =	vadd.s32 $0x3D090, v41;
	[tilespmem:$0x330] =	vst v48  }
0x7e: {  	v50 =	vadd.s32 $0x493E0, v41;
	[tilespmem:$0x3B0] =	vst v49  }
0x7f: {  	v51 =	vadd.s32 $0x55730, v41;
	[tilespmem:$0x430] =	vst v50  }
0x80: {  	v52 =	vadd.s32 $0x61A80, v41;
	[tilespmem:$0x4B0] =	vst v51  }
0x81: {  	v53 =	vadd.s32 $0x6DDD0, v41;
	[tilespmem:$0x530] =	vst v52  }
0x82: {  	v54 =	vadd.s32 $0x7A120, v41;
	[tilespmem:$0x5B0] =	vst v53  }
0x83: {  	v55 =	vadd.s32 $0x86470, v41;
	[tilespmem:$0x630] =	vst v54  }
0x84: {  	v56 =	vadd.s32 $0x927C0, v41;
	[tilespmem:$0x6B0] =	vst v55  }
0x85: {  	v58 =	vadd.s32 $0x9EB10, v41;
	[tilespmem:$0x730] =	vst v56  }
0x86: {  	v59 =	vadd.s32 $0xAAE60, v41;
	[tilespmem:$0x7B0] =	vst v58  }
0x87: {  	[tilespmem:$0x830] =	vst v59;
	v60 =	vadd.s32 $0xB71B0, v41  }
0x88: {  	v61 =	vadd.s32 $0xC350, v57;
	[tilespmem:$0x8B0] =	vst v60  }
0x89: {  	v62 =	vadd.s32 $0x186A0, v57;
	[tilespmem:$0x1C0] =	vst v61  }
0x8a: {  	v63 =	vadd.s32 $0x249F0, v57;
	[tilespmem:$0x240] =	vst v62  }
0x8b: {  	v4 =	vadd.s32 $0x30D40, v57;
	[tilespmem:$0x2C0] =	vst v63  }
0x8c: {  	v5 =	vadd.s32 $0x3D090, v57;
	[tilespmem:$0x340] =	vst v4  }
0x8d: {  	v6 =	vadd.s32 $0x493E0, v57;
	[tilespmem:$0x3C0] =	vst v5  }
0x8e: {  	v7 =	vadd.s32 $0x55730, v57;
	[tilespmem:$0x440] =	vst v6  }
0x8f: {  	v8 =	vadd.s32 $0x61A80, v57;
	[tilespmem:$0x4C0] =	vst v7  }
0x90: {  	v9 =	vadd.s32 $0x6DDD0, v57;
	[tilespmem:$0x540] =	vst v8  }
0x91: {  	v10 =	vadd.s32 $0x7A120, v57;
	[tilespmem:$0x5C0] =	vst v9  }
0x92: {  	v11 =	vadd.s32 $0x86470, v57;
	[tilespmem:$0x640] =	vst v10  }
0x93: {  	v12 =	vadd.s32 $0x927C0, v57;
	v13 =	vld [tilespmem:$0x50];
	[tilespmem:$0x6C0] =	vst v11  }
0x94: {  	v14 =	vadd.s32 $0x9EB10, v57;
	v28 =	vld [tilespmem:$0x60];
	[tilespmem:$0x740] =	vst v12  }
0x95: {  	v15 =	vadd.s32 $0xAAE60, v57;
	v46 =	vld [tilespmem:$0x70];
	[tilespmem:$0x7C0] =	vst v14  }
0x96: {  	v16 =	vadd.s32 $0xB71B0, v57;
	[tilespmem:$0x840] =	vst v15  }
0x97: {  	[tilespmem:$0x8C0] =	vst v16  }
0x98: {  	[tilespmem:$0x150] =	vst v13  }
0x99: {  	[tilespmem:$0x160] =	vst v28  }
0x9a: {  	v17 =	vadd.s32 $0xC350, v13;
	[tilespmem:$0x170] =	vst v46  }
0x9b: {  	v18 =	vadd.s32 $0x186A0, v13;
	[tilespmem:$0x1D0] =	vst v17  }
0x9c: {  	v19 =	vadd.s32 $0x249F0, v13;
	[tilespmem:$0x250] =	vst v18  }
0x9d: {  	v20 =	vadd.s32 $0x30D40, v13;
	[tilespmem:$0x2D0] =	vst v19  }
0x9e: {  	v21 =	vadd.s32 $0x3D090, v13;
	[tilespmem:$0x350] =	vst v20  }
0x9f: {  	v22 =	vadd.s32 $0x493E0, v13;
	[tilespmem:$0x3D0] =	vst v21  }
0xa0: {  	v23 =	vadd.s32 $0x55730, v13;
	[tilespmem:$0x450] =	vst v22  }
0xa1: {  	v24 =	vadd.s32 $0x61A80, v13;
	[tilespmem:$0x4D0] =	vst v23  }
0xa2: {  	v25 =	vadd.s32 $0x6DDD0, v13;
	[tilespmem:$0x550] =	vst v24  }
0xa3: {  	v26 =	vadd.s32 $0x7A120, v13;
	[tilespmem:$0x5D0] =	vst v25  }
0xa4: {  	v27 =	vadd.s32 $0x86470, v13;
	[tilespmem:$0x650] =	vst v26  }
0xa5: {  	v29 =	vadd.s32 $0x927C0, v13;
	[tilespmem:$0x6D0] =	vst v27  }
0xa6: {  	v30 =	vadd.s32 $0x9EB10, v13;
	[tilespmem:$0x750] =	vst v29  }
0xa7: {  	v31 =	vadd.s32 $0xAAE60, v13;
	[tilespmem:$0x7D0] =	vst v30  }
0xa8: {  	v32 =	vadd.s32 $0xB71B0, v13;
	[tilespmem:$0x850] =	vst v31  }
0xa9: {  	v33 =	vadd.s32 $0xC350, v28;
	[tilespmem:$0x8D0] =	vst v32  }
0xaa: {  	v34 =	vadd.s32 $0x186A0, v28;
	[tilespmem:$0x1E0] =	vst v33  }
0xab: {  	v35 =	vadd.s32 $0x249F0, v28;
	[tilespmem:$0x260] =	vst v34  }
0xac: {  	v36 =	vadd.s32 $0x30D40, v28;
	[tilespmem:$0x2E0] =	vst v35  }
0xad: {  	v37 =	vadd.s32 $0x3D090, v28;
	[tilespmem:$0x360] =	vst v36  }
0xae: {  	v38 =	vadd.s32 $0x493E0, v28;
	[tilespmem:$0x3E0] =	vst v37  }
0xaf: {  	v39 =	vadd.s32 $0x55730, v28;
	[tilespmem:$0x460] =	vst v38  }
0xb0: {  	v40 =	vadd.s32 $0x61A80, v28;
	[tilespmem:$0x4E0] =	vst v39  }
0xb1: {  	v41 =	vadd.s32 $0x6DDD0, v28;
	[tilespmem:$0x560] =	vst v40  }
0xb2: {  	v42 =	vadd.s32 $0x7A120, v28;
	[tilespmem:$0x5E0] =	vst v41  }
0xb3: {  	v43 =	vadd.s32 $0x86470, v28;
	[tilespmem:$0x660] =	vst v42  }
0xb4: {  	v44 =	vadd.s32 $0x927C0, v28;
	[tilespmem:$0x6E0] =	vst v43  }
0xb5: {  	v45 =	vadd.s32 $0x9EB10, v28;
	[tilespmem:$0x760] =	vst v44  }
0xb6: {  	v47 =	vadd.s32 $0xAAE60, v28;
	[tilespmem:$0x7E0] =	vst v45  }
0xb7: {  	v48 =	vadd.s32 $0xB71B0, v28;
	[tilespmem:$0x860] =	vst v47  }
0xb8: {  	v49 =	vadd.s32 $0xC350, v46;
	[tilespmem:$0x8E0] =	vst v48  }
0xb9: {  	v50 =	vadd.s32 $0x186A0, v46;
	[tilespmem:$0x1F0] =	vst v49  }
0xba: {  	v51 =	vadd.s32 $0x249F0, v46;
	[tilespmem:$0x270] =	vst v50  }
0xbb: {  	v52 =	vadd.s32 $0x30D40, v46;
	[tilespmem:$0x2F0] =	vst v51  }
0xbc: {  	v53 =	vadd.s32 $0x3D090, v46;
	[tilespmem:$0x370] =	vst v52  }
0xbd: {  	v54 =	vadd.s32 $0x493E0, v46;
	[tilespmem:$0x3F0] =	vst v53  }
0xbe: {  	v55 =	vadd.s32 $0x55730, v46;
	[tilespmem:$0x470] =	vst v54  }
0xbf: {  	v56 =	vadd.s32 $0x61A80, v46;
	[tilespmem:$0x4F0] =	vst v55  }
0xc0: {  	v57 =	vadd.s32 $0x6DDD0, v46;
	[tilespmem:$0x570] =	vst v56  }
0xc1: {  	v58 =	vadd.s32 $0x7A120, v46;
	[tilespmem:$0x5F0] =	vst v57  }
0xc2: {  	v59 =	vadd.s32 $0x86470, v46;
	[tilespmem:$0x670] =	vst v58  }
0xc3: {  	v60 =	vadd.s32 $0x927C0, v46;
	[tilespmem:$0x6F0] =	vst v59  }
0xc4: {  	v61 =	vadd.s32 $0x9EB10, v46;
	[tilespmem:$0x770] =	vst v60  }
0xc5: {  	v62 =	vadd.s32 $0xAAE60, v46;
	[tilespmem:$0x7F0] =	vst v61  }
0xc6: {  	v63 =	vadd.s32 $0xB71B0, v46;
	[tilespmem:$0x870] =	vst v62  }
0xc7: {  	s13 =	simm.s32 $0x100;
	s26 =	simm.s32 $0x900;
	[tilespmem:$0x8F0] =	vst v63  }
0xc8: {  	[tilespmem:s26], [sflag:$0x3] =	stream.indirect.gather [hbm4b:s4+s8], $0x1, s13, s8, $0xb8;
	[tilespmem:$0x19900] =	vst v63  }
0xc9: {  	s14 =	simm.s32 $0x1100  }
0xca: {  	[tilespmem:s14], [sflag:$0x4] =	stream.indirect.gather [hbm4b:s5+s8], $0x1, s13, s8, $0xb8;
	[tilespmem:$0x19900] =	vst v63  }
0xcb: {  	s15 =	simm.s32 $0x180;
	s29 =	simm.s32 $0x980  }
0xcc: {  	[tilespmem:s29], [sflag:$0x3] =	stream.indirect.gather [hbm4b:s4+s8], $0x1, s15, s8, $0xb8;
	[tilespmem:$0x19900] =	vst v63  }
0xcd: {  	s31 =	simm.s32 $0x1180  }
0xce: {  	[tilespmem:s31], [sflag:$0x4] =	stream.indirect.gather [hbm4b:s5+s8], $0x1, s15, s8, $0xb8;
	[tilespmem:$0x19900] =	vst v63  }
0xcf: {  	s1 =	simm.s32 $0x200;
	s31 =	simm.s32 $0xA00  }
0xd0: {  	[tilespmem:s31], [sflag:$0x3] =	stream.indirect.gather [hbm4b:s4+s8], $0x1, s1, s8, $0xb8;
	[tilespmem:$0x19900] =	vst v63  }
0xd1: {  	s9 =	simm.s32 $0x1200  }
0xd2: {  	[tilespmem:s9], [sflag:$0x4] =	stream.indirect.gather [hbm4b:s5+s8], $0x1, s1, s8, $0xb8;
	[tilespmem:$0x19900] =	vst v63  }
0xd3: {  	s0 =	simm.s32 $0xA80;
	s13 =	simm.s32 $0x280  }
0xd4: {  	[tilespmem:s0], [sflag:$0x3] =	stream.indirect.gather [hbm4b:s4+s8], $0x1, s13, s8, $0xb8;
	[tilespmem:$0x19900] =	vst v63  }
0xd5: {  	s1 =	simm.s32 $0x1280  }
0xd6: {  	[tilespmem:s1], [sflag:$0x4] =	stream.indirect.gather [hbm4b:s5+s8], $0x1, s13, s8, $0xb8;
	[tilespmem:$0x19900] =	vst v63  }
0xd7: {  	s14 =	simm.s32 $0x300  }
0xd8: {  	[tilespmem:s10], [sflag:$0x3] =	stream.indirect.gather [hbm4b:s4+s8], $0x1, s14, s8, $0xb8;
	[tilespmem:$0x19900] =	vst v63  }
0xd9: {  	s15 =	simm.s32 $0x1300  }
0xda: {  	[tilespmem:s15], [sflag:$0x4] =	stream.indirect.gather [hbm4b:s5+s8], $0x1, s14, s8, $0xb8;
	[tilespmem:$0x19900] =	vst v63  }
0xdb: {  	s1 =	simm.s32 $0x380  }
0xdc: {  	[tilespmem:s22], [sflag:$0x3] =	stream.indirect.gather [hbm4b:s4+s8], $0x1, s1, s8, $0xb8;
	[tilespmem:$0x19900] =	vst v63  }
0xdd: {  	s9 =	simm.s32 $0x1380  }
0xde: {  	[tilespmem:s9], [sflag:$0x4] =	stream.indirect.gather [hbm4b:s5+s8], $0x1, s1, s8, $0xb8;
	[tilespmem:$0x19900] =	vst v63  }
0xdf: {  	s13 =	simm.s32 $0x400;
	s1 =	simm.s32 $0xC00  }
0xe0: {  	[tilespmem:s1], [sflag:$0x3] =	stream.indirect.gather [hbm4b:s4+s8], $0x1, s13, s8, $0xb8;
	[tilespmem:$0x19900] =	vst v63  }
0xe1: {  	s9 =	simm.s32 $0x1400  }
0xe2: {  	[tilespmem:s9], [sflag:$0x4] =	stream.indirect.gather [hbm4b:s5+s8], $0x1, s13, s8, $0xb8;
	[tilespmem:$0x19900] =	vst v63  }
0xe3: {  	s14 =	simm.s32 $0x480  }
0xe4: {  	[tilespmem:s12], [sflag:$0x3] =	stream.indirect.gather [hbm4b:s4+s8], $0x1, s14, s8, $0xb8;
	[tilespmem:$0x19900] =	vst v63  }
0xe5: {  	s15 =	simm.s32 $0x1480  }
0xe6: {  	[tilespmem:s15], [sflag:$0x4] =	stream.indirect.gather [hbm4b:s5+s8], $0x1, s14, s8, $0xb8;
	[tilespmem:$0x19900] =	vst v63  }
0xe7: {  	s9 =	simm.s32 $0x500  }
0xe8: {  	[tilespmem:s25], [sflag:$0x3] =	stream.indirect.gather [hbm4b:s4+s8], $0x1, s9, s8, $0xb8;
	[tilespmem:$0x19900] =	vst v63  }
0xe9: {  	s13 =	simm.s32 $0x1500  }
0xea: {  	[tilespmem:s13], [sflag:$0x4] =	stream.indirect.gather [hbm4b:s5+s8], $0x1, s9, s8, $0xb8;
	[tilespmem:$0x19900] =	vst v63  }
0xeb: {  	s14 =	simm.s32 $0x580  }
0xec: {  	[tilespmem:s24], [sflag:$0x3] =	stream.indirect.gather [hbm4b:s4+s8], $0x1, s14, s8, $0xb8;
	[tilespmem:$0x19900] =	vst v63  }
0xed: {  	s15 =	simm.s32 $0x1580  }
0xee: {  	[tilespmem:s15], [sflag:$0x4] =	stream.indirect.gather [hbm4b:s5+s8], $0x1, s14, s8, $0xb8;
	[tilespmem:$0x19900] =	vst v63  }
0xef: {  	s13 =	simm.s32 $0x600  }
0xf0: {  	[tilespmem:s21], [sflag:$0x3] =	stream.indirect.gather [hbm4b:s4+s8], $0x1, s13, s8, $0xb8;
	[tilespmem:$0x19900] =	vst v63  }
0xf1: {  	s14 =	simm.s32 $0x1600  }
0xf2: {  	[tilespmem:s14], [sflag:$0x4] =	stream.indirect.gather [hbm4b:s5+s8], $0x1, s13, s8, $0xb8;
	[tilespmem:$0x19900] =	vst v63  }
0xf3: {  	s9 =	simm.s32 $0xE80;
	s15 =	simm.s32 $0x680  }
0xf4: {  	[tilespmem:s9], [sflag:$0x3] =	stream.indirect.gather [hbm4b:s4+s8], $0x1, s15, s8, $0xb8;
	[tilespmem:$0x19900] =	vst v63  }
0xf5: {  	s13 =	simm.s32 $0x1680  }
0xf6: {  	[tilespmem:s13], [sflag:$0x4] =	stream.indirect.gather [hbm4b:s5+s8], $0x1, s15, s8, $0xb8;
	[tilespmem:$0x19900] =	vst v63  }
0xf7: {  	s14 =	simm.s32 $0x700  }
0xf8: {  	[tilespmem:s30], [sflag:$0x3] =	stream.indirect.gather [hbm4b:s4+s8], $0x1, s14, s8, $0xb8;
	[tilespmem:$0x19900] =	vst v63  }
0xf9: {  	s15 =	simm.s32 $0x1700  }
0xfa: {  	[tilespmem:s15], [sflag:$0x4] =	stream.indirect.gather [hbm4b:s5+s8], $0x1, s14, s8, $0xb8;
	[tilespmem:$0x19900] =	vst v63  }
0xfb: {  	s13 =	simm.s32 $0x780  }
0xfc: {  	[tilespmem:s28], [sflag:$0x3] =	stream.indirect.gather [hbm4b:s4+s8], $0x1, s13, s8, $0xb8;
	[tilespmem:$0x19900] =	vst v63  }
0xfd: {  	s14 =	simm.s32 $0x1780  }
0xfe: {  	[tilespmem:s14], [sflag:$0x4] =	stream.indirect.gather [hbm4b:s5+s8], $0x1, s13, s8, $0xb8;
	[tilespmem:$0x19900] =	vst v63  }
0xff: {  	s15 =	simm.s32 $0x800;
	s13 =	simm.s32 $0x1000  }
0x100: {  	[tilespmem:s13], [sflag:$0x3] =	stream.indirect.gather [hbm4b:s4+s8], $0x1, s15, s8, $0xb8;
	[tilespmem:$0x19900] =	vst v63  }
0x101: {  	s14 =	simm.s32 $0x1800  }
0x102: {  	[tilespmem:s14], [sflag:$0x4] =	stream.indirect.gather [hbm4b:s5+s8], $0x1, s15, s8, $0xb8;
	[tilespmem:$0x19900] =	vst v63  }
0x103: {  	s23 =	simm.s32 $0x880;
	s14 =	simm.s32 $0x1080  }
0x104: {  	[tilespmem:s14], [sflag:$0x3] =	stream.indirect.gather [hbm4b:s4+s8], $0x1, s23, s8, $0xb8;
	[tilespmem:$0x19900] =	vst v63  }
0x105: {  	s15 =	simm.s32 $0x1880  }
0x106: {  	[tilespmem:s15], [sflag:$0x4] =	stream.indirect.gather [hbm4b:s5+s8], $0x1, s23, s8, $0xb8;
	[tilespmem:$0x19900] =	vst v63  }
0x107: {  	_ =	swait.ge [sflag:s11], $0x80  }
0x108: {  	[sflag:s11] =	ssyncset.done $0x0  }
0x109: {  	[sflag:s11] =	ssyncadd.s32 $0xFFFFFF80  }
0x10a: {  	_ =	swait.ge [sflag:s11], $0x80  }
0x10b: {  	[sflag:s11] =	ssyncset.done $0x0  }
0x10c: {  	[sflag:s11] =	ssyncadd.s32 $0xFFFFFF80  }
0x10d: {  	_ =	swait.ge [sflag:s11], $0x80  }
0x10e: {  	[sflag:s11] =	ssyncset.done $0x0  }
0x10f: {  	[sflag:s11] =	ssyncadd.s32 $0xFFFFFF80  }
0x110: {  	_ =	swait.ge [sflag:s11], $0x80  }
0x111: {  	[sflag:s11] =	ssyncset.done $0x0  }
0x112: {  	[sflag:s11] =	ssyncadd.s32 $0xFFFFFF80  }
0x113: {  	_ =	swait.ge [sflag:s11], $0x80  }
0x114: {  	[sflag:s11] =	ssyncset.done $0x0  }
0x115: {  	[sflag:s11] =	ssyncadd.s32 $0xFFFFFF80  }
0x116: {  	_ =	swait.ge [sflag:s11], $0x80  }
0x117: {  	[sflag:s11] =	ssyncset.done $0x0  }
0x118: {  	[sflag:s11] =	ssyncadd.s32 $0xFFFFFF80  }
0x119: {  	_ =	swait.ge [sflag:s11], $0x80  }
0x11a: {  	[sflag:s11] =	ssyncset.done $0x0  }
0x11b: {  	[sflag:s11] =	ssyncadd.s32 $0xFFFFFF80  }
0x11c: {  	_ =	swait.ge [sflag:s11], $0x80  }
0x11d: {  	[sflag:s11] =	ssyncset.done $0x0  }
0x11e: {  	[sflag:s11] =	ssyncadd.s32 $0xFFFFFF80  }
0x11f: {  	_ =	swait.ge [sflag:s11], $0x80  }
0x120: {  	[sflag:s11] =	ssyncset.done $0x0  }
0x121: {  	[sflag:s11] =	ssyncadd.s32 $0xFFFFFF80  }
0x122: {  	_ =	swait.ge [sflag:s11], $0x80  }
0x123: {  	[sflag:s11] =	ssyncset.done $0x0  }
0x124: {  	[sflag:s11] =	ssyncadd.s32 $0xFFFFFF80  }
0x125: {  	_ =	swait.ge [sflag:s11], $0x80  }
0x126: {  	[sflag:s11] =	ssyncset.done $0x0  }
0x127: {  	[sflag:s11] =	ssyncadd.s32 $0xFFFFFF80  }
0x128: {  	_ =	swait.ge [sflag:s11], $0x80  }
0x129: {  	[sflag:s11] =	ssyncset.done $0x0  }
0x12a: {  	[sflag:s11] =	ssyncadd.s32 $0xFFFFFF80  }
0x12b: {  	_ =	swait.ge [sflag:s11], $0x80  }
0x12c: {  	[sflag:s11] =	ssyncset.done $0x0  }
0x12d: {  	[sflag:s11] =	ssyncadd.s32 $0xFFFFFF80  }
0x12e: {  	_ =	swait.ge [sflag:s11], $0x80  }
0x12f: {  	[sflag:s11] =	ssyncset.done $0x0  }
0x130: {  	[sflag:s11] =	ssyncadd.s32 $0xFFFFFF80  }
0x131: {  	_ =	swait.ge [sflag:s11], $0x80  }
0x132: {  	[sflag:s11] =	ssyncset.done $0x0  }
0x133: {  	[sflag:s11] =	ssyncadd.s32 $0xFFFFFF80  }
0x134: {  	_ =	swait.ge [sflag:s11], $0x80  }
0x135: {  	[sflag:s11] =	ssyncset.done $0x0  }
0x136: {  	s15 =	simm.s32 $0x9900;
	[sflag:s11] =	ssyncadd.s32 $0xFFFFFF80  }
0x137: {  	[tilespmem:s15], [sflag:$0x5] =	stream.indirect.gather [hbm4b:s2+s8], $0x80, s26, s8, $0xb8;
	[tilespmem:$0x19900] =	vst v63  }
0x138: {  	s26 =	simm.s32 $0xD900  }
0x139: {  	[tilespmem:s26], [sflag:$0x6] =	stream.indirect.gather [hbm4b:s2+s8], $0x80, s29, s8, $0xb8;
	[tilespmem:$0x19900] =	vst v63  }
0x13a: {  	s29 =	simm.s32 $0x11900  }
0x13b: {  	[tilespmem:s29], [sflag:$0x7] =	stream.indirect.gather [hbm4b:s2+s8], $0x80, s31, s8, $0xb8;
	[tilespmem:$0x19900] =	vst v63  }
0x13c: {  	s31 =	simm.s32 $0x15900  }
0x13d: {  	[tilespmem:s31], [sflag:$0x8] =	stream.indirect.gather [hbm4b:s2+s8], $0x80, s0, s8, $0xb8;
	[tilespmem:$0x19900] =	vst v63  }
0x13e: {  	_ =	swait.ge [sflag:s16], $0x4000  }
0x13f: {  	[sflag:s16] =	ssyncset.done $0x0  }
0x140: {  	s0 =	rddreg [dreg:$0x7];
	[sflag:s16] =	ssyncadd.s32 $0xFFFFC000  }
0x141: {  	[hbm4b:s0+s3] =	stream.linear.scatter [tilespmem:s15], [sflag:$0x9], $0x4000, $0x38;
	[tilespmem:$0x19900] =	vst v63  }
0x142: {  	_ =	swait.ge [sflag:s7], $0x4000  }
0x143: {  	[sflag:s7] =	ssyncset.done $0x0  }
0x144: {  	[sflag:s7] =	ssyncadd.s32 $0xFFFFC000  }
0x145: {  	[tilespmem:s15], [sflag:$0x5] =	stream.indirect.gather [hbm4b:s2+s8], $0x80, s10, s8, $0xb8;
	[tilespmem:$0x19900] =	vst v63  }
0x146: {  	_ =	swait.ge [sflag:s17], $0x4000  }
0x147: {  	[sflag:s17] =	ssyncset.done $0x0  }
0x148: {  	s0 =	rddreg [dreg:$0x8];
	[sflag:s17] =	ssyncadd.s32 $0xFFFFC000  }
0x149: {  	[hbm4b:s0+s3] =	stream.linear.scatter [tilespmem:s26], [sflag:$0x9], $0x4000, $0x38;
	[tilespmem:$0x19900] =	vst v63  }
0x14a: {  	_ =	swait.ge [sflag:s7], $0x4000  }
0x14b: {  	[sflag:s7] =	ssyncset.done $0x0  }
0x14c: {  	[sflag:s7] =	ssyncadd.s32 $0xFFFFC000  }
0x14d: {  	[tilespmem:s26], [sflag:$0x6] =	stream.indirect.gather [hbm4b:s2+s8], $0x80, s22, s8, $0xb8;
	[tilespmem:$0x19900] =	vst v63  }
0x14e: {  	_ =	swait.ge [sflag:s18], $0x4000  }
0x14f: {  	[sflag:s18] =	ssyncset.done $0x0  }
0x150: {  	s0 =	rddreg [dreg:$0x9];
	[sflag:s18] =	ssyncadd.s32 $0xFFFFC000  }
0x151: {  	[hbm4b:s0+s3] =	stream.linear.scatter [tilespmem:s29], [sflag:$0x9], $0x4000, $0x38;
	[tilespmem:$0x19900] =	vst v63  }
0x152: {  	_ =	swait.ge [sflag:s7], $0x4000  }
0x153: {  	[sflag:s7] =	ssyncset.done $0x0  }
0x154: {  	[sflag:s7] =	ssyncadd.s32 $0xFFFFC000  }
0x155: {  	[tilespmem:s29], [sflag:$0x7] =	stream.indirect.gather [hbm4b:s2+s8], $0x80, s1, s8, $0xb8;
	[tilespmem:$0x19900] =	vst v63  }
0x156: {  	_ =	swait.ge [sflag:s19], $0x4000  }
0x157: {  	[sflag:s19] =	ssyncset.done $0x0  }
0x158: {  	s1 =	rddreg [dreg:$0xa];
	[sflag:s19] =	ssyncadd.s32 $0xFFFFC000  }
0x159: {  	[hbm4b:s1+s3] =	stream.linear.scatter [tilespmem:s31], [sflag:$0x9], $0x4000, $0x38;
	[tilespmem:$0x19900] =	vst v63  }
0x15a: {  	_ =	swait.ge [sflag:s7], $0x4000  }
0x15b: {  	[sflag:s7] =	ssyncset.done $0x0  }
0x15c: {  	[sflag:s7] =	ssyncadd.s32 $0xFFFFC000  }
0x15d: {  	[tilespmem:s31], [sflag:$0x8] =	stream.indirect.gather [hbm4b:s2+s8], $0x80, s12, s8, $0xb8;
	[tilespmem:$0x19900] =	vst v63  }
0x15e: {  	_ =	swait.ge [sflag:s16], $0x4000  }
0x15f: {  	[sflag:s16] =	ssyncset.done $0x0  }
0x160: {  	s0 =	rddreg [dreg:$0xb];
	[sflag:s16] =	ssyncadd.s32 $0xFFFFC000  }
0x161: {  	[hbm4b:s0+s3] =	stream.linear.scatter [tilespmem:s15], [sflag:$0x9], $0x4000, $0x38;
	[tilespmem:$0x19900] =	vst v63  }
0x162: {  	_ =	swait.ge [sflag:s7], $0x4000  }
0x163: {  	[sflag:s7] =	ssyncset.done $0x0  }
0x164: {  	[sflag:s7] =	ssyncadd.s32 $0xFFFFC000  }
0x165: {  	[tilespmem:s15], [sflag:$0x5] =	stream.indirect.gather [hbm4b:s2+s8], $0x80, s25, s8, $0xb8;
	[tilespmem:$0x19900] =	vst v63  }
0x166: {  	_ =	swait.ge [sflag:s17], $0x4000  }
0x167: {  	[sflag:s17] =	ssyncset.done $0x0  }
0x168: {  	s1 =	rddreg [dreg:$0xc];
	[sflag:s17] =	ssyncadd.s32 $0xFFFFC000  }
0x169: {  	[hbm4b:s1+s3] =	stream.linear.scatter [tilespmem:s26], [sflag:$0x9], $0x4000, $0x38;
	[tilespmem:$0x19900] =	vst v63  }
0x16a: {  	_ =	swait.ge [sflag:s7], $0x4000  }
0x16b: {  	[sflag:s7] =	ssyncset.done $0x0  }
0x16c: {  	[sflag:s7] =	ssyncadd.s32 $0xFFFFC000  }
0x16d: {  	[tilespmem:s26], [sflag:$0x6] =	stream.indirect.gather [hbm4b:s2+s8], $0x80, s24, s8, $0xb8;
	[tilespmem:$0x19900] =	vst v63  }
0x16e: {  	_ =	swait.ge [sflag:s18], $0x4000  }
0x16f: {  	[sflag:s18] =	ssyncset.done $0x0  }
0x170: {  	s0 =	rddreg [dreg:$0xd];
	[sflag:s18] =	ssyncadd.s32 $0xFFFFC000  }
0x171: {  	[hbm4b:s0+s3] =	stream.linear.scatter [tilespmem:s29], [sflag:$0x9], $0x4000, $0x38;
	[tilespmem:$0x19900] =	vst v63  }
0x172: {  	_ =	swait.ge [sflag:s7], $0x4000  }
0x173: {  	[sflag:s7] =	ssyncset.done $0x0  }
0x174: {  	[sflag:s7] =	ssyncadd.s32 $0xFFFFC000  }
0x175: {  	[tilespmem:s29], [sflag:$0x7] =	stream.indirect.gather [hbm4b:s2+s8], $0x80, s21, s8, $0xb8;
	[tilespmem:$0x19900] =	vst v63  }
0x176: {  	_ =	swait.ge [sflag:s19], $0x4000  }
0x177: {  	[sflag:s19] =	ssyncset.done $0x0  }
0x178: {  	s1 =	rddreg [dreg:$0xe];
	[sflag:s19] =	ssyncadd.s32 $0xFFFFC000  }
0x179: {  	[hbm4b:s1+s3] =	stream.linear.scatter [tilespmem:s31], [sflag:$0x9], $0x4000, $0x38;
	[tilespmem:$0x19900] =	vst v63  }
0x17a: {  	_ =	swait.ge [sflag:s7], $0x4000  }
0x17b: {  	[sflag:s7] =	ssyncset.done $0x0  }
0x17c: {  	[sflag:s7] =	ssyncadd.s32 $0xFFFFC000  }
0x17d: {  	[tilespmem:s31], [sflag:$0x8] =	stream.indirect.gather [hbm4b:s2+s8], $0x80, s9, s8, $0xb8;
	[tilespmem:$0x19900] =	vst v63  }
0x17e: {  	_ =	swait.ge [sflag:s16], $0x4000  }
0x17f: {  	[sflag:s16] =	ssyncset.done $0x0  }
0x180: {  	s9 =	rddreg [dreg:$0xf];
	[sflag:s16] =	ssyncadd.s32 $0xFFFFC000  }
0x181: {  	[hbm4b:s9+s3] =	stream.linear.scatter [tilespmem:s15], [sflag:$0x9], $0x4000, $0x38;
	[tilespmem:$0x19900] =	vst v63  }
0x182: {  	_ =	swait.ge [sflag:s7], $0x4000  }
0x183: {  	[sflag:s7] =	ssyncset.done $0x0  }
0x184: {  	[sflag:s7] =	ssyncadd.s32 $0xFFFFC000  }
0x185: {  	[tilespmem:s15], [sflag:$0x5] =	stream.indirect.gather [hbm4b:s2+s8], $0x80, s30, s8, $0xb8;
	[tilespmem:$0x19900] =	vst v63  }
0x186: {  	_ =	swait.ge [sflag:s17], $0x4000  }
0x187: {  	[sflag:s17] =	ssyncset.done $0x0  }
0x188: {  	s0 =	rddreg [dreg:$0x10];
	[sflag:s17] =	ssyncadd.s32 $0xFFFFC000  }
0x189: {  	[hbm4b:s0+s3] =	stream.linear.scatter [tilespmem:s26], [sflag:$0x9], $0x4000, $0x38;
	[tilespmem:$0x19900] =	vst v63  }
0x18a: {  	_ =	swait.ge [sflag:s7], $0x4000  }
0x18b: {  	[sflag:s7] =	ssyncset.done $0x0  }
0x18c: {  	[sflag:s7] =	ssyncadd.s32 $0xFFFFC000  }
0x18d: {  	[tilespmem:s26], [sflag:$0x6] =	stream.indirect.gather [hbm4b:s2+s8], $0x80, s28, s8, $0xb8;
	[tilespmem:$0x19900] =	vst v63  }
0x18e: {  	_ =	swait.ge [sflag:s18], $0x4000  }
0x18f: {  	[sflag:s18] =	ssyncset.done $0x0  }
0x190: {  	s1 =	rddreg [dreg:$0x11];
	[sflag:s18] =	ssyncadd.s32 $0xFFFFC000  }
0x191: {  	[hbm4b:s1+s3] =	stream.linear.scatter [tilespmem:s29], [sflag:$0x9], $0x4000, $0x38;
	[tilespmem:$0x19900] =	vst v63  }
0x192: {  	_ =	swait.ge [sflag:s7], $0x4000  }
0x193: {  	[sflag:s7] =	ssyncset.done $0x0  }
0x194: {  	[sflag:s7] =	ssyncadd.s32 $0xFFFFC000  }
0x195: {  	[tilespmem:s29], [sflag:$0x7] =	stream.indirect.gather [hbm4b:s2+s8], $0x80, s13, s8, $0xb8;
	[tilespmem:$0x19900] =	vst v63  }
0x196: {  	_ =	swait.ge [sflag:s19], $0x4000  }
0x197: {  	[sflag:s19] =	ssyncset.done $0x0  }
0x198: {  	s9 =	rddreg [dreg:$0x12];
	[sflag:s19] =	ssyncadd.s32 $0xFFFFC000  }
0x199: {  	[hbm4b:s9+s3] =	stream.linear.scatter [tilespmem:s31], [sflag:$0x9], $0x4000, $0x38;
	[tilespmem:$0x19900] =	vst v63  }
0x19a: {  	_ =	swait.ge [sflag:s7], $0x4000  }
0x19b: {  	[sflag:s7] =	ssyncset.done $0x0  }
0x19c: {  	[sflag:s7] =	ssyncadd.s32 $0xFFFFC000  }
0x19d: {  	[tilespmem:s31], [sflag:$0x8] =	stream.indirect.gather [hbm4b:s2+s8], $0x80, s14, s8, $0xb8;
	[tilespmem:$0x19900] =	vst v63  }
0x19e: {  	_ =	swait.ge [sflag:s20], $0x80  }
0x19f: {  	[sflag:s20] =	ssyncset.done $0x0  }
0x1a0: {  	[sflag:s20] =	ssyncadd.s32 $0xFFFFFF80  }
0x1a1: {  	_ =	swait.ge [sflag:s20], $0x80  }
0x1a2: {  	[sflag:s20] =	ssyncset.done $0x0  }
0x1a3: {  	[sflag:s20] =	ssyncadd.s32 $0xFFFFFF80  }
0x1a4: {  	_ =	swait.ge [sflag:s20], $0x80  }
0x1a5: {  	[sflag:s20] =	ssyncset.done $0x0  }
0x1a6: {  	[sflag:s20] =	ssyncadd.s32 $0xFFFFFF80  }
0x1a7: {  	_ =	swait.ge [sflag:s20], $0x80  }
0x1a8: {  	[sflag:s20] =	ssyncset.done $0x0  }
0x1a9: {  	[sflag:s20] =	ssyncadd.s32 $0xFFFFFF80  }
0x1aa: {  	_ =	swait.ge [sflag:s20], $0x80  }
0x1ab: {  	[sflag:s20] =	ssyncset.done $0x0  }
0x1ac: {  	[sflag:s20] =	ssyncadd.s32 $0xFFFFFF80  }
0x1ad: {  	_ =	swait.ge [sflag:s20], $0x80  }
0x1ae: {  	[sflag:s20] =	ssyncset.done $0x0  }
0x1af: {  	[sflag:s20] =	ssyncadd.s32 $0xFFFFFF80  }
0x1b0: {  	_ =	swait.ge [sflag:s20], $0x80  }
0x1b1: {  	[sflag:s20] =	ssyncset.done $0x0  }
0x1b2: {  	[sflag:s20] =	ssyncadd.s32 $0xFFFFFF80  }
0x1b3: {  	_ =	swait.ge [sflag:s20], $0x80  }
0x1b4: {  	[sflag:s20] =	ssyncset.done $0x0  }
0x1b5: {  	[sflag:s20] =	ssyncadd.s32 $0xFFFFFF80  }
0x1b6: {  	_ =	swait.ge [sflag:s20], $0x80  }
0x1b7: {  	[sflag:s20] =	ssyncset.done $0x0  }
0x1b8: {  	[sflag:s20] =	ssyncadd.s32 $0xFFFFFF80  }
0x1b9: {  	_ =	swait.ge [sflag:s20], $0x80  }
0x1ba: {  	[sflag:s20] =	ssyncset.done $0x0  }
0x1bb: {  	[sflag:s20] =	ssyncadd.s32 $0xFFFFFF80  }
0x1bc: {  	_ =	swait.ge [sflag:s20], $0x80  }
0x1bd: {  	[sflag:s20] =	ssyncset.done $0x0  }
0x1be: {  	[sflag:s20] =	ssyncadd.s32 $0xFFFFFF80  }
0x1bf: {  	_ =	swait.ge [sflag:s20], $0x80  }
0x1c0: {  	[sflag:s20] =	ssyncset.done $0x0  }
0x1c1: {  	[sflag:s20] =	ssyncadd.s32 $0xFFFFFF80  }
0x1c2: {  	_ =	swait.ge [sflag:s20], $0x80  }
0x1c3: {  	[sflag:s20] =	ssyncset.done $0x0  }
0x1c4: {  	[sflag:s20] =	ssyncadd.s32 $0xFFFFFF80  }
0x1c5: {  	_ =	swait.ge [sflag:s20], $0x80  }
0x1c6: {  	[sflag:s20] =	ssyncset.done $0x0  }
0x1c7: {  	[sflag:s20] =	ssyncadd.s32 $0xFFFFFF80  }
0x1c8: {  	_ =	swait.ge [sflag:s20], $0x80  }
0x1c9: {  	[sflag:s20] =	ssyncset.done $0x0  }
0x1ca: {  	[sflag:s20] =	ssyncadd.s32 $0xFFFFFF80  }
0x1cb: {  	_ =	swait.ge [sflag:s20], $0x80  }
0x1cc: {  	[sflag:s20] =	ssyncset.done $0x0  }
0x1cd: {  	s14 =	simm.s32 $0x1100;
	s13 =	rddreg [dreg:$0x13];
	[sflag:s20] =	ssyncadd.s32 $0xFFFFFF80  }
0x1ce: {  	[hbm4b:s13+s3] =	stream.linear.scatter [tilespmem:s14], [sflag:$0x9], $0x80, $0x38;
	[tilespmem:$0x19900] =	vst v63  }
0x1cf: {  	_ =	swait.ge [sflag:s7], $0x80  }
0x1d0: {  	[sflag:s7] =	ssyncset.done $0x0  }
0x1d1: {  	s9 =	simm.s32 $0x1180;
	s1 =	rddreg [dreg:$0x14];
	[sflag:s7] =	ssyncadd.s32 $0xFFFFFF80  }
0x1d2: {  	[hbm4b:s1+s3] =	stream.linear.scatter [tilespmem:s9], [sflag:$0x9], $0x80, $0x38;
	[tilespmem:$0x19900] =	vst v63  }
0x1d3: {  	_ =	swait.ge [sflag:s7], $0x80  }
0x1d4: {  	[sflag:s7] =	ssyncset.done $0x0  }
0x1d5: {  	s14 =	simm.s32 $0x1200;
	s13 =	rddreg [dreg:$0x15];
	[sflag:s7] =	ssyncadd.s32 $0xFFFFFF80  }
0x1d6: {  	[hbm4b:s13+s3] =	stream.linear.scatter [tilespmem:s14], [sflag:$0x9], $0x80, $0x38;
	[tilespmem:$0x19900] =	vst v63  }
0x1d7: {  	_ =	swait.ge [sflag:s7], $0x80  }
0x1d8: {  	[sflag:s7] =	ssyncset.done $0x0  }
0x1d9: {  	s9 =	simm.s32 $0x1280;
	s1 =	rddreg [dreg:$0x16];
	[sflag:s7] =	ssyncadd.s32 $0xFFFFFF80  }
0x1da: {  	[hbm4b:s1+s3] =	stream.linear.scatter [tilespmem:s9], [sflag:$0x9], $0x80, $0x38;
	[tilespmem:$0x19900] =	vst v63  }
0x1db: {  	_ =	swait.ge [sflag:s7], $0x80  }
0x1dc: {  	[sflag:s7] =	ssyncset.done $0x0  }
0x1dd: {  	s14 =	simm.s32 $0x1300;
	s13 =	rddreg [dreg:$0x17];
	[sflag:s7] =	ssyncadd.s32 $0xFFFFFF80  }
0x1de: {  	[hbm4b:s13+s3] =	stream.linear.scatter [tilespmem:s14], [sflag:$0x9], $0x80, $0x38;
	[tilespmem:$0x19900] =	vst v63  }
0x1df: {  	_ =	swait.ge [sflag:s7], $0x80  }
0x1e0: {  	[sflag:s7] =	ssyncset.done $0x0  }
0x1e1: {  	s9 =	simm.s32 $0x1380;
	s1 =	rddreg [dreg:$0x18];
	[sflag:s7] =	ssyncadd.s32 $0xFFFFFF80  }
0x1e2: {  	[hbm4b:s1+s3] =	stream.linear.scatter [tilespmem:s9], [sflag:$0x9], $0x80, $0x38;
	[tilespmem:$0x19900] =	vst v63  }
0x1e3: {  	_ =	swait.ge [sflag:s7], $0x80  }
0x1e4: {  	[sflag:s7] =	ssyncset.done $0x0  }
0x1e5: {  	s14 =	simm.s32 $0x1400;
	s13 =	rddreg [dreg:$0x19];
	[sflag:s7] =	ssyncadd.s32 $0xFFFFFF80  }
0x1e6: {  	[hbm4b:s13+s3] =	stream.linear.scatter [tilespmem:s14], [sflag:$0x9], $0x80, $0x38;
	[tilespmem:$0x19900] =	vst v63  }
0x1e7: {  	_ =	swait.ge [sflag:s7], $0x80  }
0x1e8: {  	[sflag:s7] =	ssyncset.done $0x0  }
0x1e9: {  	s9 =	simm.s32 $0x1480;
	s1 =	rddreg [dreg:$0x1a];
	[sflag:s7] =	ssyncadd.s32 $0xFFFFFF80  }
0x1ea: {  	[hbm4b:s1+s3] =	stream.linear.scatter [tilespmem:s9], [sflag:$0x9], $0x80, $0x38;
	[tilespmem:$0x19900] =	vst v63  }
0x1eb: {  	_ =	swait.ge [sflag:s7], $0x80  }
0x1ec: {  	[sflag:s7] =	ssyncset.done $0x0  }
0x1ed: {  	s14 =	simm.s32 $0x1500;
	s13 =	rddreg [dreg:$0x1b];
	[sflag:s7] =	ssyncadd.s32 $0xFFFFFF80  }
0x1ee: {  	[hbm4b:s13+s3] =	stream.linear.scatter [tilespmem:s14], [sflag:$0x9], $0x80, $0x38;
	[tilespmem:$0x19900] =	vst v63  }
0x1ef: {  	_ =	swait.ge [sflag:s7], $0x80  }
0x1f0: {  	[sflag:s7] =	ssyncset.done $0x0  }
0x1f1: {  	s9 =	simm.s32 $0x1580;
	s1 =	rddreg [dreg:$0x1c];
	[sflag:s7] =	ssyncadd.s32 $0xFFFFFF80  }
0x1f2: {  	[hbm4b:s1+s3] =	stream.linear.scatter [tilespmem:s9], [sflag:$0x9], $0x80, $0x38;
	[tilespmem:$0x19900] =	vst v63  }
0x1f3: {  	_ =	swait.ge [sflag:s7], $0x80  }
0x1f4: {  	[sflag:s7] =	ssyncset.done $0x0  }
0x1f5: {  	s14 =	simm.s32 $0x1600;
	s13 =	rddreg [dreg:$0x1d];
	[sflag:s7] =	ssyncadd.s32 $0xFFFFFF80  }
0x1f6: {  	[hbm4b:s13+s3] =	stream.linear.scatter [tilespmem:s14], [sflag:$0x9], $0x80, $0x38;
	[tilespmem:$0x19900] =	vst v63  }
0x1f7: {  	_ =	swait.ge [sflag:s7], $0x80  }
0x1f8: {  	[sflag:s7] =	ssyncset.done $0x0  }
0x1f9: {  	s9 =	simm.s32 $0x1680;
	s1 =	rddreg [dreg:$0x1e];
	[sflag:s7] =	ssyncadd.s32 $0xFFFFFF80  }
0x1fa: {  	[hbm4b:s1+s3] =	stream.linear.scatter [tilespmem:s9], [sflag:$0x9], $0x80, $0x38;
	[tilespmem:$0x19900] =	vst v63  }
0x1fb: {  	_ =	swait.ge [sflag:s7], $0x80  }
0x1fc: {  	[sflag:s7] =	ssyncset.done $0x0  }
0x1fd: {  	s14 =	simm.s32 $0x1700;
	s13 =	rddreg [dreg:$0x1f];
	[sflag:s7] =	ssyncadd.s32 $0xFFFFFF80  }
0x1fe: {  	[hbm4b:s13+s3] =	stream.linear.scatter [tilespmem:s14], [sflag:$0x9], $0x80, $0x38;
	[tilespmem:$0x19900] =	vst v63  }
0x1ff: {  	_ =	swait.ge [sflag:s7], $0x80  }
0x200: {  	s1 =	sld [smem:$0x7F5]  }
0x201: {  	[sflag:s7] =	ssyncset.done $0x0  }
0x202: {  	s9 =	simm.s32 $0x1780;
	[sflag:s7] =	ssyncadd.s32 $0xFFFFFF80  }
0x203: {  	[hbm4b:s1+s3] =	stream.linear.scatter [tilespmem:s9], [sflag:$0x9], $0x80, $0x38;
	[tilespmem:$0x19900] =	vst v63  }
0x204: {  	_ =	swait.ge [sflag:s7], $0x80  }
0x205: {  	s13 =	sld [smem:$0x7F6]  }
0x206: {  	[sflag:s7] =	ssyncset.done $0x0  }
0x207: {  	s14 =	simm.s32 $0x1800;
	[sflag:s7] =	ssyncadd.s32 $0xFFFFFF80  }
0x208: {  	[hbm4b:s13+s3] =	stream.linear.scatter [tilespmem:s14], [sflag:$0x9], $0x80, $0x38;
	[tilespmem:$0x19900] =	vst v63  }
0x209: {  	_ =	swait.ge [sflag:s7], $0x80  }
0x20a: {  	s0 =	sld [smem:$0x7F7]  }
0x20b: {  	[sflag:s7] =	ssyncset.done $0x0  }
0x20c: {  	s1 =	simm.s32 $0x1880;
	[sflag:s7] =	ssyncadd.s32 $0xFFFFFF80  }
0x20d: {  	[hbm4b:s0+s3] =	stream.linear.scatter [tilespmem:s1], [sflag:$0x9], $0x80, $0x38;
	[tilespmem:$0x19900] =	vst v63  }
0x20e: {  	_ =	swait.ge [sflag:s7], $0x80  }
0x20f: {  	[sflag:s7] =	ssyncset.done $0x0  }
0x210: {  	s9 =	simm.s32 $0x1;
	[sflag:s7] =	ssyncadd.s32 $0xFFFFFF80  }
0x211: {  	_ =	swait.ge [sflag:s9], $0x4000  }
0x212: {  	s13 =	sld [smem:$0x7F8]  }
0x213: {  	[sflag:s9] =	ssyncset.done $0x0  }
0x214: {  	s14 =	simm.s32 $0x1900;
	[sflag:s9] =	ssyncadd.s32 $0xFFFFC000  }
0x215: {  	[hbm4b:s13+s3] =	stream.linear.scatter [tilespmem:s14], [sflag:$0x9], $0x4000, $0x38;
	[tilespmem:$0x19900] =	vst v63  }
0x216: {  	_ =	swait.ge [sflag:s7], $0x4000  }
0x217: {  	[sflag:s7] =	ssyncset.done $0x0  }
0x218: {  	s1 =	simm.s32 $0x2;
	[sflag:s7] =	ssyncadd.s32 $0xFFFFC000  }
0x219: {  	_ =	swait.ge [sflag:s1], $0x4000  }
0x21a: {  	s9 =	sld [smem:$0x7F9]  }
0x21b: {  	[sflag:s1] =	ssyncset.done $0x0  }
0x21c: {  	s13 =	simm.s32 $0x5900;
	[sflag:s1] =	ssyncadd.s32 $0xFFFFC000  }
0x21d: {  	[hbm4b:s9+s3] =	stream.linear.scatter [tilespmem:s13], [sflag:$0x9], $0x4000, $0x38;
	[tilespmem:$0x19900] =	vst v63  }
0x21e: {  	_ =	swait.ge [sflag:s7], $0x4000  }
0x21f: {  	[sflag:s7] =	ssyncset.done $0x0  }
0x220: {  	[sflag:s7] =	ssyncadd.s32 $0xFFFFC000  }
0x221: {  	_ =	swait.ge [sflag:s16], $0x4000  }
0x222: {  	s14 =	sld [smem:$0x7FA]  }
0x223: {  	[sflag:s16] =	ssyncset.done $0x0  }
0x224: {  	[sflag:s16] =	ssyncadd.s32 $0xFFFFC000  }
0x225: {  	[hbm4b:s14+s3] =	stream.linear.scatter [tilespmem:s15], [sflag:$0x9], $0x4000, $0x38;
	[tilespmem:$0x19900] =	vst v63  }
0x226: {  	_ =	swait.ge [sflag:s7], $0x4000  }
0x227: {  	[sflag:s7] =	ssyncset.done $0x0  }
0x228: {  	[sflag:s7] =	ssyncadd.s32 $0xFFFFC000  }
0x229: {  	_ =	swait.ge [sflag:s17], $0x4000  }
0x22a: {  	s15 =	sld [smem:$0x7FB]  }
0x22b: {  	[sflag:s17] =	ssyncset.done $0x0  }
0x22c: {  	[sflag:s17] =	ssyncadd.s32 $0xFFFFC000  }
0x22d: {  	[hbm4b:s15+s3] =	stream.linear.scatter [tilespmem:s26], [sflag:$0x9], $0x4000, $0x38;
	[tilespmem:$0x19900] =	vst v63  }
0x22e: {  	_ =	swait.ge [sflag:s7], $0x4000  }
0x22f: {  	[sflag:s7] =	ssyncset.done $0x0  }
0x230: {  	[sflag:s7] =	ssyncadd.s32 $0xFFFFC000  }
0x231: {  	_ =	swait.ge [sflag:s18], $0x4000  }
0x232: {  	s26 =	sld [smem:$0x7FC]  }
0x233: {  	[sflag:s18] =	ssyncset.done $0x0  }
0x234: {  	[sflag:s18] =	ssyncadd.s32 $0xFFFFC000  }
0x235: {  	[hbm4b:s26+s3] =	stream.linear.scatter [tilespmem:s29], [sflag:$0x9], $0x4000, $0x38;
	[tilespmem:$0x19900] =	vst v63  }
0x236: {  	_ =	swait.ge [sflag:s7], $0x4000  }
0x237: {  	[sflag:s7] =	ssyncset.done $0x0  }
0x238: {  	[sflag:s7] =	ssyncadd.s32 $0xFFFFC000  }
0x239: {  	_ =	swait.ge [sflag:s19], $0x4000  }
0x23a: {  	s29 =	sld [smem:$0x7FD]  }
0x23b: {  	p0 =	sne.s32 s6, $0x1;
	[sflag:s19] =	ssyncset.done $0x0  }
.Ltmp0:
0x23c: {  	[sflag:s19] =	ssyncadd.s32 $0xFFFFC000;
	(pc) =	sbr.rel @p0 .LBB2_1-.Ltmp0, $4  }
0x23d: {  	[hbm4b:s29+s3] =	stream.linear.scatter [tilespmem:s31], [sflag:$0x9], $0x4000, $0x38;
	[tilespmem:$0x19900] =	vst v63  }
0x23e: {  	_ =	swait.ge [sflag:s7], $0x4000  }
0x23f: {  	[sflag:s7] =	ssyncset.done $0x0  }
0x240: {  	s6 =	sadd.s32 $0xFFFFFFFF, s6;
	[sflag:s7] =	ssyncadd.s32 $0xFFFFC000  }
0x241: {  	_ =	sfence.sel $0x180000  }
0x242: {  	[bflag:$0x0] =	sbarrier.arrive $0xFFFF  }
0x243: {  	_ =	strace $0x90000047  }
0x244: {  	s0 =	stileid.u32;
	[bflag:$0x2] =	sbarrier.arrive $0xFFFF  }
0x245: {  	p0 =	sne.s32 s0, $0x0;
	s0 =	rddreg [dreg:$0x4]  }
0x246: {  	s0 =	sadd.s32 @!p0 $0x100000, s0  }
0x247: {  	[sflag:s0] =	ssyncadd.tile.s32 @!p0 $0x1;
	_ =	shalt  }
.Lfunc_end2:
_tile_overlayer_lowered:
.L_overlay_start_2:
0x248: {  	(tag) =	ssettag $0x2  }
0x249: {  	s0 =	rddreg [dreg:$0x0];
	s2 =	stileid.u32  }
0x24a: {  	s1 =	rddreg [dreg:$0x1];
	p0 =	sne.s32 s2, $0x0  }
0x24b: {  	s3 =	rddreg [dreg:$0x2];
	[bflag:$0x3] =	sbarrier.arrive $0xFFFF;
	s2 =	simm.s32 @!p0 $0x1C09  }
0x24c: {  	[timem:s3], [sflag:s2] =	dma.local @!p0 [hbm:s0], s1  }
0x24d: {  	s0 =	simm.s32 @!p0 $0x9  }
0x24e: {  	_ =	swait.ge @!p0 [sflag:s0], s1  }
0x24f: {  	s1 =	ssub.s32 @!p0 $0x0, s1;
	[sflag:s0] =	ssyncset.done @!p0 $0x0  }
0x250: {  	[sflag:s0] =	ssyncadd.s32 @!p0 s1  }
0x251: {  	[bflag:$0x3] =	sbarrier.arrive $0xFFFF  }
0x252: {  	_ =	shalt  }

</sc_bundles>
